<compile_context>
chip_gen: v7x
topology: tpu7x:2x2x1
jax: 0.10.2.dev20260603
libtpu: 0.0.44.dev20260713+nightly
codegen_flags: <defaults>
</compile_context>

<pallas_src>
import jax
import jax.numpy as jnp
from jax import lax
from jax.experimental import pallas as pl
from jax.experimental.pallas import tpu as pltpu
from jax.experimental.pallas import tpu_sc as plsc

_NSAMP = 16384
_V = 100000
_NPAD = 100352
_CHUNK = _NPAD // 16
_SEG = _CHUNK // 16
_TAIL = _V - 15 * _CHUNK
_CHUNKW = _CHUNK // 2
_SAMP_W = _NSAMP // 32
_GRPS = _SAMP_W // 16
_UNROLL_G = 1
_UNROLL_K = 8

def _lane_gather(v, idx):
    dnums = lax.GatherDimensionNumbers(
        offset_dims=(), collapsed_slice_dims=(0,), start_index_map=(0,))
    return lax.gather(v, idx[:, None], dnums, slice_sizes=(1,),
                      mode=lax.GatherScatterMode.PROMISE_IN_BOUNDS)


def _lane_prefix(v, lanes):
    for k in (1, 2, 4, 8):
        sh = _lane_gather(v, jnp.maximum(lanes - k, 0))
        v = v + jnp.where(lanes >= k, sh, jnp.float32(0.0))
    return v


def _sampler(freqs_hbm, u_hbm, out_hbm,
             cdf_v, fr_v, u_v, o_v, gbl_v, ends_v, ss_v, t3_v,
             cdf_sh, sem_f, sem_u, sem_e):
    c_id = lax.axis_index("c")
    s_id = lax.axis_index("s")
    wid = s_id * 2 + c_id
    base = s_id * _CHUNK
    base_w = s_id * _CHUNKW
    lanes = lax.iota(jnp.int32, 16)

    h_f = pltpu.async_copy(freqs_hbm.at[pl.ds(base, _TAIL)],
                           fr_v.at[pl.ds(0, _TAIL)], sem_f)
    h_u = pltpu.async_copy(u_hbm.at[pl.ds(wid * _SAMP_W, _SAMP_W)], u_v, sem_u)

    @pl.when(s_id == 15)
    def _():
        for z in range((_CHUNK - _TAIL) // 16):
            fr_v[pl.ds(_TAIL + z * 16, 16)] = jnp.zeros((16,), jnp.float32)

    @pl.when(s_id != 15)
    def _():
        pltpu.sync_copy(freqs_hbm.at[pl.ds(base + _TAIL, _CHUNK - _TAIL)],
                        fr_v.at[pl.ds(_TAIL, _CHUNK - _TAIL)])

    h_f.wait()

    with jax.named_scope("phase_cumsum"):
        rd_base = lanes * _SEG

        @plsc.parallel_loop(0, _SEG // 2, 1, unroll=_UNROLL_K // 2,
                            carry=jnp.zeros((16,), jnp.float32))
        def _pass_a(kp, acc):
            a = acc + plsc.load_gather(fr_v, [rd_base + 2 * kp])
            b = a + plsc.load_gather(fr_v, [rd_base + 2 * kp + 1])
            packed = plsc.pack(a, b, format=plsc.PackFormat.INTERLEAVED)
            cdf_v[pl.ds(base_w + kp * 16, 16)] = plsc.bitcast(packed, jnp.int32)
            return b

    with jax.named_scope("phase_exchange"):
        pltpu.sync_copy(cdf_v.at[pl.ds(base_w, _CHUNKW)],
                        cdf_sh.at[pl.ds(base_w, _CHUNKW)])
        plsc.subcore_barrier()
        hs = [pltpu.async_copy(
                  cdf_sh.at[pl.ds(r * _CHUNKW + (_SEG // 2 - 1) * 16, 16)],
                  ends_v.at[pl.ds(r * 16, 16)], sem_e)
              for r in range(16)]
        for h in hs:
            h.wait()
        h_big = pltpu.async_copy(cdf_sh, cdf_v, sem_f)

    with jax.named_scope("phase_tables"):
        for r in range(16):
            srow = plsc.bitcast(
                ends_v[pl.ds(r * 16, 16)] & jnp.int32(-65536), jnp.float32)
            gbl_v[pl.ds(r * 16, 16)] = _lane_prefix(srow, lanes)
        tot_c = plsc.load_gather(gbl_v, [lanes * 16 + 15])
        bnd = _lane_prefix(tot_c, lanes)
        off = bnd - tot_c
        total = _lane_gather(bnd, jnp.full((16,), 15, jnp.int32))
        for r in range(16):
            offr = _lane_gather(off, jnp.full((16,), r, jnp.int32))
            gbl_v[pl.ds(r * 16, 16)] = gbl_v[pl.ds(r * 16, 16)] + offr

    h_u.wait()

    with jax.named_scope("phase_l12"):
        @plsc.parallel_loop(0, _GRPS, 1, unroll=_UNROLL_G)
        def _l12_body(gg):
            t = u_v[pl.ds(gg * 16, 16)] * total
            j = jnp.zeros((16,), jnp.int32)
            for b in (128, 64, 32, 16, 8, 4, 2, 1):
                val = plsc.load_gather(gbl_v, [j + (b - 1)])
                j = j + jnp.where(val < t, b, 0)
            j = jnp.minimum(j, 255)
            excl = plsc.load_gather(gbl_v, [jnp.maximum(j - 1, 0)])
            t3_v[pl.ds(gg * 16, 16)] = t - jnp.where(j > 0, excl,
                                                     jnp.float32(0.0))
            ss_v[pl.ds(gg * 16, 16)] = j

    h_big.wait()

    with jax.named_scope("phase_l3"):
        @plsc.parallel_loop(0, _GRPS, 1, unroll=_UNROLL_G)
        def _l3_body(gg):
            j = ss_v[pl.ds(gg * 16, 16)]
            t3 = t3_v[pl.ds(gg * 16, 16)]
            pbase = (j >> 4) * _CHUNKW + (j & 15)
            lo = jnp.zeros((16,), jnp.int32)
            for b in (256, 128, 64, 32, 16, 8, 4, 2, 1):
                probe = jnp.minimum(lo + (b - 1), _SEG - 1)
                word = plsc.load_gather(cdf_v, [pbase + ((probe >> 1) << 4)])
                val = plsc.bitcast(
                    jnp.where((probe & 1) == 1, word & jnp.int32(-65536),
                              word << 16), jnp.float32)
                lo = lo + jnp.where(val < t3, b, 0)
            idx = jnp.minimum(j * _SEG + lo, _V - 1)
            o_v[pl.ds(gg * 16, 16)] = idx.astype(jnp.float32)

    pltpu.sync_copy(o_v, out_hbm.at[pl.ds(wid * _SAMP_W, _SAMP_W)])


def kernel(data, freqs):
    del data
    u = jax.random.uniform(jax.random.key(42), (_NSAMP,), dtype=jnp.float32)
    mesh = plsc.VectorSubcoreMesh(core_axis_name="c", subcore_axis_name="s")
    run = pl.kernel(
        _sampler,
        mesh=mesh,
        compiler_params=pltpu.CompilerParams(needs_layout_passes=False),
        out_type=jax.ShapeDtypeStruct((_NSAMP,), jnp.float32),
        scratch_types=[
            pltpu.VMEM((_NPAD // 2,), jnp.int32),
            pltpu.VMEM((_CHUNK,), jnp.float32),
            pltpu.VMEM((_SAMP_W,), jnp.float32),
            pltpu.VMEM((_SAMP_W,), jnp.float32),
            pltpu.VMEM((256,), jnp.float32),
            pltpu.VMEM((256,), jnp.int32),
            pltpu.VMEM((_SAMP_W,), jnp.int32),
            pltpu.VMEM((_SAMP_W,), jnp.float32),
            pltpu.VMEM_SHARED((_NPAD // 2,), jnp.int32),
            pltpu.SemaphoreType.DMA,
            pltpu.SemaphoreType.DMA,
            pltpu.SemaphoreType.DMA,
        ],
    )
    return run(freqs, u)

# --- scband reference (transcript-rebuilt; emitter-appended) ---
"""Pipeline reference for scband-simple-sampler-45037027066191 (READ-ONLY COPY).

The authoritative reference and input builder live on the scoring server;
editing this copy changes nothing except your own understanding.
"""

import jax, jax.numpy as jnp
import numpy as np

NSAMPLES = 16384
VOCAB = 100000

def setup_inputs(seed: int = 0) -> dict:
    key = jax.random.key(seed)
    k1, k2 = jax.random.split(key, 2)
    # 'frequencies' init arg is a weight vector over the vocab; materialized here.
    freqs = jax.random.uniform(k1, (VOCAB,), dtype=jnp.float32) + 1e-3
    # 'data' forward arg is unused by the original module but part of the signature.
    data = jax.random.normal(k2, (NSAMPLES, 64), dtype=jnp.float32)
    return {"data": data, "freqs": freqs}

def reference(data, freqs):
    # WeightedRandomSampler(frequencies, nsamples, replacement=True):
    # draws nsamples indices i with probability proportional to freqs[i].
    # Implemented via inverse-CDF (multinomial with replacement), which is
    # distributionally faithful to torch.multinomial / WeightedRandomSampler.
    probs = freqs / jnp.sum(freqs)
    cdf = jnp.cumsum(probs)
    key = jax.random.key(42)
    u = jax.random.uniform(key, (NSAMPLES,), dtype=jnp.float32)
    idx = jnp.searchsorted(cdf, u)
    idx = jnp.clip(idx, 0, VOCAB - 1)
    # Original returns torch.FloatTensor(list(wrs)) -> float-typed indices
    negs = idx.astype(jnp.float32)
    return negs

if __name__ == "__main__":
    import jax
    _d = setup_inputs()
    print(jax.jit(kernel)(*tuple(_d.values())))

</pallas_src>

<mosaic_0001>
#map = affine_map<(d0, d1) -> (0)>
module attributes {stable_mosaic.version = 14 : i64} {
  func.func @_sampler(%arg0: i32, %arg1: i32, %arg2: memref<100000xf32, #tpu.memory_space<hbm>>, %arg3: memref<16384xf32, #tpu.memory_space<hbm>>, %arg4: memref<16384xf32, #tpu.memory_space<hbm>>, %arg5: memref<50176xi32, #tpu.memory_space<vmem>>, %arg6: memref<6272xf32, #tpu.memory_space<vmem>>, %arg7: memref<512xf32, #tpu.memory_space<vmem>>, %arg8: memref<512xf32, #tpu.memory_space<vmem>>, %arg9: memref<256xf32, #tpu.memory_space<vmem>>, %arg10: memref<256xi32, #tpu.memory_space<vmem>>, %arg11: memref<512xi32, #tpu.memory_space<vmem>>, %arg12: memref<512xf32, #tpu.memory_space<vmem>>, %arg13: memref<50176xi32, #tpu.memory_space<vmem_shared>>, %arg14: memref<!tpu.dma_semaphore, #tpu.memory_space<semaphore_mem>>, %arg15: memref<!tpu.dma_semaphore, #tpu.memory_space<semaphore_mem>>, %arg16: memref<!tpu.dma_semaphore, #tpu.memory_space<semaphore_mem>>) attributes {dimension_semantics = [#tpu.dimension_semantics<core_parallel>, #tpu.dimension_semantics<subcore_parallel>], iteration_bounds = array<i64: 2, 16>, scalar_prefetch = 0 : i64, scratch_operands = 12 : i64, tpu.core_type = #tpu.core_type<sc_vector_subcore>, window_params = [{transform_indices = #map}, {transform_indices = #map}, {transform_indices = #map}]} {
    %mul3A = arith.constant 2 : i32
    %mul3A_0 = arith.muli %arg1, %mul3A : i32
    %add3A = arith.addi %mul3A_0, %arg0 : i32
    %mul3A_1 = arith.constant 6272 : i32
    %mul3A_2 = arith.muli %arg1, %mul3A_1 : i32
    %mul3A_3 = arith.constant 3136 : i32
    %mul3A_4 = arith.muli %arg1, %mul3A_3 : i32
    %iota3A = tpu.iota {dimensions = array<i32: 0>} : vector<16xi32>
    %dma_start3A = arith.constant 0 : i32
    %dma_start3A_5 = tpu.memref_slice %arg6[%dma_start3A] : memref<6272xf32, #tpu.memory_space<vmem>> -> memref<5920xf32, #tpu.memory_space<vmem>>
    %dma_start3A_6 = tpu.memref_slice %arg2[%mul3A_2] : memref<100000xf32, #tpu.memory_space<hbm>> -> memref<5920xf32, #tpu.memory_space<hbm>>
    %dma_start3A_7 = arith.constant 0 : i32
    %dma_start3A_8 = tpu.memref_slice %arg6[%dma_start3A_7] : memref<6272xf32, #tpu.memory_space<vmem>> -> memref<5920xf32, #tpu.memory_space<vmem>>
    %dma_start3A_9 = tpu.memref_slice %arg2[%mul3A_2] : memref<100000xf32, #tpu.memory_space<hbm>> -> memref<5920xf32, #tpu.memory_space<hbm>>
    tpu.enqueue_dma source(%dma_start3A_9 : memref<5920xf32, #tpu.memory_space<hbm>>) target(%dma_start3A_8 : memref<5920xf32, #tpu.memory_space<vmem>>) target_semaphore(%arg14 : memref<!tpu.dma_semaphore, #tpu.memory_space<semaphore_mem>>)
    %mul3A_10 = arith.constant 512 : i32
    %mul3A_11 = arith.muli %add3A, %mul3A_10 : i32
    %dma_start3A_12 = tpu.memref_slice %arg3[%mul3A_11] : memref<16384xf32, #tpu.memory_space<hbm>> -> memref<512xf32, #tpu.memory_space<hbm>>
    %dma_start3A_13 = tpu.memref_slice %arg3[%mul3A_11] : memref<16384xf32, #tpu.memory_space<hbm>> -> memref<512xf32, #tpu.memory_space<hbm>>
    tpu.enqueue_dma source(%dma_start3A_13 : memref<512xf32, #tpu.memory_space<hbm>>) target(%arg7 : memref<512xf32, #tpu.memory_space<vmem>>) target_semaphore(%arg15 : memref<!tpu.dma_semaphore, #tpu.memory_space<semaphore_mem>>)
    %eq3A = arith.constant 15 : i32
    %eq3A_14 = arith.cmpi eq, %arg1, %eq3A : i32
    %convert_element_type3A = arith.extui %eq3A_14 : i1 to i32
    %cond3A = arith.constant 0 : i32
    %cond3A_15 = arith.cmpi ne, %convert_element_type3A, %cond3A : i32
    scf.if %cond3A_15 {
      %broadcast_in_dim3A_1677 = arith.constant 0.000000e+00 : f32
      %broadcast_in_dim3A_1678 = vector.broadcast %broadcast_in_dim3A_1677 : f32 to vector<16xf32>
      %swap3A_1679 = arith.constant 5920 : index
      %swap3A_1680 = tpu.vector_load %arg6[%swap3A_1679] {strides = array<i32>} : memref<6272xf32, #tpu.memory_space<vmem>>, vector<16xf32>,
      tpu.vector_store %arg6[%swap3A_1679], %broadcast_in_dim3A_1678 {strides = array<i32>} : memref<6272xf32, #tpu.memory_space<vmem>>, vector<16xf32>,
      %broadcast_in_dim3A_1681 = arith.constant 0.000000e+00 : f32
      %broadcast_in_dim3A_1682 = vector.broadcast %broadcast_in_dim3A_1681 : f32 to vector<16xf32>
      %swap3A_1683 = arith.constant 5936 : index
      %swap3A_1684 = tpu.vector_load %arg6[%swap3A_1683] {strides = array<i32>} : memref<6272xf32, #tpu.memory_space<vmem>>, vector<16xf32>,
      tpu.vector_store %arg6[%swap3A_1683], %broadcast_in_dim3A_1682 {strides = array<i32>} : memref<6272xf32, #tpu.memory_space<vmem>>, vector<16xf32>,
      %broadcast_in_dim3A_1685 = arith.constant 0.000000e+00 : f32
      %broadcast_in_dim3A_1686 = vector.broadcast %broadcast_in_dim3A_1685 : f32 to vector<16xf32>
      %swap3A_1687 = arith.constant 5952 : index
      %swap3A_1688 = tpu.vector_load %arg6[%swap3A_1687] {strides = array<i32>} : memref<6272xf32, #tpu.memory_space<vmem>>, vector<16xf32>,
      tpu.vector_store %arg6[%swap3A_1687], %broadcast_in_dim3A_1686 {strides = array<i32>} : memref<6272xf32, #tpu.memory_space<vmem>>, vector<16xf32>,
      %broadcast_in_dim3A_1689 = arith.constant 0.000000e+00 : f32
      %broadcast_in_dim3A_1690 = vector.broadcast %broadcast_in_dim3A_1689 : f32 to vector<16xf32>
      %swap3A_1691 = arith.constant 5968 : index
      %swap3A_1692 = tpu.vector_load %arg6[%swap3A_1691] {strides = array<i32>} : memref<6272xf32, #tpu.memory_space<vmem>>, vector<16xf32>,
      tpu.vector_store %arg6[%swap3A_1691], %broadcast_in_dim3A_1690 {strides = array<i32>} : memref<6272xf32, #tpu.memory_space<vmem>>, vector<16xf32>,
      %broadcast_in_dim3A_1693 = arith.constant 0.000000e+00 : f32
      %broadcast_in_dim3A_1694 = vector.broadcast %broadcast_in_dim3A_1693 : f32 to vector<16xf32>
      %swap3A_1695 = arith.constant 5984 : index
      %swap3A_1696 = tpu.vector_load %arg6[%swap3A_1695] {strides = array<i32>} : memref<6272xf32, #tpu.memory_space<vmem>>, vector<16xf32>,
      tpu.vector_store %arg6[%swap3A_1695], %broadcast_in_dim3A_1694 {strides = array<i32>} : memref<6272xf32, #tpu.memory_space<vmem>>, vector<16xf32>,
      %broadcast_in_dim3A_1697 = arith.constant 0.000000e+00 : f32
      %broadcast_in_dim3A_1698 = vector.broadcast %broadcast_in_dim3A_1697 : f32 to vector<16xf32>
      %swap3A_1699 = arith.constant 6000 : index
      %swap3A_1700 = tpu.vector_load %arg6[%swap3A_1699] {strides = array<i32>} : memref<6272xf32, #tpu.memory_space<vmem>>, vector<16xf32>,
      tpu.vector_store %arg6[%swap3A_1699], %broadcast_in_dim3A_1698 {strides = array<i32>} : memref<6272xf32, #tpu.memory_space<vmem>>, vector<16xf32>,
      %broadcast_in_dim3A_1701 = arith.constant 0.000000e+00 : f32
      %broadcast_in_dim3A_1702 = vector.broadcast %broadcast_in_dim3A_1701 : f32 to vector<16xf32>
      %swap3A_1703 = arith.constant 6016 : index
      %swap3A_1704 = tpu.vector_load %arg6[%swap3A_1703] {strides = array<i32>} : memref<6272xf32, #tpu.memory_space<vmem>>, vector<16xf32>,
      tpu.vector_store %arg6[%swap3A_1703], %broadcast_in_dim3A_1702 {strides = array<i32>} : memref<6272xf32, #tpu.memory_space<vmem>>, vector<16xf32>,
      %broadcast_in_dim3A_1705 = arith.constant 0.000000e+00 : f32
      %broadcast_in_dim3A_1706 = vector.broadcast %broadcast_in_dim3A_1705 : f32 to vector<16xf32>
      %swap3A_1707 = arith.constant 6032 : index
      %swap3A_1708 = tpu.vector_load %arg6[%swap3A_1707] {strides = array<i32>} : memref<6272xf32, #tpu.memory_space<vmem>>, vector<16xf32>,
      tpu.vector_store %arg6[%swap3A_1707], %broadcast_in_dim3A_1706 {strides = array<i32>} : memref<6272xf32, #tpu.memory_space<vmem>>, vector<16xf32>,
      %broadcast_in_dim3A_1709 = arith.constant 0.000000e+00 : f32
      %broadcast_in_dim3A_1710 = vector.broadcast %broadcast_in_dim3A_1709 : f32 to vector<16xf32>
      %swap3A_1711 = arith.constant 6048 : index
      %swap3A_1712 = tpu.vector_load %arg6[%swap3A_1711] {strides = array<i32>} : memref<6272xf32, #tpu.memory_space<vmem>>, vector<16xf32>,
      tpu.vector_store %arg6[%swap3A_1711], %broadcast_in_dim3A_1710 {strides = array<i32>} : memref<6272xf32, #tpu.memory_space<vmem>>, vector<16xf32>,
      %broadcast_in_dim3A_1713 = arith.constant 0.000000e+00 : f32
      %broadcast_in_dim3A_1714 = vector.broadcast %broadcast_in_dim3A_1713 : f32 to vector<16xf32>
      %swap3A_1715 = arith.constant 6064 : index
      %swap3A_1716 = tpu.vector_load %arg6[%swap3A_1715] {strides = array<i32>} : memref<6272xf32, #tpu.memory_space<vmem>>, vector<16xf32>,
      tpu.vector_store %arg6[%swap3A_1715], %broadcast_in_dim3A_1714 {strides = array<i32>} : memref<6272xf32, #tpu.memory_space<vmem>>, vector<16xf32>,
      %broadcast_in_dim3A_1717 = arith.constant 0.000000e+00 : f32
      %broadcast_in_dim3A_1718 = vector.broadcast %broadcast_in_dim3A_1717 : f32 to vector<16xf32>
      %swap3A_1719 = arith.constant 6080 : index
      %swap3A_1720 = tpu.vector_load %arg6[%swap3A_1719] {strides = array<i32>} : memref<6272xf32, #tpu.memory_space<vmem>>, vector<16xf32>,
      tpu.vector_store %arg6[%swap3A_1719], %broadcast_in_dim3A_1718 {strides = array<i32>} : memref<6272xf32, #tpu.memory_space<vmem>>, vector<16xf32>,
      %broadcast_in_dim3A_1721 = arith.constant 0.000000e+00 : f32
      %broadcast_in_dim3A_1722 = vector.broadcast %broadcast_in_dim3A_1721 : f32 to vector<16xf32>
      %swap3A_1723 = arith.constant 6096 : index
      %swap3A_1724 = tpu.vector_load %arg6[%swap3A_1723] {strides = array<i32>} : memref<6272xf32, #tpu.memory_space<vmem>>, vector<16xf32>,
      tpu.vector_store %arg6[%swap3A_1723], %broadcast_in_dim3A_1722 {strides = array<i32>} : memref<6272xf32, #tpu.memory_space<vmem>>, vector<16xf32>,
      %broadcast_in_dim3A_1725 = arith.constant 0.000000e+00 : f32
      %broadcast_in_dim3A_1726 = vector.broadcast %broadcast_in_dim3A_1725 : f32 to vector<16xf32>
      %swap3A_1727 = arith.constant 6112 : index
      %swap3A_1728 = tpu.vector_load %arg6[%swap3A_1727] {strides = array<i32>} : memref<6272xf32, #tpu.memory_space<vmem>>, vector<16xf32>,
      tpu.vector_store %arg6[%swap3A_1727], %broadcast_in_dim3A_1726 {strides = array<i32>} : memref<6272xf32, #tpu.memory_space<vmem>>, vector<16xf32>,
      %broadcast_in_dim3A_1729 = arith.constant 0.000000e+00 : f32
      %broadcast_in_dim3A_1730 = vector.broadcast %broadcast_in_dim3A_1729 : f32 to vector<16xf32>
      %swap3A_1731 = arith.constant 6128 : index
      %swap3A_1732 = tpu.vector_load %arg6[%swap3A_1731] {strides = array<i32>} : memref<6272xf32, #tpu.memory_space<vmem>>, vector<16xf32>,
      tpu.vector_store %arg6[%swap3A_1731], %broadcast_in_dim3A_1730 {strides = array<i32>} : memref<6272xf32, #tpu.memory_space<vmem>>, vector<16xf32>,
      %broadcast_in_dim3A_1733 = arith.constant 0.000000e+00 : f32
      %broadcast_in_dim3A_1734 = vector.broadcast %broadcast_in_dim3A_1733 : f32 to vector<16xf32>
      %swap3A_1735 = arith.constant 6144 : index
      %swap3A_1736 = tpu.vector_load %arg6[%swap3A_1735] {strides = array<i32>} : memref<6272xf32, #tpu.memory_space<vmem>>, vector<16xf32>,
      tpu.vector_store %arg6[%swap3A_1735], %broadcast_in_dim3A_1734 {strides = array<i32>} : memref<6272xf32, #tpu.memory_space<vmem>>, vector<16xf32>,
      %broadcast_in_dim3A_1737 = arith.constant 0.000000e+00 : f32
      %broadcast_in_dim3A_1738 = vector.broadcast %broadcast_in_dim3A_1737 : f32 to vector<16xf32>
      %swap3A_1739 = arith.constant 6160 : index
      %swap3A_1740 = tpu.vector_load %arg6[%swap3A_1739] {strides = array<i32>} : memref<6272xf32, #tpu.memory_space<vmem>>, vector<16xf32>,
      tpu.vector_store %arg6[%swap3A_1739], %broadcast_in_dim3A_1738 {strides = array<i32>} : memref<6272xf32, #tpu.memory_space<vmem>>, vector<16xf32>,
      %broadcast_in_dim3A_1741 = arith.constant 0.000000e+00 : f32
      %broadcast_in_dim3A_1742 = vector.broadcast %broadcast_in_dim3A_1741 : f32 to vector<16xf32>
      %swap3A_1743 = arith.constant 6176 : index
      %swap3A_1744 = tpu.vector_load %arg6[%swap3A_1743] {strides = array<i32>} : memref<6272xf32, #tpu.memory_space<vmem>>, vector<16xf32>,
      tpu.vector_store %arg6[%swap3A_1743], %broadcast_in_dim3A_1742 {strides = array<i32>} : memref<6272xf32, #tpu.memory_space<vmem>>, vector<16xf32>,
      %broadcast_in_dim3A_1745 = arith.constant 0.000000e+00 : f32
      %broadcast_in_dim3A_1746 = vector.broadcast %broadcast_in_dim3A_1745 : f32 to vector<16xf32>
      %swap3A_1747 = arith.constant 6192 : index
      %swap3A_1748 = tpu.vector_load %arg6[%swap3A_1747] {strides = array<i32>} : memref<6272xf32, #tpu.memory_space<vmem>>, vector<16xf32>,
      tpu.vector_store %arg6[%swap3A_1747], %broadcast_in_dim3A_1746 {strides = array<i32>} : memref<6272xf32, #tpu.memory_space<vmem>>, vector<16xf32>,
      %broadcast_in_dim3A_1749 = arith.constant 0.000000e+00 : f32
      %broadcast_in_dim3A_1750 = vector.broadcast %broadcast_in_dim3A_1749 : f32 to vector<16xf32>
      %swap3A_1751 = arith.constant 6208 : index
      %swap3A_1752 = tpu.vector_load %arg6[%swap3A_1751] {strides = array<i32>} : memref<6272xf32, #tpu.memory_space<vmem>>, vector<16xf32>,
      tpu.vector_store %arg6[%swap3A_1751], %broadcast_in_dim3A_1750 {strides = array<i32>} : memref<6272xf32, #tpu.memory_space<vmem>>, vector<16xf32>,
      %broadcast_in_dim3A_1753 = arith.constant 0.000000e+00 : f32
      %broadcast_in_dim3A_1754 = vector.broadcast %broadcast_in_dim3A_1753 : f32 to vector<16xf32>
      %swap3A_1755 = arith.constant 6224 : index
      %swap3A_1756 = tpu.vector_load %arg6[%swap3A_1755] {strides = array<i32>} : memref<6272xf32, #tpu.memory_space<vmem>>, vector<16xf32>,
      tpu.vector_store %arg6[%swap3A_1755], %broadcast_in_dim3A_1754 {strides = array<i32>} : memref<6272xf32, #tpu.memory_space<vmem>>, vector<16xf32>,
      %broadcast_in_dim3A_1757 = arith.constant 0.000000e+00 : f32
      %broadcast_in_dim3A_1758 = vector.broadcast %broadcast_in_dim3A_1757 : f32 to vector<16xf32>
      %swap3A_1759 = arith.constant 6240 : index
      %swap3A_1760 = tpu.vector_load %arg6[%swap3A_1759] {strides = array<i32>} : memref<6272xf32, #tpu.memory_space<vmem>>, vector<16xf32>,
      tpu.vector_store %arg6[%swap3A_1759], %broadcast_in_dim3A_1758 {strides = array<i32>} : memref<6272xf32, #tpu.memory_space<vmem>>, vector<16xf32>,
      %broadcast_in_dim3A_1761 = arith.constant 0.000000e+00 : f32
      %broadcast_in_dim3A_1762 = vector.broadcast %broadcast_in_dim3A_1761 : f32 to vector<16xf32>
      %swap3A_1763 = arith.constant 6256 : index
      %swap3A_1764 = tpu.vector_load %arg6[%swap3A_1763] {strides = array<i32>} : memref<6272xf32, #tpu.memory_space<vmem>>, vector<16xf32>,
      tpu.vector_store %arg6[%swap3A_1763], %broadcast_in_dim3A_1762 {strides = array<i32>} : memref<6272xf32, #tpu.memory_space<vmem>>, vector<16xf32>,
    } else {
    }
    %ne3A = arith.constant 15 : i32
    %ne3A_16 = arith.cmpi ne, %arg1, %ne3A : i32
    %convert_element_type3A_17 = arith.extui %ne3A_16 : i1 to i32
    %cond3A_18 = arith.constant 0 : i32
    %cond3A_19 = arith.cmpi ne, %convert_element_type3A_17, %cond3A_18 : i32
    scf.if %cond3A_19 {
      %add3A_1677 = arith.constant 5920 : i32
      %add3A_1678 = arith.addi %mul3A_2, %add3A_1677 : i32
      "tpu.region"() ({
        %run_scoped3A = tpu.sem_alloc : memref<!tpu.dma_semaphore, #tpu.memory_space<semaphore_mem>>
        %dma_start3A_1679 = arith.constant 5920 : i32
        %dma_start3A_1680 = tpu.memref_slice %arg6[%dma_start3A_1679] : memref<6272xf32, #tpu.memory_space<vmem>> -> memref<352xf32, #tpu.memory_space<vmem>>
        %dma_start3A_1681 = tpu.memref_slice %arg2[%add3A_1678] : memref<100000xf32, #tpu.memory_space<hbm>> -> memref<352xf32, #tpu.memory_space<hbm>>
        %dma_start3A_1682 = arith.constant 5920 : i32
        %dma_start3A_1683 = tpu.memref_slice %arg6[%dma_start3A_1682] : memref<6272xf32, #tpu.memory_space<vmem>> -> memref<352xf32, #tpu.memory_space<vmem>>
        %dma_start3A_1684 = tpu.memref_slice %arg2[%add3A_1678] : memref<100000xf32, #tpu.memory_space<hbm>> -> memref<352xf32, #tpu.memory_space<hbm>>
        tpu.enqueue_dma source(%dma_start3A_1684 : memref<352xf32, #tpu.memory_space<hbm>>) target(%dma_start3A_1683 : memref<352xf32, #tpu.memory_space<vmem>>) target_semaphore(%run_scoped3A : memref<!tpu.dma_semaphore, #tpu.memory_space<semaphore_mem>>)
        %dma_wait3A_1685 = arith.constant 5920 : i32
        %dma_wait3A_1686 = tpu.memref_slice %arg6[%dma_wait3A_1685] : memref<6272xf32, #tpu.memory_space<vmem>> -> memref<352xf32, #tpu.memory_space<vmem>>
        %dma_wait3A_1687 = tpu.memref_slice %arg2[%add3A_1678] : memref<100000xf32, #tpu.memory_space<hbm>> -> memref<352xf32, #tpu.memory_space<hbm>>
        %dma_wait3A_1688 = arith.constant 5920 : i32
        %dma_wait3A_1689 = tpu.memref_slice %arg6[%dma_wait3A_1688] : memref<6272xf32, #tpu.memory_space<vmem>> -> memref<352xf32, #tpu.memory_space<vmem>>
        %dma_wait3A_1690 = tpu.memref_slice %arg2[%add3A_1678] : memref<100000xf32, #tpu.memory_space<hbm>> -> memref<352xf32, #tpu.memory_space<hbm>>
        tpu.wait_dma2 semaphore(%run_scoped3A : memref<!tpu.dma_semaphore, #tpu.memory_space<semaphore_mem>>) src(%dma_wait3A_1690 : memref<352xf32, #tpu.memory_space<hbm>>) dst(%dma_wait3A_1689 : memref<352xf32, #tpu.memory_space<vmem>>)
        tpu.yield
      }) : () -> ()
    } else {
    }
    %dma_wait3A = arith.constant 0 : i32
    %dma_wait3A_20 = tpu.memref_slice %arg6[%dma_wait3A] : memref<6272xf32, #tpu.memory_space<vmem>> -> memref<5920xf32, #tpu.memory_space<vmem>>
    %dma_wait3A_21 = tpu.memref_slice %arg2[%mul3A_2] : memref<100000xf32, #tpu.memory_space<hbm>> -> memref<5920xf32, #tpu.memory_space<hbm>>
    %dma_wait3A_22 = arith.constant 0 : i32
    %dma_wait3A_23 = tpu.memref_slice %arg6[%dma_wait3A_22] : memref<6272xf32, #tpu.memory_space<vmem>> -> memref<5920xf32, #tpu.memory_space<vmem>>
    %dma_wait3A_24 = tpu.memref_slice %arg2[%mul3A_2] : memref<100000xf32, #tpu.memory_space<hbm>> -> memref<5920xf32, #tpu.memory_space<hbm>>
    tpu.wait_dma2 semaphore(%arg14 : memref<!tpu.dma_semaphore, #tpu.memory_space<semaphore_mem>>) src(%dma_wait3A_24 : memref<5920xf32, #tpu.memory_space<hbm>>) dst(%dma_wait3A_23 : memref<5920xf32, #tpu.memory_space<vmem>>)
    "tpu.trace_start"() <{level = 10 : i32, message = "phase_cumsum"}> : () -> ()
    %mul3A_25 = arith.constant 392 : i32
    %mul3A_26 = vector.broadcast %mul3A_25 : i32 to vector<16xi32>
    %mul3A_27 = arith.muli %iota3A, %mul3A_26 : vector<16xi32>
    %broadcast_in_dim3A = arith.constant 0.000000e+00 : f32
    %broadcast_in_dim3A_28 = vector.broadcast %broadcast_in_dim3A : f32 to vector<16xf32>
    %parallel_loop3A = arith.constant 0 : i32
    %parallel_loop3A_29 = arith.constant 196 : i32
    %parallel_loop3A_30 = arith.constant 1 : i32
    %parallel_loop3A_31 = scf.for %parallel_loop3A_1677 = %parallel_loop3A to %parallel_loop3A_29 step %parallel_loop3A_30 iter_args(%parallel_loop3A_1678 = %broadcast_in_dim3A_28) -> (vector<16xf32>)  : i32 {
      %parallel_loop3A_1679 = arith.constant 2 : i32
      %parallel_loop3A_1680 = arith.muli %parallel_loop3A_1679, %parallel_loop3A_1677 : i32
      %parallel_loop3A_1681 = vector.broadcast %parallel_loop3A_1680 : i32 to vector<16xi32>
      %parallel_loop3A_1682 = arith.addi %mul3A_27, %parallel_loop3A_1681 : vector<16xi32>
      %parallel_loop3A_1683 = tpu.vector_load_idx %arg6[%parallel_loop3A_1682] : memref<6272xf32, #tpu.memory_space<vmem>>[vector<16xi32>], vector<16xf32>,
      %parallel_loop3A_1684 = arith.addf %parallel_loop3A_1678, %parallel_loop3A_1683 : vector<16xf32>
      %parallel_loop3A_1685 = arith.constant 2 : i32
      %parallel_loop3A_1686 = arith.muli %parallel_loop3A_1685, %parallel_loop3A_1677 : i32
      %parallel_loop3A_1687 = vector.broadcast %parallel_loop3A_1686 : i32 to vector<16xi32>
      %parallel_loop3A_1688 = arith.addi %mul3A_27, %parallel_loop3A_1687 : vector<16xi32>
      %parallel_loop3A_1689 = arith.constant 1 : i32
      %parallel_loop3A_1690 = vector.broadcast %parallel_loop3A_1689 : i32 to vector<16xi32>
      %parallel_loop3A_1691 = arith.addi %parallel_loop3A_1688, %parallel_loop3A_1690 : vector<16xi32>
      %parallel_loop3A_1692 = tpu.vector_load_idx %arg6[%parallel_loop3A_1691] : memref<6272xf32, #tpu.memory_space<vmem>>[vector<16xi32>], vector<16xf32>,
      %parallel_loop3A_1693 = arith.addf %parallel_loop3A_1684, %parallel_loop3A_1692 : vector<16xf32>
      %parallel_loop3A_1694 = tpu.pack_subelements %parallel_loop3A_1684, %parallel_loop3A_1693 {pack_format = #tpu.pack_format<interleaved>, positions = array<i32: 0, 1>} : vector<16xf32>, vector<16xf32> -> vector<32xbf16>
      %parallel_loop3A_1695 = vector.bitcast %parallel_loop3A_1694 : vector<32xbf16> to vector<16xi32>
      %parallel_loop3A_1696 = arith.constant 16 : i32
      %parallel_loop3A_1697 = arith.muli %parallel_loop3A_1677, %parallel_loop3A_1696 : i32
      %parallel_loop3A_1698 = arith.addi %mul3A_4, %parallel_loop3A_1697 : i32
      %parallel_loop3A_1699 = arith.index_cast %parallel_loop3A_1698 : i32 to index
      %parallel_loop3A_1700 = tpu.vector_load %arg5[%parallel_loop3A_1699] {strides = array<i32>} : memref<50176xi32, #tpu.memory_space<vmem>>, vector<16xi32>,
      tpu.vector_store %arg5[%parallel_loop3A_1699], %parallel_loop3A_1695 {strides = array<i32>} : memref<50176xi32, #tpu.memory_space<vmem>>, vector<16xi32>,
      scf.yield %parallel_loop3A_1693 : vector<16xf32>
    } {sc.loop_unroll_factor = 4 : i64, sc.parallel_access}
    "tpu.trace_stop"() : () -> ()
    "tpu.trace_start"() <{level = 10 : i32, message = "phase_exchange"}> : () -> ()
    "tpu.region"() ({
      %run_scoped3A = tpu.sem_alloc : memref<!tpu.dma_semaphore, #tpu.memory_space<semaphore_mem>>
      %dma_start3A_1677 = tpu.memref_slice %arg5[%mul3A_4] : memref<50176xi32, #tpu.memory_space<vmem>> -> memref<3136xi32, #tpu.memory_space<vmem>>
      %dma_start3A_1678 = tpu.memref_slice %arg13[%mul3A_4] : memref<50176xi32, #tpu.memory_space<vmem_shared>> -> memref<3136xi32, #tpu.memory_space<vmem_shared>>
      %dma_start3A_1679 = tpu.memref_slice %arg13[%mul3A_4] : memref<50176xi32, #tpu.memory_space<vmem_shared>> -> memref<3136xi32, #tpu.memory_space<vmem_shared>>
      %dma_start3A_1680 = tpu.memref_slice %arg5[%mul3A_4] : memref<50176xi32, #tpu.memory_space<vmem>> -> memref<3136xi32, #tpu.memory_space<vmem>>
      tpu.enqueue_dma source(%dma_start3A_1680 : memref<3136xi32, #tpu.memory_space<vmem>>) target(%dma_start3A_1679 : memref<3136xi32, #tpu.memory_space<vmem_shared>>) target_semaphore(%run_scoped3A : memref<!tpu.dma_semaphore, #tpu.memory_space<semaphore_mem>>)
      %dma_wait3A_1681 = tpu.memref_slice %arg5[%mul3A_4] : memref<50176xi32, #tpu.memory_space<vmem>> -> memref<3136xi32, #tpu.memory_space<vmem>>
      %dma_wait3A_1682 = tpu.memref_slice %arg13[%mul3A_4] : memref<50176xi32, #tpu.memory_space<vmem_shared>> -> memref<3136xi32, #tpu.memory_space<vmem_shared>>
      %dma_wait3A_1683 = tpu.memref_slice %arg13[%mul3A_4] : memref<50176xi32, #tpu.memory_space<vmem_shared>> -> memref<3136xi32, #tpu.memory_space<vmem_shared>>
      %dma_wait3A_1684 = tpu.memref_slice %arg5[%mul3A_4] : memref<50176xi32, #tpu.memory_space<vmem>> -> memref<3136xi32, #tpu.memory_space<vmem>>
      tpu.wait_dma2 semaphore(%run_scoped3A : memref<!tpu.dma_semaphore, #tpu.memory_space<semaphore_mem>>) src(%dma_wait3A_1684 : memref<3136xi32, #tpu.memory_space<vmem>>) dst(%dma_wait3A_1683 : memref<3136xi32, #tpu.memory_space<vmem_shared>>)
      tpu.yield
    }) : () -> ()
    %barrier3A = arith.constant 0 : index
    tpu.barrier barrier_id(%barrier3A)
    %dma_start3A_32 = arith.constant 0 : i32
    %dma_start3A_33 = tpu.memref_slice %arg10[%dma_start3A_32] : memref<256xi32, #tpu.memory_space<vmem>> -> memref<16xi32, #tpu.memory_space<vmem>>
    %dma_start3A_34 = arith.constant 3120 : i32
    %dma_start3A_35 = tpu.memref_slice %arg13[%dma_start3A_34] : memref<50176xi32, #tpu.memory_space<vmem_shared>> -> memref<16xi32, #tpu.memory_space<vmem_shared>>
    %dma_start3A_36 = arith.constant 0 : i32
    %dma_start3A_37 = tpu.memref_slice %arg10[%dma_start3A_36] : memref<256xi32, #tpu.memory_space<vmem>> -> memref<16xi32, #tpu.memory_space<vmem>>
    %dma_start3A_38 = arith.constant 3120 : i32
    %dma_start3A_39 = tpu.memref_slice %arg13[%dma_start3A_38] : memref<50176xi32, #tpu.memory_space<vmem_shared>> -> memref<16xi32, #tpu.memory_space<vmem_shared>>
    tpu.enqueue_dma source(%dma_start3A_39 : memref<16xi32, #tpu.memory_space<vmem_shared>>) target(%dma_start3A_37 : memref<16xi32, #tpu.memory_space<vmem>>) target_semaphore(%arg16 : memref<!tpu.dma_semaphore, #tpu.memory_space<semaphore_mem>>)
    %dma_start3A_40 = arith.constant 16 : i32
    %dma_start3A_41 = tpu.memref_slice %arg10[%dma_start3A_40] : memref<256xi32, #tpu.memory_space<vmem>> -> memref<16xi32, #tpu.memory_space<vmem>>
    %dma_start3A_42 = arith.constant 6256 : i32
    %dma_start3A_43 = tpu.memref_slice %arg13[%dma_start3A_42] : memref<50176xi32, #tpu.memory_space<vmem_shared>> -> memref<16xi32, #tpu.memory_space<vmem_shared>>
    %dma_start3A_44 = arith.constant 16 : i32
    %dma_start3A_45 = tpu.memref_slice %arg10[%dma_start3A_44] : memref<256xi32, #tpu.memory_space<vmem>> -> memref<16xi32, #tpu.memory_space<vmem>>
    %dma_start3A_46 = arith.constant 6256 : i32
    %dma_start3A_47 = tpu.memref_slice %arg13[%dma_start3A_46] : memref<50176xi32, #tpu.memory_space<vmem_shared>> -> memref<16xi32, #tpu.memory_space<vmem_shared>>
    tpu.enqueue_dma source(%dma_start3A_47 : memref<16xi32, #tpu.memory_space<vmem_shared>>) target(%dma_start3A_45 : memref<16xi32, #tpu.memory_space<vmem>>) target_semaphore(%arg16 : memref<!tpu.dma_semaphore, #tpu.memory_space<semaphore_mem>>)
    %dma_start3A_48 = arith.constant 32 : i32
    %dma_start3A_49 = tpu.memref_slice %arg10[%dma_start3A_48] : memref<256xi32, #tpu.memory_space<vmem>> -> memref<16xi32, #tpu.memory_space<vmem>>
    %dma_start3A_50 = arith.constant 9392 : i32
    %dma_start3A_51 = tpu.memref_slice %arg13[%dma_start3A_50] : memref<50176xi32, #tpu.memory_space<vmem_shared>> -> memref<16xi32, #tpu.memory_space<vmem_shared>>
    %dma_start3A_52 = arith.constant 32 : i32
    %dma_start3A_53 = tpu.memref_slice %arg10[%dma_start3A_52] : memref<256xi32, #tpu.memory_space<vmem>> -> memref<16xi32, #tpu.memory_space<vmem>>
    %dma_start3A_54 = arith.constant 9392 : i32
    %dma_start3A_55 = tpu.memref_slice %arg13[%dma_start3A_54] : memref<50176xi32, #tpu.memory_space<vmem_shared>> -> memref<16xi32, #tpu.memory_space<vmem_shared>>
    tpu.enqueue_dma source(%dma_start3A_55 : memref<16xi32, #tpu.memory_space<vmem_shared>>) target(%dma_start3A_53 : memref<16xi32, #tpu.memory_space<vmem>>) target_semaphore(%arg16 : memref<!tpu.dma_semaphore, #tpu.memory_space<semaphore_mem>>)
    %dma_start3A_56 = arith.constant 48 : i32
    %dma_start3A_57 = tpu.memref_slice %arg10[%dma_start3A_56] : memref<256xi32, #tpu.memory_space<vmem>> -> memref<16xi32, #tpu.memory_space<vmem>>
    %dma_start3A_58 = arith.constant 12528 : i32
    %dma_start3A_59 = tpu.memref_slice %arg13[%dma_start3A_58] : memref<50176xi32, #tpu.memory_space<vmem_shared>> -> memref<16xi32, #tpu.memory_space<vmem_shared>>
    %dma_start3A_60 = arith.constant 48 : i32
    %dma_start3A_61 = tpu.memref_slice %arg10[%dma_start3A_60] : memref<256xi32, #tpu.memory_space<vmem>> -> memref<16xi32, #tpu.memory_space<vmem>>
    %dma_start3A_62 = arith.constant 12528 : i32
    %dma_start3A_63 = tpu.memref_slice %arg13[%dma_start3A_62] : memref<50176xi32, #tpu.memory_space<vmem_shared>> -> memref<16xi32, #tpu.memory_space<vmem_shared>>
    tpu.enqueue_dma source(%dma_start3A_63 : memref<16xi32, #tpu.memory_space<vmem_shared>>) target(%dma_start3A_61 : memref<16xi32, #tpu.memory_space<vmem>>) target_semaphore(%arg16 : memref<!tpu.dma_semaphore, #tpu.memory_space<semaphore_mem>>)
    %dma_start3A_64 = arith.constant 64 : i32
    %dma_start3A_65 = tpu.memref_slice %arg10[%dma_start3A_64] : memref<256xi32, #tpu.memory_space<vmem>> -> memref<16xi32, #tpu.memory_space<vmem>>
    %dma_start3A_66 = arith.constant 15664 : i32
    %dma_start3A_67 = tpu.memref_slice %arg13[%dma_start3A_66] : memref<50176xi32, #tpu.memory_space<vmem_shared>> -> memref<16xi32, #tpu.memory_space<vmem_shared>>
    %dma_start3A_68 = arith.constant 64 : i32
    %dma_start3A_69 = tpu.memref_slice %arg10[%dma_start3A_68] : memref<256xi32, #tpu.memory_space<vmem>> -> memref<16xi32, #tpu.memory_space<vmem>>
    %dma_start3A_70 = arith.constant 15664 : i32
    %dma_start3A_71 = tpu.memref_slice %arg13[%dma_start3A_70] : memref<50176xi32, #tpu.memory_space<vmem_shared>> -> memref<16xi32, #tpu.memory_space<vmem_shared>>
    tpu.enqueue_dma source(%dma_start3A_71 : memref<16xi32, #tpu.memory_space<vmem_shared>>) target(%dma_start3A_69 : memref<16xi32, #tpu.memory_space<vmem>>) target_semaphore(%arg16 : memref<!tpu.dma_semaphore, #tpu.memory_space<semaphore_mem>>)
    %dma_start3A_72 = arith.constant 80 : i32
    %dma_start3A_73 = tpu.memref_slice %arg10[%dma_start3A_72] : memref<256xi32, #tpu.memory_space<vmem>> -> memref<16xi32, #tpu.memory_space<vmem>>
    %dma_start3A_74 = arith.constant 18800 : i32
    %dma_start3A_75 = tpu.memref_slice %arg13[%dma_start3A_74] : memref<50176xi32, #tpu.memory_space<vmem_shared>> -> memref<16xi32, #tpu.memory_space<vmem_shared>>
    %dma_start3A_76 = arith.constant 80 : i32
    %dma_start3A_77 = tpu.memref_slice %arg10[%dma_start3A_76] : memref<256xi32, #tpu.memory_space<vmem>> -> memref<16xi32, #tpu.memory_space<vmem>>
    %dma_start3A_78 = arith.constant 18800 : i32
    %dma_start3A_79 = tpu.memref_slice %arg13[%dma_start3A_78] : memref<50176xi32, #tpu.memory_space<vmem_shared>> -> memref<16xi32, #tpu.memory_space<vmem_shared>>
    tpu.enqueue_dma source(%dma_start3A_79 : memref<16xi32, #tpu.memory_space<vmem_shared>>) target(%dma_start3A_77 : memref<16xi32, #tpu.memory_space<vmem>>) target_semaphore(%arg16 : memref<!tpu.dma_semaphore, #tpu.memory_space<semaphore_mem>>)
    %dma_start3A_80 = arith.constant 96 : i32
    %dma_start3A_81 = tpu.memref_slice %arg10[%dma_start3A_80] : memref<256xi32, #tpu.memory_space<vmem>> -> memref<16xi32, #tpu.memory_space<vmem>>
    %dma_start3A_82 = arith.constant 21936 : i32
    %dma_start3A_83 = tpu.memref_slice %arg13[%dma_start3A_82] : memref<50176xi32, #tpu.memory_space<vmem_shared>> -> memref<16xi32, #tpu.memory_space<vmem_shared>>
    %dma_start3A_84 = arith.constant 96 : i32
    %dma_start3A_85 = tpu.memref_slice %arg10[%dma_start3A_84] : memref<256xi32, #tpu.memory_space<vmem>> -> memref<16xi32, #tpu.memory_space<vmem>>
    %dma_start3A_86 = arith.constant 21936 : i32
    %dma_start3A_87 = tpu.memref_slice %arg13[%dma_start3A_86] : memref<50176xi32, #tpu.memory_space<vmem_shared>> -> memref<16xi32, #tpu.memory_space<vmem_shared>>
    tpu.enqueue_dma source(%dma_start3A_87 : memref<16xi32, #tpu.memory_space<vmem_shared>>) target(%dma_start3A_85 : memref<16xi32, #tpu.memory_space<vmem>>) target_semaphore(%arg16 : memref<!tpu.dma_semaphore, #tpu.memory_space<semaphore_mem>>)
    %dma_start3A_88 = arith.constant 112 : i32
    %dma_start3A_89 = tpu.memref_slice %arg10[%dma_start3A_88] : memref<256xi32, #tpu.memory_space<vmem>> -> memref<16xi32, #tpu.memory_space<vmem>>
    %dma_start3A_90 = arith.constant 25072 : i32
    %dma_start3A_91 = tpu.memref_slice %arg13[%dma_start3A_90] : memref<50176xi32, #tpu.memory_space<vmem_shared>> -> memref<16xi32, #tpu.memory_space<vmem_shared>>
    %dma_start3A_92 = arith.constant 112 : i32
    %dma_start3A_93 = tpu.memref_slice %arg10[%dma_start3A_92] : memref<256xi32, #tpu.memory_space<vmem>> -> memref<16xi32, #tpu.memory_space<vmem>>
    %dma_start3A_94 = arith.constant 25072 : i32
    %dma_start3A_95 = tpu.memref_slice %arg13[%dma_start3A_94] : memref<50176xi32, #tpu.memory_space<vmem_shared>> -> memref<16xi32, #tpu.memory_space<vmem_shared>>
    tpu.enqueue_dma source(%dma_start3A_95 : memref<16xi32, #tpu.memory_space<vmem_shared>>) target(%dma_start3A_93 : memref<16xi32, #tpu.memory_space<vmem>>) target_semaphore(%arg16 : memref<!tpu.dma_semaphore, #tpu.memory_space<semaphore_mem>>)
    %dma_start3A_96 = arith.constant 128 : i32
    %dma_start3A_97 = tpu.memref_slice %arg10[%dma_start3A_96] : memref<256xi32, #tpu.memory_space<vmem>> -> memref<16xi32, #tpu.memory_space<vmem>>
    %dma_start3A_98 = arith.constant 28208 : i32
    %dma_start3A_99 = tpu.memref_slice %arg13[%dma_start3A_98] : memref<50176xi32, #tpu.memory_space<vmem_shared>> -> memref<16xi32, #tpu.memory_space<vmem_shared>>
    %dma_start3A_100 = arith.constant 128 : i32
    %dma_start3A_101 = tpu.memref_slice %arg10[%dma_start3A_100] : memref<256xi32, #tpu.memory_space<vmem>> -> memref<16xi32, #tpu.memory_space<vmem>>
    %dma_start3A_102 = arith.constant 28208 : i32
    %dma_start3A_103 = tpu.memref_slice %arg13[%dma_start3A_102] : memref<50176xi32, #tpu.memory_space<vmem_shared>> -> memref<16xi32, #tpu.memory_space<vmem_shared>>
    tpu.enqueue_dma source(%dma_start3A_103 : memref<16xi32, #tpu.memory_space<vmem_shared>>) target(%dma_start3A_101 : memref<16xi32, #tpu.memory_space<vmem>>) target_semaphore(%arg16 : memref<!tpu.dma_semaphore, #tpu.memory_space<semaphore_mem>>)
    %dma_start3A_104 = arith.constant 144 : i32
    %dma_start3A_105 = tpu.memref_slice %arg10[%dma_start3A_104] : memref<256xi32, #tpu.memory_space<vmem>> -> memref<16xi32, #tpu.memory_space<vmem>>
    %dma_start3A_106 = arith.constant 31344 : i32
    %dma_start3A_107 = tpu.memref_slice %arg13[%dma_start3A_106] : memref<50176xi32, #tpu.memory_space<vmem_shared>> -> memref<16xi32, #tpu.memory_space<vmem_shared>>
    %dma_start3A_108 = arith.constant 144 : i32
    %dma_start3A_109 = tpu.memref_slice %arg10[%dma_start3A_108] : memref<256xi32, #tpu.memory_space<vmem>> -> memref<16xi32, #tpu.memory_space<vmem>>
    %dma_start3A_110 = arith.constant 31344 : i32
    %dma_start3A_111 = tpu.memref_slice %arg13[%dma_start3A_110] : memref<50176xi32, #tpu.memory_space<vmem_shared>> -> memref<16xi32, #tpu.memory_space<vmem_shared>>
    tpu.enqueue_dma source(%dma_start3A_111 : memref<16xi32, #tpu.memory_space<vmem_shared>>) target(%dma_start3A_109 : memref<16xi32, #tpu.memory_space<vmem>>) target_semaphore(%arg16 : memref<!tpu.dma_semaphore, #tpu.memory_space<semaphore_mem>>)
    %dma_start3A_112 = arith.constant 160 : i32
    %dma_start3A_113 = tpu.memref_slice %arg10[%dma_start3A_112] : memref<256xi32, #tpu.memory_space<vmem>> -> memref<16xi32, #tpu.memory_space<vmem>>
    %dma_start3A_114 = arith.constant 34480 : i32
    %dma_start3A_115 = tpu.memref_slice %arg13[%dma_start3A_114] : memref<50176xi32, #tpu.memory_space<vmem_shared>> -> memref<16xi32, #tpu.memory_space<vmem_shared>>
    %dma_start3A_116 = arith.constant 160 : i32
    %dma_start3A_117 = tpu.memref_slice %arg10[%dma_start3A_116] : memref<256xi32, #tpu.memory_space<vmem>> -> memref<16xi32, #tpu.memory_space<vmem>>
    %dma_start3A_118 = arith.constant 34480 : i32
    %dma_start3A_119 = tpu.memref_slice %arg13[%dma_start3A_118] : memref<50176xi32, #tpu.memory_space<vmem_shared>> -> memref<16xi32, #tpu.memory_space<vmem_shared>>
    tpu.enqueue_dma source(%dma_start3A_119 : memref<16xi32, #tpu.memory_space<vmem_shared>>) target(%dma_start3A_117 : memref<16xi32, #tpu.memory_space<vmem>>) target_semaphore(%arg16 : memref<!tpu.dma_semaphore, #tpu.memory_space<semaphore_mem>>)
    %dma_start3A_120 = arith.constant 176 : i32
    %dma_start3A_121 = tpu.memref_slice %arg10[%dma_start3A_120] : memref<256xi32, #tpu.memory_space<vmem>> -> memref<16xi32, #tpu.memory_space<vmem>>
    %dma_start3A_122 = arith.constant 37616 : i32
    %dma_start3A_123 = tpu.memref_slice %arg13[%dma_start3A_122] : memref<50176xi32, #tpu.memory_space<vmem_shared>> -> memref<16xi32, #tpu.memory_space<vmem_shared>>
    %dma_start3A_124 = arith.constant 176 : i32
    %dma_start3A_125 = tpu.memref_slice %arg10[%dma_start3A_124] : memref<256xi32, #tpu.memory_space<vmem>> -> memref<16xi32, #tpu.memory_space<vmem>>
    %dma_start3A_126 = arith.constant 37616 : i32
    %dma_start3A_127 = tpu.memref_slice %arg13[%dma_start3A_126] : memref<50176xi32, #tpu.memory_space<vmem_shared>> -> memref<16xi32, #tpu.memory_space<vmem_shared>>
    tpu.enqueue_dma source(%dma_start3A_127 : memref<16xi32, #tpu.memory_space<vmem_shared>>) target(%dma_start3A_125 : memref<16xi32, #tpu.memory_space<vmem>>) target_semaphore(%arg16 : memref<!tpu.dma_semaphore, #tpu.memory_space<semaphore_mem>>)
    %dma_start3A_128 = arith.constant 192 : i32
    %dma_start3A_129 = tpu.memref_slice %arg10[%dma_start3A_128] : memref<256xi32, #tpu.memory_space<vmem>> -> memref<16xi32, #tpu.memory_space<vmem>>
    %dma_start3A_130 = arith.constant 40752 : i32
    %dma_start3A_131 = tpu.memref_slice %arg13[%dma_start3A_130] : memref<50176xi32, #tpu.memory_space<vmem_shared>> -> memref<16xi32, #tpu.memory_space<vmem_shared>>
    %dma_start3A_132 = arith.constant 192 : i32
    %dma_start3A_133 = tpu.memref_slice %arg10[%dma_start3A_132] : memref<256xi32, #tpu.memory_space<vmem>> -> memref<16xi32, #tpu.memory_space<vmem>>
    %dma_start3A_134 = arith.constant 40752 : i32
    %dma_start3A_135 = tpu.memref_slice %arg13[%dma_start3A_134] : memref<50176xi32, #tpu.memory_space<vmem_shared>> -> memref<16xi32, #tpu.memory_space<vmem_shared>>
    tpu.enqueue_dma source(%dma_start3A_135 : memref<16xi32, #tpu.memory_space<vmem_shared>>) target(%dma_start3A_133 : memref<16xi32, #tpu.memory_space<vmem>>) target_semaphore(%arg16 : memref<!tpu.dma_semaphore, #tpu.memory_space<semaphore_mem>>)
    %dma_start3A_136 = arith.constant 208 : i32
    %dma_start3A_137 = tpu.memref_slice %arg10[%dma_start3A_136] : memref<256xi32, #tpu.memory_space<vmem>> -> memref<16xi32, #tpu.memory_space<vmem>>
    %dma_start3A_138 = arith.constant 43888 : i32
    %dma_start3A_139 = tpu.memref_slice %arg13[%dma_start3A_138] : memref<50176xi32, #tpu.memory_space<vmem_shared>> -> memref<16xi32, #tpu.memory_space<vmem_shared>>
    %dma_start3A_140 = arith.constant 208 : i32
    %dma_start3A_141 = tpu.memref_slice %arg10[%dma_start3A_140] : memref<256xi32, #tpu.memory_space<vmem>> -> memref<16xi32, #tpu.memory_space<vmem>>
    %dma_start3A_142 = arith.constant 43888 : i32
    %dma_start3A_143 = tpu.memref_slice %arg13[%dma_start3A_142] : memref<50176xi32, #tpu.memory_space<vmem_shared>> -> memref<16xi32, #tpu.memory_space<vmem_shared>>
    tpu.enqueue_dma source(%dma_start3A_143 : memref<16xi32, #tpu.memory_space<vmem_shared>>) target(%dma_start3A_141 : memref<16xi32, #tpu.memory_space<vmem>>) target_semaphore(%arg16 : memref<!tpu.dma_semaphore, #tpu.memory_space<semaphore_mem>>)
    %dma_start3A_144 = arith.constant 224 : i32
    %dma_start3A_145 = tpu.memref_slice %arg10[%dma_start3A_144] : memref<256xi32, #tpu.memory_space<vmem>> -> memref<16xi32, #tpu.memory_space<vmem>>
    %dma_start3A_146 = arith.constant 47024 : i32
    %dma_start3A_147 = tpu.memref_slice %arg13[%dma_start3A_146] : memref<50176xi32, #tpu.memory_space<vmem_shared>> -> memref<16xi32, #tpu.memory_space<vmem_shared>>
    %dma_start3A_148 = arith.constant 224 : i32
    %dma_start3A_149 = tpu.memref_slice %arg10[%dma_start3A_148] : memref<256xi32, #tpu.memory_space<vmem>> -> memref<16xi32, #tpu.memory_space<vmem>>
    %dma_start3A_150 = arith.constant 47024 : i32
    %dma_start3A_151 = tpu.memref_slice %arg13[%dma_start3A_150] : memref<50176xi32, #tpu.memory_space<vmem_shared>> -> memref<16xi32, #tpu.memory_space<vmem_shared>>
    tpu.enqueue_dma source(%dma_start3A_151 : memref<16xi32, #tpu.memory_space<vmem_shared>>) target(%dma_start3A_149 : memref<16xi32, #tpu.memory_space<vmem>>) target_semaphore(%arg16 : memref<!tpu.dma_semaphore, #tpu.memory_space<semaphore_mem>>)
    %dma_start3A_152 = arith.constant 240 : i32
    %dma_start3A_153 = tpu.memref_slice %arg10[%dma_start3A_152] : memref<256xi32, #tpu.memory_space<vmem>> -> memref<16xi32, #tpu.memory_space<vmem>>
    %dma_start3A_154 = arith.constant 50160 : i32
    %dma_start3A_155 = tpu.memref_slice %arg13[%dma_start3A_154] : memref<50176xi32, #tpu.memory_space<vmem_shared>> -> memref<16xi32, #tpu.memory_space<vmem_shared>>
    %dma_start3A_156 = arith.constant 240 : i32
    %dma_start3A_157 = tpu.memref_slice %arg10[%dma_start3A_156] : memref<256xi32, #tpu.memory_space<vmem>> -> memref<16xi32, #tpu.memory_space<vmem>>
    %dma_start3A_158 = arith.constant 50160 : i32
    %dma_start3A_159 = tpu.memref_slice %arg13[%dma_start3A_158] : memref<50176xi32, #tpu.memory_space<vmem_shared>> -> memref<16xi32, #tpu.memory_space<vmem_shared>>
    tpu.enqueue_dma source(%dma_start3A_159 : memref<16xi32, #tpu.memory_space<vmem_shared>>) target(%dma_start3A_157 : memref<16xi32, #tpu.memory_space<vmem>>) target_semaphore(%arg16 : memref<!tpu.dma_semaphore, #tpu.memory_space<semaphore_mem>>)
    %dma_wait3A_160 = arith.constant 0 : i32
    %dma_wait3A_161 = tpu.memref_slice %arg10[%dma_wait3A_160] : memref<256xi32, #tpu.memory_space<vmem>> -> memref<16xi32, #tpu.memory_space<vmem>>
    %dma_wait3A_162 = arith.constant 3120 : i32
    %dma_wait3A_163 = tpu.memref_slice %arg13[%dma_wait3A_162] : memref<50176xi32, #tpu.memory_space<vmem_shared>> -> memref<16xi32, #tpu.memory_space<vmem_shared>>
    %dma_wait3A_164 = arith.constant 0 : i32
    %dma_wait3A_165 = tpu.memref_slice %arg10[%dma_wait3A_164] : memref<256xi32, #tpu.memory_space<vmem>> -> memref<16xi32, #tpu.memory_space<vmem>>
    %dma_wait3A_166 = arith.constant 3120 : i32
    %dma_wait3A_167 = tpu.memref_slice %arg13[%dma_wait3A_166] : memref<50176xi32, #tpu.memory_space<vmem_shared>> -> memref<16xi32, #tpu.memory_space<vmem_shared>>
    tpu.wait_dma2 semaphore(%arg16 : memref<!tpu.dma_semaphore, #tpu.memory_space<semaphore_mem>>) src(%dma_wait3A_167 : memref<16xi32, #tpu.memory_space<vmem_shared>>) dst(%dma_wait3A_165 : memref<16xi32, #tpu.memory_space<vmem>>)
    %dma_wait3A_168 = arith.constant 16 : i32
    %dma_wait3A_169 = tpu.memref_slice %arg10[%dma_wait3A_168] : memref<256xi32, #tpu.memory_space<vmem>> -> memref<16xi32, #tpu.memory_space<vmem>>
    %dma_wait3A_170 = arith.constant 6256 : i32
    %dma_wait3A_171 = tpu.memref_slice %arg13[%dma_wait3A_170] : memref<50176xi32, #tpu.memory_space<vmem_shared>> -> memref<16xi32, #tpu.memory_space<vmem_shared>>
    %dma_wait3A_172 = arith.constant 16 : i32
    %dma_wait3A_173 = tpu.memref_slice %arg10[%dma_wait3A_172] : memref<256xi32, #tpu.memory_space<vmem>> -> memref<16xi32, #tpu.memory_space<vmem>>
    %dma_wait3A_174 = arith.constant 6256 : i32
    %dma_wait3A_175 = tpu.memref_slice %arg13[%dma_wait3A_174] : memref<50176xi32, #tpu.memory_space<vmem_shared>> -> memref<16xi32, #tpu.memory_space<vmem_shared>>
    tpu.wait_dma2 semaphore(%arg16 : memref<!tpu.dma_semaphore, #tpu.memory_space<semaphore_mem>>) src(%dma_wait3A_175 : memref<16xi32, #tpu.memory_space<vmem_shared>>) dst(%dma_wait3A_173 : memref<16xi32, #tpu.memory_space<vmem>>)
    %dma_wait3A_176 = arith.constant 32 : i32
    %dma_wait3A_177 = tpu.memref_slice %arg10[%dma_wait3A_176] : memref<256xi32, #tpu.memory_space<vmem>> -> memref<16xi32, #tpu.memory_space<vmem>>
    %dma_wait3A_178 = arith.constant 9392 : i32
    %dma_wait3A_179 = tpu.memref_slice %arg13[%dma_wait3A_178] : memref<50176xi32, #tpu.memory_space<vmem_shared>> -> memref<16xi32, #tpu.memory_space<vmem_shared>>
    %dma_wait3A_180 = arith.constant 32 : i32
    %dma_wait3A_181 = tpu.memref_slice %arg10[%dma_wait3A_180] : memref<256xi32, #tpu.memory_space<vmem>> -> memref<16xi32, #tpu.memory_space<vmem>>
    %dma_wait3A_182 = arith.constant 9392 : i32
    %dma_wait3A_183 = tpu.memref_slice %arg13[%dma_wait3A_182] : memref<50176xi32, #tpu.memory_space<vmem_shared>> -> memref<16xi32, #tpu.memory_space<vmem_shared>>
    tpu.wait_dma2 semaphore(%arg16 : memref<!tpu.dma_semaphore, #tpu.memory_space<semaphore_mem>>) src(%dma_wait3A_183 : memref<16xi32, #tpu.memory_space<vmem_shared>>) dst(%dma_wait3A_181 : memref<16xi32, #tpu.memory_space<vmem>>)
    %dma_wait3A_184 = arith.constant 48 : i32
    %dma_wait3A_185 = tpu.memref_slice %arg10[%dma_wait3A_184] : memref<256xi32, #tpu.memory_space<vmem>> -> memref<16xi32, #tpu.memory_space<vmem>>
    %dma_wait3A_186 = arith.constant 12528 : i32
    %dma_wait3A_187 = tpu.memref_slice %arg13[%dma_wait3A_186] : memref<50176xi32, #tpu.memory_space<vmem_shared>> -> memref<16xi32, #tpu.memory_space<vmem_shared>>
    %dma_wait3A_188 = arith.constant 48 : i32
    %dma_wait3A_189 = tpu.memref_slice %arg10[%dma_wait3A_188] : memref<256xi32, #tpu.memory_space<vmem>> -> memref<16xi32, #tpu.memory_space<vmem>>
    %dma_wait3A_190 = arith.constant 12528 : i32
    %dma_wait3A_191 = tpu.memref_slice %arg13[%dma_wait3A_190] : memref<50176xi32, #tpu.memory_space<vmem_shared>> -> memref<16xi32, #tpu.memory_space<vmem_shared>>
    tpu.wait_dma2 semaphore(%arg16 : memref<!tpu.dma_semaphore, #tpu.memory_space<semaphore_mem>>) src(%dma_wait3A_191 : memref<16xi32, #tpu.memory_space<vmem_shared>>) dst(%dma_wait3A_189 : memref<16xi32, #tpu.memory_space<vmem>>)
    %dma_wait3A_192 = arith.constant 64 : i32
    %dma_wait3A_193 = tpu.memref_slice %arg10[%dma_wait3A_192] : memref<256xi32, #tpu.memory_space<vmem>> -> memref<16xi32, #tpu.memory_space<vmem>>
    %dma_wait3A_194 = arith.constant 15664 : i32
    %dma_wait3A_195 = tpu.memref_slice %arg13[%dma_wait3A_194] : memref<50176xi32, #tpu.memory_space<vmem_shared>> -> memref<16xi32, #tpu.memory_space<vmem_shared>>
    %dma_wait3A_196 = arith.constant 64 : i32
    %dma_wait3A_197 = tpu.memref_slice %arg10[%dma_wait3A_196] : memref<256xi32, #tpu.memory_space<vmem>> -> memref<16xi32, #tpu.memory_space<vmem>>
    %dma_wait3A_198 = arith.constant 15664 : i32
    %dma_wait3A_199 = tpu.memref_slice %arg13[%dma_wait3A_198] : memref<50176xi32, #tpu.memory_space<vmem_shared>> -> memref<16xi32, #tpu.memory_space<vmem_shared>>
    tpu.wait_dma2 semaphore(%arg16 : memref<!tpu.dma_semaphore, #tpu.memory_space<semaphore_mem>>) src(%dma_wait3A_199 : memref<16xi32, #tpu.memory_space<vmem_shared>>) dst(%dma_wait3A_197 : memref<16xi32, #tpu.memory_space<vmem>>)
    %dma_wait3A_200 = arith.constant 80 : i32
    %dma_wait3A_201 = tpu.memref_slice %arg10[%dma_wait3A_200] : memref<256xi32, #tpu.memory_space<vmem>> -> memref<16xi32, #tpu.memory_space<vmem>>
    %dma_wait3A_202 = arith.constant 18800 : i32
    %dma_wait3A_203 = tpu.memref_slice %arg13[%dma_wait3A_202] : memref<50176xi32, #tpu.memory_space<vmem_shared>> -> memref<16xi32, #tpu.memory_space<vmem_shared>>
    %dma_wait3A_204 = arith.constant 80 : i32
    %dma_wait3A_205 = tpu.memref_slice %arg10[%dma_wait3A_204] : memref<256xi32, #tpu.memory_space<vmem>> -> memref<16xi32, #tpu.memory_space<vmem>>
    %dma_wait3A_206 = arith.constant 18800 : i32
    %dma_wait3A_207 = tpu.memref_slice %arg13[%dma_wait3A_206] : memref<50176xi32, #tpu.memory_space<vmem_shared>> -> memref<16xi32, #tpu.memory_space<vmem_shared>>
    tpu.wait_dma2 semaphore(%arg16 : memref<!tpu.dma_semaphore, #tpu.memory_space<semaphore_mem>>) src(%dma_wait3A_207 : memref<16xi32, #tpu.memory_space<vmem_shared>>) dst(%dma_wait3A_205 : memref<16xi32, #tpu.memory_space<vmem>>)
    %dma_wait3A_208 = arith.constant 96 : i32
    %dma_wait3A_209 = tpu.memref_slice %arg10[%dma_wait3A_208] : memref<256xi32, #tpu.memory_space<vmem>> -> memref<16xi32, #tpu.memory_space<vmem>>
    %dma_wait3A_210 = arith.constant 21936 : i32
    %dma_wait3A_211 = tpu.memref_slice %arg13[%dma_wait3A_210] : memref<50176xi32, #tpu.memory_space<vmem_shared>> -> memref<16xi32, #tpu.memory_space<vmem_shared>>
    %dma_wait3A_212 = arith.constant 96 : i32
    %dma_wait3A_213 = tpu.memref_slice %arg10[%dma_wait3A_212] : memref<256xi32, #tpu.memory_space<vmem>> -> memref<16xi32, #tpu.memory_space<vmem>>
    %dma_wait3A_214 = arith.constant 21936 : i32
    %dma_wait3A_215 = tpu.memref_slice %arg13[%dma_wait3A_214] : memref<50176xi32, #tpu.memory_space<vmem_shared>> -> memref<16xi32, #tpu.memory_space<vmem_shared>>
    tpu.wait_dma2 semaphore(%arg16 : memref<!tpu.dma_semaphore, #tpu.memory_space<semaphore_mem>>) src(%dma_wait3A_215 : memref<16xi32, #tpu.memory_space<vmem_shared>>) dst(%dma_wait3A_213 : memref<16xi32, #tpu.memory_space<vmem>>)
    %dma_wait3A_216 = arith.constant 112 : i32
    %dma_wait3A_217 = tpu.memref_slice %arg10[%dma_wait3A_216] : memref<256xi32, #tpu.memory_space<vmem>> -> memref<16xi32, #tpu.memory_space<vmem>>
    %dma_wait3A_218 = arith.constant 25072 : i32
    %dma_wait3A_219 = tpu.memref_slice %arg13[%dma_wait3A_218] : memref<50176xi32, #tpu.memory_space<vmem_shared>> -> memref<16xi32, #tpu.memory_space<vmem_shared>>
    %dma_wait3A_220 = arith.constant 112 : i32
    %dma_wait3A_221 = tpu.memref_slice %arg10[%dma_wait3A_220] : memref<256xi32, #tpu.memory_space<vmem>> -> memref<16xi32, #tpu.memory_space<vmem>>
    %dma_wait3A_222 = arith.constant 25072 : i32
    %dma_wait3A_223 = tpu.memref_slice %arg13[%dma_wait3A_222] : memref<50176xi32, #tpu.memory_space<vmem_shared>> -> memref<16xi32, #tpu.memory_space<vmem_shared>>
    tpu.wait_dma2 semaphore(%arg16 : memref<!tpu.dma_semaphore, #tpu.memory_space<semaphore_mem>>) src(%dma_wait3A_223 : memref<16xi32, #tpu.memory_space<vmem_shared>>) dst(%dma_wait3A_221 : memref<16xi32, #tpu.memory_space<vmem>>)
    %dma_wait3A_224 = arith.constant 128 : i32
    %dma_wait3A_225 = tpu.memref_slice %arg10[%dma_wait3A_224] : memref<256xi32, #tpu.memory_space<vmem>> -> memref<16xi32, #tpu.memory_space<vmem>>
    %dma_wait3A_226 = arith.constant 28208 : i32
    %dma_wait3A_227 = tpu.memref_slice %arg13[%dma_wait3A_226] : memref<50176xi32, #tpu.memory_space<vmem_shared>> -> memref<16xi32, #tpu.memory_space<vmem_shared>>
    %dma_wait3A_228 = arith.constant 128 : i32
    %dma_wait3A_229 = tpu.memref_slice %arg10[%dma_wait3A_228] : memref<256xi32, #tpu.memory_space<vmem>> -> memref<16xi32, #tpu.memory_space<vmem>>
    %dma_wait3A_230 = arith.constant 28208 : i32
    %dma_wait3A_231 = tpu.memref_slice %arg13[%dma_wait3A_230] : memref<50176xi32, #tpu.memory_space<vmem_shared>> -> memref<16xi32, #tpu.memory_space<vmem_shared>>
    tpu.wait_dma2 semaphore(%arg16 : memref<!tpu.dma_semaphore, #tpu.memory_space<semaphore_mem>>) src(%dma_wait3A_231 : memref<16xi32, #tpu.memory_space<vmem_shared>>) dst(%dma_wait3A_229 : memref<16xi32, #tpu.memory_space<vmem>>)
    %dma_wait3A_232 = arith.constant 144 : i32
    %dma_wait3A_233 = tpu.memref_slice %arg10[%dma_wait3A_232] : memref<256xi32, #tpu.memory_space<vmem>> -> memref<16xi32, #tpu.memory_space<vmem>>
    %dma_wait3A_234 = arith.constant 31344 : i32
    %dma_wait3A_235 = tpu.memref_slice %arg13[%dma_wait3A_234] : memref<50176xi32, #tpu.memory_space<vmem_shared>> -> memref<16xi32, #tpu.memory_space<vmem_shared>>
    %dma_wait3A_236 = arith.constant 144 : i32
    %dma_wait3A_237 = tpu.memref_slice %arg10[%dma_wait3A_236] : memref<256xi32, #tpu.memory_space<vmem>> -> memref<16xi32, #tpu.memory_space<vmem>>
    %dma_wait3A_238 = arith.constant 31344 : i32
    %dma_wait3A_239 = tpu.memref_slice %arg13[%dma_wait3A_238] : memref<50176xi32, #tpu.memory_space<vmem_shared>> -> memref<16xi32, #tpu.memory_space<vmem_shared>>
    tpu.wait_dma2 semaphore(%arg16 : memref<!tpu.dma_semaphore, #tpu.memory_space<semaphore_mem>>) src(%dma_wait3A_239 : memref<16xi32, #tpu.memory_space<vmem_shared>>) dst(%dma_wait3A_237 : memref<16xi32, #tpu.memory_space<vmem>>)
    %dma_wait3A_240 = arith.constant 160 : i32
    %dma_wait3A_241 = tpu.memref_slice %arg10[%dma_wait3A_240] : memref<256xi32, #tpu.memory_space<vmem>> -> memref<16xi32, #tpu.memory_space<vmem>>
    %dma_wait3A_242 = arith.constant 34480 : i32
    %dma_wait3A_243 = tpu.memref_slice %arg13[%dma_wait3A_242] : memref<50176xi32, #tpu.memory_space<vmem_shared>> -> memref<16xi32, #tpu.memory_space<vmem_shared>>
    %dma_wait3A_244 = arith.constant 160 : i32
    %dma_wait3A_245 = tpu.memref_slice %arg10[%dma_wait3A_244] : memref<256xi32, #tpu.memory_space<vmem>> -> memref<16xi32, #tpu.memory_space<vmem>>
    %dma_wait3A_246 = arith.constant 34480 : i32
    %dma_wait3A_247 = tpu.memref_slice %arg13[%dma_wait3A_246] : memref<50176xi32, #tpu.memory_space<vmem_shared>> -> memref<16xi32, #tpu.memory_space<vmem_shared>>
    tpu.wait_dma2 semaphore(%arg16 : memref<!tpu.dma_semaphore, #tpu.memory_space<semaphore_mem>>) src(%dma_wait3A_247 : memref<16xi32, #tpu.memory_space<vmem_shared>>) dst(%dma_wait3A_245 : memref<16xi32, #tpu.memory_space<vmem>>)
    %dma_wait3A_248 = arith.constant 176 : i32
    %dma_wait3A_249 = tpu.memref_slice %arg10[%dma_wait3A_248] : memref<256xi32, #tpu.memory_space<vmem>> -> memref<16xi32, #tpu.memory_space<vmem>>
    %dma_wait3A_250 = arith.constant 37616 : i32
    %dma_wait3A_251 = tpu.memref_slice %arg13[%dma_wait3A_250] : memref<50176xi32, #tpu.memory_space<vmem_shared>> -> memref<16xi32, #tpu.memory_space<vmem_shared>>
    %dma_wait3A_252 = arith.constant 176 : i32
    %dma_wait3A_253 = tpu.memref_slice %arg10[%dma_wait3A_252] : memref<256xi32, #tpu.memory_space<vmem>> -> memref<16xi32, #tpu.memory_space<vmem>>
    %dma_wait3A_254 = arith.constant 37616 : i32
    %dma_wait3A_255 = tpu.memref_slice %arg13[%dma_wait3A_254] : memref<50176xi32, #tpu.memory_space<vmem_shared>> -> memref<16xi32, #tpu.memory_space<vmem_shared>>
    tpu.wait_dma2 semaphore(%arg16 : memref<!tpu.dma_semaphore, #tpu.memory_space<semaphore_mem>>) src(%dma_wait3A_255 : memref<16xi32, #tpu.memory_space<vmem_shared>>) dst(%dma_wait3A_253 : memref<16xi32, #tpu.memory_space<vmem>>)
    %dma_wait3A_256 = arith.constant 192 : i32
    %dma_wait3A_257 = tpu.memref_slice %arg10[%dma_wait3A_256] : memref<256xi32, #tpu.memory_space<vmem>> -> memref<16xi32, #tpu.memory_space<vmem>>
    %dma_wait3A_258 = arith.constant 40752 : i32
    %dma_wait3A_259 = tpu.memref_slice %arg13[%dma_wait3A_258] : memref<50176xi32, #tpu.memory_space<vmem_shared>> -> memref<16xi32, #tpu.memory_space<vmem_shared>>
    %dma_wait3A_260 = arith.constant 192 : i32
    %dma_wait3A_261 = tpu.memref_slice %arg10[%dma_wait3A_260] : memref<256xi32, #tpu.memory_space<vmem>> -> memref<16xi32, #tpu.memory_space<vmem>>
    %dma_wait3A_262 = arith.constant 40752 : i32
    %dma_wait3A_263 = tpu.memref_slice %arg13[%dma_wait3A_262] : memref<50176xi32, #tpu.memory_space<vmem_shared>> -> memref<16xi32, #tpu.memory_space<vmem_shared>>
    tpu.wait_dma2 semaphore(%arg16 : memref<!tpu.dma_semaphore, #tpu.memory_space<semaphore_mem>>) src(%dma_wait3A_263 : memref<16xi32, #tpu.memory_space<vmem_shared>>) dst(%dma_wait3A_261 : memref<16xi32, #tpu.memory_space<vmem>>)
    %dma_wait3A_264 = arith.constant 208 : i32
    %dma_wait3A_265 = tpu.memref_slice %arg10[%dma_wait3A_264] : memref<256xi32, #tpu.memory_space<vmem>> -> memref<16xi32, #tpu.memory_space<vmem>>
    %dma_wait3A_266 = arith.constant 43888 : i32
    %dma_wait3A_267 = tpu.memref_slice %arg13[%dma_wait3A_266] : memref<50176xi32, #tpu.memory_space<vmem_shared>> -> memref<16xi32, #tpu.memory_space<vmem_shared>>
    %dma_wait3A_268 = arith.constant 208 : i32
    %dma_wait3A_269 = tpu.memref_slice %arg10[%dma_wait3A_268] : memref<256xi32, #tpu.memory_space<vmem>> -> memref<16xi32, #tpu.memory_space<vmem>>
    %dma_wait3A_270 = arith.constant 43888 : i32
    %dma_wait3A_271 = tpu.memref_slice %arg13[%dma_wait3A_270] : memref<50176xi32, #tpu.memory_space<vmem_shared>> -> memref<16xi32, #tpu.memory_space<vmem_shared>>
    tpu.wait_dma2 semaphore(%arg16 : memref<!tpu.dma_semaphore, #tpu.memory_space<semaphore_mem>>) src(%dma_wait3A_271 : memref<16xi32, #tpu.memory_space<vmem_shared>>) dst(%dma_wait3A_269 : memref<16xi32, #tpu.memory_space<vmem>>)
    %dma_wait3A_272 = arith.constant 224 : i32
    %dma_wait3A_273 = tpu.memref_slice %arg10[%dma_wait3A_272] : memref<256xi32, #tpu.memory_space<vmem>> -> memref<16xi32, #tpu.memory_space<vmem>>
    %dma_wait3A_274 = arith.constant 47024 : i32
    %dma_wait3A_275 = tpu.memref_slice %arg13[%dma_wait3A_274] : memref<50176xi32, #tpu.memory_space<vmem_shared>> -> memref<16xi32, #tpu.memory_space<vmem_shared>>
    %dma_wait3A_276 = arith.constant 224 : i32
    %dma_wait3A_277 = tpu.memref_slice %arg10[%dma_wait3A_276] : memref<256xi32, #tpu.memory_space<vmem>> -> memref<16xi32, #tpu.memory_space<vmem>>
    %dma_wait3A_278 = arith.constant 47024 : i32
    %dma_wait3A_279 = tpu.memref_slice %arg13[%dma_wait3A_278] : memref<50176xi32, #tpu.memory_space<vmem_shared>> -> memref<16xi32, #tpu.memory_space<vmem_shared>>
    tpu.wait_dma2 semaphore(%arg16 : memref<!tpu.dma_semaphore, #tpu.memory_space<semaphore_mem>>) src(%dma_wait3A_279 : memref<16xi32, #tpu.memory_space<vmem_shared>>) dst(%dma_wait3A_277 : memref<16xi32, #tpu.memory_space<vmem>>)
    %dma_wait3A_280 = arith.constant 240 : i32
    %dma_wait3A_281 = tpu.memref_slice %arg10[%dma_wait3A_280] : memref<256xi32, #tpu.memory_space<vmem>> -> memref<16xi32, #tpu.memory_space<vmem>>
    %dma_wait3A_282 = arith.constant 50160 : i32
    %dma_wait3A_283 = tpu.memref_slice %arg13[%dma_wait3A_282] : memref<50176xi32, #tpu.memory_space<vmem_shared>> -> memref<16xi32, #tpu.memory_space<vmem_shared>>
    %dma_wait3A_284 = arith.constant 240 : i32
    %dma_wait3A_285 = tpu.memref_slice %arg10[%dma_wait3A_284] : memref<256xi32, #tpu.memory_space<vmem>> -> memref<16xi32, #tpu.memory_space<vmem>>
    %dma_wait3A_286 = arith.constant 50160 : i32
    %dma_wait3A_287 = tpu.memref_slice %arg13[%dma_wait3A_286] : memref<50176xi32, #tpu.memory_space<vmem_shared>> -> memref<16xi32, #tpu.memory_space<vmem_shared>>
    tpu.wait_dma2 semaphore(%arg16 : memref<!tpu.dma_semaphore, #tpu.memory_space<semaphore_mem>>) src(%dma_wait3A_287 : memref<16xi32, #tpu.memory_space<vmem_shared>>) dst(%dma_wait3A_285 : memref<16xi32, #tpu.memory_space<vmem>>)
    tpu.enqueue_dma source(%arg13 : memref<50176xi32, #tpu.memory_space<vmem_shared>>) target(%arg5 : memref<50176xi32, #tpu.memory_space<vmem>>) target_semaphore(%arg14 : memref<!tpu.dma_semaphore, #tpu.memory_space<semaphore_mem>>)
    "tpu.trace_stop"() : () -> ()
    "tpu.trace_start"() <{level = 10 : i32, message = "phase_tables"}> : () -> ()
    %get3A = arith.constant 0 : index
    %get3A_288 = tpu.vector_load %arg10[%get3A] {strides = array<i32>} : memref<256xi32, #tpu.memory_space<vmem>>, vector<16xi32>,
    %and3A = arith.constant -65536 : i32
    %and3A_289 = vector.broadcast %and3A : i32 to vector<16xi32>
    %and3A_290 = arith.andi %get3A_288, %and3A_289 : vector<16xi32>
    %bitcast3A = vector.bitcast %and3A_290 : vector<16xi32> to vector<16xf32>
    %sub3A = arith.constant 1 : i32
    %sub3A_291 = vector.broadcast %sub3A : i32 to vector<16xi32>
    %sub3A_292 = arith.subi %iota3A, %sub3A_291 : vector<16xi32>
    %max3A = arith.constant 0 : i32
    %max3A_293 = vector.broadcast %max3A : i32 to vector<16xi32>
    %max3A_294 = arith.maxsi %sub3A_292, %max3A_293 : vector<16xi32>
    %broadcast_in_dim3A_295 = vector.shape_cast %max3A_294 : vector<16xi32> to vector<16x1xi32>
    %gather3A = vector.shape_cast %broadcast_in_dim3A_295 : vector<16x1xi32> to vector<16xi32>
    %gather3A_296 = tpu.dynamic_gather %bitcast3A[%gather3A] in [0] : vector<16xf32>, vector<16xi32> -> vector<16xf32>
    %ge3A = arith.constant 1 : i32
    %ge3A_297 = vector.broadcast %ge3A : i32 to vector<16xi32>
    %ge3A_298 = arith.cmpi sge, %iota3A, %ge3A_297 : vector<16xi32>
    %jit3A = arith.constant 0.000000e+00 : f32
    %broadcast_in_dim3A_299 = vector.broadcast %jit3A : f32 to vector<16xf32>
    %select_n3A = arith.select %ge3A_298, %gather3A_296, %broadcast_in_dim3A_299 : vector<16xi1>, vector<16xf32>
    %add3A_300 = arith.addf %bitcast3A, %select_n3A : vector<16xf32>
    %sub3A_301 = arith.constant 2 : i32
    %sub3A_302 = vector.broadcast %sub3A_301 : i32 to vector<16xi32>
    %sub3A_303 = arith.subi %iota3A, %sub3A_302 : vector<16xi32>
    %max3A_304 = arith.constant 0 : i32
    %max3A_305 = vector.broadcast %max3A_304 : i32 to vector<16xi32>
    %max3A_306 = arith.maxsi %sub3A_303, %max3A_305 : vector<16xi32>
    %broadcast_in_dim3A_307 = vector.shape_cast %max3A_306 : vector<16xi32> to vector<16x1xi32>
    %gather3A_308 = vector.shape_cast %broadcast_in_dim3A_307 : vector<16x1xi32> to vector<16xi32>
    %gather3A_309 = tpu.dynamic_gather %add3A_300[%gather3A_308] in [0] : vector<16xf32>, vector<16xi32> -> vector<16xf32>
    %ge3A_310 = arith.constant 2 : i32
    %ge3A_311 = vector.broadcast %ge3A_310 : i32 to vector<16xi32>
    %ge3A_312 = arith.cmpi sge, %iota3A, %ge3A_311 : vector<16xi32>
    %jit3A_313 = arith.constant 0.000000e+00 : f32
    %broadcast_in_dim3A_314 = vector.broadcast %jit3A_313 : f32 to vector<16xf32>
    %select_n3A_315 = arith.select %ge3A_312, %gather3A_309, %broadcast_in_dim3A_314 : vector<16xi1>, vector<16xf32>
    %add3A_316 = arith.addf %add3A_300, %select_n3A_315 : vector<16xf32>
    %sub3A_317 = arith.constant 4 : i32
    %sub3A_318 = vector.broadcast %sub3A_317 : i32 to vector<16xi32>
    %sub3A_319 = arith.subi %iota3A, %sub3A_318 : vector<16xi32>
    %max3A_320 = arith.constant 0 : i32
    %max3A_321 = vector.broadcast %max3A_320 : i32 to vector<16xi32>
    %max3A_322 = arith.maxsi %sub3A_319, %max3A_321 : vector<16xi32>
    %broadcast_in_dim3A_323 = vector.shape_cast %max3A_322 : vector<16xi32> to vector<16x1xi32>
    %gather3A_324 = vector.shape_cast %broadcast_in_dim3A_323 : vector<16x1xi32> to vector<16xi32>
    %gather3A_325 = tpu.dynamic_gather %add3A_316[%gather3A_324] in [0] : vector<16xf32>, vector<16xi32> -> vector<16xf32>
    %ge3A_326 = arith.constant 4 : i32
    %ge3A_327 = vector.broadcast %ge3A_326 : i32 to vector<16xi32>
    %ge3A_328 = arith.cmpi sge, %iota3A, %ge3A_327 : vector<16xi32>
    %jit3A_329 = arith.constant 0.000000e+00 : f32
    %broadcast_in_dim3A_330 = vector.broadcast %jit3A_329 : f32 to vector<16xf32>
    %select_n3A_331 = arith.select %ge3A_328, %gather3A_325, %broadcast_in_dim3A_330 : vector<16xi1>, vector<16xf32>
    %add3A_332 = arith.addf %add3A_316, %select_n3A_331 : vector<16xf32>
    %sub3A_333 = arith.constant 8 : i32
    %sub3A_334 = vector.broadcast %sub3A_333 : i32 to vector<16xi32>
    %sub3A_335 = arith.subi %iota3A, %sub3A_334 : vector<16xi32>
    %max3A_336 = arith.constant 0 : i32
    %max3A_337 = vector.broadcast %max3A_336 : i32 to vector<16xi32>
    %max3A_338 = arith.maxsi %sub3A_335, %max3A_337 : vector<16xi32>
    %broadcast_in_dim3A_339 = vector.shape_cast %max3A_338 : vector<16xi32> to vector<16x1xi32>
    %gather3A_340 = vector.shape_cast %broadcast_in_dim3A_339 : vector<16x1xi32> to vector<16xi32>
    %gather3A_341 = tpu.dynamic_gather %add3A_332[%gather3A_340] in [0] : vector<16xf32>, vector<16xi32> -> vector<16xf32>
    %ge3A_342 = arith.constant 8 : i32
    %ge3A_343 = vector.broadcast %ge3A_342 : i32 to vector<16xi32>
    %ge3A_344 = arith.cmpi sge, %iota3A, %ge3A_343 : vector<16xi32>
    %jit3A_345 = arith.constant 0.000000e+00 : f32
    %broadcast_in_dim3A_346 = vector.broadcast %jit3A_345 : f32 to vector<16xf32>
    %select_n3A_347 = arith.select %ge3A_344, %gather3A_341, %broadcast_in_dim3A_346 : vector<16xi1>, vector<16xf32>
    %add3A_348 = arith.addf %add3A_332, %select_n3A_347 : vector<16xf32>
    %swap3A = arith.constant 0 : index
    %swap3A_349 = tpu.vector_load %arg9[%swap3A] {strides = array<i32>} : memref<256xf32, #tpu.memory_space<vmem>>, vector<16xf32>,
    tpu.vector_store %arg9[%swap3A], %add3A_348 {strides = array<i32>} : memref<256xf32, #tpu.memory_space<vmem>>, vector<16xf32>,
    %get3A_350 = arith.constant 16 : index
    %get3A_351 = tpu.vector_load %arg10[%get3A_350] {strides = array<i32>} : memref<256xi32, #tpu.memory_space<vmem>>, vector<16xi32>,
    %and3A_352 = arith.constant -65536 : i32
    %and3A_353 = vector.broadcast %and3A_352 : i32 to vector<16xi32>
    %and3A_354 = arith.andi %get3A_351, %and3A_353 : vector<16xi32>
    %bitcast3A_355 = vector.bitcast %and3A_354 : vector<16xi32> to vector<16xf32>
    %sub3A_356 = arith.constant 1 : i32
    %sub3A_357 = vector.broadcast %sub3A_356 : i32 to vector<16xi32>
    %sub3A_358 = arith.subi %iota3A, %sub3A_357 : vector<16xi32>
    %max3A_359 = arith.constant 0 : i32
    %max3A_360 = vector.broadcast %max3A_359 : i32 to vector<16xi32>
    %max3A_361 = arith.maxsi %sub3A_358, %max3A_360 : vector<16xi32>
    %broadcast_in_dim3A_362 = vector.shape_cast %max3A_361 : vector<16xi32> to vector<16x1xi32>
    %gather3A_363 = vector.shape_cast %broadcast_in_dim3A_362 : vector<16x1xi32> to vector<16xi32>
    %gather3A_364 = tpu.dynamic_gather %bitcast3A_355[%gather3A_363] in [0] : vector<16xf32>, vector<16xi32> -> vector<16xf32>
    %ge3A_365 = arith.constant 1 : i32
    %ge3A_366 = vector.broadcast %ge3A_365 : i32 to vector<16xi32>
    %ge3A_367 = arith.cmpi sge, %iota3A, %ge3A_366 : vector<16xi32>
    %jit3A_368 = arith.constant 0.000000e+00 : f32
    %broadcast_in_dim3A_369 = vector.broadcast %jit3A_368 : f32 to vector<16xf32>
    %select_n3A_370 = arith.select %ge3A_367, %gather3A_364, %broadcast_in_dim3A_369 : vector<16xi1>, vector<16xf32>
    %add3A_371 = arith.addf %bitcast3A_355, %select_n3A_370 : vector<16xf32>
    %sub3A_372 = arith.constant 2 : i32
    %sub3A_373 = vector.broadcast %sub3A_372 : i32 to vector<16xi32>
    %sub3A_374 = arith.subi %iota3A, %sub3A_373 : vector<16xi32>
    %max3A_375 = arith.constant 0 : i32
    %max3A_376 = vector.broadcast %max3A_375 : i32 to vector<16xi32>
    %max3A_377 = arith.maxsi %sub3A_374, %max3A_376 : vector<16xi32>
    %broadcast_in_dim3A_378 = vector.shape_cast %max3A_377 : vector<16xi32> to vector<16x1xi32>
    %gather3A_379 = vector.shape_cast %broadcast_in_dim3A_378 : vector<16x1xi32> to vector<16xi32>
    %gather3A_380 = tpu.dynamic_gather %add3A_371[%gather3A_379] in [0] : vector<16xf32>, vector<16xi32> -> vector<16xf32>
    %ge3A_381 = arith.constant 2 : i32
    %ge3A_382 = vector.broadcast %ge3A_381 : i32 to vector<16xi32>
    %ge3A_383 = arith.cmpi sge, %iota3A, %ge3A_382 : vector<16xi32>
    %jit3A_384 = arith.constant 0.000000e+00 : f32
    %broadcast_in_dim3A_385 = vector.broadcast %jit3A_384 : f32 to vector<16xf32>
    %select_n3A_386 = arith.select %ge3A_383, %gather3A_380, %broadcast_in_dim3A_385 : vector<16xi1>, vector<16xf32>
    %add3A_387 = arith.addf %add3A_371, %select_n3A_386 : vector<16xf32>
    %sub3A_388 = arith.constant 4 : i32
    %sub3A_389 = vector.broadcast %sub3A_388 : i32 to vector<16xi32>
    %sub3A_390 = arith.subi %iota3A, %sub3A_389 : vector<16xi32>
    %max3A_391 = arith.constant 0 : i32
    %max3A_392 = vector.broadcast %max3A_391 : i32 to vector<16xi32>
    %max3A_393 = arith.maxsi %sub3A_390, %max3A_392 : vector<16xi32>
    %broadcast_in_dim3A_394 = vector.shape_cast %max3A_393 : vector<16xi32> to vector<16x1xi32>
    %gather3A_395 = vector.shape_cast %broadcast_in_dim3A_394 : vector<16x1xi32> to vector<16xi32>
    %gather3A_396 = tpu.dynamic_gather %add3A_387[%gather3A_395] in [0] : vector<16xf32>, vector<16xi32> -> vector<16xf32>
    %ge3A_397 = arith.constant 4 : i32
    %ge3A_398 = vector.broadcast %ge3A_397 : i32 to vector<16xi32>
    %ge3A_399 = arith.cmpi sge, %iota3A, %ge3A_398 : vector<16xi32>
    %jit3A_400 = arith.constant 0.000000e+00 : f32
    %broadcast_in_dim3A_401 = vector.broadcast %jit3A_400 : f32 to vector<16xf32>
    %select_n3A_402 = arith.select %ge3A_399, %gather3A_396, %broadcast_in_dim3A_401 : vector<16xi1>, vector<16xf32>
    %add3A_403 = arith.addf %add3A_387, %select_n3A_402 : vector<16xf32>
    %sub3A_404 = arith.constant 8 : i32
    %sub3A_405 = vector.broadcast %sub3A_404 : i32 to vector<16xi32>
    %sub3A_406 = arith.subi %iota3A, %sub3A_405 : vector<16xi32>
    %max3A_407 = arith.constant 0 : i32
    %max3A_408 = vector.broadcast %max3A_407 : i32 to vector<16xi32>
    %max3A_409 = arith.maxsi %sub3A_406, %max3A_408 : vector<16xi32>
    %broadcast_in_dim3A_410 = vector.shape_cast %max3A_409 : vector<16xi32> to vector<16x1xi32>
    %gather3A_411 = vector.shape_cast %broadcast_in_dim3A_410 : vector<16x1xi32> to vector<16xi32>
    %gather3A_412 = tpu.dynamic_gather %add3A_403[%gather3A_411] in [0] : vector<16xf32>, vector<16xi32> -> vector<16xf32>
    %ge3A_413 = arith.constant 8 : i32
    %ge3A_414 = vector.broadcast %ge3A_413 : i32 to vector<16xi32>
    %ge3A_415 = arith.cmpi sge, %iota3A, %ge3A_414 : vector<16xi32>
    %jit3A_416 = arith.constant 0.000000e+00 : f32
    %broadcast_in_dim3A_417 = vector.broadcast %jit3A_416 : f32 to vector<16xf32>
    %select_n3A_418 = arith.select %ge3A_415, %gather3A_412, %broadcast_in_dim3A_417 : vector<16xi1>, vector<16xf32>
    %add3A_419 = arith.addf %add3A_403, %select_n3A_418 : vector<16xf32>
    %swap3A_420 = arith.constant 16 : index
    %swap3A_421 = tpu.vector_load %arg9[%swap3A_420] {strides = array<i32>} : memref<256xf32, #tpu.memory_space<vmem>>, vector<16xf32>,
    tpu.vector_store %arg9[%swap3A_420], %add3A_419 {strides = array<i32>} : memref<256xf32, #tpu.memory_space<vmem>>, vector<16xf32>,
    %get3A_422 = arith.constant 32 : index
    %get3A_423 = tpu.vector_load %arg10[%get3A_422] {strides = array<i32>} : memref<256xi32, #tpu.memory_space<vmem>>, vector<16xi32>,
    %and3A_424 = arith.constant -65536 : i32
    %and3A_425 = vector.broadcast %and3A_424 : i32 to vector<16xi32>
    %and3A_426 = arith.andi %get3A_423, %and3A_425 : vector<16xi32>
    %bitcast3A_427 = vector.bitcast %and3A_426 : vector<16xi32> to vector<16xf32>
    %sub3A_428 = arith.constant 1 : i32
    %sub3A_429 = vector.broadcast %sub3A_428 : i32 to vector<16xi32>
    %sub3A_430 = arith.subi %iota3A, %sub3A_429 : vector<16xi32>
    %max3A_431 = arith.constant 0 : i32
    %max3A_432 = vector.broadcast %max3A_431 : i32 to vector<16xi32>
    %max3A_433 = arith.maxsi %sub3A_430, %max3A_432 : vector<16xi32>
    %broadcast_in_dim3A_434 = vector.shape_cast %max3A_433 : vector<16xi32> to vector<16x1xi32>
    %gather3A_435 = vector.shape_cast %broadcast_in_dim3A_434 : vector<16x1xi32> to vector<16xi32>
    %gather3A_436 = tpu.dynamic_gather %bitcast3A_427[%gather3A_435] in [0] : vector<16xf32>, vector<16xi32> -> vector<16xf32>
    %ge3A_437 = arith.constant 1 : i32
    %ge3A_438 = vector.broadcast %ge3A_437 : i32 to vector<16xi32>
    %ge3A_439 = arith.cmpi sge, %iota3A, %ge3A_438 : vector<16xi32>
    %jit3A_440 = arith.constant 0.000000e+00 : f32
    %broadcast_in_dim3A_441 = vector.broadcast %jit3A_440 : f32 to vector<16xf32>
    %select_n3A_442 = arith.select %ge3A_439, %gather3A_436, %broadcast_in_dim3A_441 : vector<16xi1>, vector<16xf32>
    %add3A_443 = arith.addf %bitcast3A_427, %select_n3A_442 : vector<16xf32>
    %sub3A_444 = arith.constant 2 : i32
    %sub3A_445 = vector.broadcast %sub3A_444 : i32 to vector<16xi32>
    %sub3A_446 = arith.subi %iota3A, %sub3A_445 : vector<16xi32>
    %max3A_447 = arith.constant 0 : i32
    %max3A_448 = vector.broadcast %max3A_447 : i32 to vector<16xi32>
    %max3A_449 = arith.maxsi %sub3A_446, %max3A_448 : vector<16xi32>
    %broadcast_in_dim3A_450 = vector.shape_cast %max3A_449 : vector<16xi32> to vector<16x1xi32>
    %gather3A_451 = vector.shape_cast %broadcast_in_dim3A_450 : vector<16x1xi32> to vector<16xi32>
    %gather3A_452 = tpu.dynamic_gather %add3A_443[%gather3A_451] in [0] : vector<16xf32>, vector<16xi32> -> vector<16xf32>
    %ge3A_453 = arith.constant 2 : i32
    %ge3A_454 = vector.broadcast %ge3A_453 : i32 to vector<16xi32>
    %ge3A_455 = arith.cmpi sge, %iota3A, %ge3A_454 : vector<16xi32>
    %jit3A_456 = arith.constant 0.000000e+00 : f32
    %broadcast_in_dim3A_457 = vector.broadcast %jit3A_456 : f32 to vector<16xf32>
    %select_n3A_458 = arith.select %ge3A_455, %gather3A_452, %broadcast_in_dim3A_457 : vector<16xi1>, vector<16xf32>
    %add3A_459 = arith.addf %add3A_443, %select_n3A_458 : vector<16xf32>
    %sub3A_460 = arith.constant 4 : i32
    %sub3A_461 = vector.broadcast %sub3A_460 : i32 to vector<16xi32>
    %sub3A_462 = arith.subi %iota3A, %sub3A_461 : vector<16xi32>
    %max3A_463 = arith.constant 0 : i32
    %max3A_464 = vector.broadcast %max3A_463 : i32 to vector<16xi32>
    %max3A_465 = arith.maxsi %sub3A_462, %max3A_464 : vector<16xi32>
    %broadcast_in_dim3A_466 = vector.shape_cast %max3A_465 : vector<16xi32> to vector<16x1xi32>
    %gather3A_467 = vector.shape_cast %broadcast_in_dim3A_466 : vector<16x1xi32> to vector<16xi32>
    %gather3A_468 = tpu.dynamic_gather %add3A_459[%gather3A_467] in [0] : vector<16xf32>, vector<16xi32> -> vector<16xf32>
    %ge3A_469 = arith.constant 4 : i32
    %ge3A_470 = vector.broadcast %ge3A_469 : i32 to vector<16xi32>
    %ge3A_471 = arith.cmpi sge, %iota3A, %ge3A_470 : vector<16xi32>
    %jit3A_472 = arith.constant 0.000000e+00 : f32
    %broadcast_in_dim3A_473 = vector.broadcast %jit3A_472 : f32 to vector<16xf32>
    %select_n3A_474 = arith.select %ge3A_471, %gather3A_468, %broadcast_in_dim3A_473 : vector<16xi1>, vector<16xf32>
    %add3A_475 = arith.addf %add3A_459, %select_n3A_474 : vector<16xf32>
    %sub3A_476 = arith.constant 8 : i32
    %sub3A_477 = vector.broadcast %sub3A_476 : i32 to vector<16xi32>
    %sub3A_478 = arith.subi %iota3A, %sub3A_477 : vector<16xi32>
    %max3A_479 = arith.constant 0 : i32
    %max3A_480 = vector.broadcast %max3A_479 : i32 to vector<16xi32>
    %max3A_481 = arith.maxsi %sub3A_478, %max3A_480 : vector<16xi32>
    %broadcast_in_dim3A_482 = vector.shape_cast %max3A_481 : vector<16xi32> to vector<16x1xi32>
    %gather3A_483 = vector.shape_cast %broadcast_in_dim3A_482 : vector<16x1xi32> to vector<16xi32>
    %gather3A_484 = tpu.dynamic_gather %add3A_475[%gather3A_483] in [0] : vector<16xf32>, vector<16xi32> -> vector<16xf32>
    %ge3A_485 = arith.constant 8 : i32
    %ge3A_486 = vector.broadcast %ge3A_485 : i32 to vector<16xi32>
    %ge3A_487 = arith.cmpi sge, %iota3A, %ge3A_486 : vector<16xi32>
    %jit3A_488 = arith.constant 0.000000e+00 : f32
    %broadcast_in_dim3A_489 = vector.broadcast %jit3A_488 : f32 to vector<16xf32>
    %select_n3A_490 = arith.select %ge3A_487, %gather3A_484, %broadcast_in_dim3A_489 : vector<16xi1>, vector<16xf32>
    %add3A_491 = arith.addf %add3A_475, %select_n3A_490 : vector<16xf32>
    %swap3A_492 = arith.constant 32 : index
    %swap3A_493 = tpu.vector_load %arg9[%swap3A_492] {strides = array<i32>} : memref<256xf32, #tpu.memory_space<vmem>>, vector<16xf32>,
    tpu.vector_store %arg9[%swap3A_492], %add3A_491 {strides = array<i32>} : memref<256xf32, #tpu.memory_space<vmem>>, vector<16xf32>,
    %get3A_494 = arith.constant 48 : index
    %get3A_495 = tpu.vector_load %arg10[%get3A_494] {strides = array<i32>} : memref<256xi32, #tpu.memory_space<vmem>>, vector<16xi32>,
    %and3A_496 = arith.constant -65536 : i32
    %and3A_497 = vector.broadcast %and3A_496 : i32 to vector<16xi32>
    %and3A_498 = arith.andi %get3A_495, %and3A_497 : vector<16xi32>
    %bitcast3A_499 = vector.bitcast %and3A_498 : vector<16xi32> to vector<16xf32>
    %sub3A_500 = arith.constant 1 : i32
    %sub3A_501 = vector.broadcast %sub3A_500 : i32 to vector<16xi32>
    %sub3A_502 = arith.subi %iota3A, %sub3A_501 : vector<16xi32>
    %max3A_503 = arith.constant 0 : i32
    %max3A_504 = vector.broadcast %max3A_503 : i32 to vector<16xi32>
    %max3A_505 = arith.maxsi %sub3A_502, %max3A_504 : vector<16xi32>
    %broadcast_in_dim3A_506 = vector.shape_cast %max3A_505 : vector<16xi32> to vector<16x1xi32>
    %gather3A_507 = vector.shape_cast %broadcast_in_dim3A_506 : vector<16x1xi32> to vector<16xi32>
    %gather3A_508 = tpu.dynamic_gather %bitcast3A_499[%gather3A_507] in [0] : vector<16xf32>, vector<16xi32> -> vector<16xf32>
    %ge3A_509 = arith.constant 1 : i32
    %ge3A_510 = vector.broadcast %ge3A_509 : i32 to vector<16xi32>
    %ge3A_511 = arith.cmpi sge, %iota3A, %ge3A_510 : vector<16xi32>
    %jit3A_512 = arith.constant 0.000000e+00 : f32
    %broadcast_in_dim3A_513 = vector.broadcast %jit3A_512 : f32 to vector<16xf32>
    %select_n3A_514 = arith.select %ge3A_511, %gather3A_508, %broadcast_in_dim3A_513 : vector<16xi1>, vector<16xf32>
    %add3A_515 = arith.addf %bitcast3A_499, %select_n3A_514 : vector<16xf32>
    %sub3A_516 = arith.constant 2 : i32
    %sub3A_517 = vector.broadcast %sub3A_516 : i32 to vector<16xi32>
    %sub3A_518 = arith.subi %iota3A, %sub3A_517 : vector<16xi32>
    %max3A_519 = arith.constant 0 : i32
    %max3A_520 = vector.broadcast %max3A_519 : i32 to vector<16xi32>
    %max3A_521 = arith.maxsi %sub3A_518, %max3A_520 : vector<16xi32>
    %broadcast_in_dim3A_522 = vector.shape_cast %max3A_521 : vector<16xi32> to vector<16x1xi32>
    %gather3A_523 = vector.shape_cast %broadcast_in_dim3A_522 : vector<16x1xi32> to vector<16xi32>
    %gather3A_524 = tpu.dynamic_gather %add3A_515[%gather3A_523] in [0] : vector<16xf32>, vector<16xi32> -> vector<16xf32>
    %ge3A_525 = arith.constant 2 : i32
    %ge3A_526 = vector.broadcast %ge3A_525 : i32 to vector<16xi32>
    %ge3A_527 = arith.cmpi sge, %iota3A, %ge3A_526 : vector<16xi32>
    %jit3A_528 = arith.constant 0.000000e+00 : f32
    %broadcast_in_dim3A_529 = vector.broadcast %jit3A_528 : f32 to vector<16xf32>
    %select_n3A_530 = arith.select %ge3A_527, %gather3A_524, %broadcast_in_dim3A_529 : vector<16xi1>, vector<16xf32>
    %add3A_531 = arith.addf %add3A_515, %select_n3A_530 : vector<16xf32>
    %sub3A_532 = arith.constant 4 : i32
    %sub3A_533 = vector.broadcast %sub3A_532 : i32 to vector<16xi32>
    %sub3A_534 = arith.subi %iota3A, %sub3A_533 : vector<16xi32>
    %max3A_535 = arith.constant 0 : i32
    %max3A_536 = vector.broadcast %max3A_535 : i32 to vector<16xi32>
    %max3A_537 = arith.maxsi %sub3A_534, %max3A_536 : vector<16xi32>
    %broadcast_in_dim3A_538 = vector.shape_cast %max3A_537 : vector<16xi32> to vector<16x1xi32>
    %gather3A_539 = vector.shape_cast %broadcast_in_dim3A_538 : vector<16x1xi32> to vector<16xi32>
    %gather3A_540 = tpu.dynamic_gather %add3A_531[%gather3A_539] in [0] : vector<16xf32>, vector<16xi32> -> vector<16xf32>
    %ge3A_541 = arith.constant 4 : i32
    %ge3A_542 = vector.broadcast %ge3A_541 : i32 to vector<16xi32>
    %ge3A_543 = arith.cmpi sge, %iota3A, %ge3A_542 : vector<16xi32>
    %jit3A_544 = arith.constant 0.000000e+00 : f32
    %broadcast_in_dim3A_545 = vector.broadcast %jit3A_544 : f32 to vector<16xf32>
    %select_n3A_546 = arith.select %ge3A_543, %gather3A_540, %broadcast_in_dim3A_545 : vector<16xi1>, vector<16xf32>
    %add3A_547 = arith.addf %add3A_531, %select_n3A_546 : vector<16xf32>
    %sub3A_548 = arith.constant 8 : i32
    %sub3A_549 = vector.broadcast %sub3A_548 : i32 to vector<16xi32>
    %sub3A_550 = arith.subi %iota3A, %sub3A_549 : vector<16xi32>
    %max3A_551 = arith.constant 0 : i32
    %max3A_552 = vector.broadcast %max3A_551 : i32 to vector<16xi32>
    %max3A_553 = arith.maxsi %sub3A_550, %max3A_552 : vector<16xi32>
    %broadcast_in_dim3A_554 = vector.shape_cast %max3A_553 : vector<16xi32> to vector<16x1xi32>
    %gather3A_555 = vector.shape_cast %broadcast_in_dim3A_554 : vector<16x1xi32> to vector<16xi32>
    %gather3A_556 = tpu.dynamic_gather %add3A_547[%gather3A_555] in [0] : vector<16xf32>, vector<16xi32> -> vector<16xf32>
    %ge3A_557 = arith.constant 8 : i32
    %ge3A_558 = vector.broadcast %ge3A_557 : i32 to vector<16xi32>
    %ge3A_559 = arith.cmpi sge, %iota3A, %ge3A_558 : vector<16xi32>
    %jit3A_560 = arith.constant 0.000000e+00 : f32
    %broadcast_in_dim3A_561 = vector.broadcast %jit3A_560 : f32 to vector<16xf32>
    %select_n3A_562 = arith.select %ge3A_559, %gather3A_556, %broadcast_in_dim3A_561 : vector<16xi1>, vector<16xf32>
    %add3A_563 = arith.addf %add3A_547, %select_n3A_562 : vector<16xf32>
    %swap3A_564 = arith.constant 48 : index
    %swap3A_565 = tpu.vector_load %arg9[%swap3A_564] {strides = array<i32>} : memref<256xf32, #tpu.memory_space<vmem>>, vector<16xf32>,
    tpu.vector_store %arg9[%swap3A_564], %add3A_563 {strides = array<i32>} : memref<256xf32, #tpu.memory_space<vmem>>, vector<16xf32>,
    %get3A_566 = arith.constant 64 : index
    %get3A_567 = tpu.vector_load %arg10[%get3A_566] {strides = array<i32>} : memref<256xi32, #tpu.memory_space<vmem>>, vector<16xi32>,
    %and3A_568 = arith.constant -65536 : i32
    %and3A_569 = vector.broadcast %and3A_568 : i32 to vector<16xi32>
    %and3A_570 = arith.andi %get3A_567, %and3A_569 : vector<16xi32>
    %bitcast3A_571 = vector.bitcast %and3A_570 : vector<16xi32> to vector<16xf32>
    %sub3A_572 = arith.constant 1 : i32
    %sub3A_573 = vector.broadcast %sub3A_572 : i32 to vector<16xi32>
    %sub3A_574 = arith.subi %iota3A, %sub3A_573 : vector<16xi32>
    %max3A_575 = arith.constant 0 : i32
    %max3A_576 = vector.broadcast %max3A_575 : i32 to vector<16xi32>
    %max3A_577 = arith.maxsi %sub3A_574, %max3A_576 : vector<16xi32>
    %broadcast_in_dim3A_578 = vector.shape_cast %max3A_577 : vector<16xi32> to vector<16x1xi32>
    %gather3A_579 = vector.shape_cast %broadcast_in_dim3A_578 : vector<16x1xi32> to vector<16xi32>
    %gather3A_580 = tpu.dynamic_gather %bitcast3A_571[%gather3A_579] in [0] : vector<16xf32>, vector<16xi32> -> vector<16xf32>
    %ge3A_581 = arith.constant 1 : i32
    %ge3A_582 = vector.broadcast %ge3A_581 : i32 to vector<16xi32>
    %ge3A_583 = arith.cmpi sge, %iota3A, %ge3A_582 : vector<16xi32>
    %jit3A_584 = arith.constant 0.000000e+00 : f32
    %broadcast_in_dim3A_585 = vector.broadcast %jit3A_584 : f32 to vector<16xf32>
    %select_n3A_586 = arith.select %ge3A_583, %gather3A_580, %broadcast_in_dim3A_585 : vector<16xi1>, vector<16xf32>
    %add3A_587 = arith.addf %bitcast3A_571, %select_n3A_586 : vector<16xf32>
    %sub3A_588 = arith.constant 2 : i32
    %sub3A_589 = vector.broadcast %sub3A_588 : i32 to vector<16xi32>
    %sub3A_590 = arith.subi %iota3A, %sub3A_589 : vector<16xi32>
    %max3A_591 = arith.constant 0 : i32
    %max3A_592 = vector.broadcast %max3A_591 : i32 to vector<16xi32>
    %max3A_593 = arith.maxsi %sub3A_590, %max3A_592 : vector<16xi32>
    %broadcast_in_dim3A_594 = vector.shape_cast %max3A_593 : vector<16xi32> to vector<16x1xi32>
    %gather3A_595 = vector.shape_cast %broadcast_in_dim3A_594 : vector<16x1xi32> to vector<16xi32>
    %gather3A_596 = tpu.dynamic_gather %add3A_587[%gather3A_595] in [0] : vector<16xf32>, vector<16xi32> -> vector<16xf32>
    %ge3A_597 = arith.constant 2 : i32
    %ge3A_598 = vector.broadcast %ge3A_597 : i32 to vector<16xi32>
    %ge3A_599 = arith.cmpi sge, %iota3A, %ge3A_598 : vector<16xi32>
    %jit3A_600 = arith.constant 0.000000e+00 : f32
    %broadcast_in_dim3A_601 = vector.broadcast %jit3A_600 : f32 to vector<16xf32>
    %select_n3A_602 = arith.select %ge3A_599, %gather3A_596, %broadcast_in_dim3A_601 : vector<16xi1>, vector<16xf32>
    %add3A_603 = arith.addf %add3A_587, %select_n3A_602 : vector<16xf32>
    %sub3A_604 = arith.constant 4 : i32
    %sub3A_605 = vector.broadcast %sub3A_604 : i32 to vector<16xi32>
    %sub3A_606 = arith.subi %iota3A, %sub3A_605 : vector<16xi32>
    %max3A_607 = arith.constant 0 : i32
    %max3A_608 = vector.broadcast %max3A_607 : i32 to vector<16xi32>
    %max3A_609 = arith.maxsi %sub3A_606, %max3A_608 : vector<16xi32>
    %broadcast_in_dim3A_610 = vector.shape_cast %max3A_609 : vector<16xi32> to vector<16x1xi32>
    %gather3A_611 = vector.shape_cast %broadcast_in_dim3A_610 : vector<16x1xi32> to vector<16xi32>
    %gather3A_612 = tpu.dynamic_gather %add3A_603[%gather3A_611] in [0] : vector<16xf32>, vector<16xi32> -> vector<16xf32>
    %ge3A_613 = arith.constant 4 : i32
    %ge3A_614 = vector.broadcast %ge3A_613 : i32 to vector<16xi32>
    %ge3A_615 = arith.cmpi sge, %iota3A, %ge3A_614 : vector<16xi32>
    %jit3A_616 = arith.constant 0.000000e+00 : f32
    %broadcast_in_dim3A_617 = vector.broadcast %jit3A_616 : f32 to vector<16xf32>
    %select_n3A_618 = arith.select %ge3A_615, %gather3A_612, %broadcast_in_dim3A_617 : vector<16xi1>, vector<16xf32>
    %add3A_619 = arith.addf %add3A_603, %select_n3A_618 : vector<16xf32>
    %sub3A_620 = arith.constant 8 : i32
    %sub3A_621 = vector.broadcast %sub3A_620 : i32 to vector<16xi32>
    %sub3A_622 = arith.subi %iota3A, %sub3A_621 : vector<16xi32>
    %max3A_623 = arith.constant 0 : i32
    %max3A_624 = vector.broadcast %max3A_623 : i32 to vector<16xi32>
    %max3A_625 = arith.maxsi %sub3A_622, %max3A_624 : vector<16xi32>
    %broadcast_in_dim3A_626 = vector.shape_cast %max3A_625 : vector<16xi32> to vector<16x1xi32>
    %gather3A_627 = vector.shape_cast %broadcast_in_dim3A_626 : vector<16x1xi32> to vector<16xi32>
    %gather3A_628 = tpu.dynamic_gather %add3A_619[%gather3A_627] in [0] : vector<16xf32>, vector<16xi32> -> vector<16xf32>
    %ge3A_629 = arith.constant 8 : i32
    %ge3A_630 = vector.broadcast %ge3A_629 : i32 to vector<16xi32>
    %ge3A_631 = arith.cmpi sge, %iota3A, %ge3A_630 : vector<16xi32>
    %jit3A_632 = arith.constant 0.000000e+00 : f32
    %broadcast_in_dim3A_633 = vector.broadcast %jit3A_632 : f32 to vector<16xf32>
    %select_n3A_634 = arith.select %ge3A_631, %gather3A_628, %broadcast_in_dim3A_633 : vector<16xi1>, vector<16xf32>
    %add3A_635 = arith.addf %add3A_619, %select_n3A_634 : vector<16xf32>
    %swap3A_636 = arith.constant 64 : index
    %swap3A_637 = tpu.vector_load %arg9[%swap3A_636] {strides = array<i32>} : memref<256xf32, #tpu.memory_space<vmem>>, vector<16xf32>,
    tpu.vector_store %arg9[%swap3A_636], %add3A_635 {strides = array<i32>} : memref<256xf32, #tpu.memory_space<vmem>>, vector<16xf32>,
    %get3A_638 = arith.constant 80 : index
    %get3A_639 = tpu.vector_load %arg10[%get3A_638] {strides = array<i32>} : memref<256xi32, #tpu.memory_space<vmem>>, vector<16xi32>,
    %and3A_640 = arith.constant -65536 : i32
    %and3A_641 = vector.broadcast %and3A_640 : i32 to vector<16xi32>
    %and3A_642 = arith.andi %get3A_639, %and3A_641 : vector<16xi32>
    %bitcast3A_643 = vector.bitcast %and3A_642 : vector<16xi32> to vector<16xf32>
    %sub3A_644 = arith.constant 1 : i32
    %sub3A_645 = vector.broadcast %sub3A_644 : i32 to vector<16xi32>
    %sub3A_646 = arith.subi %iota3A, %sub3A_645 : vector<16xi32>
    %max3A_647 = arith.constant 0 : i32
    %max3A_648 = vector.broadcast %max3A_647 : i32 to vector<16xi32>
    %max3A_649 = arith.maxsi %sub3A_646, %max3A_648 : vector<16xi32>
    %broadcast_in_dim3A_650 = vector.shape_cast %max3A_649 : vector<16xi32> to vector<16x1xi32>
    %gather3A_651 = vector.shape_cast %broadcast_in_dim3A_650 : vector<16x1xi32> to vector<16xi32>
    %gather3A_652 = tpu.dynamic_gather %bitcast3A_643[%gather3A_651] in [0] : vector<16xf32>, vector<16xi32> -> vector<16xf32>
    %ge3A_653 = arith.constant 1 : i32
    %ge3A_654 = vector.broadcast %ge3A_653 : i32 to vector<16xi32>
    %ge3A_655 = arith.cmpi sge, %iota3A, %ge3A_654 : vector<16xi32>
    %jit3A_656 = arith.constant 0.000000e+00 : f32
    %broadcast_in_dim3A_657 = vector.broadcast %jit3A_656 : f32 to vector<16xf32>
    %select_n3A_658 = arith.select %ge3A_655, %gather3A_652, %broadcast_in_dim3A_657 : vector<16xi1>, vector<16xf32>
    %add3A_659 = arith.addf %bitcast3A_643, %select_n3A_658 : vector<16xf32>
    %sub3A_660 = arith.constant 2 : i32
    %sub3A_661 = vector.broadcast %sub3A_660 : i32 to vector<16xi32>
    %sub3A_662 = arith.subi %iota3A, %sub3A_661 : vector<16xi32>
    %max3A_663 = arith.constant 0 : i32
    %max3A_664 = vector.broadcast %max3A_663 : i32 to vector<16xi32>
    %max3A_665 = arith.maxsi %sub3A_662, %max3A_664 : vector<16xi32>
    %broadcast_in_dim3A_666 = vector.shape_cast %max3A_665 : vector<16xi32> to vector<16x1xi32>
    %gather3A_667 = vector.shape_cast %broadcast_in_dim3A_666 : vector<16x1xi32> to vector<16xi32>
    %gather3A_668 = tpu.dynamic_gather %add3A_659[%gather3A_667] in [0] : vector<16xf32>, vector<16xi32> -> vector<16xf32>
    %ge3A_669 = arith.constant 2 : i32
    %ge3A_670 = vector.broadcast %ge3A_669 : i32 to vector<16xi32>
    %ge3A_671 = arith.cmpi sge, %iota3A, %ge3A_670 : vector<16xi32>
    %jit3A_672 = arith.constant 0.000000e+00 : f32
    %broadcast_in_dim3A_673 = vector.broadcast %jit3A_672 : f32 to vector<16xf32>
    %select_n3A_674 = arith.select %ge3A_671, %gather3A_668, %broadcast_in_dim3A_673 : vector<16xi1>, vector<16xf32>
    %add3A_675 = arith.addf %add3A_659, %select_n3A_674 : vector<16xf32>
    %sub3A_676 = arith.constant 4 : i32
    %sub3A_677 = vector.broadcast %sub3A_676 : i32 to vector<16xi32>
    %sub3A_678 = arith.subi %iota3A, %sub3A_677 : vector<16xi32>
    %max3A_679 = arith.constant 0 : i32
    %max3A_680 = vector.broadcast %max3A_679 : i32 to vector<16xi32>
    %max3A_681 = arith.maxsi %sub3A_678, %max3A_680 : vector<16xi32>
    %broadcast_in_dim3A_682 = vector.shape_cast %max3A_681 : vector<16xi32> to vector<16x1xi32>
    %gather3A_683 = vector.shape_cast %broadcast_in_dim3A_682 : vector<16x1xi32> to vector<16xi32>
    %gather3A_684 = tpu.dynamic_gather %add3A_675[%gather3A_683] in [0] : vector<16xf32>, vector<16xi32> -> vector<16xf32>
    %ge3A_685 = arith.constant 4 : i32
    %ge3A_686 = vector.broadcast %ge3A_685 : i32 to vector<16xi32>
    %ge3A_687 = arith.cmpi sge, %iota3A, %ge3A_686 : vector<16xi32>
    %jit3A_688 = arith.constant 0.000000e+00 : f32
    %broadcast_in_dim3A_689 = vector.broadcast %jit3A_688 : f32 to vector<16xf32>
    %select_n3A_690 = arith.select %ge3A_687, %gather3A_684, %broadcast_in_dim3A_689 : vector<16xi1>, vector<16xf32>
    %add3A_691 = arith.addf %add3A_675, %select_n3A_690 : vector<16xf32>
    %sub3A_692 = arith.constant 8 : i32
    %sub3A_693 = vector.broadcast %sub3A_692 : i32 to vector<16xi32>
    %sub3A_694 = arith.subi %iota3A, %sub3A_693 : vector<16xi32>
    %max3A_695 = arith.constant 0 : i32
    %max3A_696 = vector.broadcast %max3A_695 : i32 to vector<16xi32>
    %max3A_697 = arith.maxsi %sub3A_694, %max3A_696 : vector<16xi32>
    %broadcast_in_dim3A_698 = vector.shape_cast %max3A_697 : vector<16xi32> to vector<16x1xi32>
    %gather3A_699 = vector.shape_cast %broadcast_in_dim3A_698 : vector<16x1xi32> to vector<16xi32>
    %gather3A_700 = tpu.dynamic_gather %add3A_691[%gather3A_699] in [0] : vector<16xf32>, vector<16xi32> -> vector<16xf32>
    %ge3A_701 = arith.constant 8 : i32
    %ge3A_702 = vector.broadcast %ge3A_701 : i32 to vector<16xi32>
    %ge3A_703 = arith.cmpi sge, %iota3A, %ge3A_702 : vector<16xi32>
    %jit3A_704 = arith.constant 0.000000e+00 : f32
    %broadcast_in_dim3A_705 = vector.broadcast %jit3A_704 : f32 to vector<16xf32>
    %select_n3A_706 = arith.select %ge3A_703, %gather3A_700, %broadcast_in_dim3A_705 : vector<16xi1>, vector<16xf32>
    %add3A_707 = arith.addf %add3A_691, %select_n3A_706 : vector<16xf32>
    %swap3A_708 = arith.constant 80 : index
    %swap3A_709 = tpu.vector_load %arg9[%swap3A_708] {strides = array<i32>} : memref<256xf32, #tpu.memory_space<vmem>>, vector<16xf32>,
    tpu.vector_store %arg9[%swap3A_708], %add3A_707 {strides = array<i32>} : memref<256xf32, #tpu.memory_space<vmem>>, vector<16xf32>,
    %get3A_710 = arith.constant 96 : index
    %get3A_711 = tpu.vector_load %arg10[%get3A_710] {strides = array<i32>} : memref<256xi32, #tpu.memory_space<vmem>>, vector<16xi32>,
    %and3A_712 = arith.constant -65536 : i32
    %and3A_713 = vector.broadcast %and3A_712 : i32 to vector<16xi32>
    %and3A_714 = arith.andi %get3A_711, %and3A_713 : vector<16xi32>
    %bitcast3A_715 = vector.bitcast %and3A_714 : vector<16xi32> to vector<16xf32>
    %sub3A_716 = arith.constant 1 : i32
    %sub3A_717 = vector.broadcast %sub3A_716 : i32 to vector<16xi32>
    %sub3A_718 = arith.subi %iota3A, %sub3A_717 : vector<16xi32>
    %max3A_719 = arith.constant 0 : i32
    %max3A_720 = vector.broadcast %max3A_719 : i32 to vector<16xi32>
    %max3A_721 = arith.maxsi %sub3A_718, %max3A_720 : vector<16xi32>
    %broadcast_in_dim3A_722 = vector.shape_cast %max3A_721 : vector<16xi32> to vector<16x1xi32>
    %gather3A_723 = vector.shape_cast %broadcast_in_dim3A_722 : vector<16x1xi32> to vector<16xi32>
    %gather3A_724 = tpu.dynamic_gather %bitcast3A_715[%gather3A_723] in [0] : vector<16xf32>, vector<16xi32> -> vector<16xf32>
    %ge3A_725 = arith.constant 1 : i32
    %ge3A_726 = vector.broadcast %ge3A_725 : i32 to vector<16xi32>
    %ge3A_727 = arith.cmpi sge, %iota3A, %ge3A_726 : vector<16xi32>
    %jit3A_728 = arith.constant 0.000000e+00 : f32
    %broadcast_in_dim3A_729 = vector.broadcast %jit3A_728 : f32 to vector<16xf32>
    %select_n3A_730 = arith.select %ge3A_727, %gather3A_724, %broadcast_in_dim3A_729 : vector<16xi1>, vector<16xf32>
    %add3A_731 = arith.addf %bitcast3A_715, %select_n3A_730 : vector<16xf32>
    %sub3A_732 = arith.constant 2 : i32
    %sub3A_733 = vector.broadcast %sub3A_732 : i32 to vector<16xi32>
    %sub3A_734 = arith.subi %iota3A, %sub3A_733 : vector<16xi32>
    %max3A_735 = arith.constant 0 : i32
    %max3A_736 = vector.broadcast %max3A_735 : i32 to vector<16xi32>
    %max3A_737 = arith.maxsi %sub3A_734, %max3A_736 : vector<16xi32>
    %broadcast_in_dim3A_738 = vector.shape_cast %max3A_737 : vector<16xi32> to vector<16x1xi32>
    %gather3A_739 = vector.shape_cast %broadcast_in_dim3A_738 : vector<16x1xi32> to vector<16xi32>
    %gather3A_740 = tpu.dynamic_gather %add3A_731[%gather3A_739] in [0] : vector<16xf32>, vector<16xi32> -> vector<16xf32>
    %ge3A_741 = arith.constant 2 : i32
    %ge3A_742 = vector.broadcast %ge3A_741 : i32 to vector<16xi32>
    %ge3A_743 = arith.cmpi sge, %iota3A, %ge3A_742 : vector<16xi32>
    %jit3A_744 = arith.constant 0.000000e+00 : f32
    %broadcast_in_dim3A_745 = vector.broadcast %jit3A_744 : f32 to vector<16xf32>
    %select_n3A_746 = arith.select %ge3A_743, %gather3A_740, %broadcast_in_dim3A_745 : vector<16xi1>, vector<16xf32>
    %add3A_747 = arith.addf %add3A_731, %select_n3A_746 : vector<16xf32>
    %sub3A_748 = arith.constant 4 : i32
    %sub3A_749 = vector.broadcast %sub3A_748 : i32 to vector<16xi32>
    %sub3A_750 = arith.subi %iota3A, %sub3A_749 : vector<16xi32>
    %max3A_751 = arith.constant 0 : i32
    %max3A_752 = vector.broadcast %max3A_751 : i32 to vector<16xi32>
    %max3A_753 = arith.maxsi %sub3A_750, %max3A_752 : vector<16xi32>
    %broadcast_in_dim3A_754 = vector.shape_cast %max3A_753 : vector<16xi32> to vector<16x1xi32>
    %gather3A_755 = vector.shape_cast %broadcast_in_dim3A_754 : vector<16x1xi32> to vector<16xi32>
    %gather3A_756 = tpu.dynamic_gather %add3A_747[%gather3A_755] in [0] : vector<16xf32>, vector<16xi32> -> vector<16xf32>
    %ge3A_757 = arith.constant 4 : i32
    %ge3A_758 = vector.broadcast %ge3A_757 : i32 to vector<16xi32>
    %ge3A_759 = arith.cmpi sge, %iota3A, %ge3A_758 : vector<16xi32>
    %jit3A_760 = arith.constant 0.000000e+00 : f32
    %broadcast_in_dim3A_761 = vector.broadcast %jit3A_760 : f32 to vector<16xf32>
    %select_n3A_762 = arith.select %ge3A_759, %gather3A_756, %broadcast_in_dim3A_761 : vector<16xi1>, vector<16xf32>
    %add3A_763 = arith.addf %add3A_747, %select_n3A_762 : vector<16xf32>
    %sub3A_764 = arith.constant 8 : i32
    %sub3A_765 = vector.broadcast %sub3A_764 : i32 to vector<16xi32>
    %sub3A_766 = arith.subi %iota3A, %sub3A_765 : vector<16xi32>
    %max3A_767 = arith.constant 0 : i32
    %max3A_768 = vector.broadcast %max3A_767 : i32 to vector<16xi32>
    %max3A_769 = arith.maxsi %sub3A_766, %max3A_768 : vector<16xi32>
    %broadcast_in_dim3A_770 = vector.shape_cast %max3A_769 : vector<16xi32> to vector<16x1xi32>
    %gather3A_771 = vector.shape_cast %broadcast_in_dim3A_770 : vector<16x1xi32> to vector<16xi32>
    %gather3A_772 = tpu.dynamic_gather %add3A_763[%gather3A_771] in [0] : vector<16xf32>, vector<16xi32> -> vector<16xf32>
    %ge3A_773 = arith.constant 8 : i32
    %ge3A_774 = vector.broadcast %ge3A_773 : i32 to vector<16xi32>
    %ge3A_775 = arith.cmpi sge, %iota3A, %ge3A_774 : vector<16xi32>
    %jit3A_776 = arith.constant 0.000000e+00 : f32
    %broadcast_in_dim3A_777 = vector.broadcast %jit3A_776 : f32 to vector<16xf32>
    %select_n3A_778 = arith.select %ge3A_775, %gather3A_772, %broadcast_in_dim3A_777 : vector<16xi1>, vector<16xf32>
    %add3A_779 = arith.addf %add3A_763, %select_n3A_778 : vector<16xf32>
    %swap3A_780 = arith.constant 96 : index
    %swap3A_781 = tpu.vector_load %arg9[%swap3A_780] {strides = array<i32>} : memref<256xf32, #tpu.memory_space<vmem>>, vector<16xf32>,
    tpu.vector_store %arg9[%swap3A_780], %add3A_779 {strides = array<i32>} : memref<256xf32, #tpu.memory_space<vmem>>, vector<16xf32>,
    %get3A_782 = arith.constant 112 : index
    %get3A_783 = tpu.vector_load %arg10[%get3A_782] {strides = array<i32>} : memref<256xi32, #tpu.memory_space<vmem>>, vector<16xi32>,
    %and3A_784 = arith.constant -65536 : i32
    %and3A_785 = vector.broadcast %and3A_784 : i32 to vector<16xi32>
    %and3A_786 = arith.andi %get3A_783, %and3A_785 : vector<16xi32>
    %bitcast3A_787 = vector.bitcast %and3A_786 : vector<16xi32> to vector<16xf32>
    %sub3A_788 = arith.constant 1 : i32
    %sub3A_789 = vector.broadcast %sub3A_788 : i32 to vector<16xi32>
    %sub3A_790 = arith.subi %iota3A, %sub3A_789 : vector<16xi32>
    %max3A_791 = arith.constant 0 : i32
    %max3A_792 = vector.broadcast %max3A_791 : i32 to vector<16xi32>
    %max3A_793 = arith.maxsi %sub3A_790, %max3A_792 : vector<16xi32>
    %broadcast_in_dim3A_794 = vector.shape_cast %max3A_793 : vector<16xi32> to vector<16x1xi32>
    %gather3A_795 = vector.shape_cast %broadcast_in_dim3A_794 : vector<16x1xi32> to vector<16xi32>
    %gather3A_796 = tpu.dynamic_gather %bitcast3A_787[%gather3A_795] in [0] : vector<16xf32>, vector<16xi32> -> vector<16xf32>
    %ge3A_797 = arith.constant 1 : i32
    %ge3A_798 = vector.broadcast %ge3A_797 : i32 to vector<16xi32>
    %ge3A_799 = arith.cmpi sge, %iota3A, %ge3A_798 : vector<16xi32>
    %jit3A_800 = arith.constant 0.000000e+00 : f32
    %broadcast_in_dim3A_801 = vector.broadcast %jit3A_800 : f32 to vector<16xf32>
    %select_n3A_802 = arith.select %ge3A_799, %gather3A_796, %broadcast_in_dim3A_801 : vector<16xi1>, vector<16xf32>
    %add3A_803 = arith.addf %bitcast3A_787, %select_n3A_802 : vector<16xf32>
    %sub3A_804 = arith.constant 2 : i32
    %sub3A_805 = vector.broadcast %sub3A_804 : i32 to vector<16xi32>
    %sub3A_806 = arith.subi %iota3A, %sub3A_805 : vector<16xi32>
    %max3A_807 = arith.constant 0 : i32
    %max3A_808 = vector.broadcast %max3A_807 : i32 to vector<16xi32>
    %max3A_809 = arith.maxsi %sub3A_806, %max3A_808 : vector<16xi32>
    %broadcast_in_dim3A_810 = vector.shape_cast %max3A_809 : vector<16xi32> to vector<16x1xi32>
    %gather3A_811 = vector.shape_cast %broadcast_in_dim3A_810 : vector<16x1xi32> to vector<16xi32>
    %gather3A_812 = tpu.dynamic_gather %add3A_803[%gather3A_811] in [0] : vector<16xf32>, vector<16xi32> -> vector<16xf32>
    %ge3A_813 = arith.constant 2 : i32
    %ge3A_814 = vector.broadcast %ge3A_813 : i32 to vector<16xi32>
    %ge3A_815 = arith.cmpi sge, %iota3A, %ge3A_814 : vector<16xi32>
    %jit3A_816 = arith.constant 0.000000e+00 : f32
    %broadcast_in_dim3A_817 = vector.broadcast %jit3A_816 : f32 to vector<16xf32>
    %select_n3A_818 = arith.select %ge3A_815, %gather3A_812, %broadcast_in_dim3A_817 : vector<16xi1>, vector<16xf32>
    %add3A_819 = arith.addf %add3A_803, %select_n3A_818 : vector<16xf32>
    %sub3A_820 = arith.constant 4 : i32
    %sub3A_821 = vector.broadcast %sub3A_820 : i32 to vector<16xi32>
    %sub3A_822 = arith.subi %iota3A, %sub3A_821 : vector<16xi32>
    %max3A_823 = arith.constant 0 : i32
    %max3A_824 = vector.broadcast %max3A_823 : i32 to vector<16xi32>
    %max3A_825 = arith.maxsi %sub3A_822, %max3A_824 : vector<16xi32>
    %broadcast_in_dim3A_826 = vector.shape_cast %max3A_825 : vector<16xi32> to vector<16x1xi32>
    %gather3A_827 = vector.shape_cast %broadcast_in_dim3A_826 : vector<16x1xi32> to vector<16xi32>
    %gather3A_828 = tpu.dynamic_gather %add3A_819[%gather3A_827] in [0] : vector<16xf32>, vector<16xi32> -> vector<16xf32>
    %ge3A_829 = arith.constant 4 : i32
    %ge3A_830 = vector.broadcast %ge3A_829 : i32 to vector<16xi32>
    %ge3A_831 = arith.cmpi sge, %iota3A, %ge3A_830 : vector<16xi32>
    %jit3A_832 = arith.constant 0.000000e+00 : f32
    %broadcast_in_dim3A_833 = vector.broadcast %jit3A_832 : f32 to vector<16xf32>
    %select_n3A_834 = arith.select %ge3A_831, %gather3A_828, %broadcast_in_dim3A_833 : vector<16xi1>, vector<16xf32>
    %add3A_835 = arith.addf %add3A_819, %select_n3A_834 : vector<16xf32>
    %sub3A_836 = arith.constant 8 : i32
    %sub3A_837 = vector.broadcast %sub3A_836 : i32 to vector<16xi32>
    %sub3A_838 = arith.subi %iota3A, %sub3A_837 : vector<16xi32>
    %max3A_839 = arith.constant 0 : i32
    %max3A_840 = vector.broadcast %max3A_839 : i32 to vector<16xi32>
    %max3A_841 = arith.maxsi %sub3A_838, %max3A_840 : vector<16xi32>
    %broadcast_in_dim3A_842 = vector.shape_cast %max3A_841 : vector<16xi32> to vector<16x1xi32>
    %gather3A_843 = vector.shape_cast %broadcast_in_dim3A_842 : vector<16x1xi32> to vector<16xi32>
    %gather3A_844 = tpu.dynamic_gather %add3A_835[%gather3A_843] in [0] : vector<16xf32>, vector<16xi32> -> vector<16xf32>
    %ge3A_845 = arith.constant 8 : i32
    %ge3A_846 = vector.broadcast %ge3A_845 : i32 to vector<16xi32>
    %ge3A_847 = arith.cmpi sge, %iota3A, %ge3A_846 : vector<16xi32>
    %jit3A_848 = arith.constant 0.000000e+00 : f32
    %broadcast_in_dim3A_849 = vector.broadcast %jit3A_848 : f32 to vector<16xf32>
    %select_n3A_850 = arith.select %ge3A_847, %gather3A_844, %broadcast_in_dim3A_849 : vector<16xi1>, vector<16xf32>
    %add3A_851 = arith.addf %add3A_835, %select_n3A_850 : vector<16xf32>
    %swap3A_852 = arith.constant 112 : index
    %swap3A_853 = tpu.vector_load %arg9[%swap3A_852] {strides = array<i32>} : memref<256xf32, #tpu.memory_space<vmem>>, vector<16xf32>,
    tpu.vector_store %arg9[%swap3A_852], %add3A_851 {strides = array<i32>} : memref<256xf32, #tpu.memory_space<vmem>>, vector<16xf32>,
    %get3A_854 = arith.constant 128 : index
    %get3A_855 = tpu.vector_load %arg10[%get3A_854] {strides = array<i32>} : memref<256xi32, #tpu.memory_space<vmem>>, vector<16xi32>,
    %and3A_856 = arith.constant -65536 : i32
    %and3A_857 = vector.broadcast %and3A_856 : i32 to vector<16xi32>
    %and3A_858 = arith.andi %get3A_855, %and3A_857 : vector<16xi32>
    %bitcast3A_859 = vector.bitcast %and3A_858 : vector<16xi32> to vector<16xf32>
    %sub3A_860 = arith.constant 1 : i32
    %sub3A_861 = vector.broadcast %sub3A_860 : i32 to vector<16xi32>
    %sub3A_862 = arith.subi %iota3A, %sub3A_861 : vector<16xi32>
    %max3A_863 = arith.constant 0 : i32
    %max3A_864 = vector.broadcast %max3A_863 : i32 to vector<16xi32>
    %max3A_865 = arith.maxsi %sub3A_862, %max3A_864 : vector<16xi32>
    %broadcast_in_dim3A_866 = vector.shape_cast %max3A_865 : vector<16xi32> to vector<16x1xi32>
    %gather3A_867 = vector.shape_cast %broadcast_in_dim3A_866 : vector<16x1xi32> to vector<16xi32>
    %gather3A_868 = tpu.dynamic_gather %bitcast3A_859[%gather3A_867] in [0] : vector<16xf32>, vector<16xi32> -> vector<16xf32>
    %ge3A_869 = arith.constant 1 : i32
    %ge3A_870 = vector.broadcast %ge3A_869 : i32 to vector<16xi32>
    %ge3A_871 = arith.cmpi sge, %iota3A, %ge3A_870 : vector<16xi32>
    %jit3A_872 = arith.constant 0.000000e+00 : f32
    %broadcast_in_dim3A_873 = vector.broadcast %jit3A_872 : f32 to vector<16xf32>
    %select_n3A_874 = arith.select %ge3A_871, %gather3A_868, %broadcast_in_dim3A_873 : vector<16xi1>, vector<16xf32>
    %add3A_875 = arith.addf %bitcast3A_859, %select_n3A_874 : vector<16xf32>
    %sub3A_876 = arith.constant 2 : i32
    %sub3A_877 = vector.broadcast %sub3A_876 : i32 to vector<16xi32>
    %sub3A_878 = arith.subi %iota3A, %sub3A_877 : vector<16xi32>
    %max3A_879 = arith.constant 0 : i32
    %max3A_880 = vector.broadcast %max3A_879 : i32 to vector<16xi32>
    %max3A_881 = arith.maxsi %sub3A_878, %max3A_880 : vector<16xi32>
    %broadcast_in_dim3A_882 = vector.shape_cast %max3A_881 : vector<16xi32> to vector<16x1xi32>
    %gather3A_883 = vector.shape_cast %broadcast_in_dim3A_882 : vector<16x1xi32> to vector<16xi32>
    %gather3A_884 = tpu.dynamic_gather %add3A_875[%gather3A_883] in [0] : vector<16xf32>, vector<16xi32> -> vector<16xf32>
    %ge3A_885 = arith.constant 2 : i32
    %ge3A_886 = vector.broadcast %ge3A_885 : i32 to vector<16xi32>
    %ge3A_887 = arith.cmpi sge, %iota3A, %ge3A_886 : vector<16xi32>
    %jit3A_888 = arith.constant 0.000000e+00 : f32
    %broadcast_in_dim3A_889 = vector.broadcast %jit3A_888 : f32 to vector<16xf32>
    %select_n3A_890 = arith.select %ge3A_887, %gather3A_884, %broadcast_in_dim3A_889 : vector<16xi1>, vector<16xf32>
    %add3A_891 = arith.addf %add3A_875, %select_n3A_890 : vector<16xf32>
    %sub3A_892 = arith.constant 4 : i32
    %sub3A_893 = vector.broadcast %sub3A_892 : i32 to vector<16xi32>
    %sub3A_894 = arith.subi %iota3A, %sub3A_893 : vector<16xi32>
    %max3A_895 = arith.constant 0 : i32
    %max3A_896 = vector.broadcast %max3A_895 : i32 to vector<16xi32>
    %max3A_897 = arith.maxsi %sub3A_894, %max3A_896 : vector<16xi32>
    %broadcast_in_dim3A_898 = vector.shape_cast %max3A_897 : vector<16xi32> to vector<16x1xi32>
    %gather3A_899 = vector.shape_cast %broadcast_in_dim3A_898 : vector<16x1xi32> to vector<16xi32>
    %gather3A_900 = tpu.dynamic_gather %add3A_891[%gather3A_899] in [0] : vector<16xf32>, vector<16xi32> -> vector<16xf32>
    %ge3A_901 = arith.constant 4 : i32
    %ge3A_902 = vector.broadcast %ge3A_901 : i32 to vector<16xi32>
    %ge3A_903 = arith.cmpi sge, %iota3A, %ge3A_902 : vector<16xi32>
    %jit3A_904 = arith.constant 0.000000e+00 : f32
    %broadcast_in_dim3A_905 = vector.broadcast %jit3A_904 : f32 to vector<16xf32>
    %select_n3A_906 = arith.select %ge3A_903, %gather3A_900, %broadcast_in_dim3A_905 : vector<16xi1>, vector<16xf32>
    %add3A_907 = arith.addf %add3A_891, %select_n3A_906 : vector<16xf32>
    %sub3A_908 = arith.constant 8 : i32
    %sub3A_909 = vector.broadcast %sub3A_908 : i32 to vector<16xi32>
    %sub3A_910 = arith.subi %iota3A, %sub3A_909 : vector<16xi32>
    %max3A_911 = arith.constant 0 : i32
    %max3A_912 = vector.broadcast %max3A_911 : i32 to vector<16xi32>
    %max3A_913 = arith.maxsi %sub3A_910, %max3A_912 : vector<16xi32>
    %broadcast_in_dim3A_914 = vector.shape_cast %max3A_913 : vector<16xi32> to vector<16x1xi32>
    %gather3A_915 = vector.shape_cast %broadcast_in_dim3A_914 : vector<16x1xi32> to vector<16xi32>
    %gather3A_916 = tpu.dynamic_gather %add3A_907[%gather3A_915] in [0] : vector<16xf32>, vector<16xi32> -> vector<16xf32>
    %ge3A_917 = arith.constant 8 : i32
    %ge3A_918 = vector.broadcast %ge3A_917 : i32 to vector<16xi32>
    %ge3A_919 = arith.cmpi sge, %iota3A, %ge3A_918 : vector<16xi32>
    %jit3A_920 = arith.constant 0.000000e+00 : f32
    %broadcast_in_dim3A_921 = vector.broadcast %jit3A_920 : f32 to vector<16xf32>
    %select_n3A_922 = arith.select %ge3A_919, %gather3A_916, %broadcast_in_dim3A_921 : vector<16xi1>, vector<16xf32>
    %add3A_923 = arith.addf %add3A_907, %select_n3A_922 : vector<16xf32>
    %swap3A_924 = arith.constant 128 : index
    %swap3A_925 = tpu.vector_load %arg9[%swap3A_924] {strides = array<i32>} : memref<256xf32, #tpu.memory_space<vmem>>, vector<16xf32>,
    tpu.vector_store %arg9[%swap3A_924], %add3A_923 {strides = array<i32>} : memref<256xf32, #tpu.memory_space<vmem>>, vector<16xf32>,
    %get3A_926 = arith.constant 144 : index
    %get3A_927 = tpu.vector_load %arg10[%get3A_926] {strides = array<i32>} : memref<256xi32, #tpu.memory_space<vmem>>, vector<16xi32>,
    %and3A_928 = arith.constant -65536 : i32
    %and3A_929 = vector.broadcast %and3A_928 : i32 to vector<16xi32>
    %and3A_930 = arith.andi %get3A_927, %and3A_929 : vector<16xi32>
    %bitcast3A_931 = vector.bitcast %and3A_930 : vector<16xi32> to vector<16xf32>
    %sub3A_932 = arith.constant 1 : i32
    %sub3A_933 = vector.broadcast %sub3A_932 : i32 to vector<16xi32>
    %sub3A_934 = arith.subi %iota3A, %sub3A_933 : vector<16xi32>
    %max3A_935 = arith.constant 0 : i32
    %max3A_936 = vector.broadcast %max3A_935 : i32 to vector<16xi32>
    %max3A_937 = arith.maxsi %sub3A_934, %max3A_936 : vector<16xi32>
    %broadcast_in_dim3A_938 = vector.shape_cast %max3A_937 : vector<16xi32> to vector<16x1xi32>
    %gather3A_939 = vector.shape_cast %broadcast_in_dim3A_938 : vector<16x1xi32> to vector<16xi32>
    %gather3A_940 = tpu.dynamic_gather %bitcast3A_931[%gather3A_939] in [0] : vector<16xf32>, vector<16xi32> -> vector<16xf32>
    %ge3A_941 = arith.constant 1 : i32
    %ge3A_942 = vector.broadcast %ge3A_941 : i32 to vector<16xi32>
    %ge3A_943 = arith.cmpi sge, %iota3A, %ge3A_942 : vector<16xi32>
    %jit3A_944 = arith.constant 0.000000e+00 : f32
    %broadcast_in_dim3A_945 = vector.broadcast %jit3A_944 : f32 to vector<16xf32>
    %select_n3A_946 = arith.select %ge3A_943, %gather3A_940, %broadcast_in_dim3A_945 : vector<16xi1>, vector<16xf32>
    %add3A_947 = arith.addf %bitcast3A_931, %select_n3A_946 : vector<16xf32>
    %sub3A_948 = arith.constant 2 : i32
    %sub3A_949 = vector.broadcast %sub3A_948 : i32 to vector<16xi32>
    %sub3A_950 = arith.subi %iota3A, %sub3A_949 : vector<16xi32>
    %max3A_951 = arith.constant 0 : i32
    %max3A_952 = vector.broadcast %max3A_951 : i32 to vector<16xi32>
    %max3A_953 = arith.maxsi %sub3A_950, %max3A_952 : vector<16xi32>
    %broadcast_in_dim3A_954 = vector.shape_cast %max3A_953 : vector<16xi32> to vector<16x1xi32>
    %gather3A_955 = vector.shape_cast %broadcast_in_dim3A_954 : vector<16x1xi32> to vector<16xi32>
    %gather3A_956 = tpu.dynamic_gather %add3A_947[%gather3A_955] in [0] : vector<16xf32>, vector<16xi32> -> vector<16xf32>
    %ge3A_957 = arith.constant 2 : i32
    %ge3A_958 = vector.broadcast %ge3A_957 : i32 to vector<16xi32>
    %ge3A_959 = arith.cmpi sge, %iota3A, %ge3A_958 : vector<16xi32>
    %jit3A_960 = arith.constant 0.000000e+00 : f32
    %broadcast_in_dim3A_961 = vector.broadcast %jit3A_960 : f32 to vector<16xf32>
    %select_n3A_962 = arith.select %ge3A_959, %gather3A_956, %broadcast_in_dim3A_961 : vector<16xi1>, vector<16xf32>
    %add3A_963 = arith.addf %add3A_947, %select_n3A_962 : vector<16xf32>
    %sub3A_964 = arith.constant 4 : i32
    %sub3A_965 = vector.broadcast %sub3A_964 : i32 to vector<16xi32>
    %sub3A_966 = arith.subi %iota3A, %sub3A_965 : vector<16xi32>
    %max3A_967 = arith.constant 0 : i32
    %max3A_968 = vector.broadcast %max3A_967 : i32 to vector<16xi32>
    %max3A_969 = arith.maxsi %sub3A_966, %max3A_968 : vector<16xi32>
    %broadcast_in_dim3A_970 = vector.shape_cast %max3A_969 : vector<16xi32> to vector<16x1xi32>
    %gather3A_971 = vector.shape_cast %broadcast_in_dim3A_970 : vector<16x1xi32> to vector<16xi32>
    %gather3A_972 = tpu.dynamic_gather %add3A_963[%gather3A_971] in [0] : vector<16xf32>, vector<16xi32> -> vector<16xf32>
    %ge3A_973 = arith.constant 4 : i32
    %ge3A_974 = vector.broadcast %ge3A_973 : i32 to vector<16xi32>
    %ge3A_975 = arith.cmpi sge, %iota3A, %ge3A_974 : vector<16xi32>
    %jit3A_976 = arith.constant 0.000000e+00 : f32
    %broadcast_in_dim3A_977 = vector.broadcast %jit3A_976 : f32 to vector<16xf32>
    %select_n3A_978 = arith.select %ge3A_975, %gather3A_972, %broadcast_in_dim3A_977 : vector<16xi1>, vector<16xf32>
    %add3A_979 = arith.addf %add3A_963, %select_n3A_978 : vector<16xf32>
    %sub3A_980 = arith.constant 8 : i32
    %sub3A_981 = vector.broadcast %sub3A_980 : i32 to vector<16xi32>
    %sub3A_982 = arith.subi %iota3A, %sub3A_981 : vector<16xi32>
    %max3A_983 = arith.constant 0 : i32
    %max3A_984 = vector.broadcast %max3A_983 : i32 to vector<16xi32>
    %max3A_985 = arith.maxsi %sub3A_982, %max3A_984 : vector<16xi32>
    %broadcast_in_dim3A_986 = vector.shape_cast %max3A_985 : vector<16xi32> to vector<16x1xi32>
    %gather3A_987 = vector.shape_cast %broadcast_in_dim3A_986 : vector<16x1xi32> to vector<16xi32>
    %gather3A_988 = tpu.dynamic_gather %add3A_979[%gather3A_987] in [0] : vector<16xf32>, vector<16xi32> -> vector<16xf32>
    %ge3A_989 = arith.constant 8 : i32
    %ge3A_990 = vector.broadcast %ge3A_989 : i32 to vector<16xi32>
    %ge3A_991 = arith.cmpi sge, %iota3A, %ge3A_990 : vector<16xi32>
    %jit3A_992 = arith.constant 0.000000e+00 : f32
    %broadcast_in_dim3A_993 = vector.broadcast %jit3A_992 : f32 to vector<16xf32>
    %select_n3A_994 = arith.select %ge3A_991, %gather3A_988, %broadcast_in_dim3A_993 : vector<16xi1>, vector<16xf32>
    %add3A_995 = arith.addf %add3A_979, %select_n3A_994 : vector<16xf32>
    %swap3A_996 = arith.constant 144 : index
    %swap3A_997 = tpu.vector_load %arg9[%swap3A_996] {strides = array<i32>} : memref<256xf32, #tpu.memory_space<vmem>>, vector<16xf32>,
    tpu.vector_store %arg9[%swap3A_996], %add3A_995 {strides = array<i32>} : memref<256xf32, #tpu.memory_space<vmem>>, vector<16xf32>,
    %get3A_998 = arith.constant 160 : index
    %get3A_999 = tpu.vector_load %arg10[%get3A_998] {strides = array<i32>} : memref<256xi32, #tpu.memory_space<vmem>>, vector<16xi32>,
    %and3A_1000 = arith.constant -65536 : i32
    %and3A_1001 = vector.broadcast %and3A_1000 : i32 to vector<16xi32>
    %and3A_1002 = arith.andi %get3A_999, %and3A_1001 : vector<16xi32>
    %bitcast3A_1003 = vector.bitcast %and3A_1002 : vector<16xi32> to vector<16xf32>
    %sub3A_1004 = arith.constant 1 : i32
    %sub3A_1005 = vector.broadcast %sub3A_1004 : i32 to vector<16xi32>
    %sub3A_1006 = arith.subi %iota3A, %sub3A_1005 : vector<16xi32>
    %max3A_1007 = arith.constant 0 : i32
    %max3A_1008 = vector.broadcast %max3A_1007 : i32 to vector<16xi32>
    %max3A_1009 = arith.maxsi %sub3A_1006, %max3A_1008 : vector<16xi32>
    %broadcast_in_dim3A_1010 = vector.shape_cast %max3A_1009 : vector<16xi32> to vector<16x1xi32>
    %gather3A_1011 = vector.shape_cast %broadcast_in_dim3A_1010 : vector<16x1xi32> to vector<16xi32>
    %gather3A_1012 = tpu.dynamic_gather %bitcast3A_1003[%gather3A_1011] in [0] : vector<16xf32>, vector<16xi32> -> vector<16xf32>
    %ge3A_1013 = arith.constant 1 : i32
    %ge3A_1014 = vector.broadcast %ge3A_1013 : i32 to vector<16xi32>
    %ge3A_1015 = arith.cmpi sge, %iota3A, %ge3A_1014 : vector<16xi32>
    %jit3A_1016 = arith.constant 0.000000e+00 : f32
    %broadcast_in_dim3A_1017 = vector.broadcast %jit3A_1016 : f32 to vector<16xf32>
    %select_n3A_1018 = arith.select %ge3A_1015, %gather3A_1012, %broadcast_in_dim3A_1017 : vector<16xi1>, vector<16xf32>
    %add3A_1019 = arith.addf %bitcast3A_1003, %select_n3A_1018 : vector<16xf32>
    %sub3A_1020 = arith.constant 2 : i32
    %sub3A_1021 = vector.broadcast %sub3A_1020 : i32 to vector<16xi32>
    %sub3A_1022 = arith.subi %iota3A, %sub3A_1021 : vector<16xi32>
    %max3A_1023 = arith.constant 0 : i32
    %max3A_1024 = vector.broadcast %max3A_1023 : i32 to vector<16xi32>
    %max3A_1025 = arith.maxsi %sub3A_1022, %max3A_1024 : vector<16xi32>
    %broadcast_in_dim3A_1026 = vector.shape_cast %max3A_1025 : vector<16xi32> to vector<16x1xi32>
    %gather3A_1027 = vector.shape_cast %broadcast_in_dim3A_1026 : vector<16x1xi32> to vector<16xi32>
    %gather3A_1028 = tpu.dynamic_gather %add3A_1019[%gather3A_1027] in [0] : vector<16xf32>, vector<16xi32> -> vector<16xf32>
    %ge3A_1029 = arith.constant 2 : i32
    %ge3A_1030 = vector.broadcast %ge3A_1029 : i32 to vector<16xi32>
    %ge3A_1031 = arith.cmpi sge, %iota3A, %ge3A_1030 : vector<16xi32>
    %jit3A_1032 = arith.constant 0.000000e+00 : f32
    %broadcast_in_dim3A_1033 = vector.broadcast %jit3A_1032 : f32 to vector<16xf32>
    %select_n3A_1034 = arith.select %ge3A_1031, %gather3A_1028, %broadcast_in_dim3A_1033 : vector<16xi1>, vector<16xf32>
    %add3A_1035 = arith.addf %add3A_1019, %select_n3A_1034 : vector<16xf32>
    %sub3A_1036 = arith.constant 4 : i32
    %sub3A_1037 = vector.broadcast %sub3A_1036 : i32 to vector<16xi32>
    %sub3A_1038 = arith.subi %iota3A, %sub3A_1037 : vector<16xi32>
    %max3A_1039 = arith.constant 0 : i32
    %max3A_1040 = vector.broadcast %max3A_1039 : i32 to vector<16xi32>
    %max3A_1041 = arith.maxsi %sub3A_1038, %max3A_1040 : vector<16xi32>
    %broadcast_in_dim3A_1042 = vector.shape_cast %max3A_1041 : vector<16xi32> to vector<16x1xi32>
    %gather3A_1043 = vector.shape_cast %broadcast_in_dim3A_1042 : vector<16x1xi32> to vector<16xi32>
    %gather3A_1044 = tpu.dynamic_gather %add3A_1035[%gather3A_1043] in [0] : vector<16xf32>, vector<16xi32> -> vector<16xf32>
    %ge3A_1045 = arith.constant 4 : i32
    %ge3A_1046 = vector.broadcast %ge3A_1045 : i32 to vector<16xi32>
    %ge3A_1047 = arith.cmpi sge, %iota3A, %ge3A_1046 : vector<16xi32>
    %jit3A_1048 = arith.constant 0.000000e+00 : f32
    %broadcast_in_dim3A_1049 = vector.broadcast %jit3A_1048 : f32 to vector<16xf32>
    %select_n3A_1050 = arith.select %ge3A_1047, %gather3A_1044, %broadcast_in_dim3A_1049 : vector<16xi1>, vector<16xf32>
    %add3A_1051 = arith.addf %add3A_1035, %select_n3A_1050 : vector<16xf32>
    %sub3A_1052 = arith.constant 8 : i32
    %sub3A_1053 = vector.broadcast %sub3A_1052 : i32 to vector<16xi32>
    %sub3A_1054 = arith.subi %iota3A, %sub3A_1053 : vector<16xi32>
    %max3A_1055 = arith.constant 0 : i32
    %max3A_1056 = vector.broadcast %max3A_1055 : i32 to vector<16xi32>
    %max3A_1057 = arith.maxsi %sub3A_1054, %max3A_1056 : vector<16xi32>
    %broadcast_in_dim3A_1058 = vector.shape_cast %max3A_1057 : vector<16xi32> to vector<16x1xi32>
    %gather3A_1059 = vector.shape_cast %broadcast_in_dim3A_1058 : vector<16x1xi32> to vector<16xi32>
    %gather3A_1060 = tpu.dynamic_gather %add3A_1051[%gather3A_1059] in [0] : vector<16xf32>, vector<16xi32> -> vector<16xf32>
    %ge3A_1061 = arith.constant 8 : i32
    %ge3A_1062 = vector.broadcast %ge3A_1061 : i32 to vector<16xi32>
    %ge3A_1063 = arith.cmpi sge, %iota3A, %ge3A_1062 : vector<16xi32>
    %jit3A_1064 = arith.constant 0.000000e+00 : f32
    %broadcast_in_dim3A_1065 = vector.broadcast %jit3A_1064 : f32 to vector<16xf32>
    %select_n3A_1066 = arith.select %ge3A_1063, %gather3A_1060, %broadcast_in_dim3A_1065 : vector<16xi1>, vector<16xf32>
    %add3A_1067 = arith.addf %add3A_1051, %select_n3A_1066 : vector<16xf32>
    %swap3A_1068 = arith.constant 160 : index
    %swap3A_1069 = tpu.vector_load %arg9[%swap3A_1068] {strides = array<i32>} : memref<256xf32, #tpu.memory_space<vmem>>, vector<16xf32>,
    tpu.vector_store %arg9[%swap3A_1068], %add3A_1067 {strides = array<i32>} : memref<256xf32, #tpu.memory_space<vmem>>, vector<16xf32>,
    %get3A_1070 = arith.constant 176 : index
    %get3A_1071 = tpu.vector_load %arg10[%get3A_1070] {strides = array<i32>} : memref<256xi32, #tpu.memory_space<vmem>>, vector<16xi32>,
    %and3A_1072 = arith.constant -65536 : i32
    %and3A_1073 = vector.broadcast %and3A_1072 : i32 to vector<16xi32>
    %and3A_1074 = arith.andi %get3A_1071, %and3A_1073 : vector<16xi32>
    %bitcast3A_1075 = vector.bitcast %and3A_1074 : vector<16xi32> to vector<16xf32>
    %sub3A_1076 = arith.constant 1 : i32
    %sub3A_1077 = vector.broadcast %sub3A_1076 : i32 to vector<16xi32>
    %sub3A_1078 = arith.subi %iota3A, %sub3A_1077 : vector<16xi32>
    %max3A_1079 = arith.constant 0 : i32
    %max3A_1080 = vector.broadcast %max3A_1079 : i32 to vector<16xi32>
    %max3A_1081 = arith.maxsi %sub3A_1078, %max3A_1080 : vector<16xi32>
    %broadcast_in_dim3A_1082 = vector.shape_cast %max3A_1081 : vector<16xi32> to vector<16x1xi32>
    %gather3A_1083 = vector.shape_cast %broadcast_in_dim3A_1082 : vector<16x1xi32> to vector<16xi32>
    %gather3A_1084 = tpu.dynamic_gather %bitcast3A_1075[%gather3A_1083] in [0] : vector<16xf32>, vector<16xi32> -> vector<16xf32>
    %ge3A_1085 = arith.constant 1 : i32
    %ge3A_1086 = vector.broadcast %ge3A_1085 : i32 to vector<16xi32>
    %ge3A_1087 = arith.cmpi sge, %iota3A, %ge3A_1086 : vector<16xi32>
    %jit3A_1088 = arith.constant 0.000000e+00 : f32
    %broadcast_in_dim3A_1089 = vector.broadcast %jit3A_1088 : f32 to vector<16xf32>
    %select_n3A_1090 = arith.select %ge3A_1087, %gather3A_1084, %broadcast_in_dim3A_1089 : vector<16xi1>, vector<16xf32>
    %add3A_1091 = arith.addf %bitcast3A_1075, %select_n3A_1090 : vector<16xf32>
    %sub3A_1092 = arith.constant 2 : i32
    %sub3A_1093 = vector.broadcast %sub3A_1092 : i32 to vector<16xi32>
    %sub3A_1094 = arith.subi %iota3A, %sub3A_1093 : vector<16xi32>
    %max3A_1095 = arith.constant 0 : i32
    %max3A_1096 = vector.broadcast %max3A_1095 : i32 to vector<16xi32>
    %max3A_1097 = arith.maxsi %sub3A_1094, %max3A_1096 : vector<16xi32>
    %broadcast_in_dim3A_1098 = vector.shape_cast %max3A_1097 : vector<16xi32> to vector<16x1xi32>
    %gather3A_1099 = vector.shape_cast %broadcast_in_dim3A_1098 : vector<16x1xi32> to vector<16xi32>
    %gather3A_1100 = tpu.dynamic_gather %add3A_1091[%gather3A_1099] in [0] : vector<16xf32>, vector<16xi32> -> vector<16xf32>
    %ge3A_1101 = arith.constant 2 : i32
    %ge3A_1102 = vector.broadcast %ge3A_1101 : i32 to vector<16xi32>
    %ge3A_1103 = arith.cmpi sge, %iota3A, %ge3A_1102 : vector<16xi32>
    %jit3A_1104 = arith.constant 0.000000e+00 : f32
    %broadcast_in_dim3A_1105 = vector.broadcast %jit3A_1104 : f32 to vector<16xf32>
    %select_n3A_1106 = arith.select %ge3A_1103, %gather3A_1100, %broadcast_in_dim3A_1105 : vector<16xi1>, vector<16xf32>
    %add3A_1107 = arith.addf %add3A_1091, %select_n3A_1106 : vector<16xf32>
    %sub3A_1108 = arith.constant 4 : i32
    %sub3A_1109 = vector.broadcast %sub3A_1108 : i32 to vector<16xi32>
    %sub3A_1110 = arith.subi %iota3A, %sub3A_1109 : vector<16xi32>
    %max3A_1111 = arith.constant 0 : i32
    %max3A_1112 = vector.broadcast %max3A_1111 : i32 to vector<16xi32>
    %max3A_1113 = arith.maxsi %sub3A_1110, %max3A_1112 : vector<16xi32>
    %broadcast_in_dim3A_1114 = vector.shape_cast %max3A_1113 : vector<16xi32> to vector<16x1xi32>
    %gather3A_1115 = vector.shape_cast %broadcast_in_dim3A_1114 : vector<16x1xi32> to vector<16xi32>
    %gather3A_1116 = tpu.dynamic_gather %add3A_1107[%gather3A_1115] in [0] : vector<16xf32>, vector<16xi32> -> vector<16xf32>
    %ge3A_1117 = arith.constant 4 : i32
    %ge3A_1118 = vector.broadcast %ge3A_1117 : i32 to vector<16xi32>
    %ge3A_1119 = arith.cmpi sge, %iota3A, %ge3A_1118 : vector<16xi32>
    %jit3A_1120 = arith.constant 0.000000e+00 : f32
    %broadcast_in_dim3A_1121 = vector.broadcast %jit3A_1120 : f32 to vector<16xf32>
    %select_n3A_1122 = arith.select %ge3A_1119, %gather3A_1116, %broadcast_in_dim3A_1121 : vector<16xi1>, vector<16xf32>
    %add3A_1123 = arith.addf %add3A_1107, %select_n3A_1122 : vector<16xf32>
    %sub3A_1124 = arith.constant 8 : i32
    %sub3A_1125 = vector.broadcast %sub3A_1124 : i32 to vector<16xi32>
    %sub3A_1126 = arith.subi %iota3A, %sub3A_1125 : vector<16xi32>
    %max3A_1127 = arith.constant 0 : i32
    %max3A_1128 = vector.broadcast %max3A_1127 : i32 to vector<16xi32>
    %max3A_1129 = arith.maxsi %sub3A_1126, %max3A_1128 : vector<16xi32>
    %broadcast_in_dim3A_1130 = vector.shape_cast %max3A_1129 : vector<16xi32> to vector<16x1xi32>
    %gather3A_1131 = vector.shape_cast %broadcast_in_dim3A_1130 : vector<16x1xi32> to vector<16xi32>
    %gather3A_1132 = tpu.dynamic_gather %add3A_1123[%gather3A_1131] in [0] : vector<16xf32>, vector<16xi32> -> vector<16xf32>
    %ge3A_1133 = arith.constant 8 : i32
    %ge3A_1134 = vector.broadcast %ge3A_1133 : i32 to vector<16xi32>
    %ge3A_1135 = arith.cmpi sge, %iota3A, %ge3A_1134 : vector<16xi32>
    %jit3A_1136 = arith.constant 0.000000e+00 : f32
    %broadcast_in_dim3A_1137 = vector.broadcast %jit3A_1136 : f32 to vector<16xf32>
    %select_n3A_1138 = arith.select %ge3A_1135, %gather3A_1132, %broadcast_in_dim3A_1137 : vector<16xi1>, vector<16xf32>
    %add3A_1139 = arith.addf %add3A_1123, %select_n3A_1138 : vector<16xf32>
    %swap3A_1140 = arith.constant 176 : index
    %swap3A_1141 = tpu.vector_load %arg9[%swap3A_1140] {strides = array<i32>} : memref<256xf32, #tpu.memory_space<vmem>>, vector<16xf32>,
    tpu.vector_store %arg9[%swap3A_1140], %add3A_1139 {strides = array<i32>} : memref<256xf32, #tpu.memory_space<vmem>>, vector<16xf32>,
    %get3A_1142 = arith.constant 192 : index
    %get3A_1143 = tpu.vector_load %arg10[%get3A_1142] {strides = array<i32>} : memref<256xi32, #tpu.memory_space<vmem>>, vector<16xi32>,
    %and3A_1144 = arith.constant -65536 : i32
    %and3A_1145 = vector.broadcast %and3A_1144 : i32 to vector<16xi32>
    %and3A_1146 = arith.andi %get3A_1143, %and3A_1145 : vector<16xi32>
    %bitcast3A_1147 = vector.bitcast %and3A_1146 : vector<16xi32> to vector<16xf32>
    %sub3A_1148 = arith.constant 1 : i32
    %sub3A_1149 = vector.broadcast %sub3A_1148 : i32 to vector<16xi32>
    %sub3A_1150 = arith.subi %iota3A, %sub3A_1149 : vector<16xi32>
    %max3A_1151 = arith.constant 0 : i32
    %max3A_1152 = vector.broadcast %max3A_1151 : i32 to vector<16xi32>
    %max3A_1153 = arith.maxsi %sub3A_1150, %max3A_1152 : vector<16xi32>
    %broadcast_in_dim3A_1154 = vector.shape_cast %max3A_1153 : vector<16xi32> to vector<16x1xi32>
    %gather3A_1155 = vector.shape_cast %broadcast_in_dim3A_1154 : vector<16x1xi32> to vector<16xi32>
    %gather3A_1156 = tpu.dynamic_gather %bitcast3A_1147[%gather3A_1155] in [0] : vector<16xf32>, vector<16xi32> -> vector<16xf32>
    %ge3A_1157 = arith.constant 1 : i32
    %ge3A_1158 = vector.broadcast %ge3A_1157 : i32 to vector<16xi32>
    %ge3A_1159 = arith.cmpi sge, %iota3A, %ge3A_1158 : vector<16xi32>
    %jit3A_1160 = arith.constant 0.000000e+00 : f32
    %broadcast_in_dim3A_1161 = vector.broadcast %jit3A_1160 : f32 to vector<16xf32>
    %select_n3A_1162 = arith.select %ge3A_1159, %gather3A_1156, %broadcast_in_dim3A_1161 : vector<16xi1>, vector<16xf32>
    %add3A_1163 = arith.addf %bitcast3A_1147, %select_n3A_1162 : vector<16xf32>
    %sub3A_1164 = arith.constant 2 : i32
    %sub3A_1165 = vector.broadcast %sub3A_1164 : i32 to vector<16xi32>
    %sub3A_1166 = arith.subi %iota3A, %sub3A_1165 : vector<16xi32>
    %max3A_1167 = arith.constant 0 : i32
    %max3A_1168 = vector.broadcast %max3A_1167 : i32 to vector<16xi32>
    %max3A_1169 = arith.maxsi %sub3A_1166, %max3A_1168 : vector<16xi32>
    %broadcast_in_dim3A_1170 = vector.shape_cast %max3A_1169 : vector<16xi32> to vector<16x1xi32>
    %gather3A_1171 = vector.shape_cast %broadcast_in_dim3A_1170 : vector<16x1xi32> to vector<16xi32>
    %gather3A_1172 = tpu.dynamic_gather %add3A_1163[%gather3A_1171] in [0] : vector<16xf32>, vector<16xi32> -> vector<16xf32>
    %ge3A_1173 = arith.constant 2 : i32
    %ge3A_1174 = vector.broadcast %ge3A_1173 : i32 to vector<16xi32>
    %ge3A_1175 = arith.cmpi sge, %iota3A, %ge3A_1174 : vector<16xi32>
    %jit3A_1176 = arith.constant 0.000000e+00 : f32
    %broadcast_in_dim3A_1177 = vector.broadcast %jit3A_1176 : f32 to vector<16xf32>
    %select_n3A_1178 = arith.select %ge3A_1175, %gather3A_1172, %broadcast_in_dim3A_1177 : vector<16xi1>, vector<16xf32>
    %add3A_1179 = arith.addf %add3A_1163, %select_n3A_1178 : vector<16xf32>
    %sub3A_1180 = arith.constant 4 : i32
    %sub3A_1181 = vector.broadcast %sub3A_1180 : i32 to vector<16xi32>
    %sub3A_1182 = arith.subi %iota3A, %sub3A_1181 : vector<16xi32>
    %max3A_1183 = arith.constant 0 : i32
    %max3A_1184 = vector.broadcast %max3A_1183 : i32 to vector<16xi32>
    %max3A_1185 = arith.maxsi %sub3A_1182, %max3A_1184 : vector<16xi32>
    %broadcast_in_dim3A_1186 = vector.shape_cast %max3A_1185 : vector<16xi32> to vector<16x1xi32>
    %gather3A_1187 = vector.shape_cast %broadcast_in_dim3A_1186 : vector<16x1xi32> to vector<16xi32>
    %gather3A_1188 = tpu.dynamic_gather %add3A_1179[%gather3A_1187] in [0] : vector<16xf32>, vector<16xi32> -> vector<16xf32>
    %ge3A_1189 = arith.constant 4 : i32
    %ge3A_1190 = vector.broadcast %ge3A_1189 : i32 to vector<16xi32>
    %ge3A_1191 = arith.cmpi sge, %iota3A, %ge3A_1190 : vector<16xi32>
    %jit3A_1192 = arith.constant 0.000000e+00 : f32
    %broadcast_in_dim3A_1193 = vector.broadcast %jit3A_1192 : f32 to vector<16xf32>
    %select_n3A_1194 = arith.select %ge3A_1191, %gather3A_1188, %broadcast_in_dim3A_1193 : vector<16xi1>, vector<16xf32>
    %add3A_1195 = arith.addf %add3A_1179, %select_n3A_1194 : vector<16xf32>
    %sub3A_1196 = arith.constant 8 : i32
    %sub3A_1197 = vector.broadcast %sub3A_1196 : i32 to vector<16xi32>
    %sub3A_1198 = arith.subi %iota3A, %sub3A_1197 : vector<16xi32>
    %max3A_1199 = arith.constant 0 : i32
    %max3A_1200 = vector.broadcast %max3A_1199 : i32 to vector<16xi32>
    %max3A_1201 = arith.maxsi %sub3A_1198, %max3A_1200 : vector<16xi32>
    %broadcast_in_dim3A_1202 = vector.shape_cast %max3A_1201 : vector<16xi32> to vector<16x1xi32>
    %gather3A_1203 = vector.shape_cast %broadcast_in_dim3A_1202 : vector<16x1xi32> to vector<16xi32>
    %gather3A_1204 = tpu.dynamic_gather %add3A_1195[%gather3A_1203] in [0] : vector<16xf32>, vector<16xi32> -> vector<16xf32>
    %ge3A_1205 = arith.constant 8 : i32
    %ge3A_1206 = vector.broadcast %ge3A_1205 : i32 to vector<16xi32>
    %ge3A_1207 = arith.cmpi sge, %iota3A, %ge3A_1206 : vector<16xi32>
    %jit3A_1208 = arith.constant 0.000000e+00 : f32
    %broadcast_in_dim3A_1209 = vector.broadcast %jit3A_1208 : f32 to vector<16xf32>
    %select_n3A_1210 = arith.select %ge3A_1207, %gather3A_1204, %broadcast_in_dim3A_1209 : vector<16xi1>, vector<16xf32>
    %add3A_1211 = arith.addf %add3A_1195, %select_n3A_1210 : vector<16xf32>
    %swap3A_1212 = arith.constant 192 : index
    %swap3A_1213 = tpu.vector_load %arg9[%swap3A_1212] {strides = array<i32>} : memref<256xf32, #tpu.memory_space<vmem>>, vector<16xf32>,
    tpu.vector_store %arg9[%swap3A_1212], %add3A_1211 {strides = array<i32>} : memref<256xf32, #tpu.memory_space<vmem>>, vector<16xf32>,
    %get3A_1214 = arith.constant 208 : index
    %get3A_1215 = tpu.vector_load %arg10[%get3A_1214] {strides = array<i32>} : memref<256xi32, #tpu.memory_space<vmem>>, vector<16xi32>,
    %and3A_1216 = arith.constant -65536 : i32
    %and3A_1217 = vector.broadcast %and3A_1216 : i32 to vector<16xi32>
    %and3A_1218 = arith.andi %get3A_1215, %and3A_1217 : vector<16xi32>
    %bitcast3A_1219 = vector.bitcast %and3A_1218 : vector<16xi32> to vector<16xf32>
    %sub3A_1220 = arith.constant 1 : i32
    %sub3A_1221 = vector.broadcast %sub3A_1220 : i32 to vector<16xi32>
    %sub3A_1222 = arith.subi %iota3A, %sub3A_1221 : vector<16xi32>
    %max3A_1223 = arith.constant 0 : i32
    %max3A_1224 = vector.broadcast %max3A_1223 : i32 to vector<16xi32>
    %max3A_1225 = arith.maxsi %sub3A_1222, %max3A_1224 : vector<16xi32>
    %broadcast_in_dim3A_1226 = vector.shape_cast %max3A_1225 : vector<16xi32> to vector<16x1xi32>
    %gather3A_1227 = vector.shape_cast %broadcast_in_dim3A_1226 : vector<16x1xi32> to vector<16xi32>
    %gather3A_1228 = tpu.dynamic_gather %bitcast3A_1219[%gather3A_1227] in [0] : vector<16xf32>, vector<16xi32> -> vector<16xf32>
    %ge3A_1229 = arith.constant 1 : i32
    %ge3A_1230 = vector.broadcast %ge3A_1229 : i32 to vector<16xi32>
    %ge3A_1231 = arith.cmpi sge, %iota3A, %ge3A_1230 : vector<16xi32>
    %jit3A_1232 = arith.constant 0.000000e+00 : f32
    %broadcast_in_dim3A_1233 = vector.broadcast %jit3A_1232 : f32 to vector<16xf32>
    %select_n3A_1234 = arith.select %ge3A_1231, %gather3A_1228, %broadcast_in_dim3A_1233 : vector<16xi1>, vector<16xf32>
    %add3A_1235 = arith.addf %bitcast3A_1219, %select_n3A_1234 : vector<16xf32>
    %sub3A_1236 = arith.constant 2 : i32
    %sub3A_1237 = vector.broadcast %sub3A_1236 : i32 to vector<16xi32>
    %sub3A_1238 = arith.subi %iota3A, %sub3A_1237 : vector<16xi32>
    %max3A_1239 = arith.constant 0 : i32
    %max3A_1240 = vector.broadcast %max3A_1239 : i32 to vector<16xi32>
    %max3A_1241 = arith.maxsi %sub3A_1238, %max3A_1240 : vector<16xi32>
    %broadcast_in_dim3A_1242 = vector.shape_cast %max3A_1241 : vector<16xi32> to vector<16x1xi32>
    %gather3A_1243 = vector.shape_cast %broadcast_in_dim3A_1242 : vector<16x1xi32> to vector<16xi32>
    %gather3A_1244 = tpu.dynamic_gather %add3A_1235[%gather3A_1243] in [0] : vector<16xf32>, vector<16xi32> -> vector<16xf32>
    %ge3A_1245 = arith.constant 2 : i32
    %ge3A_1246 = vector.broadcast %ge3A_1245 : i32 to vector<16xi32>
    %ge3A_1247 = arith.cmpi sge, %iota3A, %ge3A_1246 : vector<16xi32>
    %jit3A_1248 = arith.constant 0.000000e+00 : f32
    %broadcast_in_dim3A_1249 = vector.broadcast %jit3A_1248 : f32 to vector<16xf32>
    %select_n3A_1250 = arith.select %ge3A_1247, %gather3A_1244, %broadcast_in_dim3A_1249 : vector<16xi1>, vector<16xf32>
    %add3A_1251 = arith.addf %add3A_1235, %select_n3A_1250 : vector<16xf32>
    %sub3A_1252 = arith.constant 4 : i32
    %sub3A_1253 = vector.broadcast %sub3A_1252 : i32 to vector<16xi32>
    %sub3A_1254 = arith.subi %iota3A, %sub3A_1253 : vector<16xi32>
    %max3A_1255 = arith.constant 0 : i32
    %max3A_1256 = vector.broadcast %max3A_1255 : i32 to vector<16xi32>
    %max3A_1257 = arith.maxsi %sub3A_1254, %max3A_1256 : vector<16xi32>
    %broadcast_in_dim3A_1258 = vector.shape_cast %max3A_1257 : vector<16xi32> to vector<16x1xi32>
    %gather3A_1259 = vector.shape_cast %broadcast_in_dim3A_1258 : vector<16x1xi32> to vector<16xi32>
    %gather3A_1260 = tpu.dynamic_gather %add3A_1251[%gather3A_1259] in [0] : vector<16xf32>, vector<16xi32> -> vector<16xf32>
    %ge3A_1261 = arith.constant 4 : i32
    %ge3A_1262 = vector.broadcast %ge3A_1261 : i32 to vector<16xi32>
    %ge3A_1263 = arith.cmpi sge, %iota3A, %ge3A_1262 : vector<16xi32>
    %jit3A_1264 = arith.constant 0.000000e+00 : f32
    %broadcast_in_dim3A_1265 = vector.broadcast %jit3A_1264 : f32 to vector<16xf32>
    %select_n3A_1266 = arith.select %ge3A_1263, %gather3A_1260, %broadcast_in_dim3A_1265 : vector<16xi1>, vector<16xf32>
    %add3A_1267 = arith.addf %add3A_1251, %select_n3A_1266 : vector<16xf32>
    %sub3A_1268 = arith.constant 8 : i32
    %sub3A_1269 = vector.broadcast %sub3A_1268 : i32 to vector<16xi32>
    %sub3A_1270 = arith.subi %iota3A, %sub3A_1269 : vector<16xi32>
    %max3A_1271 = arith.constant 0 : i32
    %max3A_1272 = vector.broadcast %max3A_1271 : i32 to vector<16xi32>
    %max3A_1273 = arith.maxsi %sub3A_1270, %max3A_1272 : vector<16xi32>
    %broadcast_in_dim3A_1274 = vector.shape_cast %max3A_1273 : vector<16xi32> to vector<16x1xi32>
    %gather3A_1275 = vector.shape_cast %broadcast_in_dim3A_1274 : vector<16x1xi32> to vector<16xi32>
    %gather3A_1276 = tpu.dynamic_gather %add3A_1267[%gather3A_1275] in [0] : vector<16xf32>, vector<16xi32> -> vector<16xf32>
    %ge3A_1277 = arith.constant 8 : i32
    %ge3A_1278 = vector.broadcast %ge3A_1277 : i32 to vector<16xi32>
    %ge3A_1279 = arith.cmpi sge, %iota3A, %ge3A_1278 : vector<16xi32>
    %jit3A_1280 = arith.constant 0.000000e+00 : f32
    %broadcast_in_dim3A_1281 = vector.broadcast %jit3A_1280 : f32 to vector<16xf32>
    %select_n3A_1282 = arith.select %ge3A_1279, %gather3A_1276, %broadcast_in_dim3A_1281 : vector<16xi1>, vector<16xf32>
    %add3A_1283 = arith.addf %add3A_1267, %select_n3A_1282 : vector<16xf32>
    %swap3A_1284 = arith.constant 208 : index
    %swap3A_1285 = tpu.vector_load %arg9[%swap3A_1284] {strides = array<i32>} : memref<256xf32, #tpu.memory_space<vmem>>, vector<16xf32>,
    tpu.vector_store %arg9[%swap3A_1284], %add3A_1283 {strides = array<i32>} : memref<256xf32, #tpu.memory_space<vmem>>, vector<16xf32>,
    %get3A_1286 = arith.constant 224 : index
    %get3A_1287 = tpu.vector_load %arg10[%get3A_1286] {strides = array<i32>} : memref<256xi32, #tpu.memory_space<vmem>>, vector<16xi32>,
    %and3A_1288 = arith.constant -65536 : i32
    %and3A_1289 = vector.broadcast %and3A_1288 : i32 to vector<16xi32>
    %and3A_1290 = arith.andi %get3A_1287, %and3A_1289 : vector<16xi32>
    %bitcast3A_1291 = vector.bitcast %and3A_1290 : vector<16xi32> to vector<16xf32>
    %sub3A_1292 = arith.constant 1 : i32
    %sub3A_1293 = vector.broadcast %sub3A_1292 : i32 to vector<16xi32>
    %sub3A_1294 = arith.subi %iota3A, %sub3A_1293 : vector<16xi32>
    %max3A_1295 = arith.constant 0 : i32
    %max3A_1296 = vector.broadcast %max3A_1295 : i32 to vector<16xi32>
    %max3A_1297 = arith.maxsi %sub3A_1294, %max3A_1296 : vector<16xi32>
    %broadcast_in_dim3A_1298 = vector.shape_cast %max3A_1297 : vector<16xi32> to vector<16x1xi32>
    %gather3A_1299 = vector.shape_cast %broadcast_in_dim3A_1298 : vector<16x1xi32> to vector<16xi32>
    %gather3A_1300 = tpu.dynamic_gather %bitcast3A_1291[%gather3A_1299] in [0] : vector<16xf32>, vector<16xi32> -> vector<16xf32>
    %ge3A_1301 = arith.constant 1 : i32
    %ge3A_1302 = vector.broadcast %ge3A_1301 : i32 to vector<16xi32>
    %ge3A_1303 = arith.cmpi sge, %iota3A, %ge3A_1302 : vector<16xi32>
    %jit3A_1304 = arith.constant 0.000000e+00 : f32
    %broadcast_in_dim3A_1305 = vector.broadcast %jit3A_1304 : f32 to vector<16xf32>
    %select_n3A_1306 = arith.select %ge3A_1303, %gather3A_1300, %broadcast_in_dim3A_1305 : vector<16xi1>, vector<16xf32>
    %add3A_1307 = arith.addf %bitcast3A_1291, %select_n3A_1306 : vector<16xf32>
    %sub3A_1308 = arith.constant 2 : i32
    %sub3A_1309 = vector.broadcast %sub3A_1308 : i32 to vector<16xi32>
    %sub3A_1310 = arith.subi %iota3A, %sub3A_1309 : vector<16xi32>
    %max3A_1311 = arith.constant 0 : i32
    %max3A_1312 = vector.broadcast %max3A_1311 : i32 to vector<16xi32>
    %max3A_1313 = arith.maxsi %sub3A_1310, %max3A_1312 : vector<16xi32>
    %broadcast_in_dim3A_1314 = vector.shape_cast %max3A_1313 : vector<16xi32> to vector<16x1xi32>
    %gather3A_1315 = vector.shape_cast %broadcast_in_dim3A_1314 : vector<16x1xi32> to vector<16xi32>
    %gather3A_1316 = tpu.dynamic_gather %add3A_1307[%gather3A_1315] in [0] : vector<16xf32>, vector<16xi32> -> vector<16xf32>
    %ge3A_1317 = arith.constant 2 : i32
    %ge3A_1318 = vector.broadcast %ge3A_1317 : i32 to vector<16xi32>
    %ge3A_1319 = arith.cmpi sge, %iota3A, %ge3A_1318 : vector<16xi32>
    %jit3A_1320 = arith.constant 0.000000e+00 : f32
    %broadcast_in_dim3A_1321 = vector.broadcast %jit3A_1320 : f32 to vector<16xf32>
    %select_n3A_1322 = arith.select %ge3A_1319, %gather3A_1316, %broadcast_in_dim3A_1321 : vector<16xi1>, vector<16xf32>
    %add3A_1323 = arith.addf %add3A_1307, %select_n3A_1322 : vector<16xf32>
    %sub3A_1324 = arith.constant 4 : i32
    %sub3A_1325 = vector.broadcast %sub3A_1324 : i32 to vector<16xi32>
    %sub3A_1326 = arith.subi %iota3A, %sub3A_1325 : vector<16xi32>
    %max3A_1327 = arith.constant 0 : i32
    %max3A_1328 = vector.broadcast %max3A_1327 : i32 to vector<16xi32>
    %max3A_1329 = arith.maxsi %sub3A_1326, %max3A_1328 : vector<16xi32>
    %broadcast_in_dim3A_1330 = vector.shape_cast %max3A_1329 : vector<16xi32> to vector<16x1xi32>
    %gather3A_1331 = vector.shape_cast %broadcast_in_dim3A_1330 : vector<16x1xi32> to vector<16xi32>
    %gather3A_1332 = tpu.dynamic_gather %add3A_1323[%gather3A_1331] in [0] : vector<16xf32>, vector<16xi32> -> vector<16xf32>
    %ge3A_1333 = arith.constant 4 : i32
    %ge3A_1334 = vector.broadcast %ge3A_1333 : i32 to vector<16xi32>
    %ge3A_1335 = arith.cmpi sge, %iota3A, %ge3A_1334 : vector<16xi32>
    %jit3A_1336 = arith.constant 0.000000e+00 : f32
    %broadcast_in_dim3A_1337 = vector.broadcast %jit3A_1336 : f32 to vector<16xf32>
    %select_n3A_1338 = arith.select %ge3A_1335, %gather3A_1332, %broadcast_in_dim3A_1337 : vector<16xi1>, vector<16xf32>
    %add3A_1339 = arith.addf %add3A_1323, %select_n3A_1338 : vector<16xf32>
    %sub3A_1340 = arith.constant 8 : i32
    %sub3A_1341 = vector.broadcast %sub3A_1340 : i32 to vector<16xi32>
    %sub3A_1342 = arith.subi %iota3A, %sub3A_1341 : vector<16xi32>
    %max3A_1343 = arith.constant 0 : i32
    %max3A_1344 = vector.broadcast %max3A_1343 : i32 to vector<16xi32>
    %max3A_1345 = arith.maxsi %sub3A_1342, %max3A_1344 : vector<16xi32>
    %broadcast_in_dim3A_1346 = vector.shape_cast %max3A_1345 : vector<16xi32> to vector<16x1xi32>
    %gather3A_1347 = vector.shape_cast %broadcast_in_dim3A_1346 : vector<16x1xi32> to vector<16xi32>
    %gather3A_1348 = tpu.dynamic_gather %add3A_1339[%gather3A_1347] in [0] : vector<16xf32>, vector<16xi32> -> vector<16xf32>
    %ge3A_1349 = arith.constant 8 : i32
    %ge3A_1350 = vector.broadcast %ge3A_1349 : i32 to vector<16xi32>
    %ge3A_1351 = arith.cmpi sge, %iota3A, %ge3A_1350 : vector<16xi32>
    %jit3A_1352 = arith.constant 0.000000e+00 : f32
    %broadcast_in_dim3A_1353 = vector.broadcast %jit3A_1352 : f32 to vector<16xf32>
    %select_n3A_1354 = arith.select %ge3A_1351, %gather3A_1348, %broadcast_in_dim3A_1353 : vector<16xi1>, vector<16xf32>
    %add3A_1355 = arith.addf %add3A_1339, %select_n3A_1354 : vector<16xf32>
    %swap3A_1356 = arith.constant 224 : index
    %swap3A_1357 = tpu.vector_load %arg9[%swap3A_1356] {strides = array<i32>} : memref<256xf32, #tpu.memory_space<vmem>>, vector<16xf32>,
    tpu.vector_store %arg9[%swap3A_1356], %add3A_1355 {strides = array<i32>} : memref<256xf32, #tpu.memory_space<vmem>>, vector<16xf32>,
    %get3A_1358 = arith.constant 240 : index
    %get3A_1359 = tpu.vector_load %arg10[%get3A_1358] {strides = array<i32>} : memref<256xi32, #tpu.memory_space<vmem>>, vector<16xi32>,
    %and3A_1360 = arith.constant -65536 : i32
    %and3A_1361 = vector.broadcast %and3A_1360 : i32 to vector<16xi32>
    %and3A_1362 = arith.andi %get3A_1359, %and3A_1361 : vector<16xi32>
    %bitcast3A_1363 = vector.bitcast %and3A_1362 : vector<16xi32> to vector<16xf32>
    %sub3A_1364 = arith.constant 1 : i32
    %sub3A_1365 = vector.broadcast %sub3A_1364 : i32 to vector<16xi32>
    %sub3A_1366 = arith.subi %iota3A, %sub3A_1365 : vector<16xi32>
    %max3A_1367 = arith.constant 0 : i32
    %max3A_1368 = vector.broadcast %max3A_1367 : i32 to vector<16xi32>
    %max3A_1369 = arith.maxsi %sub3A_1366, %max3A_1368 : vector<16xi32>
    %broadcast_in_dim3A_1370 = vector.shape_cast %max3A_1369 : vector<16xi32> to vector<16x1xi32>
    %gather3A_1371 = vector.shape_cast %broadcast_in_dim3A_1370 : vector<16x1xi32> to vector<16xi32>
    %gather3A_1372 = tpu.dynamic_gather %bitcast3A_1363[%gather3A_1371] in [0] : vector<16xf32>, vector<16xi32> -> vector<16xf32>
    %ge3A_1373 = arith.constant 1 : i32
    %ge3A_1374 = vector.broadcast %ge3A_1373 : i32 to vector<16xi32>
    %ge3A_1375 = arith.cmpi sge, %iota3A, %ge3A_1374 : vector<16xi32>
    %jit3A_1376 = arith.constant 0.000000e+00 : f32
    %broadcast_in_dim3A_1377 = vector.broadcast %jit3A_1376 : f32 to vector<16xf32>
    %select_n3A_1378 = arith.select %ge3A_1375, %gather3A_1372, %broadcast_in_dim3A_1377 : vector<16xi1>, vector<16xf32>
    %add3A_1379 = arith.addf %bitcast3A_1363, %select_n3A_1378 : vector<16xf32>
    %sub3A_1380 = arith.constant 2 : i32
    %sub3A_1381 = vector.broadcast %sub3A_1380 : i32 to vector<16xi32>
    %sub3A_1382 = arith.subi %iota3A, %sub3A_1381 : vector<16xi32>
    %max3A_1383 = arith.constant 0 : i32
    %max3A_1384 = vector.broadcast %max3A_1383 : i32 to vector<16xi32>
    %max3A_1385 = arith.maxsi %sub3A_1382, %max3A_1384 : vector<16xi32>
    %broadcast_in_dim3A_1386 = vector.shape_cast %max3A_1385 : vector<16xi32> to vector<16x1xi32>
    %gather3A_1387 = vector.shape_cast %broadcast_in_dim3A_1386 : vector<16x1xi32> to vector<16xi32>
    %gather3A_1388 = tpu.dynamic_gather %add3A_1379[%gather3A_1387] in [0] : vector<16xf32>, vector<16xi32> -> vector<16xf32>
    %ge3A_1389 = arith.constant 2 : i32
    %ge3A_1390 = vector.broadcast %ge3A_1389 : i32 to vector<16xi32>
    %ge3A_1391 = arith.cmpi sge, %iota3A, %ge3A_1390 : vector<16xi32>
    %jit3A_1392 = arith.constant 0.000000e+00 : f32
    %broadcast_in_dim3A_1393 = vector.broadcast %jit3A_1392 : f32 to vector<16xf32>
    %select_n3A_1394 = arith.select %ge3A_1391, %gather3A_1388, %broadcast_in_dim3A_1393 : vector<16xi1>, vector<16xf32>
    %add3A_1395 = arith.addf %add3A_1379, %select_n3A_1394 : vector<16xf32>
    %sub3A_1396 = arith.constant 4 : i32
    %sub3A_1397 = vector.broadcast %sub3A_1396 : i32 to vector<16xi32>
    %sub3A_1398 = arith.subi %iota3A, %sub3A_1397 : vector<16xi32>
    %max3A_1399 = arith.constant 0 : i32
    %max3A_1400 = vector.broadcast %max3A_1399 : i32 to vector<16xi32>
    %max3A_1401 = arith.maxsi %sub3A_1398, %max3A_1400 : vector<16xi32>
    %broadcast_in_dim3A_1402 = vector.shape_cast %max3A_1401 : vector<16xi32> to vector<16x1xi32>
    %gather3A_1403 = vector.shape_cast %broadcast_in_dim3A_1402 : vector<16x1xi32> to vector<16xi32>
    %gather3A_1404 = tpu.dynamic_gather %add3A_1395[%gather3A_1403] in [0] : vector<16xf32>, vector<16xi32> -> vector<16xf32>
    %ge3A_1405 = arith.constant 4 : i32
    %ge3A_1406 = vector.broadcast %ge3A_1405 : i32 to vector<16xi32>
    %ge3A_1407 = arith.cmpi sge, %iota3A, %ge3A_1406 : vector<16xi32>
    %jit3A_1408 = arith.constant 0.000000e+00 : f32
    %broadcast_in_dim3A_1409 = vector.broadcast %jit3A_1408 : f32 to vector<16xf32>
    %select_n3A_1410 = arith.select %ge3A_1407, %gather3A_1404, %broadcast_in_dim3A_1409 : vector<16xi1>, vector<16xf32>
    %add3A_1411 = arith.addf %add3A_1395, %select_n3A_1410 : vector<16xf32>
    %sub3A_1412 = arith.constant 8 : i32
    %sub3A_1413 = vector.broadcast %sub3A_1412 : i32 to vector<16xi32>
    %sub3A_1414 = arith.subi %iota3A, %sub3A_1413 : vector<16xi32>
    %max3A_1415 = arith.constant 0 : i32
    %max3A_1416 = vector.broadcast %max3A_1415 : i32 to vector<16xi32>
    %max3A_1417 = arith.maxsi %sub3A_1414, %max3A_1416 : vector<16xi32>
    %broadcast_in_dim3A_1418 = vector.shape_cast %max3A_1417 : vector<16xi32> to vector<16x1xi32>
    %gather3A_1419 = vector.shape_cast %broadcast_in_dim3A_1418 : vector<16x1xi32> to vector<16xi32>
    %gather3A_1420 = tpu.dynamic_gather %add3A_1411[%gather3A_1419] in [0] : vector<16xf32>, vector<16xi32> -> vector<16xf32>
    %ge3A_1421 = arith.constant 8 : i32
    %ge3A_1422 = vector.broadcast %ge3A_1421 : i32 to vector<16xi32>
    %ge3A_1423 = arith.cmpi sge, %iota3A, %ge3A_1422 : vector<16xi32>
    %jit3A_1424 = arith.constant 0.000000e+00 : f32
    %broadcast_in_dim3A_1425 = vector.broadcast %jit3A_1424 : f32 to vector<16xf32>
    %select_n3A_1426 = arith.select %ge3A_1423, %gather3A_1420, %broadcast_in_dim3A_1425 : vector<16xi1>, vector<16xf32>
    %add3A_1427 = arith.addf %add3A_1411, %select_n3A_1426 : vector<16xf32>
    %swap3A_1428 = arith.constant 240 : index
    %swap3A_1429 = tpu.vector_load %arg9[%swap3A_1428] {strides = array<i32>} : memref<256xf32, #tpu.memory_space<vmem>>, vector<16xf32>,
    tpu.vector_store %arg9[%swap3A_1428], %add3A_1427 {strides = array<i32>} : memref<256xf32, #tpu.memory_space<vmem>>, vector<16xf32>,
    %mul3A_1430 = arith.constant 16 : i32
    %mul3A_1431 = vector.broadcast %mul3A_1430 : i32 to vector<16xi32>
    %mul3A_1432 = arith.muli %iota3A, %mul3A_1431 : vector<16xi32>
    %add3A_1433 = arith.constant 15 : i32
    %add3A_1434 = vector.broadcast %add3A_1433 : i32 to vector<16xi32>
    %add3A_1435 = arith.addi %mul3A_1432, %add3A_1434 : vector<16xi32>
    %gather3A_1436 = tpu.vector_load_idx %arg9[%add3A_1435] : memref<256xf32, #tpu.memory_space<vmem>>[vector<16xi32>], vector<16xf32>,
    %sub3A_1437 = arith.constant 1 : i32
    %sub3A_1438 = vector.broadcast %sub3A_1437 : i32 to vector<16xi32>
    %sub3A_1439 = arith.subi %iota3A, %sub3A_1438 : vector<16xi32>
    %max3A_1440 = arith.constant 0 : i32
    %max3A_1441 = vector.broadcast %max3A_1440 : i32 to vector<16xi32>
    %max3A_1442 = arith.maxsi %sub3A_1439, %max3A_1441 : vector<16xi32>
    %broadcast_in_dim3A_1443 = vector.shape_cast %max3A_1442 : vector<16xi32> to vector<16x1xi32>
    %gather3A_1444 = vector.shape_cast %broadcast_in_dim3A_1443 : vector<16x1xi32> to vector<16xi32>
    %gather3A_1445 = tpu.dynamic_gather %gather3A_1436[%gather3A_1444] in [0] : vector<16xf32>, vector<16xi32> -> vector<16xf32>
    %ge3A_1446 = arith.constant 1 : i32
    %ge3A_1447 = vector.broadcast %ge3A_1446 : i32 to vector<16xi32>
    %ge3A_1448 = arith.cmpi sge, %iota3A, %ge3A_1447 : vector<16xi32>
    %jit3A_1449 = arith.constant 0.000000e+00 : f32
    %broadcast_in_dim3A_1450 = vector.broadcast %jit3A_1449 : f32 to vector<16xf32>
    %select_n3A_1451 = arith.select %ge3A_1448, %gather3A_1445, %broadcast_in_dim3A_1450 : vector<16xi1>, vector<16xf32>
    %add3A_1452 = arith.addf %gather3A_1436, %select_n3A_1451 : vector<16xf32>
    %sub3A_1453 = arith.constant 2 : i32
    %sub3A_1454 = vector.broadcast %sub3A_1453 : i32 to vector<16xi32>
    %sub3A_1455 = arith.subi %iota3A, %sub3A_1454 : vector<16xi32>
    %max3A_1456 = arith.constant 0 : i32
    %max3A_1457 = vector.broadcast %max3A_1456 : i32 to vector<16xi32>
    %max3A_1458 = arith.maxsi %sub3A_1455, %max3A_1457 : vector<16xi32>
    %broadcast_in_dim3A_1459 = vector.shape_cast %max3A_1458 : vector<16xi32> to vector<16x1xi32>
    %gather3A_1460 = vector.shape_cast %broadcast_in_dim3A_1459 : vector<16x1xi32> to vector<16xi32>
    %gather3A_1461 = tpu.dynamic_gather %add3A_1452[%gather3A_1460] in [0] : vector<16xf32>, vector<16xi32> -> vector<16xf32>
    %ge3A_1462 = arith.constant 2 : i32
    %ge3A_1463 = vector.broadcast %ge3A_1462 : i32 to vector<16xi32>
    %ge3A_1464 = arith.cmpi sge, %iota3A, %ge3A_1463 : vector<16xi32>
    %jit3A_1465 = arith.constant 0.000000e+00 : f32
    %broadcast_in_dim3A_1466 = vector.broadcast %jit3A_1465 : f32 to vector<16xf32>
    %select_n3A_1467 = arith.select %ge3A_1464, %gather3A_1461, %broadcast_in_dim3A_1466 : vector<16xi1>, vector<16xf32>
    %add3A_1468 = arith.addf %add3A_1452, %select_n3A_1467 : vector<16xf32>
    %sub3A_1469 = arith.constant 4 : i32
    %sub3A_1470 = vector.broadcast %sub3A_1469 : i32 to vector<16xi32>
    %sub3A_1471 = arith.subi %iota3A, %sub3A_1470 : vector<16xi32>
    %max3A_1472 = arith.constant 0 : i32
    %max3A_1473 = vector.broadcast %max3A_1472 : i32 to vector<16xi32>
    %max3A_1474 = arith.maxsi %sub3A_1471, %max3A_1473 : vector<16xi32>
    %broadcast_in_dim3A_1475 = vector.shape_cast %max3A_1474 : vector<16xi32> to vector<16x1xi32>
    %gather3A_1476 = vector.shape_cast %broadcast_in_dim3A_1475 : vector<16x1xi32> to vector<16xi32>
    %gather3A_1477 = tpu.dynamic_gather %add3A_1468[%gather3A_1476] in [0] : vector<16xf32>, vector<16xi32> -> vector<16xf32>
    %ge3A_1478 = arith.constant 4 : i32
    %ge3A_1479 = vector.broadcast %ge3A_1478 : i32 to vector<16xi32>
    %ge3A_1480 = arith.cmpi sge, %iota3A, %ge3A_1479 : vector<16xi32>
    %jit3A_1481 = arith.constant 0.000000e+00 : f32
    %broadcast_in_dim3A_1482 = vector.broadcast %jit3A_1481 : f32 to vector<16xf32>
    %select_n3A_1483 = arith.select %ge3A_1480, %gather3A_1477, %broadcast_in_dim3A_1482 : vector<16xi1>, vector<16xf32>
    %add3A_1484 = arith.addf %add3A_1468, %select_n3A_1483 : vector<16xf32>
    %sub3A_1485 = arith.constant 8 : i32
    %sub3A_1486 = vector.broadcast %sub3A_1485 : i32 to vector<16xi32>
    %sub3A_1487 = arith.subi %iota3A, %sub3A_1486 : vector<16xi32>
    %max3A_1488 = arith.constant 0 : i32
    %max3A_1489 = vector.broadcast %max3A_1488 : i32 to vector<16xi32>
    %max3A_1490 = arith.maxsi %sub3A_1487, %max3A_1489 : vector<16xi32>
    %broadcast_in_dim3A_1491 = vector.shape_cast %max3A_1490 : vector<16xi32> to vector<16x1xi32>
    %gather3A_1492 = vector.shape_cast %broadcast_in_dim3A_1491 : vector<16x1xi32> to vector<16xi32>
    %gather3A_1493 = tpu.dynamic_gather %add3A_1484[%gather3A_1492] in [0] : vector<16xf32>, vector<16xi32> -> vector<16xf32>
    %ge3A_1494 = arith.constant 8 : i32
    %ge3A_1495 = vector.broadcast %ge3A_1494 : i32 to vector<16xi32>
    %ge3A_1496 = arith.cmpi sge, %iota3A, %ge3A_1495 : vector<16xi32>
    %jit3A_1497 = arith.constant 0.000000e+00 : f32
    %broadcast_in_dim3A_1498 = vector.broadcast %jit3A_1497 : f32 to vector<16xf32>
    %select_n3A_1499 = arith.select %ge3A_1496, %gather3A_1493, %broadcast_in_dim3A_1498 : vector<16xi1>, vector<16xf32>
    %add3A_1500 = arith.addf %add3A_1484, %select_n3A_1499 : vector<16xf32>
    %sub3A_1501 = arith.subf %add3A_1500, %gather3A_1436 : vector<16xf32>
    %broadcast_in_dim3A_1502 = arith.constant 15 : i32
    %broadcast_in_dim3A_1503 = vector.broadcast %broadcast_in_dim3A_1502 : i32 to vector<16xi32>
    %broadcast_in_dim3A_1504 = vector.shape_cast %broadcast_in_dim3A_1503 : vector<16xi32> to vector<16x1xi32>
    %gather3A_1505 = vector.shape_cast %broadcast_in_dim3A_1504 : vector<16x1xi32> to vector<16xi32>
    %gather3A_1506 = tpu.dynamic_gather %add3A_1500[%gather3A_1505] in [0] : vector<16xf32>, vector<16xi32> -> vector<16xf32>
    %broadcast_in_dim3A_1507 = arith.constant 0 : i32
    %broadcast_in_dim3A_1508 = vector.broadcast %broadcast_in_dim3A_1507 : i32 to vector<16xi32>
    %broadcast_in_dim3A_1509 = vector.shape_cast %broadcast_in_dim3A_1508 : vector<16xi32> to vector<16x1xi32>
    %gather3A_1510 = vector.shape_cast %broadcast_in_dim3A_1509 : vector<16x1xi32> to vector<16xi32>
    %gather3A_1511 = tpu.dynamic_gather %sub3A_1501[%gather3A_1510] in [0] : vector<16xf32>, vector<16xi32> -> vector<16xf32>
    %get3A_1512 = arith.constant 0 : index
    %get3A_1513 = tpu.vector_load %arg9[%get3A_1512] {strides = array<i32>} : memref<256xf32, #tpu.memory_space<vmem>>, vector<16xf32>,
    %add3A_1514 = arith.addf %get3A_1513, %gather3A_1511 : vector<16xf32>
    %swap3A_1515 = arith.constant 0 : index
    %swap3A_1516 = tpu.vector_load %arg9[%swap3A_1515] {strides = array<i32>} : memref<256xf32, #tpu.memory_space<vmem>>, vector<16xf32>,
    tpu.vector_store %arg9[%swap3A_1515], %add3A_1514 {strides = array<i32>} : memref<256xf32, #tpu.memory_space<vmem>>, vector<16xf32>,
    %broadcast_in_dim3A_1517 = arith.constant 1 : i32
    %broadcast_in_dim3A_1518 = vector.broadcast %broadcast_in_dim3A_1517 : i32 to vector<16xi32>
    %broadcast_in_dim3A_1519 = vector.shape_cast %broadcast_in_dim3A_1518 : vector<16xi32> to vector<16x1xi32>
    %gather3A_1520 = vector.shape_cast %broadcast_in_dim3A_1519 : vector<16x1xi32> to vector<16xi32>
    %gather3A_1521 = tpu.dynamic_gather %sub3A_1501[%gather3A_1520] in [0] : vector<16xf32>, vector<16xi32> -> vector<16xf32>
    %get3A_1522 = arith.constant 16 : index
    %get3A_1523 = tpu.vector_load %arg9[%get3A_1522] {strides = array<i32>} : memref<256xf32, #tpu.memory_space<vmem>>, vector<16xf32>,
    %add3A_1524 = arith.addf %get3A_1523, %gather3A_1521 : vector<16xf32>
    %swap3A_1525 = arith.constant 16 : index
    %swap3A_1526 = tpu.vector_load %arg9[%swap3A_1525] {strides = array<i32>} : memref<256xf32, #tpu.memory_space<vmem>>, vector<16xf32>,
    tpu.vector_store %arg9[%swap3A_1525], %add3A_1524 {strides = array<i32>} : memref<256xf32, #tpu.memory_space<vmem>>, vector<16xf32>,
    %broadcast_in_dim3A_1527 = arith.constant 2 : i32
    %broadcast_in_dim3A_1528 = vector.broadcast %broadcast_in_dim3A_1527 : i32 to vector<16xi32>
    %broadcast_in_dim3A_1529 = vector.shape_cast %broadcast_in_dim3A_1528 : vector<16xi32> to vector<16x1xi32>
    %gather3A_1530 = vector.shape_cast %broadcast_in_dim3A_1529 : vector<16x1xi32> to vector<16xi32>
    %gather3A_1531 = tpu.dynamic_gather %sub3A_1501[%gather3A_1530] in [0] : vector<16xf32>, vector<16xi32> -> vector<16xf32>
    %get3A_1532 = arith.constant 32 : index
    %get3A_1533 = tpu.vector_load %arg9[%get3A_1532] {strides = array<i32>} : memref<256xf32, #tpu.memory_space<vmem>>, vector<16xf32>,
    %add3A_1534 = arith.addf %get3A_1533, %gather3A_1531 : vector<16xf32>
    %swap3A_1535 = arith.constant 32 : index
    %swap3A_1536 = tpu.vector_load %arg9[%swap3A_1535] {strides = array<i32>} : memref<256xf32, #tpu.memory_space<vmem>>, vector<16xf32>,
    tpu.vector_store %arg9[%swap3A_1535], %add3A_1534 {strides = array<i32>} : memref<256xf32, #tpu.memory_space<vmem>>, vector<16xf32>,
    %broadcast_in_dim3A_1537 = arith.constant 3 : i32
    %broadcast_in_dim3A_1538 = vector.broadcast %broadcast_in_dim3A_1537 : i32 to vector<16xi32>
    %broadcast_in_dim3A_1539 = vector.shape_cast %broadcast_in_dim3A_1538 : vector<16xi32> to vector<16x1xi32>
    %gather3A_1540 = vector.shape_cast %broadcast_in_dim3A_1539 : vector<16x1xi32> to vector<16xi32>
    %gather3A_1541 = tpu.dynamic_gather %sub3A_1501[%gather3A_1540] in [0] : vector<16xf32>, vector<16xi32> -> vector<16xf32>
    %get3A_1542 = arith.constant 48 : index
    %get3A_1543 = tpu.vector_load %arg9[%get3A_1542] {strides = array<i32>} : memref<256xf32, #tpu.memory_space<vmem>>, vector<16xf32>,
    %add3A_1544 = arith.addf %get3A_1543, %gather3A_1541 : vector<16xf32>
    %swap3A_1545 = arith.constant 48 : index
    %swap3A_1546 = tpu.vector_load %arg9[%swap3A_1545] {strides = array<i32>} : memref<256xf32, #tpu.memory_space<vmem>>, vector<16xf32>,
    tpu.vector_store %arg9[%swap3A_1545], %add3A_1544 {strides = array<i32>} : memref<256xf32, #tpu.memory_space<vmem>>, vector<16xf32>,
    %broadcast_in_dim3A_1547 = arith.constant 4 : i32
    %broadcast_in_dim3A_1548 = vector.broadcast %broadcast_in_dim3A_1547 : i32 to vector<16xi32>
    %broadcast_in_dim3A_1549 = vector.shape_cast %broadcast_in_dim3A_1548 : vector<16xi32> to vector<16x1xi32>
    %gather3A_1550 = vector.shape_cast %broadcast_in_dim3A_1549 : vector<16x1xi32> to vector<16xi32>
    %gather3A_1551 = tpu.dynamic_gather %sub3A_1501[%gather3A_1550] in [0] : vector<16xf32>, vector<16xi32> -> vector<16xf32>
    %get3A_1552 = arith.constant 64 : index
    %get3A_1553 = tpu.vector_load %arg9[%get3A_1552] {strides = array<i32>} : memref<256xf32, #tpu.memory_space<vmem>>, vector<16xf32>,
    %add3A_1554 = arith.addf %get3A_1553, %gather3A_1551 : vector<16xf32>
    %swap3A_1555 = arith.constant 64 : index
    %swap3A_1556 = tpu.vector_load %arg9[%swap3A_1555] {strides = array<i32>} : memref<256xf32, #tpu.memory_space<vmem>>, vector<16xf32>,
    tpu.vector_store %arg9[%swap3A_1555], %add3A_1554 {strides = array<i32>} : memref<256xf32, #tpu.memory_space<vmem>>, vector<16xf32>,
    %broadcast_in_dim3A_1557 = arith.constant 5 : i32
    %broadcast_in_dim3A_1558 = vector.broadcast %broadcast_in_dim3A_1557 : i32 to vector<16xi32>
    %broadcast_in_dim3A_1559 = vector.shape_cast %broadcast_in_dim3A_1558 : vector<16xi32> to vector<16x1xi32>
    %gather3A_1560 = vector.shape_cast %broadcast_in_dim3A_1559 : vector<16x1xi32> to vector<16xi32>
    %gather3A_1561 = tpu.dynamic_gather %sub3A_1501[%gather3A_1560] in [0] : vector<16xf32>, vector<16xi32> -> vector<16xf32>
    %get3A_1562 = arith.constant 80 : index
    %get3A_1563 = tpu.vector_load %arg9[%get3A_1562] {strides = array<i32>} : memref<256xf32, #tpu.memory_space<vmem>>, vector<16xf32>,
    %add3A_1564 = arith.addf %get3A_1563, %gather3A_1561 : vector<16xf32>
    %swap3A_1565 = arith.constant 80 : index
    %swap3A_1566 = tpu.vector_load %arg9[%swap3A_1565] {strides = array<i32>} : memref<256xf32, #tpu.memory_space<vmem>>, vector<16xf32>,
    tpu.vector_store %arg9[%swap3A_1565], %add3A_1564 {strides = array<i32>} : memref<256xf32, #tpu.memory_space<vmem>>, vector<16xf32>,
    %broadcast_in_dim3A_1567 = arith.constant 6 : i32
    %broadcast_in_dim3A_1568 = vector.broadcast %broadcast_in_dim3A_1567 : i32 to vector<16xi32>
    %broadcast_in_dim3A_1569 = vector.shape_cast %broadcast_in_dim3A_1568 : vector<16xi32> to vector<16x1xi32>
    %gather3A_1570 = vector.shape_cast %broadcast_in_dim3A_1569 : vector<16x1xi32> to vector<16xi32>
    %gather3A_1571 = tpu.dynamic_gather %sub3A_1501[%gather3A_1570] in [0] : vector<16xf32>, vector<16xi32> -> vector<16xf32>
    %get3A_1572 = arith.constant 96 : index
    %get3A_1573 = tpu.vector_load %arg9[%get3A_1572] {strides = array<i32>} : memref<256xf32, #tpu.memory_space<vmem>>, vector<16xf32>,
    %add3A_1574 = arith.addf %get3A_1573, %gather3A_1571 : vector<16xf32>
    %swap3A_1575 = arith.constant 96 : index
    %swap3A_1576 = tpu.vector_load %arg9[%swap3A_1575] {strides = array<i32>} : memref<256xf32, #tpu.memory_space<vmem>>, vector<16xf32>,
    tpu.vector_store %arg9[%swap3A_1575], %add3A_1574 {strides = array<i32>} : memref<256xf32, #tpu.memory_space<vmem>>, vector<16xf32>,
    %broadcast_in_dim3A_1577 = arith.constant 7 : i32
    %broadcast_in_dim3A_1578 = vector.broadcast %broadcast_in_dim3A_1577 : i32 to vector<16xi32>
    %broadcast_in_dim3A_1579 = vector.shape_cast %broadcast_in_dim3A_1578 : vector<16xi32> to vector<16x1xi32>
    %gather3A_1580 = vector.shape_cast %broadcast_in_dim3A_1579 : vector<16x1xi32> to vector<16xi32>
    %gather3A_1581 = tpu.dynamic_gather %sub3A_1501[%gather3A_1580] in [0] : vector<16xf32>, vector<16xi32> -> vector<16xf32>
    %get3A_1582 = arith.constant 112 : index
    %get3A_1583 = tpu.vector_load %arg9[%get3A_1582] {strides = array<i32>} : memref<256xf32, #tpu.memory_space<vmem>>, vector<16xf32>,
    %add3A_1584 = arith.addf %get3A_1583, %gather3A_1581 : vector<16xf32>
    %swap3A_1585 = arith.constant 112 : index
    %swap3A_1586 = tpu.vector_load %arg9[%swap3A_1585] {strides = array<i32>} : memref<256xf32, #tpu.memory_space<vmem>>, vector<16xf32>,
    tpu.vector_store %arg9[%swap3A_1585], %add3A_1584 {strides = array<i32>} : memref<256xf32, #tpu.memory_space<vmem>>, vector<16xf32>,
    %broadcast_in_dim3A_1587 = arith.constant 8 : i32
    %broadcast_in_dim3A_1588 = vector.broadcast %broadcast_in_dim3A_1587 : i32 to vector<16xi32>
    %broadcast_in_dim3A_1589 = vector.shape_cast %broadcast_in_dim3A_1588 : vector<16xi32> to vector<16x1xi32>
    %gather3A_1590 = vector.shape_cast %broadcast_in_dim3A_1589 : vector<16x1xi32> to vector<16xi32>
    %gather3A_1591 = tpu.dynamic_gather %sub3A_1501[%gather3A_1590] in [0] : vector<16xf32>, vector<16xi32> -> vector<16xf32>
    %get3A_1592 = arith.constant 128 : index
    %get3A_1593 = tpu.vector_load %arg9[%get3A_1592] {strides = array<i32>} : memref<256xf32, #tpu.memory_space<vmem>>, vector<16xf32>,
    %add3A_1594 = arith.addf %get3A_1593, %gather3A_1591 : vector<16xf32>
    %swap3A_1595 = arith.constant 128 : index
    %swap3A_1596 = tpu.vector_load %arg9[%swap3A_1595] {strides = array<i32>} : memref<256xf32, #tpu.memory_space<vmem>>, vector<16xf32>,
    tpu.vector_store %arg9[%swap3A_1595], %add3A_1594 {strides = array<i32>} : memref<256xf32, #tpu.memory_space<vmem>>, vector<16xf32>,
    %broadcast_in_dim3A_1597 = arith.constant 9 : i32
    %broadcast_in_dim3A_1598 = vector.broadcast %broadcast_in_dim3A_1597 : i32 to vector<16xi32>
    %broadcast_in_dim3A_1599 = vector.shape_cast %broadcast_in_dim3A_1598 : vector<16xi32> to vector<16x1xi32>
    %gather3A_1600 = vector.shape_cast %broadcast_in_dim3A_1599 : vector<16x1xi32> to vector<16xi32>
    %gather3A_1601 = tpu.dynamic_gather %sub3A_1501[%gather3A_1600] in [0] : vector<16xf32>, vector<16xi32> -> vector<16xf32>
    %get3A_1602 = arith.constant 144 : index
    %get3A_1603 = tpu.vector_load %arg9[%get3A_1602] {strides = array<i32>} : memref<256xf32, #tpu.memory_space<vmem>>, vector<16xf32>,
    %add3A_1604 = arith.addf %get3A_1603, %gather3A_1601 : vector<16xf32>
    %swap3A_1605 = arith.constant 144 : index
    %swap3A_1606 = tpu.vector_load %arg9[%swap3A_1605] {strides = array<i32>} : memref<256xf32, #tpu.memory_space<vmem>>, vector<16xf32>,
    tpu.vector_store %arg9[%swap3A_1605], %add3A_1604 {strides = array<i32>} : memref<256xf32, #tpu.memory_space<vmem>>, vector<16xf32>,
    %broadcast_in_dim3A_1607 = arith.constant 10 : i32
    %broadcast_in_dim3A_1608 = vector.broadcast %broadcast_in_dim3A_1607 : i32 to vector<16xi32>
    %broadcast_in_dim3A_1609 = vector.shape_cast %broadcast_in_dim3A_1608 : vector<16xi32> to vector<16x1xi32>
    %gather3A_1610 = vector.shape_cast %broadcast_in_dim3A_1609 : vector<16x1xi32> to vector<16xi32>
    %gather3A_1611 = tpu.dynamic_gather %sub3A_1501[%gather3A_1610] in [0] : vector<16xf32>, vector<16xi32> -> vector<16xf32>
    %get3A_1612 = arith.constant 160 : index
    %get3A_1613 = tpu.vector_load %arg9[%get3A_1612] {strides = array<i32>} : memref<256xf32, #tpu.memory_space<vmem>>, vector<16xf32>,
    %add3A_1614 = arith.addf %get3A_1613, %gather3A_1611 : vector<16xf32>
    %swap3A_1615 = arith.constant 160 : index
    %swap3A_1616 = tpu.vector_load %arg9[%swap3A_1615] {strides = array<i32>} : memref<256xf32, #tpu.memory_space<vmem>>, vector<16xf32>,
    tpu.vector_store %arg9[%swap3A_1615], %add3A_1614 {strides = array<i32>} : memref<256xf32, #tpu.memory_space<vmem>>, vector<16xf32>,
    %broadcast_in_dim3A_1617 = arith.constant 11 : i32
    %broadcast_in_dim3A_1618 = vector.broadcast %broadcast_in_dim3A_1617 : i32 to vector<16xi32>
    %broadcast_in_dim3A_1619 = vector.shape_cast %broadcast_in_dim3A_1618 : vector<16xi32> to vector<16x1xi32>
    %gather3A_1620 = vector.shape_cast %broadcast_in_dim3A_1619 : vector<16x1xi32> to vector<16xi32>
    %gather3A_1621 = tpu.dynamic_gather %sub3A_1501[%gather3A_1620] in [0] : vector<16xf32>, vector<16xi32> -> vector<16xf32>
    %get3A_1622 = arith.constant 176 : index
    %get3A_1623 = tpu.vector_load %arg9[%get3A_1622] {strides = array<i32>} : memref<256xf32, #tpu.memory_space<vmem>>, vector<16xf32>,
    %add3A_1624 = arith.addf %get3A_1623, %gather3A_1621 : vector<16xf32>
    %swap3A_1625 = arith.constant 176 : index
    %swap3A_1626 = tpu.vector_load %arg9[%swap3A_1625] {strides = array<i32>} : memref<256xf32, #tpu.memory_space<vmem>>, vector<16xf32>,
    tpu.vector_store %arg9[%swap3A_1625], %add3A_1624 {strides = array<i32>} : memref<256xf32, #tpu.memory_space<vmem>>, vector<16xf32>,
    %broadcast_in_dim3A_1627 = arith.constant 12 : i32
    %broadcast_in_dim3A_1628 = vector.broadcast %broadcast_in_dim3A_1627 : i32 to vector<16xi32>
    %broadcast_in_dim3A_1629 = vector.shape_cast %broadcast_in_dim3A_1628 : vector<16xi32> to vector<16x1xi32>
    %gather3A_1630 = vector.shape_cast %broadcast_in_dim3A_1629 : vector<16x1xi32> to vector<16xi32>
    %gather3A_1631 = tpu.dynamic_gather %sub3A_1501[%gather3A_1630] in [0] : vector<16xf32>, vector<16xi32> -> vector<16xf32>
    %get3A_1632 = arith.constant 192 : index
    %get3A_1633 = tpu.vector_load %arg9[%get3A_1632] {strides = array<i32>} : memref<256xf32, #tpu.memory_space<vmem>>, vector<16xf32>,
    %add3A_1634 = arith.addf %get3A_1633, %gather3A_1631 : vector<16xf32>
    %swap3A_1635 = arith.constant 192 : index
    %swap3A_1636 = tpu.vector_load %arg9[%swap3A_1635] {strides = array<i32>} : memref<256xf32, #tpu.memory_space<vmem>>, vector<16xf32>,
    tpu.vector_store %arg9[%swap3A_1635], %add3A_1634 {strides = array<i32>} : memref<256xf32, #tpu.memory_space<vmem>>, vector<16xf32>,
    %broadcast_in_dim3A_1637 = arith.constant 13 : i32
    %broadcast_in_dim3A_1638 = vector.broadcast %broadcast_in_dim3A_1637 : i32 to vector<16xi32>
    %broadcast_in_dim3A_1639 = vector.shape_cast %broadcast_in_dim3A_1638 : vector<16xi32> to vector<16x1xi32>
    %gather3A_1640 = vector.shape_cast %broadcast_in_dim3A_1639 : vector<16x1xi32> to vector<16xi32>
    %gather3A_1641 = tpu.dynamic_gather %sub3A_1501[%gather3A_1640] in [0] : vector<16xf32>, vector<16xi32> -> vector<16xf32>
    %get3A_1642 = arith.constant 208 : index
    %get3A_1643 = tpu.vector_load %arg9[%get3A_1642] {strides = array<i32>} : memref<256xf32, #tpu.memory_space<vmem>>, vector<16xf32>,
    %add3A_1644 = arith.addf %get3A_1643, %gather3A_1641 : vector<16xf32>
    %swap3A_1645 = arith.constant 208 : index
    %swap3A_1646 = tpu.vector_load %arg9[%swap3A_1645] {strides = array<i32>} : memref<256xf32, #tpu.memory_space<vmem>>, vector<16xf32>,
    tpu.vector_store %arg9[%swap3A_1645], %add3A_1644 {strides = array<i32>} : memref<256xf32, #tpu.memory_space<vmem>>, vector<16xf32>,
    %broadcast_in_dim3A_1647 = arith.constant 14 : i32
    %broadcast_in_dim3A_1648 = vector.broadcast %broadcast_in_dim3A_1647 : i32 to vector<16xi32>
    %broadcast_in_dim3A_1649 = vector.shape_cast %broadcast_in_dim3A_1648 : vector<16xi32> to vector<16x1xi32>
    %gather3A_1650 = vector.shape_cast %broadcast_in_dim3A_1649 : vector<16x1xi32> to vector<16xi32>
    %gather3A_1651 = tpu.dynamic_gather %sub3A_1501[%gather3A_1650] in [0] : vector<16xf32>, vector<16xi32> -> vector<16xf32>
    %get3A_1652 = arith.constant 224 : index
    %get3A_1653 = tpu.vector_load %arg9[%get3A_1652] {strides = array<i32>} : memref<256xf32, #tpu.memory_space<vmem>>, vector<16xf32>,
    %add3A_1654 = arith.addf %get3A_1653, %gather3A_1651 : vector<16xf32>
    %swap3A_1655 = arith.constant 224 : index
    %swap3A_1656 = tpu.vector_load %arg9[%swap3A_1655] {strides = array<i32>} : memref<256xf32, #tpu.memory_space<vmem>>, vector<16xf32>,
    tpu.vector_store %arg9[%swap3A_1655], %add3A_1654 {strides = array<i32>} : memref<256xf32, #tpu.memory_space<vmem>>, vector<16xf32>,
    %broadcast_in_dim3A_1657 = arith.constant 15 : i32
    %broadcast_in_dim3A_1658 = vector.broadcast %broadcast_in_dim3A_1657 : i32 to vector<16xi32>
    %broadcast_in_dim3A_1659 = vector.shape_cast %broadcast_in_dim3A_1658 : vector<16xi32> to vector<16x1xi32>
    %gather3A_1660 = vector.shape_cast %broadcast_in_dim3A_1659 : vector<16x1xi32> to vector<16xi32>
    %gather3A_1661 = tpu.dynamic_gather %sub3A_1501[%gather3A_1660] in [0] : vector<16xf32>, vector<16xi32> -> vector<16xf32>
    %get3A_1662 = arith.constant 240 : index
    %get3A_1663 = tpu.vector_load %arg9[%get3A_1662] {strides = array<i32>} : memref<256xf32, #tpu.memory_space<vmem>>, vector<16xf32>,
    %add3A_1664 = arith.addf %get3A_1663, %gather3A_1661 : vector<16xf32>
    %swap3A_1665 = arith.constant 240 : index
    %swap3A_1666 = tpu.vector_load %arg9[%swap3A_1665] {strides = array<i32>} : memref<256xf32, #tpu.memory_space<vmem>>, vector<16xf32>,
    tpu.vector_store %arg9[%swap3A_1665], %add3A_1664 {strides = array<i32>} : memref<256xf32, #tpu.memory_space<vmem>>, vector<16xf32>,
    "tpu.trace_stop"() : () -> ()
    %dma_wait3A_1667 = tpu.memref_slice %arg3[%mul3A_11] : memref<16384xf32, #tpu.memory_space<hbm>> -> memref<512xf32, #tpu.memory_space<hbm>>
    %dma_wait3A_1668 = tpu.memref_slice %arg3[%mul3A_11] : memref<16384xf32, #tpu.memory_space<hbm>> -> memref<512xf32, #tpu.memory_space<hbm>>
    tpu.wait_dma2 semaphore(%arg15 : memref<!tpu.dma_semaphore, #tpu.memory_space<semaphore_mem>>) src(%dma_wait3A_1668 : memref<512xf32, #tpu.memory_space<hbm>>) dst(%arg7 : memref<512xf32, #tpu.memory_space<vmem>>)
    %parallel_loop3A_1669 = arith.constant 0 : i32
    %parallel_loop3A_1670 = arith.constant 32 : i32
    %parallel_loop3A_1671 = arith.constant 1 : i32
    "tpu.trace_start"() <{level = 10 : i32, message = "phase_l12"}> : () -> ()
    scf.for %parallel_loop3A_1677 = %parallel_loop3A_1669 to %parallel_loop3A_1670 step %parallel_loop3A_1671  : i32 {
      %parallel_loop3A_1678 = arith.constant 16 : i32
      %parallel_loop3A_1679 = arith.muli %parallel_loop3A_1677, %parallel_loop3A_1678 : i32
      %parallel_loop3A_1680 = arith.index_cast %parallel_loop3A_1679 : i32 to index
      %parallel_loop3A_1681 = tpu.vector_load %arg7[%parallel_loop3A_1680] {strides = array<i32>} : memref<512xf32, #tpu.memory_space<vmem>>, vector<16xf32>,
      %parallel_loop3A_1682 = arith.mulf %parallel_loop3A_1681, %gather3A_1506 : vector<16xf32>
      %parallel_loop3A_1683 = arith.constant 0 : i32
      %parallel_loop3A_1684 = vector.broadcast %parallel_loop3A_1683 : i32 to vector<16xi32>
      %parallel_loop3A_1685 = arith.constant 127 : i32
      %parallel_loop3A_1686 = vector.broadcast %parallel_loop3A_1685 : i32 to vector<16xi32>
      %parallel_loop3A_1687 = arith.addi %parallel_loop3A_1684, %parallel_loop3A_1686 : vector<16xi32>
      %parallel_loop3A_1688 = tpu.vector_load_idx %arg9[%parallel_loop3A_1687] : memref<256xf32, #tpu.memory_space<vmem>>[vector<16xi32>], vector<16xf32>,
      %parallel_loop3A_1689 = arith.cmpf olt, %parallel_loop3A_1688, %parallel_loop3A_1682 : vector<16xf32>
      %parallel_loop3A_1690 = arith.constant 128 : i32
      %parallel_loop3A_1691 = arith.constant 0 : i32
      %parallel_loop3A_1692 = vector.broadcast %parallel_loop3A_1690 : i32 to vector<16xi32>
      %parallel_loop3A_1693 = vector.broadcast %parallel_loop3A_1691 : i32 to vector<16xi32>
      %parallel_loop3A_1694 = arith.select %parallel_loop3A_1689, %parallel_loop3A_1692, %parallel_loop3A_1693 : vector<16xi1>, vector<16xi32>
      %parallel_loop3A_1695 = arith.addi %parallel_loop3A_1684, %parallel_loop3A_1694 : vector<16xi32>
      %parallel_loop3A_1696 = arith.constant 63 : i32
      %parallel_loop3A_1697 = vector.broadcast %parallel_loop3A_1696 : i32 to vector<16xi32>
      %parallel_loop3A_1698 = arith.addi %parallel_loop3A_1695, %parallel_loop3A_1697 : vector<16xi32>
      %parallel_loop3A_1699 = tpu.vector_load_idx %arg9[%parallel_loop3A_1698] : memref<256xf32, #tpu.memory_space<vmem>>[vector<16xi32>], vector<16xf32>,
      %parallel_loop3A_1700 = arith.cmpf olt, %parallel_loop3A_1699, %parallel_loop3A_1682 : vector<16xf32>
      %parallel_loop3A_1701 = arith.constant 64 : i32
      %parallel_loop3A_1702 = arith.constant 0 : i32
      %parallel_loop3A_1703 = vector.broadcast %parallel_loop3A_1701 : i32 to vector<16xi32>
      %parallel_loop3A_1704 = vector.broadcast %parallel_loop3A_1702 : i32 to vector<16xi32>
      %parallel_loop3A_1705 = arith.select %parallel_loop3A_1700, %parallel_loop3A_1703, %parallel_loop3A_1704 : vector<16xi1>, vector<16xi32>
      %parallel_loop3A_1706 = arith.addi %parallel_loop3A_1695, %parallel_loop3A_1705 : vector<16xi32>
      %parallel_loop3A_1707 = arith.constant 31 : i32
      %parallel_loop3A_1708 = vector.broadcast %parallel_loop3A_1707 : i32 to vector<16xi32>
      %parallel_loop3A_1709 = arith.addi %parallel_loop3A_1706, %parallel_loop3A_1708 : vector<16xi32>
      %parallel_loop3A_1710 = tpu.vector_load_idx %arg9[%parallel_loop3A_1709] : memref<256xf32, #tpu.memory_space<vmem>>[vector<16xi32>], vector<16xf32>,
      %parallel_loop3A_1711 = arith.cmpf olt, %parallel_loop3A_1710, %parallel_loop3A_1682 : vector<16xf32>
      %parallel_loop3A_1712 = arith.constant 32 : i32
      %parallel_loop3A_1713 = arith.constant 0 : i32
      %parallel_loop3A_1714 = vector.broadcast %parallel_loop3A_1712 : i32 to vector<16xi32>
      %parallel_loop3A_1715 = vector.broadcast %parallel_loop3A_1713 : i32 to vector<16xi32>
      %parallel_loop3A_1716 = arith.select %parallel_loop3A_1711, %parallel_loop3A_1714, %parallel_loop3A_1715 : vector<16xi1>, vector<16xi32>
      %parallel_loop3A_1717 = arith.addi %parallel_loop3A_1706, %parallel_loop3A_1716 : vector<16xi32>
      %parallel_loop3A_1718 = arith.constant 15 : i32
      %parallel_loop3A_1719 = vector.broadcast %parallel_loop3A_1718 : i32 to vector<16xi32>
      %parallel_loop3A_1720 = arith.addi %parallel_loop3A_1717, %parallel_loop3A_1719 : vector<16xi32>
      %parallel_loop3A_1721 = tpu.vector_load_idx %arg9[%parallel_loop3A_1720] : memref<256xf32, #tpu.memory_space<vmem>>[vector<16xi32>], vector<16xf32>,
      %parallel_loop3A_1722 = arith.cmpf olt, %parallel_loop3A_1721, %parallel_loop3A_1682 : vector<16xf32>
      %parallel_loop3A_1723 = arith.constant 16 : i32
      %parallel_loop3A_1724 = arith.constant 0 : i32
      %parallel_loop3A_1725 = vector.broadcast %parallel_loop3A_1723 : i32 to vector<16xi32>
      %parallel_loop3A_1726 = vector.broadcast %parallel_loop3A_1724 : i32 to vector<16xi32>
      %parallel_loop3A_1727 = arith.select %parallel_loop3A_1722, %parallel_loop3A_1725, %parallel_loop3A_1726 : vector<16xi1>, vector<16xi32>
      %parallel_loop3A_1728 = arith.addi %parallel_loop3A_1717, %parallel_loop3A_1727 : vector<16xi32>
      %parallel_loop3A_1729 = arith.constant 7 : i32
      %parallel_loop3A_1730 = vector.broadcast %parallel_loop3A_1729 : i32 to vector<16xi32>
      %parallel_loop3A_1731 = arith.addi %parallel_loop3A_1728, %parallel_loop3A_1730 : vector<16xi32>
      %parallel_loop3A_1732 = tpu.vector_load_idx %arg9[%parallel_loop3A_1731] : memref<256xf32, #tpu.memory_space<vmem>>[vector<16xi32>], vector<16xf32>,
      %parallel_loop3A_1733 = arith.cmpf olt, %parallel_loop3A_1732, %parallel_loop3A_1682 : vector<16xf32>
      %parallel_loop3A_1734 = arith.constant 8 : i32
      %parallel_loop3A_1735 = arith.constant 0 : i32
      %parallel_loop3A_1736 = vector.broadcast %parallel_loop3A_1734 : i32 to vector<16xi32>
      %parallel_loop3A_1737 = vector.broadcast %parallel_loop3A_1735 : i32 to vector<16xi32>
      %parallel_loop3A_1738 = arith.select %parallel_loop3A_1733, %parallel_loop3A_1736, %parallel_loop3A_1737 : vector<16xi1>, vector<16xi32>
      %parallel_loop3A_1739 = arith.addi %parallel_loop3A_1728, %parallel_loop3A_1738 : vector<16xi32>
      %parallel_loop3A_1740 = arith.constant 3 : i32
      %parallel_loop3A_1741 = vector.broadcast %parallel_loop3A_1740 : i32 to vector<16xi32>
      %parallel_loop3A_1742 = arith.addi %parallel_loop3A_1739, %parallel_loop3A_1741 : vector<16xi32>
      %parallel_loop3A_1743 = tpu.vector_load_idx %arg9[%parallel_loop3A_1742] : memref<256xf32, #tpu.memory_space<vmem>>[vector<16xi32>], vector<16xf32>,
      %parallel_loop3A_1744 = arith.cmpf olt, %parallel_loop3A_1743, %parallel_loop3A_1682 : vector<16xf32>
      %parallel_loop3A_1745 = arith.constant 4 : i32
      %parallel_loop3A_1746 = arith.constant 0 : i32
      %parallel_loop3A_1747 = vector.broadcast %parallel_loop3A_1745 : i32 to vector<16xi32>
      %parallel_loop3A_1748 = vector.broadcast %parallel_loop3A_1746 : i32 to vector<16xi32>
      %parallel_loop3A_1749 = arith.select %parallel_loop3A_1744, %parallel_loop3A_1747, %parallel_loop3A_1748 : vector<16xi1>, vector<16xi32>
      %parallel_loop3A_1750 = arith.addi %parallel_loop3A_1739, %parallel_loop3A_1749 : vector<16xi32>
      %parallel_loop3A_1751 = arith.constant 1 : i32
      %parallel_loop3A_1752 = vector.broadcast %parallel_loop3A_1751 : i32 to vector<16xi32>
      %parallel_loop3A_1753 = arith.addi %parallel_loop3A_1750, %parallel_loop3A_1752 : vector<16xi32>
      %parallel_loop3A_1754 = tpu.vector_load_idx %arg9[%parallel_loop3A_1753] : memref<256xf32, #tpu.memory_space<vmem>>[vector<16xi32>], vector<16xf32>,
      %parallel_loop3A_1755 = arith.cmpf olt, %parallel_loop3A_1754, %parallel_loop3A_1682 : vector<16xf32>
      %parallel_loop3A_1756 = arith.constant 2 : i32
      %parallel_loop3A_1757 = arith.constant 0 : i32
      %parallel_loop3A_1758 = vector.broadcast %parallel_loop3A_1756 : i32 to vector<16xi32>
      %parallel_loop3A_1759 = vector.broadcast %parallel_loop3A_1757 : i32 to vector<16xi32>
      %parallel_loop3A_1760 = arith.select %parallel_loop3A_1755, %parallel_loop3A_1758, %parallel_loop3A_1759 : vector<16xi1>, vector<16xi32>
      %parallel_loop3A_1761 = arith.addi %parallel_loop3A_1750, %parallel_loop3A_1760 : vector<16xi32>
      %parallel_loop3A_1762 = arith.constant 0 : i32
      %parallel_loop3A_1763 = vector.broadcast %parallel_loop3A_1762 : i32 to vector<16xi32>
      %parallel_loop3A_1764 = arith.addi %parallel_loop3A_1761, %parallel_loop3A_1763 : vector<16xi32>
      %parallel_loop3A_1765 = tpu.vector_load_idx %arg9[%parallel_loop3A_1764] : memref<256xf32, #tpu.memory_space<vmem>>[vector<16xi32>], vector<16xf32>,
      %parallel_loop3A_1766 = arith.cmpf olt, %parallel_loop3A_1765, %parallel_loop3A_1682 : vector<16xf32>
      %parallel_loop3A_1767 = arith.constant 1 : i32
      %parallel_loop3A_1768 = arith.constant 0 : i32
      %parallel_loop3A_1769 = vector.broadcast %parallel_loop3A_1767 : i32 to vector<16xi32>
      %parallel_loop3A_1770 = vector.broadcast %parallel_loop3A_1768 : i32 to vector<16xi32>
      %parallel_loop3A_1771 = arith.select %parallel_loop3A_1766, %parallel_loop3A_1769, %parallel_loop3A_1770 : vector<16xi1>, vector<16xi32>
      %parallel_loop3A_1772 = arith.addi %parallel_loop3A_1761, %parallel_loop3A_1771 : vector<16xi32>
      %parallel_loop3A_1773 = arith.constant 255 : i32
      %parallel_loop3A_1774 = vector.broadcast %parallel_loop3A_1773 : i32 to vector<16xi32>
      %parallel_loop3A_1775 = arith.minsi %parallel_loop3A_1772, %parallel_loop3A_1774 : vector<16xi32>
      %parallel_loop3A_1776 = arith.constant 1 : i32
      %parallel_loop3A_1777 = vector.broadcast %parallel_loop3A_1776 : i32 to vector<16xi32>
      %parallel_loop3A_1778 = arith.subi %parallel_loop3A_1775, %parallel_loop3A_1777 : vector<16xi32>
      %parallel_loop3A_1779 = arith.constant 0 : i32
      %parallel_loop3A_1780 = vector.broadcast %parallel_loop3A_1779 : i32 to vector<16xi32>
      %parallel_loop3A_1781 = arith.maxsi %parallel_loop3A_1778, %parallel_loop3A_1780 : vector<16xi32>
      %parallel_loop3A_1782 = tpu.vector_load_idx %arg9[%parallel_loop3A_1781] : memref<256xf32, #tpu.memory_space<vmem>>[vector<16xi32>], vector<16xf32>,
      %parallel_loop3A_1783 = arith.constant 0 : i32
      %parallel_loop3A_1784 = vector.broadcast %parallel_loop3A_1783 : i32 to vector<16xi32>
      %parallel_loop3A_1785 = arith.cmpi sgt, %parallel_loop3A_1775, %parallel_loop3A_1784 : vector<16xi32>
      %parallel_loop3A_1786 = arith.constant 0.000000e+00 : f32
      %parallel_loop3A_1787 = vector.broadcast %parallel_loop3A_1786 : f32 to vector<16xf32>
      %parallel_loop3A_1788 = arith.select %parallel_loop3A_1785, %parallel_loop3A_1782, %parallel_loop3A_1787 : vector<16xi1>, vector<16xf32>
      %parallel_loop3A_1789 = arith.subf %parallel_loop3A_1682, %parallel_loop3A_1788 : vector<16xf32>
      %parallel_loop3A_1790 = arith.constant 16 : i32
      %parallel_loop3A_1791 = arith.muli %parallel_loop3A_1677, %parallel_loop3A_1790 : i32
      %parallel_loop3A_1792 = arith.index_cast %parallel_loop3A_1791 : i32 to index
      %parallel_loop3A_1793 = tpu.vector_load %arg12[%parallel_loop3A_1792] {strides = array<i32>} : memref<512xf32, #tpu.memory_space<vmem>>, vector<16xf32>,
      tpu.vector_store %arg12[%parallel_loop3A_1792], %parallel_loop3A_1789 {strides = array<i32>} : memref<512xf32, #tpu.memory_space<vmem>>, vector<16xf32>,
      %parallel_loop3A_1794 = arith.constant 16 : i32
      %parallel_loop3A_1795 = arith.muli %parallel_loop3A_1677, %parallel_loop3A_1794 : i32
      %parallel_loop3A_1796 = arith.index_cast %parallel_loop3A_1795 : i32 to index
      %parallel_loop3A_1797 = tpu.vector_load %arg11[%parallel_loop3A_1796] {strides = array<i32>} : memref<512xi32, #tpu.memory_space<vmem>>, vector<16xi32>,
      tpu.vector_store %arg11[%parallel_loop3A_1796], %parallel_loop3A_1775 {strides = array<i32>} : memref<512xi32, #tpu.memory_space<vmem>>, vector<16xi32>,
    } {sc.loop_unroll_factor = 1 : i64, sc.parallel_access}
    "tpu.trace_stop"() : () -> ()
    tpu.wait_dma2 semaphore(%arg14 : memref<!tpu.dma_semaphore, #tpu.memory_space<semaphore_mem>>) src(%arg13 : memref<50176xi32, #tpu.memory_space<vmem_shared>>) dst(%arg5 : memref<50176xi32, #tpu.memory_space<vmem>>)
    %parallel_loop3A_1672 = arith.constant 0 : i32
    %parallel_loop3A_1673 = arith.constant 32 : i32
    %parallel_loop3A_1674 = arith.constant 1 : i32
    "tpu.trace_start"() <{level = 10 : i32, message = "phase_l3"}> : () -> ()
    scf.for %parallel_loop3A_1677 = %parallel_loop3A_1672 to %parallel_loop3A_1673 step %parallel_loop3A_1674  : i32 {
      %parallel_loop3A_1678 = arith.constant 16 : i32
      %parallel_loop3A_1679 = arith.muli %parallel_loop3A_1677, %parallel_loop3A_1678 : i32
      %parallel_loop3A_1680 = arith.index_cast %parallel_loop3A_1679 : i32 to index
      %parallel_loop3A_1681 = tpu.vector_load %arg11[%parallel_loop3A_1680] {strides = array<i32>} : memref<512xi32, #tpu.memory_space<vmem>>, vector<16xi32>,
      %parallel_loop3A_1682 = arith.constant 16 : i32
      %parallel_loop3A_1683 = arith.muli %parallel_loop3A_1677, %parallel_loop3A_1682 : i32
      %parallel_loop3A_1684 = arith.index_cast %parallel_loop3A_1683 : i32 to index
      %parallel_loop3A_1685 = tpu.vector_load %arg12[%parallel_loop3A_1684] {strides = array<i32>} : memref<512xf32, #tpu.memory_space<vmem>>, vector<16xf32>,
      %parallel_loop3A_1686 = arith.constant 4 : i32
      %parallel_loop3A_1687 = vector.broadcast %parallel_loop3A_1686 : i32 to vector<16xi32>
      %parallel_loop3A_1688 = arith.shrsi %parallel_loop3A_1681, %parallel_loop3A_1687 : vector<16xi32>
      %parallel_loop3A_1689 = arith.constant 3136 : i32
      %parallel_loop3A_1690 = vector.broadcast %parallel_loop3A_1689 : i32 to vector<16xi32>
      %parallel_loop3A_1691 = arith.muli %parallel_loop3A_1688, %parallel_loop3A_1690 : vector<16xi32>
      %parallel_loop3A_1692 = arith.constant 15 : i32
      %parallel_loop3A_1693 = vector.broadcast %parallel_loop3A_1692 : i32 to vector<16xi32>
      %parallel_loop3A_1694 = arith.andi %parallel_loop3A_1681, %parallel_loop3A_1693 : vector<16xi32>
      %parallel_loop3A_1695 = arith.addi %parallel_loop3A_1691, %parallel_loop3A_1694 : vector<16xi32>
      %parallel_loop3A_1696 = arith.constant 0 : i32
      %parallel_loop3A_1697 = vector.broadcast %parallel_loop3A_1696 : i32 to vector<16xi32>
      %parallel_loop3A_1698 = arith.constant 255 : i32
      %parallel_loop3A_1699 = vector.broadcast %parallel_loop3A_1698 : i32 to vector<16xi32>
      %parallel_loop3A_1700 = arith.addi %parallel_loop3A_1697, %parallel_loop3A_1699 : vector<16xi32>
      %parallel_loop3A_1701 = arith.constant 391 : i32
      %parallel_loop3A_1702 = vector.broadcast %parallel_loop3A_1701 : i32 to vector<16xi32>
      %parallel_loop3A_1703 = arith.minsi %parallel_loop3A_1700, %parallel_loop3A_1702 : vector<16xi32>
      %parallel_loop3A_1704 = arith.constant 1 : i32
      %parallel_loop3A_1705 = vector.broadcast %parallel_loop3A_1704 : i32 to vector<16xi32>
      %parallel_loop3A_1706 = arith.shrsi %parallel_loop3A_1703, %parallel_loop3A_1705 : vector<16xi32>
      %parallel_loop3A_1707 = arith.constant 4 : i32
      %parallel_loop3A_1708 = vector.broadcast %parallel_loop3A_1707 : i32 to vector<16xi32>
      %parallel_loop3A_1709 = arith.shli %parallel_loop3A_1706, %parallel_loop3A_1708 : vector<16xi32>
      %parallel_loop3A_1710 = arith.addi %parallel_loop3A_1695, %parallel_loop3A_1709 : vector<16xi32>
      %parallel_loop3A_1711 = tpu.vector_load_idx %arg5[%parallel_loop3A_1710] : memref<50176xi32, #tpu.memory_space<vmem>>[vector<16xi32>], vector<16xi32>,
      %parallel_loop3A_1712 = arith.constant 1 : i32
      %parallel_loop3A_1713 = vector.broadcast %parallel_loop3A_1712 : i32 to vector<16xi32>
      %parallel_loop3A_1714 = arith.andi %parallel_loop3A_1703, %parallel_loop3A_1713 : vector<16xi32>
      %parallel_loop3A_1715 = arith.constant 1 : i32
      %parallel_loop3A_1716 = vector.broadcast %parallel_loop3A_1715 : i32 to vector<16xi32>
      %parallel_loop3A_1717 = arith.cmpi eq, %parallel_loop3A_1714, %parallel_loop3A_1716 : vector<16xi32>
      %parallel_loop3A_1718 = arith.constant -65536 : i32
      %parallel_loop3A_1719 = vector.broadcast %parallel_loop3A_1718 : i32 to vector<16xi32>
      %parallel_loop3A_1720 = arith.andi %parallel_loop3A_1711, %parallel_loop3A_1719 : vector<16xi32>
      %parallel_loop3A_1721 = arith.constant 16 : i32
      %parallel_loop3A_1722 = vector.broadcast %parallel_loop3A_1721 : i32 to vector<16xi32>
      %parallel_loop3A_1723 = arith.shli %parallel_loop3A_1711, %parallel_loop3A_1722 : vector<16xi32>
      %parallel_loop3A_1724 = arith.select %parallel_loop3A_1717, %parallel_loop3A_1720, %parallel_loop3A_1723 : vector<16xi1>, vector<16xi32>
      %parallel_loop3A_1725 = vector.bitcast %parallel_loop3A_1724 : vector<16xi32> to vector<16xf32>
      %parallel_loop3A_1726 = arith.cmpf olt, %parallel_loop3A_1725, %parallel_loop3A_1685 : vector<16xf32>
      %parallel_loop3A_1727 = arith.constant 256 : i32
      %parallel_loop3A_1728 = arith.constant 0 : i32
      %parallel_loop3A_1729 = vector.broadcast %parallel_loop3A_1727 : i32 to vector<16xi32>
      %parallel_loop3A_1730 = vector.broadcast %parallel_loop3A_1728 : i32 to vector<16xi32>
      %parallel_loop3A_1731 = arith.select %parallel_loop3A_1726, %parallel_loop3A_1729, %parallel_loop3A_1730 : vector<16xi1>, vector<16xi32>
      %parallel_loop3A_1732 = arith.addi %parallel_loop3A_1697, %parallel_loop3A_1731 : vector<16xi32>
      %parallel_loop3A_1733 = arith.constant 127 : i32
      %parallel_loop3A_1734 = vector.broadcast %parallel_loop3A_1733 : i32 to vector<16xi32>
      %parallel_loop3A_1735 = arith.addi %parallel_loop3A_1732, %parallel_loop3A_1734 : vector<16xi32>
      %parallel_loop3A_1736 = arith.constant 391 : i32
      %parallel_loop3A_1737 = vector.broadcast %parallel_loop3A_1736 : i32 to vector<16xi32>
      %parallel_loop3A_1738 = arith.minsi %parallel_loop3A_1735, %parallel_loop3A_1737 : vector<16xi32>
      %parallel_loop3A_1739 = arith.constant 1 : i32
      %parallel_loop3A_1740 = vector.broadcast %parallel_loop3A_1739 : i32 to vector<16xi32>
      %parallel_loop3A_1741 = arith.shrsi %parallel_loop3A_1738, %parallel_loop3A_1740 : vector<16xi32>
      %parallel_loop3A_1742 = arith.constant 4 : i32
      %parallel_loop3A_1743 = vector.broadcast %parallel_loop3A_1742 : i32 to vector<16xi32>
      %parallel_loop3A_1744 = arith.shli %parallel_loop3A_1741, %parallel_loop3A_1743 : vector<16xi32>
      %parallel_loop3A_1745 = arith.addi %parallel_loop3A_1695, %parallel_loop3A_1744 : vector<16xi32>
      %parallel_loop3A_1746 = tpu.vector_load_idx %arg5[%parallel_loop3A_1745] : memref<50176xi32, #tpu.memory_space<vmem>>[vector<16xi32>], vector<16xi32>,
      %parallel_loop3A_1747 = arith.constant 1 : i32
      %parallel_loop3A_1748 = vector.broadcast %parallel_loop3A_1747 : i32 to vector<16xi32>
      %parallel_loop3A_1749 = arith.andi %parallel_loop3A_1738, %parallel_loop3A_1748 : vector<16xi32>
      %parallel_loop3A_1750 = arith.constant 1 : i32
      %parallel_loop3A_1751 = vector.broadcast %parallel_loop3A_1750 : i32 to vector<16xi32>
      %parallel_loop3A_1752 = arith.cmpi eq, %parallel_loop3A_1749, %parallel_loop3A_1751 : vector<16xi32>
      %parallel_loop3A_1753 = arith.constant -65536 : i32
      %parallel_loop3A_1754 = vector.broadcast %parallel_loop3A_1753 : i32 to vector<16xi32>
      %parallel_loop3A_1755 = arith.andi %parallel_loop3A_1746, %parallel_loop3A_1754 : vector<16xi32>
      %parallel_loop3A_1756 = arith.constant 16 : i32
      %parallel_loop3A_1757 = vector.broadcast %parallel_loop3A_1756 : i32 to vector<16xi32>
      %parallel_loop3A_1758 = arith.shli %parallel_loop3A_1746, %parallel_loop3A_1757 : vector<16xi32>
      %parallel_loop3A_1759 = arith.select %parallel_loop3A_1752, %parallel_loop3A_1755, %parallel_loop3A_1758 : vector<16xi1>, vector<16xi32>
      %parallel_loop3A_1760 = vector.bitcast %parallel_loop3A_1759 : vector<16xi32> to vector<16xf32>
      %parallel_loop3A_1761 = arith.cmpf olt, %parallel_loop3A_1760, %parallel_loop3A_1685 : vector<16xf32>
      %parallel_loop3A_1762 = arith.constant 128 : i32
      %parallel_loop3A_1763 = arith.constant 0 : i32
      %parallel_loop3A_1764 = vector.broadcast %parallel_loop3A_1762 : i32 to vector<16xi32>
      %parallel_loop3A_1765 = vector.broadcast %parallel_loop3A_1763 : i32 to vector<16xi32>
      %parallel_loop3A_1766 = arith.select %parallel_loop3A_1761, %parallel_loop3A_1764, %parallel_loop3A_1765 : vector<16xi1>, vector<16xi32>
      %parallel_loop3A_1767 = arith.addi %parallel_loop3A_1732, %parallel_loop3A_1766 : vector<16xi32>
      %parallel_loop3A_1768 = arith.constant 63 : i32
      %parallel_loop3A_1769 = vector.broadcast %parallel_loop3A_1768 : i32 to vector<16xi32>
      %parallel_loop3A_1770 = arith.addi %parallel_loop3A_1767, %parallel_loop3A_1769 : vector<16xi32>
      %parallel_loop3A_1771 = arith.constant 391 : i32
      %parallel_loop3A_1772 = vector.broadcast %parallel_loop3A_1771 : i32 to vector<16xi32>
      %parallel_loop3A_1773 = arith.minsi %parallel_loop3A_1770, %parallel_loop3A_1772 : vector<16xi32>
      %parallel_loop3A_1774 = arith.constant 1 : i32
      %parallel_loop3A_1775 = vector.broadcast %parallel_loop3A_1774 : i32 to vector<16xi32>
      %parallel_loop3A_1776 = arith.shrsi %parallel_loop3A_1773, %parallel_loop3A_1775 : vector<16xi32>
      %parallel_loop3A_1777 = arith.constant 4 : i32
      %parallel_loop3A_1778 = vector.broadcast %parallel_loop3A_1777 : i32 to vector<16xi32>
      %parallel_loop3A_1779 = arith.shli %parallel_loop3A_1776, %parallel_loop3A_1778 : vector<16xi32>
      %parallel_loop3A_1780 = arith.addi %parallel_loop3A_1695, %parallel_loop3A_1779 : vector<16xi32>
      %parallel_loop3A_1781 = tpu.vector_load_idx %arg5[%parallel_loop3A_1780] : memref<50176xi32, #tpu.memory_space<vmem>>[vector<16xi32>], vector<16xi32>,
      %parallel_loop3A_1782 = arith.constant 1 : i32
      %parallel_loop3A_1783 = vector.broadcast %parallel_loop3A_1782 : i32 to vector<16xi32>
      %parallel_loop3A_1784 = arith.andi %parallel_loop3A_1773, %parallel_loop3A_1783 : vector<16xi32>
      %parallel_loop3A_1785 = arith.constant 1 : i32
      %parallel_loop3A_1786 = vector.broadcast %parallel_loop3A_1785 : i32 to vector<16xi32>
      %parallel_loop3A_1787 = arith.cmpi eq, %parallel_loop3A_1784, %parallel_loop3A_1786 : vector<16xi32>
      %parallel_loop3A_1788 = arith.constant -65536 : i32
      %parallel_loop3A_1789 = vector.broadcast %parallel_loop3A_1788 : i32 to vector<16xi32>
      %parallel_loop3A_1790 = arith.andi %parallel_loop3A_1781, %parallel_loop3A_1789 : vector<16xi32>
      %parallel_loop3A_1791 = arith.constant 16 : i32
      %parallel_loop3A_1792 = vector.broadcast %parallel_loop3A_1791 : i32 to vector<16xi32>
      %parallel_loop3A_1793 = arith.shli %parallel_loop3A_1781, %parallel_loop3A_1792 : vector<16xi32>
      %parallel_loop3A_1794 = arith.select %parallel_loop3A_1787, %parallel_loop3A_1790, %parallel_loop3A_1793 : vector<16xi1>, vector<16xi32>
      %parallel_loop3A_1795 = vector.bitcast %parallel_loop3A_1794 : vector<16xi32> to vector<16xf32>
      %parallel_loop3A_1796 = arith.cmpf olt, %parallel_loop3A_1795, %parallel_loop3A_1685 : vector<16xf32>
      %parallel_loop3A_1797 = arith.constant 64 : i32
      %parallel_loop3A_1798 = arith.constant 0 : i32
      %parallel_loop3A_1799 = vector.broadcast %parallel_loop3A_1797 : i32 to vector<16xi32>
      %parallel_loop3A_1800 = vector.broadcast %parallel_loop3A_1798 : i32 to vector<16xi32>
      %parallel_loop3A_1801 = arith.select %parallel_loop3A_1796, %parallel_loop3A_1799, %parallel_loop3A_1800 : vector<16xi1>, vector<16xi32>
      %parallel_loop3A_1802 = arith.addi %parallel_loop3A_1767, %parallel_loop3A_1801 : vector<16xi32>
      %parallel_loop3A_1803 = arith.constant 31 : i32
      %parallel_loop3A_1804 = vector.broadcast %parallel_loop3A_1803 : i32 to vector<16xi32>
      %parallel_loop3A_1805 = arith.addi %parallel_loop3A_1802, %parallel_loop3A_1804 : vector<16xi32>
      %parallel_loop3A_1806 = arith.constant 391 : i32
      %parallel_loop3A_1807 = vector.broadcast %parallel_loop3A_1806 : i32 to vector<16xi32>
      %parallel_loop3A_1808 = arith.minsi %parallel_loop3A_1805, %parallel_loop3A_1807 : vector<16xi32>
      %parallel_loop3A_1809 = arith.constant 1 : i32
      %parallel_loop3A_1810 = vector.broadcast %parallel_loop3A_1809 : i32 to vector<16xi32>
      %parallel_loop3A_1811 = arith.shrsi %parallel_loop3A_1808, %parallel_loop3A_1810 : vector<16xi32>
      %parallel_loop3A_1812 = arith.constant 4 : i32
      %parallel_loop3A_1813 = vector.broadcast %parallel_loop3A_1812 : i32 to vector<16xi32>
      %parallel_loop3A_1814 = arith.shli %parallel_loop3A_1811, %parallel_loop3A_1813 : vector<16xi32>
      %parallel_loop3A_1815 = arith.addi %parallel_loop3A_1695, %parallel_loop3A_1814 : vector<16xi32>
      %parallel_loop3A_1816 = tpu.vector_load_idx %arg5[%parallel_loop3A_1815] : memref<50176xi32, #tpu.memory_space<vmem>>[vector<16xi32>], vector<16xi32>,
      %parallel_loop3A_1817 = arith.constant 1 : i32
      %parallel_loop3A_1818 = vector.broadcast %parallel_loop3A_1817 : i32 to vector<16xi32>
      %parallel_loop3A_1819 = arith.andi %parallel_loop3A_1808, %parallel_loop3A_1818 : vector<16xi32>
      %parallel_loop3A_1820 = arith.constant 1 : i32
      %parallel_loop3A_1821 = vector.broadcast %parallel_loop3A_1820 : i32 to vector<16xi32>
      %parallel_loop3A_1822 = arith.cmpi eq, %parallel_loop3A_1819, %parallel_loop3A_1821 : vector<16xi32>
      %parallel_loop3A_1823 = arith.constant -65536 : i32
      %parallel_loop3A_1824 = vector.broadcast %parallel_loop3A_1823 : i32 to vector<16xi32>
      %parallel_loop3A_1825 = arith.andi %parallel_loop3A_1816, %parallel_loop3A_1824 : vector<16xi32>
      %parallel_loop3A_1826 = arith.constant 16 : i32
      %parallel_loop3A_1827 = vector.broadcast %parallel_loop3A_1826 : i32 to vector<16xi32>
      %parallel_loop3A_1828 = arith.shli %parallel_loop3A_1816, %parallel_loop3A_1827 : vector<16xi32>
      %parallel_loop3A_1829 = arith.select %parallel_loop3A_1822, %parallel_loop3A_1825, %parallel_loop3A_1828 : vector<16xi1>, vector<16xi32>
      %parallel_loop3A_1830 = vector.bitcast %parallel_loop3A_1829 : vector<16xi32> to vector<16xf32>
      %parallel_loop3A_1831 = arith.cmpf olt, %parallel_loop3A_1830, %parallel_loop3A_1685 : vector<16xf32>
      %parallel_loop3A_1832 = arith.constant 32 : i32
      %parallel_loop3A_1833 = arith.constant 0 : i32
      %parallel_loop3A_1834 = vector.broadcast %parallel_loop3A_1832 : i32 to vector<16xi32>
      %parallel_loop3A_1835 = vector.broadcast %parallel_loop3A_1833 : i32 to vector<16xi32>
      %parallel_loop3A_1836 = arith.select %parallel_loop3A_1831, %parallel_loop3A_1834, %parallel_loop3A_1835 : vector<16xi1>, vector<16xi32>
      %parallel_loop3A_1837 = arith.addi %parallel_loop3A_1802, %parallel_loop3A_1836 : vector<16xi32>
      %parallel_loop3A_1838 = arith.constant 15 : i32
      %parallel_loop3A_1839 = vector.broadcast %parallel_loop3A_1838 : i32 to vector<16xi32>
      %parallel_loop3A_1840 = arith.addi %parallel_loop3A_1837, %parallel_loop3A_1839 : vector<16xi32>
      %parallel_loop3A_1841 = arith.constant 391 : i32
      %parallel_loop3A_1842 = vector.broadcast %parallel_loop3A_1841 : i32 to vector<16xi32>
      %parallel_loop3A_1843 = arith.minsi %parallel_loop3A_1840, %parallel_loop3A_1842 : vector<16xi32>
      %parallel_loop3A_1844 = arith.constant 1 : i32
      %parallel_loop3A_1845 = vector.broadcast %parallel_loop3A_1844 : i32 to vector<16xi32>
      %parallel_loop3A_1846 = arith.shrsi %parallel_loop3A_1843, %parallel_loop3A_1845 : vector<16xi32>
      %parallel_loop3A_1847 = arith.constant 4 : i32
      %parallel_loop3A_1848 = vector.broadcast %parallel_loop3A_1847 : i32 to vector<16xi32>
      %parallel_loop3A_1849 = arith.shli %parallel_loop3A_1846, %parallel_loop3A_1848 : vector<16xi32>
      %parallel_loop3A_1850 = arith.addi %parallel_loop3A_1695, %parallel_loop3A_1849 : vector<16xi32>
      %parallel_loop3A_1851 = tpu.vector_load_idx %arg5[%parallel_loop3A_1850] : memref<50176xi32, #tpu.memory_space<vmem>>[vector<16xi32>], vector<16xi32>,
      %parallel_loop3A_1852 = arith.constant 1 : i32
      %parallel_loop3A_1853 = vector.broadcast %parallel_loop3A_1852 : i32 to vector<16xi32>
      %parallel_loop3A_1854 = arith.andi %parallel_loop3A_1843, %parallel_loop3A_1853 : vector<16xi32>
      %parallel_loop3A_1855 = arith.constant 1 : i32
      %parallel_loop3A_1856 = vector.broadcast %parallel_loop3A_1855 : i32 to vector<16xi32>
      %parallel_loop3A_1857 = arith.cmpi eq, %parallel_loop3A_1854, %parallel_loop3A_1856 : vector<16xi32>
      %parallel_loop3A_1858 = arith.constant -65536 : i32
      %parallel_loop3A_1859 = vector.broadcast %parallel_loop3A_1858 : i32 to vector<16xi32>
      %parallel_loop3A_1860 = arith.andi %parallel_loop3A_1851, %parallel_loop3A_1859 : vector<16xi32>
      %parallel_loop3A_1861 = arith.constant 16 : i32
      %parallel_loop3A_1862 = vector.broadcast %parallel_loop3A_1861 : i32 to vector<16xi32>
      %parallel_loop3A_1863 = arith.shli %parallel_loop3A_1851, %parallel_loop3A_1862 : vector<16xi32>
      %parallel_loop3A_1864 = arith.select %parallel_loop3A_1857, %parallel_loop3A_1860, %parallel_loop3A_1863 : vector<16xi1>, vector<16xi32>
      %parallel_loop3A_1865 = vector.bitcast %parallel_loop3A_1864 : vector<16xi32> to vector<16xf32>
      %parallel_loop3A_1866 = arith.cmpf olt, %parallel_loop3A_1865, %parallel_loop3A_1685 : vector<16xf32>
      %parallel_loop3A_1867 = arith.constant 16 : i32
      %parallel_loop3A_1868 = arith.constant 0 : i32
      %parallel_loop3A_1869 = vector.broadcast %parallel_loop3A_1867 : i32 to vector<16xi32>
      %parallel_loop3A_1870 = vector.broadcast %parallel_loop3A_1868 : i32 to vector<16xi32>
      %parallel_loop3A_1871 = arith.select %parallel_loop3A_1866, %parallel_loop3A_1869, %parallel_loop3A_1870 : vector<16xi1>, vector<16xi32>
      %parallel_loop3A_1872 = arith.addi %parallel_loop3A_1837, %parallel_loop3A_1871 : vector<16xi32>
      %parallel_loop3A_1873 = arith.constant 7 : i32
      %parallel_loop3A_1874 = vector.broadcast %parallel_loop3A_1873 : i32 to vector<16xi32>
      %parallel_loop3A_1875 = arith.addi %parallel_loop3A_1872, %parallel_loop3A_1874 : vector<16xi32>
      %parallel_loop3A_1876 = arith.constant 391 : i32
      %parallel_loop3A_1877 = vector.broadcast %parallel_loop3A_1876 : i32 to vector<16xi32>
      %parallel_loop3A_1878 = arith.minsi %parallel_loop3A_1875, %parallel_loop3A_1877 : vector<16xi32>
      %parallel_loop3A_1879 = arith.constant 1 : i32
      %parallel_loop3A_1880 = vector.broadcast %parallel_loop3A_1879 : i32 to vector<16xi32>
      %parallel_loop3A_1881 = arith.shrsi %parallel_loop3A_1878, %parallel_loop3A_1880 : vector<16xi32>
      %parallel_loop3A_1882 = arith.constant 4 : i32
      %parallel_loop3A_1883 = vector.broadcast %parallel_loop3A_1882 : i32 to vector<16xi32>
      %parallel_loop3A_1884 = arith.shli %parallel_loop3A_1881, %parallel_loop3A_1883 : vector<16xi32>
      %parallel_loop3A_1885 = arith.addi %parallel_loop3A_1695, %parallel_loop3A_1884 : vector<16xi32>
      %parallel_loop3A_1886 = tpu.vector_load_idx %arg5[%parallel_loop3A_1885] : memref<50176xi32, #tpu.memory_space<vmem>>[vector<16xi32>], vector<16xi32>,
      %parallel_loop3A_1887 = arith.constant 1 : i32
      %parallel_loop3A_1888 = vector.broadcast %parallel_loop3A_1887 : i32 to vector<16xi32>
      %parallel_loop3A_1889 = arith.andi %parallel_loop3A_1878, %parallel_loop3A_1888 : vector<16xi32>
      %parallel_loop3A_1890 = arith.constant 1 : i32
      %parallel_loop3A_1891 = vector.broadcast %parallel_loop3A_1890 : i32 to vector<16xi32>
      %parallel_loop3A_1892 = arith.cmpi eq, %parallel_loop3A_1889, %parallel_loop3A_1891 : vector<16xi32>
      %parallel_loop3A_1893 = arith.constant -65536 : i32
      %parallel_loop3A_1894 = vector.broadcast %parallel_loop3A_1893 : i32 to vector<16xi32>
      %parallel_loop3A_1895 = arith.andi %parallel_loop3A_1886, %parallel_loop3A_1894 : vector<16xi32>
      %parallel_loop3A_1896 = arith.constant 16 : i32
      %parallel_loop3A_1897 = vector.broadcast %parallel_loop3A_1896 : i32 to vector<16xi32>
      %parallel_loop3A_1898 = arith.shli %parallel_loop3A_1886, %parallel_loop3A_1897 : vector<16xi32>
      %parallel_loop3A_1899 = arith.select %parallel_loop3A_1892, %parallel_loop3A_1895, %parallel_loop3A_1898 : vector<16xi1>, vector<16xi32>
      %parallel_loop3A_1900 = vector.bitcast %parallel_loop3A_1899 : vector<16xi32> to vector<16xf32>
      %parallel_loop3A_1901 = arith.cmpf olt, %parallel_loop3A_1900, %parallel_loop3A_1685 : vector<16xf32>
      %parallel_loop3A_1902 = arith.constant 8 : i32
      %parallel_loop3A_1903 = arith.constant 0 : i32
      %parallel_loop3A_1904 = vector.broadcast %parallel_loop3A_1902 : i32 to vector<16xi32>
      %parallel_loop3A_1905 = vector.broadcast %parallel_loop3A_1903 : i32 to vector<16xi32>
      %parallel_loop3A_1906 = arith.select %parallel_loop3A_1901, %parallel_loop3A_1904, %parallel_loop3A_1905 : vector<16xi1>, vector<16xi32>
      %parallel_loop3A_1907 = arith.addi %parallel_loop3A_1872, %parallel_loop3A_1906 : vector<16xi32>
      %parallel_loop3A_1908 = arith.constant 3 : i32
      %parallel_loop3A_1909 = vector.broadcast %parallel_loop3A_1908 : i32 to vector<16xi32>
      %parallel_loop3A_1910 = arith.addi %parallel_loop3A_1907, %parallel_loop3A_1909 : vector<16xi32>
      %parallel_loop3A_1911 = arith.constant 391 : i32
      %parallel_loop3A_1912 = vector.broadcast %parallel_loop3A_1911 : i32 to vector<16xi32>
      %parallel_loop3A_1913 = arith.minsi %parallel_loop3A_1910, %parallel_loop3A_1912 : vector<16xi32>
      %parallel_loop3A_1914 = arith.constant 1 : i32
      %parallel_loop3A_1915 = vector.broadcast %parallel_loop3A_1914 : i32 to vector<16xi32>
      %parallel_loop3A_1916 = arith.shrsi %parallel_loop3A_1913, %parallel_loop3A_1915 : vector<16xi32>
      %parallel_loop3A_1917 = arith.constant 4 : i32
      %parallel_loop3A_1918 = vector.broadcast %parallel_loop3A_1917 : i32 to vector<16xi32>
      %parallel_loop3A_1919 = arith.shli %parallel_loop3A_1916, %parallel_loop3A_1918 : vector<16xi32>
      %parallel_loop3A_1920 = arith.addi %parallel_loop3A_1695, %parallel_loop3A_1919 : vector<16xi32>
      %parallel_loop3A_1921 = tpu.vector_load_idx %arg5[%parallel_loop3A_1920] : memref<50176xi32, #tpu.memory_space<vmem>>[vector<16xi32>], vector<16xi32>,
      %parallel_loop3A_1922 = arith.constant 1 : i32
      %parallel_loop3A_1923 = vector.broadcast %parallel_loop3A_1922 : i32 to vector<16xi32>
      %parallel_loop3A_1924 = arith.andi %parallel_loop3A_1913, %parallel_loop3A_1923 : vector<16xi32>
      %parallel_loop3A_1925 = arith.constant 1 : i32
      %parallel_loop3A_1926 = vector.broadcast %parallel_loop3A_1925 : i32 to vector<16xi32>
      %parallel_loop3A_1927 = arith.cmpi eq, %parallel_loop3A_1924, %parallel_loop3A_1926 : vector<16xi32>
      %parallel_loop3A_1928 = arith.constant -65536 : i32
      %parallel_loop3A_1929 = vector.broadcast %parallel_loop3A_1928 : i32 to vector<16xi32>
      %parallel_loop3A_1930 = arith.andi %parallel_loop3A_1921, %parallel_loop3A_1929 : vector<16xi32>
      %parallel_loop3A_1931 = arith.constant 16 : i32
      %parallel_loop3A_1932 = vector.broadcast %parallel_loop3A_1931 : i32 to vector<16xi32>
      %parallel_loop3A_1933 = arith.shli %parallel_loop3A_1921, %parallel_loop3A_1932 : vector<16xi32>
      %parallel_loop3A_1934 = arith.select %parallel_loop3A_1927, %parallel_loop3A_1930, %parallel_loop3A_1933 : vector<16xi1>, vector<16xi32>
      %parallel_loop3A_1935 = vector.bitcast %parallel_loop3A_1934 : vector<16xi32> to vector<16xf32>
      %parallel_loop3A_1936 = arith.cmpf olt, %parallel_loop3A_1935, %parallel_loop3A_1685 : vector<16xf32>
      %parallel_loop3A_1937 = arith.constant 4 : i32
      %parallel_loop3A_1938 = arith.constant 0 : i32
      %parallel_loop3A_1939 = vector.broadcast %parallel_loop3A_1937 : i32 to vector<16xi32>
      %parallel_loop3A_1940 = vector.broadcast %parallel_loop3A_1938 : i32 to vector<16xi32>
      %parallel_loop3A_1941 = arith.select %parallel_loop3A_1936, %parallel_loop3A_1939, %parallel_loop3A_1940 : vector<16xi1>, vector<16xi32>
      %parallel_loop3A_1942 = arith.addi %parallel_loop3A_1907, %parallel_loop3A_1941 : vector<16xi32>
      %parallel_loop3A_1943 = arith.constant 1 : i32
      %parallel_loop3A_1944 = vector.broadcast %parallel_loop3A_1943 : i32 to vector<16xi32>
      %parallel_loop3A_1945 = arith.addi %parallel_loop3A_1942, %parallel_loop3A_1944 : vector<16xi32>
      %parallel_loop3A_1946 = arith.constant 391 : i32
      %parallel_loop3A_1947 = vector.broadcast %parallel_loop3A_1946 : i32 to vector<16xi32>
      %parallel_loop3A_1948 = arith.minsi %parallel_loop3A_1945, %parallel_loop3A_1947 : vector<16xi32>
      %parallel_loop3A_1949 = arith.constant 1 : i32
      %parallel_loop3A_1950 = vector.broadcast %parallel_loop3A_1949 : i32 to vector<16xi32>
      %parallel_loop3A_1951 = arith.shrsi %parallel_loop3A_1948, %parallel_loop3A_1950 : vector<16xi32>
      %parallel_loop3A_1952 = arith.constant 4 : i32
      %parallel_loop3A_1953 = vector.broadcast %parallel_loop3A_1952 : i32 to vector<16xi32>
      %parallel_loop3A_1954 = arith.shli %parallel_loop3A_1951, %parallel_loop3A_1953 : vector<16xi32>
      %parallel_loop3A_1955 = arith.addi %parallel_loop3A_1695, %parallel_loop3A_1954 : vector<16xi32>
      %parallel_loop3A_1956 = tpu.vector_load_idx %arg5[%parallel_loop3A_1955] : memref<50176xi32, #tpu.memory_space<vmem>>[vector<16xi32>], vector<16xi32>,
      %parallel_loop3A_1957 = arith.constant 1 : i32
      %parallel_loop3A_1958 = vector.broadcast %parallel_loop3A_1957 : i32 to vector<16xi32>
      %parallel_loop3A_1959 = arith.andi %parallel_loop3A_1948, %parallel_loop3A_1958 : vector<16xi32>
      %parallel_loop3A_1960 = arith.constant 1 : i32
      %parallel_loop3A_1961 = vector.broadcast %parallel_loop3A_1960 : i32 to vector<16xi32>
      %parallel_loop3A_1962 = arith.cmpi eq, %parallel_loop3A_1959, %parallel_loop3A_1961 : vector<16xi32>
      %parallel_loop3A_1963 = arith.constant -65536 : i32
      %parallel_loop3A_1964 = vector.broadcast %parallel_loop3A_1963 : i32 to vector<16xi32>
      %parallel_loop3A_1965 = arith.andi %parallel_loop3A_1956, %parallel_loop3A_1964 : vector<16xi32>
      %parallel_loop3A_1966 = arith.constant 16 : i32
      %parallel_loop3A_1967 = vector.broadcast %parallel_loop3A_1966 : i32 to vector<16xi32>
      %parallel_loop3A_1968 = arith.shli %parallel_loop3A_1956, %parallel_loop3A_1967 : vector<16xi32>
      %parallel_loop3A_1969 = arith.select %parallel_loop3A_1962, %parallel_loop3A_1965, %parallel_loop3A_1968 : vector<16xi1>, vector<16xi32>
      %parallel_loop3A_1970 = vector.bitcast %parallel_loop3A_1969 : vector<16xi32> to vector<16xf32>
      %parallel_loop3A_1971 = arith.cmpf olt, %parallel_loop3A_1970, %parallel_loop3A_1685 : vector<16xf32>
      %parallel_loop3A_1972 = arith.constant 2 : i32
      %parallel_loop3A_1973 = arith.constant 0 : i32
      %parallel_loop3A_1974 = vector.broadcast %parallel_loop3A_1972 : i32 to vector<16xi32>
      %parallel_loop3A_1975 = vector.broadcast %parallel_loop3A_1973 : i32 to vector<16xi32>
      %parallel_loop3A_1976 = arith.select %parallel_loop3A_1971, %parallel_loop3A_1974, %parallel_loop3A_1975 : vector<16xi1>, vector<16xi32>
      %parallel_loop3A_1977 = arith.addi %parallel_loop3A_1942, %parallel_loop3A_1976 : vector<16xi32>
      %parallel_loop3A_1978 = arith.constant 0 : i32
      %parallel_loop3A_1979 = vector.broadcast %parallel_loop3A_1978 : i32 to vector<16xi32>
      %parallel_loop3A_1980 = arith.addi %parallel_loop3A_1977, %parallel_loop3A_1979 : vector<16xi32>
      %parallel_loop3A_1981 = arith.constant 391 : i32
      %parallel_loop3A_1982 = vector.broadcast %parallel_loop3A_1981 : i32 to vector<16xi32>
      %parallel_loop3A_1983 = arith.minsi %parallel_loop3A_1980, %parallel_loop3A_1982 : vector<16xi32>
      %parallel_loop3A_1984 = arith.constant 1 : i32
      %parallel_loop3A_1985 = vector.broadcast %parallel_loop3A_1984 : i32 to vector<16xi32>
      %parallel_loop3A_1986 = arith.shrsi %parallel_loop3A_1983, %parallel_loop3A_1985 : vector<16xi32>
      %parallel_loop3A_1987 = arith.constant 4 : i32
      %parallel_loop3A_1988 = vector.broadcast %parallel_loop3A_1987 : i32 to vector<16xi32>
      %parallel_loop3A_1989 = arith.shli %parallel_loop3A_1986, %parallel_loop3A_1988 : vector<16xi32>
      %parallel_loop3A_1990 = arith.addi %parallel_loop3A_1695, %parallel_loop3A_1989 : vector<16xi32>
      %parallel_loop3A_1991 = tpu.vector_load_idx %arg5[%parallel_loop3A_1990] : memref<50176xi32, #tpu.memory_space<vmem>>[vector<16xi32>], vector<16xi32>,
      %parallel_loop3A_1992 = arith.constant 1 : i32
      %parallel_loop3A_1993 = vector.broadcast %parallel_loop3A_1992 : i32 to vector<16xi32>
      %parallel_loop3A_1994 = arith.andi %parallel_loop3A_1983, %parallel_loop3A_1993 : vector<16xi32>
      %parallel_loop3A_1995 = arith.constant 1 : i32
      %parallel_loop3A_1996 = vector.broadcast %parallel_loop3A_1995 : i32 to vector<16xi32>
      %parallel_loop3A_1997 = arith.cmpi eq, %parallel_loop3A_1994, %parallel_loop3A_1996 : vector<16xi32>
      %parallel_loop3A_1998 = arith.constant -65536 : i32
      %parallel_loop3A_1999 = vector.broadcast %parallel_loop3A_1998 : i32 to vector<16xi32>
      %parallel_loop3A_2000 = arith.andi %parallel_loop3A_1991, %parallel_loop3A_1999 : vector<16xi32>
      %parallel_loop3A_2001 = arith.constant 16 : i32
      %parallel_loop3A_2002 = vector.broadcast %parallel_loop3A_2001 : i32 to vector<16xi32>
      %parallel_loop3A_2003 = arith.shli %parallel_loop3A_1991, %parallel_loop3A_2002 : vector<16xi32>
      %parallel_loop3A_2004 = arith.select %parallel_loop3A_1997, %parallel_loop3A_2000, %parallel_loop3A_2003 : vector<16xi1>, vector<16xi32>
      %parallel_loop3A_2005 = vector.bitcast %parallel_loop3A_2004 : vector<16xi32> to vector<16xf32>
      %parallel_loop3A_2006 = arith.cmpf olt, %parallel_loop3A_2005, %parallel_loop3A_1685 : vector<16xf32>
      %parallel_loop3A_2007 = arith.constant 1 : i32
      %parallel_loop3A_2008 = arith.constant 0 : i32
      %parallel_loop3A_2009 = vector.broadcast %parallel_loop3A_2007 : i32 to vector<16xi32>
      %parallel_loop3A_2010 = vector.broadcast %parallel_loop3A_2008 : i32 to vector<16xi32>
      %parallel_loop3A_2011 = arith.select %parallel_loop3A_2006, %parallel_loop3A_2009, %parallel_loop3A_2010 : vector<16xi1>, vector<16xi32>
      %parallel_loop3A_2012 = arith.addi %parallel_loop3A_1977, %parallel_loop3A_2011 : vector<16xi32>
      %parallel_loop3A_2013 = arith.constant 392 : i32
      %parallel_loop3A_2014 = vector.broadcast %parallel_loop3A_2013 : i32 to vector<16xi32>
      %parallel_loop3A_2015 = arith.muli %parallel_loop3A_1681, %parallel_loop3A_2014 : vector<16xi32>
      %parallel_loop3A_2016 = arith.addi %parallel_loop3A_2015, %parallel_loop3A_2012 : vector<16xi32>
      %parallel_loop3A_2017 = arith.constant 99999 : i32
      %parallel_loop3A_2018 = vector.broadcast %parallel_loop3A_2017 : i32 to vector<16xi32>
      %parallel_loop3A_2019 = arith.minsi %parallel_loop3A_2016, %parallel_loop3A_2018 : vector<16xi32>
      %parallel_loop3A_2020 = arith.sitofp %parallel_loop3A_2019 : vector<16xi32> to vector<16xf32>
      %parallel_loop3A_2021 = arith.constant 16 : i32
      %parallel_loop3A_2022 = arith.muli %parallel_loop3A_1677, %parallel_loop3A_2021 : i32
      %parallel_loop3A_2023 = arith.index_cast %parallel_loop3A_2022 : i32 to index
      %parallel_loop3A_2024 = tpu.vector_load %arg8[%parallel_loop3A_2023] {strides = array<i32>} : memref<512xf32, #tpu.memory_space<vmem>>, vector<16xf32>,
      tpu.vector_store %arg8[%parallel_loop3A_2023], %parallel_loop3A_2020 {strides = array<i32>} : memref<512xf32, #tpu.memory_space<vmem>>, vector<16xf32>,
    } {sc.loop_unroll_factor = 1 : i64, sc.parallel_access}
    "tpu.trace_stop"() : () -> ()
    %mul3A_1675 = arith.constant 512 : i32
    %mul3A_1676 = arith.muli %add3A, %mul3A_1675 : i32
    "tpu.region"() ({
      %run_scoped3A = tpu.sem_alloc : memref<!tpu.dma_semaphore, #tpu.memory_space<semaphore_mem>>
      %dma_start3A_1677 = tpu.memref_slice %arg4[%mul3A_1676] : memref<16384xf32, #tpu.memory_space<hbm>> -> memref<512xf32, #tpu.memory_space<hbm>>
      %dma_start3A_1678 = tpu.memref_slice %arg4[%mul3A_1676] : memref<16384xf32, #tpu.memory_space<hbm>> -> memref<512xf32, #tpu.memory_space<hbm>>
      tpu.enqueue_dma source(%arg8 : memref<512xf32, #tpu.memory_space<vmem>>) target(%dma_start3A_1678 : memref<512xf32, #tpu.memory_space<hbm>>) target_semaphore(%run_scoped3A : memref<!tpu.dma_semaphore, #tpu.memory_space<semaphore_mem>>)
      %dma_wait3A_1679 = tpu.memref_slice %arg4[%mul3A_1676] : memref<16384xf32, #tpu.memory_space<hbm>> -> memref<512xf32, #tpu.memory_space<hbm>>
      %dma_wait3A_1680 = tpu.memref_slice %arg4[%mul3A_1676] : memref<16384xf32, #tpu.memory_space<hbm>> -> memref<512xf32, #tpu.memory_space<hbm>>
      tpu.wait_dma2 semaphore(%run_scoped3A : memref<!tpu.dma_semaphore, #tpu.memory_space<semaphore_mem>>) src(%arg8 : memref<512xf32, #tpu.memory_space<vmem>>) dst(%dma_wait3A_1680 : memref<512xf32, #tpu.memory_space<hbm>>)
      tpu.yield
    }) : () -> ()
    return
  }
}

</mosaic_0001>

<sc_bundles>
// kernel: kernel.3.cloned.1.call-start
scs
__scs_entry_jumppad:
0x0: {  	(pc) =	sbr.rel $0x88, $3  }
0x1: {  	(tag) =	ssettag $0x0;
	lr =	simm.s32 $0x1  }
0x2: {  	[smem:$0x3FA0] =	sst lr;
	_ =	strace $0xD0000000  }
0x3: {  	_ = 	snop  }
0x4: {  	_ = 	snop  }
0x5: {  	_ = 	snop  }
0x6: {  	_ = 	snop  }
0x7: {  	_ = 	snop  }
__scs_overlays_trampoline_lowered:
0x8: {  	[smem:$0x3FAF] =	sst s0  }
0x9: {  	[smem:$0x3FB0] =	sst s1  }
0xa: {  	[smem:$0x3FB1] =	sst s2  }
0xb: {  	[smem:$0x3FB2] =	sst s3  }
0xc: {  	[smem:$0x3FB3] =	sst s4  }
0xd: {  	[smem:$0x3FB4] =	sst s5  }
0xe: {  	[smem:$0x3FB5] =	sst s6  }
0xf: {  	[smem:$0x3FB6] =	sst s7  }
0x10: {  	[smem:$0x3FB7] =	sst s8  }
0x11: {  	[smem:$0x3FB8] =	sst s9;
	s0 =	simm.s32 @!p0 $0x0  }
0x12: {  	s1 =	sld [smem:$0x3F9E];
	s0 =	simm.s32 @p0 $0x1  }
0x13: {  	[smem:$0x3FB9] =	sst s0;
	s0 =	simm.s32 @!p1 $0x0  }
0x14: {  	s2 =	sld [smem:$0x3F9D];
	s0 =	simm.s32 @p1 $0x1  }
0x15: {  	[smem:$0x3FBA] =	sst s0;
	s0 =	simm.s32 @!p2 $0x0  }
0x16: {  	s3 =	sld [smem:$0x3FDB];
	s0 =	simm.s32 @p2 $0x1  }
0x17: {  	s4 =	simm.s32 $0x1BF5;
	[smem:$0x3FBC] =	sst s0  }
0x18: {  	s0 =	sld [smem:$0x3F9F];
	_ =	swait.ge [sflag:s4], $0x0  }
0x19: {  	s7 =	sld [smem:$0x3FA0]  }
0x1a: {  	s8 =	sadd.s32 $0xFFFFE003, lr  }
0x1b: {  	s9 =	sadd.s32 $0xFFFFFEF7, lr;
	s5 =	simm.s32 $0xFFFFFFFF;
	p2 =	slt.u32 s8, $0xFFFFF086  }
0x1c: {  	p1 =	slt.u32 s9, $0xF7A;
	s5 =	simm.s32 @!p2 $0x0  }
0x1d: {  	s5 =	simm.s32 @p1 $0x1;
	p0 =	seq.s32 s7, s2  }
0x1e: {  	s7 =	smul.u32 @!p0 $0xF7A, s2;
	p2 =	seq.s32 @!p0 s5, $0x0  }
0x1f: {  	s9 =	smul.u32 $0xF7A, s1;
	s8 =	simm.s32 @!p0 $0x1BF5;
	p2 =	por !p2, p0  }
0x20: {  	[sflag:s8] =	ssyncset.s32 @!p0 $0xFFFFF086;
	s6 =	sadd.s32 @!p0 s3, s7;
	s7 =	simm.s32 @!p0 $0x108  }
0x21: {  	s3 =	sadd.s32 s3, s9;
	s6 =	sadd.s32 @!p0 $0x88, s6;
	s7 =	simm.s32 @p2 $0x1082  }
0x22: {  	[simem:s7], [sflag:s8] =	dma.local @!p0 [hbm:s6], $0xF7A  }
0x23: {  	s9 =	sor.u32 $0xD0000000, s2;
	s6 =	simm.s32 $0x108;
	_ =	swait.ge @!p0 [sflag:s8], $0x0  }
0x24: {  	s3 =	sadd.s32 $0x88, s3;
	s6 =	simm.s32 @!p1 $0x1082;
	[sflag:s4] =	ssyncset.s32 $0xFFFFF086  }
0x25: {  	[simem:s6], [sflag:s4] =	dma.local [hbm:s3], $0xF7A  }
0x26: {  	[smem:$0x3FA0] =	sst s1;
	(tag) =	ssettag s2;
	_ =	strace s9  }
0x27: {  	s1 =	sld [smem:$0x3FB0]  }
0x28: {  	s2 =	sld [smem:$0x3FB1]  }
0x29: {  	s4 =	sld [smem:$0x3FB3]  }
0x2a: {  	p0 =	seq.s32 s5, $0x0;
	s5 =	sld [smem:$0x3FB4]  }
0x2b: {  	s6 =	sld [smem:$0x3FB5]  }
0x2c: {  	s7 =	sld [smem:$0x3FB6]  }
0x2d: {  	s3 =	simm.s32 $0x108;
	s8 =	sld [smem:$0x3FB7]  }
0x2e: {  	s3 =	simm.s32 @!p0 $0x1082;
	s9 =	sld [smem:$0x3FB8]  }
0x2f: {  	lr =	sadd.s32 s0, s3;
	s0 =	sld [smem:$0x3FAF]  }
0x30: {  	s3 =	sld [smem:$0x3FB2]  }
0x31: {  	[smem:$0x3FBB] =	sst s10  }
0x32: {  	s10 =	sld [smem:$0x3FB9];
	_ =	sdelay $0x3  }
0x33: {  	p0 =	seq.s32 s10, $0x1;
	s10 =	sld [smem:$0x3FBB];
	_ =	sdelay $0x3  }
0x34: {  	[smem:$0x3FBB] =	sst s10  }
0x35: {  	s10 =	sld [smem:$0x3FBA];
	_ =	sdelay $0x3  }
0x36: {  	p1 =	seq.s32 s10, $0x1;
	s10 =	sld [smem:$0x3FBB];
	_ =	sdelay $0x3  }
0x37: {  	[smem:$0x3FBB] =	sst s10  }
0x38: {  	s10 =	sld [smem:$0x3FBC]  }
0x39: {  	_ = 	snop;
	(pc) =	sbr.ind lr, $3  }
0x3a: {  	_ = 	snop  }
0x3b: {  	_ = 	snop  }
0x3c: {  	p2 =	seq.s32 s10, $0x1;
	s10 =	sld [smem:$0x3FBB]  }
0x3d: {  	_ =	shalt  }
0x3e: {  	_ =	shalt  }
0x3f: {  	_ =	shalt  }
0x40: {  	_ =	shalt  }
0x41: {  	_ =	shalt  }
0x42: {  	_ =	shalt  }
0x43: {  	_ =	shalt  }
0x44: {  	_ =	shalt  }
0x45: {  	_ =	shalt  }
0x46: {  	_ =	shalt  }
0x47: {  	_ =	shalt  }
0x48: {  	_ =	shalt  }
0x49: {  	_ =	shalt  }
0x4a: {  	_ =	shalt  }
0x4b: {  	_ =	shalt  }
0x4c: {  	_ =	shalt  }
0x4d: {  	_ =	shalt  }
0x4e: {  	_ =	shalt  }
0x4f: {  	_ =	shalt  }
0x50: {  	_ =	shalt  }
0x51: {  	_ =	shalt  }
0x52: {  	_ =	shalt  }
0x53: {  	_ =	shalt  }
0x54: {  	_ =	shalt  }
0x55: {  	_ =	shalt  }
0x56: {  	_ =	shalt  }
0x57: {  	_ =	shalt  }
0x58: {  	_ =	shalt  }
0x59: {  	_ =	shalt  }
0x5a: {  	_ =	shalt  }
0x5b: {  	_ =	shalt  }
0x5c: {  	_ =	shalt  }
0x5d: {  	_ =	shalt  }
0x5e: {  	_ =	shalt  }
0x5f: {  	_ =	shalt  }
0x60: {  	_ =	shalt  }
0x61: {  	_ =	shalt  }
0x62: {  	_ =	shalt  }
0x63: {  	_ =	shalt  }
0x64: {  	_ =	shalt  }
0x65: {  	_ =	shalt  }
0x66: {  	_ =	shalt  }
0x67: {  	_ =	shalt  }
0x68: {  	_ =	shalt  }
0x69: {  	_ =	shalt  }
0x6a: {  	_ =	shalt  }
0x6b: {  	_ =	shalt  }
0x6c: {  	_ =	shalt  }
0x6d: {  	_ =	shalt  }
0x6e: {  	_ =	shalt  }
0x6f: {  	_ =	shalt  }
0x70: {  	_ =	shalt  }
0x71: {  	_ =	shalt  }
0x72: {  	_ =	shalt  }
0x73: {  	_ =	shalt  }
0x74: {  	_ =	shalt  }
0x75: {  	_ =	shalt  }
0x76: {  	_ =	shalt  }
0x77: {  	_ =	shalt  }
0x78: {  	_ =	shalt  }
0x79: {  	_ =	shalt  }
0x7a: {  	_ =	shalt  }
0x7b: {  	_ =	shalt  }
0x7c: {  	_ =	shalt  }
0x7d: {  	_ =	shalt  }
0x7e: {  	_ =	shalt  }
0x7f: {  	_ =	shalt  }
0x80: {  	_ =	shalt  }
0x81: {  	_ =	shalt  }
0x82: {  	_ =	shalt  }
0x83: {  	_ =	shalt  }
0x84: {  	_ =	shalt  }
0x85: {  	_ =	shalt  }
0x86: {  	_ =	shalt  }
0x87: {  	_ =	shalt  }
.Lfunc_end0:
.L_simem_size_0:
called_computation_lowered:
.L_overlay_start_0:
0x88: {  	s2 =	sld [smem:$0x3FD9]  }
0x89: {  	s3 =	sld [smem:$0x3FFE];
	_ =	sdelay $0x1  }
0x8a: {  	s1 =	srdreg.scid  }
0x8b: {  	s0 =	sand.u32 $0x1, s1  }
0x8c: {  	s17 =	sshll.u32 s0, $0xA;
	s2 =	sadd.s32 s3, s2  }
0x8d: {  	s2 =	sadd.s32 s2, s17  }
0x8e: {  	[smem:$0x3FC7] =	sst s2  }
0x8f: {  	_ = 	snop  }
0x90: {  	s2 =	sld [smem:$0x3FC9]  }
0x91: {  	s18 =	sld [smem:$0x3FD0];
	(tm) =	ssettm $0x1  }
0x92: {  	s4 =	sld [smem:$0x3FFB];
	_ =	sdelay $0x3  }
0x93: {  	_ =	strace s4  }
0x94: {  	s4 =	sld [smem:$0x3FFC];
	_ =	sdelay $0x3  }
0x95: {  	_ =	strace s4  }
0x96: {  	s4 =	sld [smem:$0x3FFD];
	_ =	sdelay $0x3  }
0x97: {  	_ =	strace s4  }
0x98: {  	_ =	strace $0x8FFFFFFF  }
0x99: {  	s19 =	sld [smem:$0x3FDB];
	_ =	sdelay $0x1  }
0x9a: {  	s5 =	simm.s32 $_scs_section_size  }
0x9b: {  	s6 =	simm.s32 $_size__tile_overlayer_lowered;
	s7 =	simm.s32 $_tile_overlayer_lowered  }
0x9c: {  	s22 =	simm.s32 $0x1BFF;
	s21 =	sshll.u32 s7, $0x1;
	s4 =	sadd.s32 s5, s19  }
0x9d: {  	s8 =	simm.s32 $0x0;
	s20 =	sshll.u32 s6, $0x1;
	s6 =	sadd.s32 s21, s4  }
0x9e: {  	[timem:s8], [sflag:s22] =	dma.local [hbm:s6], s20  }
0x9f: {  	_ =	swait.ge [sflag:s22], s20  }
0xa0: {  	s5 =	ssub.s32 $0x0, s20;
	[sflag:s22] =	ssyncset.done $0x0  }
0xa1: {  	[sflag:s22] =	ssyncadd.s32 s5;
	_ =	sdelay $0x1  }
0xa2: {  	s23 =	simm.s32 $0x1B8B  }
0xa3: {  	_ =	swait.ge [sflag:s23], $0x1  }
0xa4: {  	[sflag:s23] =	ssyncset.done $0x0  }
0xa5: {  	s25 =	simm.s32 $0x1B8E;
	s24 =	sld [smem:$0x3FFE];
	[sflag:s23] =	ssyncadd.s32 $0xFFFFFFFF  }
0xa6: {  	s26 =	simm.s32 $execute0_lowered;
	[smem:$0x3FD2] =	sst s25  }
0xa7: {  	s6 =	sshll.u32 s26, $0x1;
	_ =	strace $0x80000046;
	[dreg:$0x1] =	wrdreg $0xFFFFFFFF  }
0xa8: {  	s28 =	simm.s32 $_size_execute0_lowered;
	s4 =	sadd.s32 s4, s6;
	[dreg:$0x0] =	wrdreg $0x0  }
0xa9: {  	s6 =	sshll.u32 s28, $0x1;
	[dreg:$0x2] =	wrdreg s4  }
0xaa: {  	[dreg:$0x3] =	wrdreg s6  }
0xab: {  	[dreg:$0x4] =	wrdreg $0xC0  }
0xac: {  	_ =	task [dreg:s8], $0x5FFFF  }
0xad: {  	[dreg:$0x1] =	wrdreg $0xFFFFFFFF  }
0xae: {  	[dreg:$0x0] =	wrdreg $0x60  }
0xaf: {  	[dreg:$0x2] =	wrdreg s2  }
0xb0: {  	[dreg:$0x3] =	wrdreg s24  }
0xb1: {  	[dreg:$0x4] =	wrdreg s18  }
0xb2: {  	[dreg:$0x5] =	wrdreg $0xE6800  }
0xb3: {  	[dreg:$0x6] =	wrdreg $0x9  }
0xb4: {  	_ =	task.clear_ibuf [dreg:s8], $0x7FFFF;
	_ =	strace $0x90000046  }
0xb5: {  	s29 =	simm.s32 $0x9;
	_ =	strace $0x8000004D  }
0xb6: {  	_ =	swait.ge [sflag:s29], $0x1  }
0xb7: {  	[sflag:s29] =	ssyncadd.s32 $0xFFFFFFFF  }
0xb8: {  	_ =	strace $0x9000004D  }
0xb9: {  	_ =	sfence  }
0xba: {  	s30 =	sld [smem:$0x0];
	_ =	sdelay $0x2  }
0xbb: {  	s31 =	sshll.u32 s1, $0xD;
	s1 =	sshrl.u32 s1, $0x2  }
0xbc: {  	s3 =	sand.u32 $0x4000, s31;
	s1 =	sadd.s32 s1, s30  }
0xbd: {  	s0 =	sor.u32 s3, s0;
	s1 =	sshll.u32 s1, $0x11  }
0xbe: {  	s0 =	sor.u32 s1, s0  }
0xbf: {  	s0 =	sadd.s32 $0x8F2B, s0  }
0xc0: {  	[sflag:s0] =	ssyncadd.remote.s32 $0x1  }
0xc1: {  	_ =	sfence.sel $0xFFFF  }
0xc2: {  	[dreg:$0x0] =	wrdreg $0xFFFFFFFF;
	(pc) =	sbr.abs _section_cstart, $3  }
0xc3: {  	[dreg:$0x1] =	wrdreg $0xFFFFFFFF  }
0xc4: {  	_ =	task.clear_ibuf [dreg:s8], $0x2FFFF;
	_ =	strace $0x9FFFFFFF  }
0xc5: {  	(tm) =	ssettm $0x7FFFFFFF  }
tec
execute0_lowered:
.L_overlay_start_1:
0x0: {  	(tag) =	ssettag $0x1  }
0x1: {  	s0 =	rddreg [dreg:$0x0]  }
0x2: {  	s1 =	rddreg [dreg:$0x1]  }
0x3: {  	s2 =	rddreg [dreg:$0x2]  }
0x4: {  	s8 =	rddreg [dreg:$0x3];
	s3 =	simm.s32 $0x0  }
0x5: {  	s4 =	srdreg.scid;
	s9 =	stileid.u32;
	v2 =	vimm.s32 $0x65432100;
	s29 =	simm.s32 $0xC400  }
0x6: {  	v3 =	vimm.s32 $0xEDCBA987;
	v5 =	vimm.s32 $0xDCBA9876;
	s31 =	simm.s32 $0x1;
	[smem:$0x7FF] =	sst s3;
	s16 =	sadd.s32 $0xC30, s8  }
0x7: {  	v0 =	vlaneseq.u32;
	v6 =	vimm.s32 $0x54321000;
	s17 =	sadd.s32 $0x1870, s8;
	_ =	strace $0x80000047;
	[dreg:$0x7] =	wrdreg s16  }
0x8: {  	v7 =	vimm.s32 $0xBA987654;
	v8 =	vimm.s32 $0xE40000;
	v9 =	vimm.s32 $0x32100000;
	s30 =	simm.s32 $0xE080;
	s18 =	sadd.s32 $0x24B0, s8;
	[dreg:$0x8] =	wrdreg s17  }
0x9: {  	vm0 =	vmmov $0x3;
	vm2 =	vcmask $0x3F30;
	vm1 =	vmmov $0xf;
	s4 =	sand.u32 $0x1, s4;
	s20 =	sadd.s32 $0x30F0, s8;
	[dreg:$0x9] =	wrdreg s18  }
0xa: {  	v10 =	vimm.s32 $0x1;
	v13 =	vimm.s32 $0x4;
	v14 =	vimm.s32 $0x5;
	s5 =	smul.u32 $0x1880, s9;
	s21 =	sadd.s32 $0x3D30, s8;
	[dreg:$0xb] =	wrdreg s20  }
0xb: {  	v15 =	vimm.s32 $0x6;
	v16 =	vimm.s32 $0x7;
	v17 =	vimm.s32 $0x8;
	s6 =	sshll.u32 s9, $0x7;
	s22 =	sadd.s32 $0x4970, s8;
	[dreg:$0xc] =	wrdreg s21  }
0xc: {  	v18 =	vimm.s32 $0x9;
	v19 =	vimm.s32 $0xA;
	v20 =	vimm.s32 $0xB;
	s23 =	sadd.s32 $0x55B0, s8;
	s24 =	sadd.s32 $0x61F0, s8;
	[dreg:$0xd] =	wrdreg s22  }
0xd: {  	v21 =	vimm.s32 $0xC;
	v22 =	vimm.s32 $0xD;
	v23 =	vimm.s32 $0xE;
	s25 =	sadd.s32 $0x6E30, s8;
	s26 =	smul.u32 $0x3100, s9;
	[dreg:$0xe] =	wrdreg s23  }
0xe: {  	v4 =	vunpack.c.l.s4.s8 v2;
	v3 =	vunpack.c.l.s4.s8 v3;
	v5 =	vunpack.c.l.s4.s8 v5;
	p0 =	sne.s32 s9, $0xF;
	s28 =	sadd.s32 $0xC3F0, s8;
	[dreg:$0xf] =	wrdreg s24  }
0xf: {  	v6 =	vunpack.c.l.s4.s8 v6;
	v7 =	vunpack.c.l.s4.s8 v7;
	v8 =	vunpack.c.l.s2.s4 v8;
	s7 =	sshll.u32 s4, $0x6;
	s4 =	ssub.s32 $0x2, s4;
	[dreg:$0x10] =	wrdreg s25  }
0x10: {  	v9 =	vunpack.c.l.s4.s8 v9;
	s18 =	sadd.s32 $0x7A70, s8;
	s20 =	sadd.s32 $0x92F0, s8;
	s21 =	sadd.s32 $0x9F30, s8;
	v3 =	vunpack.c.0.s8.s32 v3;
	v5 =	vunpack.c.0.s8.s32 v5  }
0x11: {  	s23 =	sadd.s32 $0xAB70, s8;
	s6 =	sor.u32 s7, s6;
	s13 =	sshrl.u32 s4, $0x1;
	v4 =	vunpack.c.0.s8.s32 v4;
	v6 =	vunpack.c.0.s8.s32 v6;
	v7 =	vunpack.c.0.s8.s32 v7  }
0x12: {  	s5 =	sshrl.u32 s5, $0x3;
	v8 =	vunpack.c.l.s4.s8 v8;
	s1 =	sadd.s32 s6, s1;
	s7 =	ssub.s32 s4, s13;
	v3 =	vand.u32 $0xF, v3;
	v5 =	vand.u32 $0xF, v5  }
0x13: {  	s4 =	sadd.s32 s0, s5;
	s5 =	smul.u32 $0xC40, s9;
	s22 =	sadd.s32 s2, s6;
	v3 =	vcombine.low v4, v3;
	v4 =	vcombine.low v6, v5;
	v5 =	vunpack.c.0.s8.s32 v9  }
0x14: {  	s0 =	sshrl.u32 s26, $0x2;
	s26 =	sadd.s32 $0xB7B0, s8;
	s2 =	simm.s32 $0x3;
	v8 =	vunpack.c.0.s8.s32 v8;
	v6 =	vand.u32 $0xF, v7;
	v7 =	vimm.s32 $0x7060504  }
0x15: {  	v1 =	vmul.u32 $0x188, v0;
	s6 =	simm.s32 $0x0;
	s14 =	sadd.s32 $0x400, s1;
	s15 =	sadd.s32 $0x2E4, s4;
	v5 =	vcombine.low v5, v6;
	v6 =	vunpack.c.0.s8.s32 v7  }
0x16: {  	v24 =	vimm.s32 $0x7F;
	s24 =	smax.u32 s7, $0x1;
	s25 =	sor.u32 $0x20, s0;
	[dreg:$0x5] =	wrdreg s14;
	v7 =	vand.u32 $0x3, v8;
	v8 =	vmul.u32 $0x10, v0  }
0x17: {  	v2 =	vor.u32 $0x1, v1;
	s0 =	simm.s32 $0x4;
	[dreg:$0x6] =	wrdreg s15;
	s19 =	sadd.s32 s5, s8;
	v9 =	vimm.s32 $0x0;
	v6 =	vsel vm2, v6, v7  }
0x18: {  	s1 =	simm.s32 $0x2;
	[dreg:$0xa] =	wrdreg s19;
	s19 =	sadd.s32 $0x86B0, s8;
	vm2 =	vmmov $0xff;
	v7 =	vor.u32 $0xF, v8;
	v8 =	vimm.s32 $0xF  }
.LBB2_1:
0x19: {  	[tilespmem:s29], [sflag:$0x1] =	stream.linear.gather [hbm4b:s4+s3], $0x1720, $0x38;
	[tilespmem:$0xF2C0] =	vst v63  }
0x1a: {  	s7 =	rddreg [dreg:$0x5];
	s8 =	simm.s32 $0xDC80  }
0x1b: {  	[tilespmem:s8], [sflag:$0x2] =	stream.linear.gather [hbm4b:s7+s3], $0x200, $0x38;
	[tilespmem:$0xF2C0] =	vst v63  }
0x1c: {  	s9 =	rddreg [dreg:$0x6];
	s7 =	simm.s32 @p0 $0x0;
	s8 =	simm.s32 @p0 $0xDB20  }
0x1d: {  	[tilespmem:s8], [sflag:$0x4] =	stream.linear.gather @p0 [hbm4b:s9+s7], $0x160, $0x38;
	[tilespmem:$0xF2C0] =	vst v63  }
0x1e: {  	s7 =	simm.s32 @p0 $0x4  }
0x1f: {  	_ =	swait.ge @p0 [sflag:s7], $0x160  }
0x20: {  	[sflag:s7] =	ssyncset.done @p0 $0x0  }
0x21: {  	v25 =	vimm.f32 @!p0 $0.0e+00;
	[sflag:s7] =	ssyncadd.s32 @p0 $0xFFFFFEA0  }
0x22: {  	[tilespmem:$0xDB20] =	vst @!p0 v25  }
0x23: {  	[tilespmem:$0xDB30] =	vst @!p0 v25  }
0x24: {  	[tilespmem:$0xDB40] =	vst @!p0 v25  }
0x25: {  	[tilespmem:$0xDB50] =	vst @!p0 v25  }
0x26: {  	[tilespmem:$0xDB60] =	vst @!p0 v25  }
0x27: {  	[tilespmem:$0xDB70] =	vst @!p0 v25  }
0x28: {  	[tilespmem:$0xDB80] =	vst @!p0 v25  }
0x29: {  	[tilespmem:$0xDB90] =	vst @!p0 v25  }
0x2a: {  	[tilespmem:$0xDBA0] =	vst @!p0 v25  }
0x2b: {  	[tilespmem:$0xDBB0] =	vst @!p0 v25  }
0x2c: {  	[tilespmem:$0xDBC0] =	vst @!p0 v25  }
0x2d: {  	[tilespmem:$0xDBD0] =	vst @!p0 v25  }
0x2e: {  	[tilespmem:$0xDBE0] =	vst @!p0 v25  }
0x2f: {  	[tilespmem:$0xDBF0] =	vst @!p0 v25  }
0x30: {  	[tilespmem:$0xDC00] =	vst @!p0 v25  }
0x31: {  	[tilespmem:$0xDC10] =	vst @!p0 v25  }
0x32: {  	[tilespmem:$0xDC20] =	vst @!p0 v25  }
0x33: {  	[tilespmem:$0xDC30] =	vst @!p0 v25  }
0x34: {  	[tilespmem:$0xDC40] =	vst @!p0 v25  }
0x35: {  	[tilespmem:$0xDC50] =	vst @!p0 v25  }
0x36: {  	[tilespmem:$0xDC60] =	vst @!p0 v25  }
0x37: {  	[tilespmem:$0xDC70] =	vst @!p0 v25;
	v25 =	vadd.s32 s3, v1  }
0x38: {  	_ =	swait.ge [sflag:s31], $0x1720  }
0x39: {  	v26 =	vadd.s32 s3, v2;
	[sflag:s31] =	ssyncset.done $0x0  }
0x3a: {  	s15 =	simm.s32 $0x2;
	[sflag:s31] =	ssyncadd.s32 $0xFFFFE8E0  }
0x3b: {  	v27 =	vadd.s32 s15, v1;
	_ =	strace $0x80000048  }
0x3c: {  	v25 =	vld.idx.msk [tilespmem:v25+s29+$0x0], $0xffff  }
0x3d: {  	v28 =	vadd.s32 s15, v2  }
0x3e: {  	s16 =	simm.s32 $0x4;
	v26 =	vld.idx.msk [tilespmem:v26+s29+$0x0], $0xffff  }
0x3f: {  	v29 =	vadd.s32 s16, v1  }
0x40: {  	v30 =	vimm.f32 $0.0e+00;
	v33 =	vadd.s32 s16, v2;
	v32 =	vld.idx.msk [tilespmem:v27+s29+$0x0], $0xffff  }
0x41: {  	s17 =	simm.s32 $0x6;
	v30 =	vadd.f32 v25, v30  }
0x42: {  	v27 =	vadd.s32 s17, v1;
	v25 =	vld.idx.msk [tilespmem:v28+s29+$0x0], $0xffff  }
0x43: {  	v34 =	vadd.f32 v26, v30  }
0x44: {  	v28 =	vadd.s32 s17, v2;
	v26 =	vld.idx.msk [tilespmem:v29+s29+$0x0], $0xffff  }
0x45: {  	s8 =	simm.s32 $0x0;
	s9 =	simm.s32 $0x8;
	s7 =	smov.u32 s25;
	v29 =	vld.idx.msk [tilespmem:v33+s29+$0x0], $0xffff;
	v31 =	vpack.i.f32.bf16 v34, v30;
	v30 =	vadd.f32 v32, v34  }
.LBB2_2:
0x46: {  	v32 =	vadd.s32 s9, v1;
	s8 =	sadd.s32 $0x4, s8;
	[tilespmem:s7+$0xFFFFFFE0] =	vst v31  }
0x47: {  	p1 =	slt.u32 s8, $0xC0;
	v25 =	vadd.f32 v25, v30;
	v27 =	vld.idx.msk [tilespmem:v27+s29+$0x0], $0xffff  }
0x48: {  	v31 =	vadd.s32 s9, v2  }
0x49: {  	s10 =	sadd.s32 $0x2, s9;
	v30 =	vpack.i.f32.bf16 v25, v30;
	v25 =	vadd.f32 v26, v25;
	v26 =	vld.idx.msk [tilespmem:v28+s29+$0x0], $0xffff  }
0x4a: {  	v28 =	vadd.s32 s10, v1;
	[tilespmem:s7+$0xFFFFFFF0] =	vst v30  }
0x4b: {  	v30 =	vld.idx.msk [tilespmem:v32+s29+$0x0], $0xffff;
	v29 =	vadd.f32 v29, v25  }
0x4c: {  	v32 =	vadd.s32 s10, v2  }
0x4d: {  	s10 =	sadd.s32 $0x4, s9;
	v31 =	vld.idx.msk [tilespmem:v31+s29+$0x0], $0xffff;
	v25 =	vpack.i.f32.bf16 v29, v25;
	v27 =	vadd.f32 v27, v29  }
0x4e: {  	v29 =	vadd.s32 s10, v1;
	[tilespmem:s7+$0x0] =	vst v25  }
0x4f: {  	v33 =	vld.idx.msk [tilespmem:v28+s29+$0x0], $0xffff;
	v26 =	vadd.f32 v26, v27  }
0x50: {  	v34 =	vadd.s32 s10, v2  }
.Ltmp0:
0x51: {  	s10 =	sadd.s32 $0x6, s9;
	v30 =	vadd.f32 v30, v26;
	v25 =	vld.idx.msk [tilespmem:v32+s29+$0x0], $0xffff;
	v26 =	vpack.i.f32.bf16 v26, v27;
	(pc) =	sbr.rel @p1 .LBB2_2-.Ltmp0, $4  }
0x52: {  	v27 =	vadd.s32 s10, v1;
	[tilespmem:s7+$0x10] =	vst v26  }
0x53: {  	v32 =	vadd.f32 v31, v30;
	v26 =	vld.idx.msk [tilespmem:v29+s29+$0x0], $0xffff  }
0x54: {  	v28 =	vadd.s32 s10, v2  }
0x55: {  	s9 =	sadd.s32 $0x8, s9;
	s7 =	sadd.s32 $0x40, s7;
	v31 =	vpack.i.f32.bf16 v32, v30;
	v30 =	vadd.f32 v33, v32;
	v29 =	vld.idx.msk [tilespmem:v34+s29+$0x0], $0xffff  }
0x56: {  	_ =	sdelay $0x2  }
0x57: {  	v25 =	vadd.f32 v25, v30  }
0x58: {  	v27 =	vld.idx.msk [tilespmem:v27+s29+$0x0], $0xffff  }
0x59: {  	v26 =	vadd.f32 v26, v25  }
0x5a: {  	v28 =	vld.idx.msk [tilespmem:v28+s29+$0x0], $0xffff  }
0x5b: {  	v29 =	vadd.f32 v29, v26;
	_ =	sdelay $0x1  }
0x5c: {  	v27 =	vadd.f32 v27, v29;
	_ =	sdelay $0x1  }
0x5d: {  	[tilespmem:s7+$0xFFFFFFE0] =	vst v31;
	v25 =	vpack.i.f32.bf16 v25, v30;
	v28 =	vadd.f32 v28, v27  }
0x5e: {  	[tilespmem:s7+$0xFFFFFFF0] =	vst v25;
	v25 =	vpack.i.f32.bf16 v29, v26  }
0x5f: {  	[tilespmem:s7+$0x0] =	vst v25;
	v25 =	vpack.i.f32.bf16 v28, v27  }
0x60: {  	[tilespmem:s7+$0x10] =	vst v25  }
0x61: {  	_ =	strace $0x90000048  }
0x62: {  	_ =	strace $0x80000049  }
0x63: {  	s10 =	rddreg [dreg:$0xa]  }
0x64: {  	[spmem:s10] =	stream.linear.scatter [tilespmem:s5], [sflag:$0x4], $0xC40, $0x200038;
	[tilespmem:$0xF2C0] =	vst v63  }
0x65: {  	_ =	swait.ge [sflag:s0], $0xC40  }
0x66: {  	[sflag:s0] =	ssyncset.done $0x0  }
0x67: {  	[sflag:s0] =	ssyncadd.s32 $0xFFFFF3C0  }
0x68: {  	[bflag:$0x0] =	sbarrier.arrive $0xFFFF  }
0x69: {  	s8 =	simm.s32 $0xE180;
	s11 =	rddreg [dreg:$0x7]  }
0x6a: {  	[tilespmem:s8], [sflag:$0x3] =	stream.linear.gather [spmem:s11], $0x10, $0x200038;
	[tilespmem:$0xF2C0] =	vst v63  }
0x6b: {  	s13 =	simm.s32 $0xE190;
	s12 =	rddreg [dreg:$0x8]  }
0x6c: {  	[tilespmem:s13], [sflag:$0x3] =	stream.linear.gather [spmem:s12], $0x10, $0x200038;
	[tilespmem:$0xF2C0] =	vst v63  }
0x6d: {  	s15 =	simm.s32 $0xE1A0;
	s14 =	rddreg [dreg:$0x9]  }
0x6e: {  	[tilespmem:s15], [sflag:$0x3] =	stream.linear.gather [spmem:s14], $0x10, $0x200038;
	[tilespmem:$0xF2C0] =	vst v63  }
0x6f: {  	s17 =	simm.s32 $0xE1B0;
	s16 =	rddreg [dreg:$0xb]  }
0x70: {  	[tilespmem:s17], [sflag:$0x3] =	stream.linear.gather [spmem:s16], $0x10, $0x200038;
	[tilespmem:$0xF2C0] =	vst v63  }
0x71: {  	s9 =	simm.s32 $0xE1C0;
	s8 =	rddreg [dreg:$0xc]  }
0x72: {  	[tilespmem:s9], [sflag:$0x3] =	stream.linear.gather [spmem:s8], $0x10, $0x200038;
	[tilespmem:$0xF2C0] =	vst v63  }
0x73: {  	s10 =	rddreg [dreg:$0xd];
	s11 =	simm.s32 $0xE1D0  }
0x74: {  	[tilespmem:s11], [sflag:$0x3] =	stream.linear.gather [spmem:s10], $0x10, $0x200038;
	[tilespmem:$0xF2C0] =	vst v63  }
0x75: {  	s12 =	rddreg [dreg:$0xe];
	s13 =	simm.s32 $0xE1E0  }
0x76: {  	[tilespmem:s13], [sflag:$0x3] =	stream.linear.gather [spmem:s12], $0x10, $0x200038;
	[tilespmem:$0xF2C0] =	vst v63  }
0x77: {  	s14 =	rddreg [dreg:$0xf];
	s15 =	simm.s32 $0xE1F0  }
0x78: {  	[tilespmem:s15], [sflag:$0x3] =	stream.linear.gather [spmem:s14], $0x10, $0x200038;
	[tilespmem:$0xF2C0] =	vst v63  }
0x79: {  	s16 =	rddreg [dreg:$0x10];
	s17 =	simm.s32 $0xE200  }
0x7a: {  	[tilespmem:s17], [sflag:$0x3] =	stream.linear.gather [spmem:s16], $0x10, $0x200038;
	[tilespmem:$0xF2C0] =	vst v63  }
0x7b: {  	s9 =	simm.s32 $0xE210  }
0x7c: {  	[tilespmem:s9], [sflag:$0x3] =	stream.linear.gather [spmem:s18], $0x10, $0x200038;
	[tilespmem:$0xF2C0] =	vst v63  }
0x7d: {  	s10 =	simm.s32 $0xE220  }
0x7e: {  	[tilespmem:s10], [sflag:$0x3] =	stream.linear.gather [spmem:s19], $0x10, $0x200038;
	[tilespmem:$0xF2C0] =	vst v63  }
0x7f: {  	s11 =	simm.s32 $0xE230  }
0x80: {  	[tilespmem:s11], [sflag:$0x3] =	stream.linear.gather [spmem:s20], $0x10, $0x200038;
	[tilespmem:$0xF2C0] =	vst v63  }
0x81: {  	s12 =	simm.s32 $0xE240  }
0x82: {  	[tilespmem:s12], [sflag:$0x3] =	stream.linear.gather [spmem:s21], $0x10, $0x200038;
	[tilespmem:$0xF2C0] =	vst v63  }
0x83: {  	s13 =	simm.s32 $0xE250  }
0x84: {  	[tilespmem:s13], [sflag:$0x3] =	stream.linear.gather [spmem:s23], $0x10, $0x200038;
	[tilespmem:$0xF2C0] =	vst v63  }
0x85: {  	s14 =	simm.s32 $0xE260  }
0x86: {  	[tilespmem:s14], [sflag:$0x3] =	stream.linear.gather [spmem:s26], $0x10, $0x200038;
	[tilespmem:$0xF2C0] =	vst v63  }
0x87: {  	s15 =	simm.s32 $0xE270  }
0x88: {  	[tilespmem:s15], [sflag:$0x3] =	stream.linear.gather [spmem:s28], $0x10, $0x200038;
	[tilespmem:$0xF2C0] =	vst v63  }
0x89: {  	_ =	swait.ge [sflag:s2], $0x10  }
0x8a: {  	[sflag:s2] =	ssyncset.done $0x0  }
0x8b: {  	[sflag:s2] =	ssyncadd.s32 $0xFFFFFFF0  }
0x8c: {  	_ =	swait.ge [sflag:s2], $0x10  }
0x8d: {  	[sflag:s2] =	ssyncset.done $0x0  }
0x8e: {  	[sflag:s2] =	ssyncadd.s32 $0xFFFFFFF0  }
0x8f: {  	_ =	swait.ge [sflag:s2], $0x10  }
0x90: {  	[sflag:s2] =	ssyncset.done $0x0  }
0x91: {  	[sflag:s2] =	ssyncadd.s32 $0xFFFFFFF0  }
0x92: {  	_ =	swait.ge [sflag:s2], $0x10  }
0x93: {  	[sflag:s2] =	ssyncset.done $0x0  }
0x94: {  	[sflag:s2] =	ssyncadd.s32 $0xFFFFFFF0  }
0x95: {  	_ =	swait.ge [sflag:s2], $0x10  }
0x96: {  	[sflag:s2] =	ssyncset.done $0x0  }
0x97: {  	[sflag:s2] =	ssyncadd.s32 $0xFFFFFFF0  }
0x98: {  	_ =	swait.ge [sflag:s2], $0x10  }
0x99: {  	[sflag:s2] =	ssyncset.done $0x0  }
0x9a: {  	[sflag:s2] =	ssyncadd.s32 $0xFFFFFFF0  }
0x9b: {  	_ =	swait.ge [sflag:s2], $0x10  }
0x9c: {  	[sflag:s2] =	ssyncset.done $0x0  }
0x9d: {  	[sflag:s2] =	ssyncadd.s32 $0xFFFFFFF0  }
0x9e: {  	_ =	swait.ge [sflag:s2], $0x10  }
0x9f: {  	[sflag:s2] =	ssyncset.done $0x0  }
0xa0: {  	[sflag:s2] =	ssyncadd.s32 $0xFFFFFFF0  }
0xa1: {  	_ =	swait.ge [sflag:s2], $0x10  }
0xa2: {  	[sflag:s2] =	ssyncset.done $0x0  }
0xa3: {  	[sflag:s2] =	ssyncadd.s32 $0xFFFFFFF0  }
0xa4: {  	_ =	swait.ge [sflag:s2], $0x10  }
0xa5: {  	[sflag:s2] =	ssyncset.done $0x0  }
0xa6: {  	[sflag:s2] =	ssyncadd.s32 $0xFFFFFFF0  }
0xa7: {  	_ =	swait.ge [sflag:s2], $0x10  }
0xa8: {  	[sflag:s2] =	ssyncset.done $0x0  }
0xa9: {  	[sflag:s2] =	ssyncadd.s32 $0xFFFFFFF0  }
0xaa: {  	_ =	swait.ge [sflag:s2], $0x10  }
0xab: {  	[sflag:s2] =	ssyncset.done $0x0  }
0xac: {  	[sflag:s2] =	ssyncadd.s32 $0xFFFFFFF0  }
0xad: {  	_ =	swait.ge [sflag:s2], $0x10  }
0xae: {  	[sflag:s2] =	ssyncset.done $0x0  }
0xaf: {  	[sflag:s2] =	ssyncadd.s32 $0xFFFFFFF0  }
0xb0: {  	_ =	swait.ge [sflag:s2], $0x10  }
0xb1: {  	[sflag:s2] =	ssyncset.done $0x0  }
0xb2: {  	[sflag:s2] =	ssyncadd.s32 $0xFFFFFFF0  }
0xb3: {  	_ =	swait.ge [sflag:s2], $0x10  }
0xb4: {  	[sflag:s2] =	ssyncset.done $0x0  }
0xb5: {  	[sflag:s2] =	ssyncadd.s32 $0xFFFFFFF0  }
0xb6: {  	_ =	swait.ge [sflag:s2], $0x10  }
0xb7: {  	[sflag:s2] =	ssyncset.done $0x0  }
0xb8: {  	[sflag:s2] =	ssyncadd.s32 $0xFFFFFFF0  }
0xb9: {  	s16 =	simm.s32 $0x0;
	s17 =	rddreg [dreg:$0x3]  }
0xba: {  	[tilespmem:s16], [sflag:$0x1] =	stream.linear.gather [spmem:s17], $0xC400, $0x200038;
	[tilespmem:$0xF2C0] =	vst v63  }
0xbb: {  	_ =	strace $0x90000049  }
0xbc: {  	_ =	strace $0x8000004A  }
0xbd: {  	v25 =	vld [tilespmem:$0xE180]  }
0xbe: {  	v26 =	vld [tilespmem:$0xE190]  }
0xbf: {  	v27 =	vld [tilespmem:$0xE1A0]  }
0xc0: {  	v30 =	vld [tilespmem:$0xE1B0]  }
0xc1: {  	v31 =	vld [tilespmem:$0xE1C0]  }
0xc2: {  	v37 =	vld [tilespmem:$0xE1F0]  }
0xc3: {  	v50 =	vld [tilespmem:$0xE200];
	v25 =	vand.u32 $0xFFFF0000, v25  }
0xc4: {  	v38 =	vld [tilespmem:$0xE210];
	v26 =	vand.u32 $0xFFFF0000, v26;
	v28 =	vperm.xlane v25, v3  }
0xc5: {  	vm3 =	veq.s32 v0, $0x0;
	v39 =	vld [tilespmem:$0xE220];
	v27 =	vand.u32 $0xFFFF0000, v27;
	v29 =	vperm.xlane v26, v3  }
0xc6: {  	v30 =	vand.u32 $0xFFFF0000, v30;
	v31 =	vand.u32 $0xFFFF0000, v31;
	v28 =	vsel vm3, $0x0, v28  }
0xc7: {  	v29 =	vsel vm3, $0x0, v29;
	v25 =	vadd.f32 v25, v28;
	v28 =	vperm.xlane v27, v3  }
0xc8: {  	v37 =	vand.u32 $0xFFFF0000, v37;
	v53 =	vand.u32 $0xFFFF0000, v50;
	v26 =	vadd.f32 v26, v29  }
0xc9: {  	v56 =	vand.u32 $0xFFFF0000, v38;
	v32 =	vperm.xlane v25, v4;
	v28 =	vsel vm3, $0x0, v28  }
0xca: {  	v57 =	vand.u32 $0xFFFF0000, v39;
	v29 =	vperm.xlane v26, v4;
	v27 =	vadd.f32 v27, v28  }
0xcb: {  	v40 =	vperm.xlane v30, v3;
	v58 =	vperm.xlane v56, v3;
	v28 =	vsel vm0, $0x0, v32  }
0xcc: {  	v29 =	vsel vm0, $0x0, v29;
	v25 =	vadd.f32 v28, v25;
	v28 =	vperm.xlane v27, v4  }
0xcd: {  	v54 =	vperm.xlane v53, v3;
	v26 =	vadd.f32 v29, v26;
	v29 =	vperm.xlane v31, v3  }
0xce: {  	v59 =	vsel vm3, $0x0, v58;
	v28 =	vsel vm0, $0x0, v28;
	v33 =	vperm.xlane v25, v5  }
0xcf: {  	v46 =	vld [tilespmem:$0xE1E0];
	v29 =	vsel vm3, $0x0, v29;
	v27 =	vadd.f32 v28, v27;
	v28 =	vsel vm3, $0x0, v40  }
0xd0: {  	v41 =	vperm.xlane v26, v5;
	v29 =	vadd.f32 v31, v29;
	v28 =	vadd.f32 v30, v28  }
0xd1: {  	v31 =	vld [tilespmem:$0xE1D0];
	v40 =	vperm.xlane v57, v3;
	v30 =	vsel vm1, $0x0, v33;
	v42 =	vperm.xlane v27, v5  }
0xd2: {  	v25 =	vadd.f32 v30, v25;
	v30 =	vsel vm1, $0x0, v41;
	v43 =	vperm.xlane v28, v4  }
0xd3: {  	v44 =	vperm.xlane v29, v4;
	v26 =	vadd.f32 v30, v26;
	v30 =	vsel vm1, $0x0, v42  }
0xd4: {  	v33 =	vand.u32 $0xFFFF0000, v46;
	v30 =	vadd.f32 v30, v27;
	v27 =	vsel vm0, $0x0, v43  }
0xd5: {  	v34 =	vperm.xlane v25, v6;
	v27 =	vadd.f32 v27, v28;
	v28 =	vsel vm0, $0x0, v44  }
0xd6: {  	v45 =	vperm.xlane v26, v6;
	v28 =	vadd.f32 v28, v29;
	v29 =	vand.u32 $0xFFFF0000, v31  }
0xd7: {  	v35 =	vperm.xlane v30, v6;
	v31 =	vsel vm2, $0x0, v34;
	v36 =	vperm.xlane v29, v3  }
0xd8: {  	v47 =	vperm.xlane v27, v5;
	v25 =	vadd.f32 v31, v25;
	v48 =	vperm.xlane v28, v5  }
0xd9: {  	v31 =	vsel vm2, $0x0, v45;
	v35 =	vsel vm2, $0x0, v35;
	v36 =	vsel vm3, $0x0, v36  }
0xda: {  	v34 =	vsel vm1, $0x0, v47;
	v32 =	vsel vm1, $0x0, v48;
	v29 =	vadd.f32 v29, v36  }
0xdb: {  	v34 =	vadd.f32 v34, v27;
	v32 =	vadd.f32 v32, v28;
	v28 =	vperm.xlane v33, v3  }
0xdc: {  	v27 =	vadd.f32 v31, v26;
	v26 =	vadd.f32 v35, v30;
	v30 =	vperm.xlane v29, v4  }
0xdd: {  	v35 =	vadd.f32 v56, v59;
	v31 =	vperm.xlane v34, v6;
	v28 =	vsel vm3, $0x0, v28  }
0xde: {  	v49 =	vperm.xlane v32, v6;
	v30 =	vsel vm0, $0x0, v30;
	v33 =	vadd.f32 v33, v28  }
0xdf: {  	v28 =	vsel vm2, $0x0, v31;
	v31 =	vperm.xlane v37, v3;
	v30 =	vadd.f32 v30, v29  }
0xe0: {  	v45 =	vperm.xlane v35, v4;
	v28 =	vadd.f32 v28, v34;
	v29 =	vsel vm2, $0x0, v49  }
0xe1: {  	v51 =	vperm.xlane v33, v4;
	v31 =	vsel vm3, $0x0, v31;
	v52 =	vperm.xlane v30, v5  }
0xe2: {  	v49 =	vsel vm0, $0x0, v45;
	v29 =	vadd.f32 v29, v32;
	v31 =	vadd.f32 v37, v31  }
0xe3: {  	v35 =	vadd.f32 v49, v35;
	v34 =	vsel vm0, $0x0, v51;
	v32 =	vsel vm1, $0x0, v52  }
0xe4: {  	v33 =	vadd.f32 v34, v33;
	v55 =	vperm.xlane v31, v4;
	v34 =	vsel vm3, $0x0, v54  }
0xe5: {  	v60 =	vsel vm3, $0x0, v40;
	v34 =	vadd.f32 v53, v34;
	v30 =	vadd.f32 v32, v30  }
0xe6: {  	v59 =	vld [tilespmem:$0xE240];
	v41 =	vperm.xlane v33, v5;
	v36 =	vsel vm0, $0x0, v55;
	v55 =	vperm.xlane v35, v5  }
0xe7: {  	v31 =	vadd.f32 v36, v31;
	v61 =	vperm.xlane v34, v4;
	v36 =	vadd.f32 v57, v60  }
0xe8: {  	v52 =	vperm.xlane v30, v6;
	v62 =	vsel vm1, $0x0, v41;
	v39 =	vsel vm1, $0x0, v55  }
0xe9: {  	v57 =	vld [tilespmem:$0xE230];
	v63 =	vperm.xlane v31, v5;
	v44 =	vsel vm0, $0x0, v61;
	v46 =	vperm.xlane v36, v4  }
0xea: {  	v43 =	vld [tilespmem:$0xE260];
	v32 =	vadd.f32 v62, v33;
	v37 =	vsel vm2, $0x0, v52;
	v35 =	vadd.f32 v39, v35  }
0xeb: {  	v39 =	vand.u32 $0xFFFF0000, v59;
	v47 =	vadd.f32 v44, v34;
	v30 =	vadd.f32 v37, v30  }
0xec: {  	v61 =	vld [tilespmem:$0xE250];
	v48 =	vsel vm1, $0x0, v63;
	v50 =	vsel vm0, $0x0, v46;
	v53 =	vperm.xlane v32, v6  }
0xed: {  	v63 =	vperm.xlane v35, v6;
	v51 =	vperm.xlane v47, v5;
	v36 =	vadd.f32 v50, v36  }
0xee: {  	v31 =	vadd.f32 v48, v31;
	v34 =	vand.u32 $0xFFFF0000, v57;
	v38 =	vsel vm2, $0x0, v53  }
0xef: {  	v49 =	vperm.xlane v34, v3;
	v53 =	vand.u32 $0xFFFF0000, v43;
	v54 =	vsel vm1, $0x0, v51  }
0xf0: {  	v46 =	vld [tilespmem:$0xE270];
	v56 =	vperm.xlane v36, v5;
	v58 =	vperm.xlane v31, v6;
	v32 =	vadd.f32 v38, v32  }
0xf1: {  	v51 =	vperm.xlane v39, v3;
	v38 =	vand.u32 $0xFFFF0000, v61;
	v43 =	vperm.xlane v53, v3  }
0xf2: {  	v33 =	vadd.f32 v54, v47;
	v47 =	vsel vm2, $0x0, v63;
	v50 =	vsel vm3, $0x0, v49  }
0xf3: {  	v52 =	vperm.xlane v38, v3;
	v40 =	vsel vm1, $0x0, v56;
	v60 =	vsel vm2, $0x0, v58  }
0xf4: {  	v35 =	vadd.f32 v47, v35;
	v34 =	vadd.f32 v34, v50;
	v41 =	vsel vm3, $0x0, v51  }
0xf5: {  	v37 =	vand.u32 $0xFFFF0000, v46;
	v55 =	vsel vm3, $0x0, v43;
	v36 =	vadd.f32 v40, v36  }
0xf6: {  	v42 =	vperm.xlane v33, v6;
	v31 =	vadd.f32 v60, v31;
	v39 =	vadd.f32 v39, v41  }
0xf7: {  	v40 =	vsel vm3, $0x0, v52;
	v54 =	vperm.xlane v37, v3;
	v44 =	vperm.xlane v34, v4  }
0xf8: {  	v38 =	vadd.f32 v38, v40;
	v40 =	vadd.f32 v53, v55;
	v62 =	vsel vm2, $0x0, v42  }
0xf9: {  	v45 =	vperm.xlane v36, v6;
	v56 =	vperm.xlane v39, v4;
	v41 =	vsel vm3, $0x0, v54  }
0xfa: {  	v33 =	vadd.f32 v62, v33;
	v57 =	vsel vm0, $0x0, v44;
	v58 =	vperm.xlane v38, v4  }
0xfb: {  	v37 =	vadd.f32 v37, v41;
	v60 =	vperm.xlane v40, v4;
	v48 =	vsel vm2, $0x0, v45  }
0xfc: {  	v34 =	vadd.f32 v57, v34;
	v59 =	vsel vm0, $0x0, v56;
	v36 =	vadd.f32 v48, v36  }
0xfd: {  	[tilespmem:$0xE080] =	vst v25;
	v39 =	vadd.f32 v59, v39;
	v61 =	vsel vm0, $0x0, v58;
	v62 =	vperm.xlane v37, v4  }
0xfe: {  	[tilespmem:$0xE090] =	vst v27;
	v48 =	vsel vm0, $0x0, v60;
	v63 =	vperm.xlane v34, v5;
	v38 =	vadd.f32 v61, v38  }
0xff: {  	[tilespmem:$0xE0A0] =	vst v26;
	v40 =	vadd.f32 v48, v40;
	v49 =	vperm.xlane v39, v5;
	v50 =	vsel vm0, $0x0, v62  }
0x100: {  	[tilespmem:$0xE0B0] =	vst v28;
	v51 =	vsel vm1, $0x0, v63;
	v52 =	vperm.xlane v38, v5;
	v37 =	vadd.f32 v50, v37  }
0x101: {  	[tilespmem:$0xE0C0] =	vst v29;
	v54 =	vperm.xlane v40, v5;
	v34 =	vadd.f32 v51, v34;
	v53 =	vsel vm1, $0x0, v49  }
0x102: {  	[tilespmem:$0xE0D0] =	vst v30;
	v39 =	vadd.f32 v53, v39;
	v55 =	vsel vm1, $0x0, v52;
	v56 =	vperm.xlane v37, v5  }
0x103: {  	[tilespmem:$0xE0E0] =	vst v32;
	v58 =	vsel vm1, $0x0, v54;
	v57 =	vperm.xlane v34, v6;
	v38 =	vadd.f32 v55, v38  }
0x104: {  	[tilespmem:$0xE110] =	vst v35;
	v40 =	vadd.f32 v58, v40;
	v59 =	vperm.xlane v39, v6;
	v60 =	vsel vm1, $0x0, v56  }
0x105: {  	[tilespmem:$0xE0F0] =	vst v31;
	v61 =	vsel vm2, $0x0, v57;
	v62 =	vperm.xlane v38, v6;
	v37 =	vadd.f32 v60, v37  }
0x106: {  	[tilespmem:$0xE100] =	vst v33;
	v45 =	vperm.xlane v40, v6;
	v34 =	vadd.f32 v61, v34;
	v63 =	vsel vm2, $0x0, v59  }
0x107: {  	[tilespmem:$0xE120] =	vst v36;
	v39 =	vadd.f32 v63, v39;
	v46 =	vsel vm2, $0x0, v62;
	v47 =	vperm.xlane v37, v6  }
0x108: {  	v48 =	vsel vm2, $0x0, v45;
	[tilespmem:$0xE130] =	vst v34;
	v38 =	vadd.f32 v46, v38  }
0x109: {  	v40 =	vadd.f32 v48, v40;
	[tilespmem:$0xE140] =	vst v39;
	v49 =	vsel vm2, $0x0, v47  }
0x10a: {  	[tilespmem:$0xE150] =	vst v38;
	v37 =	vadd.f32 v49, v37  }
0x10b: {  	[tilespmem:$0xE160] =	vst v40  }
0x10c: {  	[tilespmem:$0xE170] =	vst v37  }
0x10d: {  	v50 =	vld.idx.msk [tilespmem:v7+s30+$0x0], $0xffff;
	_ =	sdelay $0x4  }
0x10e: {  	v51 =	vperm.xlane v50, v3;
	_ =	sdelay $0x1  }
0x10f: {  	v42 =	vsel vm3, $0x0, v51  }
0x110: {  	v42 =	vadd.f32 v42, v50;
	_ =	sdelay $0x1  }
0x111: {  	v52 =	vperm.xlane v42, v4;
	_ =	sdelay $0x1  }
0x112: {  	v43 =	vsel vm0, $0x0, v52  }
0x113: {  	v42 =	vadd.f32 v43, v42;
	_ =	sdelay $0x1  }
0x114: {  	v43 =	vperm.xlane v42, v5;
	_ =	sdelay $0x1  }
0x115: {  	v43 =	vsel vm1, $0x0, v43  }
0x116: {  	v42 =	vadd.f32 v43, v42;
	_ =	sdelay $0x1  }
0x117: {  	v43 =	vperm.xlane v42, v6;
	_ =	sdelay $0x1  }
0x118: {  	v43 =	vsel vm2, $0x0, v43  }
0x119: {  	v42 =	vadd.f32 v43, v42;
	_ =	sdelay $0x1  }
0x11a: {  	v41 =	vsub.f32 v42, v50;
	_ =	sdelay $0x1  }
0x11b: {  	v53 =	vperm.xlane v41, v9  }
0x11c: {  	v11 =	vimm.s32 $0x2;
	v54 =	vperm.xlane v41, v10  }
0x11d: {  	v55 =	vperm.xlane v41, v11;
	v11 =	vimm.s32 $0x3;
	v25 =	vadd.f32 v53, v25  }
0x11e: {  	v56 =	vperm.xlane v41, v11;
	v27 =	vadd.f32 v54, v27  }
0x11f: {  	[tilespmem:$0xE080] =	vst v25;
	v25 =	vadd.f32 v55, v26;
	v26 =	vperm.xlane v41, v13  }
0x120: {  	[tilespmem:$0xE090] =	vst v27;
	v27 =	vadd.f32 v56, v28;
	v28 =	vperm.xlane v41, v14  }
0x121: {  	[tilespmem:$0xE0A0] =	vst v25;
	v25 =	vadd.f32 v26, v29;
	v26 =	vperm.xlane v41, v15  }
0x122: {  	[tilespmem:$0xE0B0] =	vst v27;
	v27 =	vadd.f32 v28, v30;
	v28 =	vperm.xlane v41, v16  }
0x123: {  	[tilespmem:$0xE0C0] =	vst v25;
	v25 =	vadd.f32 v26, v32;
	v26 =	vperm.xlane v41, v17  }
0x124: {  	[tilespmem:$0xE0D0] =	vst v27;
	v27 =	vadd.f32 v28, v31;
	v28 =	vperm.xlane v41, v18  }
0x125: {  	[tilespmem:$0xE0E0] =	vst v25;
	v25 =	vadd.f32 v26, v33;
	v26 =	vperm.xlane v41, v19  }
0x126: {  	[tilespmem:$0xE0F0] =	vst v27;
	v27 =	vadd.f32 v28, v35;
	v28 =	vperm.xlane v41, v20  }
0x127: {  	[tilespmem:$0xE100] =	vst v25;
	v25 =	vadd.f32 v26, v36;
	v26 =	vperm.xlane v41, v21  }
0x128: {  	[tilespmem:$0xE110] =	vst v27;
	v27 =	vadd.f32 v28, v34;
	v28 =	vperm.xlane v41, v22  }
0x129: {  	[tilespmem:$0xE120] =	vst v25;
	v25 =	vadd.f32 v26, v39;
	v26 =	vperm.xlane v41, v23  }
0x12a: {  	[tilespmem:$0xE130] =	vst v27;
	v27 =	vadd.f32 v28, v38;
	v28 =	vperm.xlane v41, v8  }
0x12b: {  	[tilespmem:$0xE140] =	vst v25;
	v25 =	vadd.f32 v26, v40  }
0x12c: {  	[tilespmem:$0xE150] =	vst v27;
	v26 =	vadd.f32 v28, v37  }
0x12d: {  	[tilespmem:$0xE160] =	vst v25  }
0x12e: {  	[tilespmem:$0xE170] =	vst v26  }
0x12f: {  	_ =	strace $0x9000004A  }
0x130: {  	_ =	swait.ge [sflag:s1], $0x200  }
0x131: {  	[sflag:s1] =	ssyncset.done $0x0  }
0x132: {  	[sflag:s1] =	ssyncadd.s32 $0xFFFFFE00  }
0x133: {  	s7 =	simm.s32 $0x0;
	_ =	strace $0x8000004B  }
0x134: {  	v25 =	vld [tilespmem:s7+$0xDC80];
	_ =	sdelay $0x1  }
0x135: {  	v26 =	vld.idx.msk [tilespmem:v24+s30+$0x0], $0xffff  }
0x136: {  	v37 =	vperm.xlane v42, v8;
	_ =	sdelay $0x1  }
0x137: {  	v27 =	vmul.f32 v25, v37;
	_ =	sdelay $0x1  }
0x138: {  	vm3 =	vlt.f32 v26, v27  }
0x139: {  	v35 =	vsel vm3, $0x80, v9  }
0x13a: {  	v25 =	vor.u32 $0x3F, v35;
	_ =	sdelay $0x4  }
0x13b: {  	s8 =	simm.s32 $0x10;
	v25 =	vld.idx.msk [tilespmem:v25+s30+$0x0], $0xffff  }
0x13c: {  	v26 =	vld [tilespmem:s8+$0xDC80];
	_ =	sdelay $0x1  }
0x13d: {  	v28 =	vld.idx.msk [tilespmem:v24+s30+$0x0], $0xffff;
	_ =	sdelay $0x1  }
0x13e: {  	vm3 =	vlt.f32 v25, v27  }
0x13f: {  	v25 =	vmul.f32 v26, v37;
	v29 =	vsel vm3, $0x40, v9  }
0x140: {  	v26 =	vor.u32 v29, v35  }
0x141: {  	vm3 =	vlt.f32 v28, v25;
	v26 =	vor.u32 $0x1F, v26  }
0x142: {  	v38 =	vsel vm3, $0x80, v9  }
0x143: {  	v28 =	vor.u32 $0x3F, v38;
	_ =	sdelay $0x2  }
0x144: {  	s9 =	simm.s32 $0x20;
	v26 =	vld.idx.msk [tilespmem:v26+s30+$0x0], $0xffff  }
0x145: {  	v30 =	vld [tilespmem:s9+$0xDC80]  }
0x146: {  	v28 =	vld.idx.msk [tilespmem:v28+s30+$0x0], $0xffff;
	_ =	sdelay $0x1  }
0x147: {  	v31 =	vld.idx.msk [tilespmem:v24+s30+$0x0], $0xffff  }
0x148: {  	vm3 =	vlt.f32 v26, v27  }
0x149: {  	v57 =	vsel vm3, $0x20, v9  }
0x14a: {  	v26 =	vmul.f32 v30, v37;
	vm3 =	vlt.f32 v28, v25;
	v39 =	vor.u32 v29, v57  }
0x14b: {  	v28 =	vsel vm3, $0x40, v9;
	v30 =	vor.u32 v35, v39  }
0x14c: {  	vm3 =	vlt.f32 v31, v26;
	v29 =	vor.u32 v28, v38;
	v31 =	vor.u32 $0xF, v30  }
0x14d: {  	v29 =	vor.u32 $0x1F, v29  }
0x14e: {  	v34 =	vsel vm3, $0x80, v9  }
0x14f: {  	v58 =	vor.u32 $0x3F, v34;
	_ =	sdelay $0x1  }
0x150: {  	v31 =	vld.idx.msk [tilespmem:v31+s30+$0x0], $0xffff  }
0x151: {  	s10 =	simm.s32 $0x30;
	v29 =	vld.idx.msk [tilespmem:v29+s30+$0x0], $0xffff  }
0x152: {  	v59 =	vld [tilespmem:s10+$0xDC80]  }
0x153: {  	v32 =	vld.idx.msk [tilespmem:v58+s30+$0x0], $0xffff;
	_ =	sdelay $0x1  }
0x154: {  	v60 =	vld.idx.msk [tilespmem:v24+s30+$0x0], $0xffff  }
0x155: {  	vm3 =	vlt.f32 v31, v27;
	vm4 =	vlt.f32 v29, v25  }
0x156: {  	v29 =	vmul.f32 v59, v37;
	v31 =	vsel vm3, $0x10, v9;
	v61 =	vsel vm4, $0x20, v9  }
0x157: {  	vm3 =	vlt.f32 v32, v26;
	v62 =	vor.u32 v31, v30;
	v43 =	vor.u32 v28, v61  }
0x158: {  	v63 =	vsel vm3, $0x40, v9;
	v44 =	vor.u32 v38, v43;
	v28 =	vor.u32 $0x7, v62  }
0x159: {  	s11 =	simm.s32 $0x40;
	vm3 =	vlt.f32 v60, v29;
	v47 =	vor.u32 v63, v34;
	v48 =	vor.u32 $0xF, v44  }
0x15a: {  	v50 =	vld [tilespmem:s11+$0xDC80];
	v32 =	vsel vm3, $0x80, v9;
	v49 =	vor.u32 $0x1F, v47  }
0x15b: {  	v51 =	vor.u32 $0x3F, v32  }
0x15c: {  	v45 =	vld.idx.msk [tilespmem:v24+s30+$0x0], $0xffff  }
0x15d: {  	v46 =	vld.idx.msk [tilespmem:v28+s30+$0x0], $0xffff  }
0x15e: {  	v47 =	vld.idx.msk [tilespmem:v48+s30+$0x0], $0xffff  }
0x15f: {  	v28 =	vmul.f32 v50, v37;
	v36 =	vld.idx.msk [tilespmem:v49+s30+$0x0], $0xffff  }
0x160: {  	v52 =	vld.idx.msk [tilespmem:v51+s30+$0x0], $0xffff  }
0x161: {  	vm3 =	vlt.f32 v45, v28  }
0x162: {  	v33 =	vsel vm3, $0x80, v9  }
0x163: {  	v53 =	vor.u32 $0x3F, v33  }
0x164: {  	vm3 =	vlt.f32 v46, v27;
	vm4 =	vlt.f32 v47, v25;
	vm5 =	vlt.f32 v36, v26  }
0x165: {  	v54 =	vsel vm3, $0x8, v9;
	vm3 =	vlt.f32 v52, v29;
	v45 =	vsel vm4, $0x10, v9  }
0x166: {  	v55 =	vsel vm5, $0x20, v9;
	v57 =	vsel vm3, $0x40, v9;
	v56 =	vor.u32 v45, v44  }
0x167: {  	s12 =	simm.s32 $0x50;
	v47 =	vor.u32 v63, v55;
	v58 =	vor.u32 v57, v32;
	v40 =	vor.u32 $0x7, v56  }
0x168: {  	v49 =	vld [tilespmem:s12+$0xDC80];
	v31 =	vor.u32 v31, v54;
	v46 =	vor.u32 v34, v47;
	v36 =	vor.u32 $0x1F, v58  }
0x169: {  	v30 =	vor.u32 v31, v30;
	v42 =	vld.idx.msk [tilespmem:v53+s30+$0x0], $0xffff;
	v48 =	vor.u32 $0xF, v46  }
0x16a: {  	v50 =	vor.u32 $0x3, v30  }
0x16b: {  	v51 =	vld.idx.msk [tilespmem:v24+s30+$0x0], $0xffff  }
0x16c: {  	v40 =	vld.idx.msk [tilespmem:v40+s30+$0x0], $0xffff  }
0x16d: {  	v52 =	vld.idx.msk [tilespmem:v36+s30+$0x0], $0xffff  }
0x16e: {  	v30 =	vmul.f32 v49, v37;
	vm3 =	vlt.f32 v42, v28;
	v48 =	vld.idx.msk [tilespmem:v48+s30+$0x0], $0xffff  }
0x16f: {  	v59 =	vld.idx.msk [tilespmem:v50+s30+$0x0], $0xffff;
	v49 =	vsel vm3, $0x40, v9  }
0x170: {  	vm3 =	vlt.f32 v51, v30;
	v60 =	vor.u32 v49, v33  }
0x171: {  	v36 =	vsel vm3, $0x80, v9;
	v61 =	vor.u32 $0x1F, v60  }
0x172: {  	v62 =	vor.u32 $0x3F, v36  }
0x173: {  	vm3 =	vlt.f32 v40, v25;
	vm5 =	vlt.f32 v52, v29;
	vm4 =	vlt.f32 v48, v26  }
0x174: {  	v40 =	vsel vm3, $0x8, v9;
	v63 =	vsel vm5, $0x20, v9;
	vm3 =	vlt.f32 v59, v27  }
0x175: {  	v52 =	vsel vm4, $0x10, v9;
	v42 =	vor.u32 v57, v63;
	v56 =	vsel vm3, $0x4, v9  }
0x176: {  	v40 =	vor.u32 v45, v40;
	v48 =	vor.u32 v32, v42;
	v41 =	vor.u32 v56, v35;
	v57 =	vld.idx.msk [tilespmem:v61+s30+$0x0], $0xffff  }
0x177: {  	s13 =	simm.s32 $0x60;
	v58 =	vor.u32 v52, v46;
	v59 =	vld.idx.msk [tilespmem:v62+s30+$0x0], $0xffff;
	v53 =	vor.u32 $0xF, v48;
	v39 =	vor.u32 v39, v41  }
0x178: {  	v44 =	vor.u32 v40, v44;
	v50 =	vor.u32 $0x7, v58;
	v51 =	vor.u32 v31, v39;
	v31 =	vld [tilespmem:s13+$0xDC80]  }
0x179: {  	v60 =	vor.u32 $0x3, v44;
	v61 =	vand.u32 $0x7C, v51  }
0x17a: {  	v54 =	vld.idx.msk [tilespmem:v24+s30+$0x0], $0xffff;
	v44 =	vor.u32 v61, v35  }
0x17b: {  	v44 =	vor.u32 $0x1, v44;
	vm3 =	vlt.f32 v57, v28  }
0x17c: {  	v45 =	vld.idx.msk [tilespmem:v53+s30+$0x0], $0xffff;
	v62 =	vsel vm3, $0x20, v9  }
0x17d: {  	v50 =	vld.idx.msk [tilespmem:v50+s30+$0x0], $0xffff;
	vm3 =	vlt.f32 v59, v30;
	v31 =	vmul.f32 v31, v37;
	v41 =	vor.u32 v49, v62  }
0x17e: {  	v63 =	vld.idx.msk [tilespmem:v60+s30+$0x0], $0xffff;
	v53 =	vsel vm3, $0x40, v9;
	v55 =	vor.u32 v33, v41  }
0x17f: {  	v60 =	vor.u32 v53, v36;
	vm3 =	vlt.f32 v54, v31;
	v61 =	vor.u32 $0xF, v55  }
0x180: {  	v56 =	vor.u32 $0x1F, v60;
	v44 =	vld.idx.msk [tilespmem:v44+s30+$0x0], $0xffff;
	v39 =	vsel vm3, $0x80, v9  }
0x181: {  	vm3 =	vlt.f32 v45, v29;
	v62 =	vor.u32 $0x3F, v39  }
0x182: {  	vm4 =	vlt.f32 v50, v26;
	v50 =	vsel vm3, $0x10, v9  }
0x183: {  	v57 =	vsel vm4, $0x8, v9;
	vm3 =	vlt.f32 v63, v25;
	v58 =	vor.u32 v50, v48  }
0x184: {  	v49 =	vor.u32 v52, v57;
	v63 =	vsel vm3, $0x4, v9;
	v52 =	vor.u32 $0x7, v58;
	v54 =	vld.idx.msk [tilespmem:v61+s30+$0x0], $0xffff  }
0x185: {  	v46 =	vor.u32 v49, v46;
	v57 =	vor.u32 v63, v38;
	v56 =	vld.idx.msk [tilespmem:v56+s30+$0x0], $0xffff;
	vm3 =	vlt.f32 v44, v27  }
0x186: {  	s14 =	simm.s32 $0x70;
	v44 =	vor.u32 $0x3, v46;
	v43 =	vor.u32 v43, v57;
	v45 =	vld.idx.msk [tilespmem:v62+s30+$0x0], $0xffff;
	v60 =	vsel vm3, $0x2, v9  }
0x187: {  	v43 =	vor.u32 v40, v43;
	v40 =	vld [tilespmem:s14+$0xDC80];
	v51 =	vor.u32 v60, v51  }
0x188: {  	v61 =	vand.u32 $0x7C, v43;
	v62 =	vand.u32 $0x7E, v51  }
0x189: {  	v63 =	vld.idx.msk [tilespmem:v24+s30+$0x0], $0xffff;
	v46 =	vor.u32 v61, v38;
	v57 =	vor.u32 v35, v62  }
0x18a: {  	v52 =	vld.idx.msk [tilespmem:v52+s30+$0x0], $0xffff;
	v59 =	vor.u32 $0x1, v46;
	vm3 =	vlt.f32 v54, v28;
	vm4 =	vlt.f32 v56, v30  }
0x18b: {  	v44 =	vld.idx.msk [tilespmem:v44+s30+$0x0], $0xffff;
	v54 =	vsel vm3, $0x10, v9;
	v60 =	vsel vm4, $0x20, v9;
	vm3 =	vlt.f32 v45, v31  }
0x18c: {  	v61 =	vor.u32 v54, v55;
	v35 =	vmul.f32 v40, v37;
	v45 =	vor.u32 v53, v60  }
0x18d: {  	v53 =	vsel vm3, $0x40, v9;
	v46 =	vor.u32 v36, v45;
	v56 =	vor.u32 $0x7, v61  }
0x18e: {  	v62 =	vor.u32 v53, v39;
	vm3 =	vlt.f32 v63, v35;
	v58 =	vor.u32 $0xF, v46;
	v57 =	vld.idx.msk [tilespmem:v57+s30+$0x0], $0xffff  }
0x18f: {  	vm4 =	vlt.f32 v52, v29;
	v52 =	vor.u32 $0x1F, v62;
	v59 =	vld.idx.msk [tilespmem:v59+s30+$0x0], $0xffff;
	v40 =	vsel vm3, $0x80, v9  }
0x190: {  	v60 =	vsel vm4, $0x8, v9;
	vm3 =	vlt.f32 v44, v26;
	v61 =	vor.u32 $0x3F, v40  }
0x191: {  	v60 =	vor.u32 v50, v60;
	v44 =	vsel vm3, $0x4, v9  }
0x192: {  	v48 =	vor.u32 v60, v48;
	v44 =	vor.u32 v44, v34;
	v50 =	vld.idx.msk [tilespmem:v56+s30+$0x0], $0xffff  }
0x193: {  	v48 =	vor.u32 $0x3, v48;
	v44 =	vor.u32 v47, v44;
	v47 =	vld.idx.msk [tilespmem:v58+s30+$0x0], $0xffff  }
0x194: {  	v44 =	vor.u32 v49, v44;
	vm3 =	vlt.f32 v57, v27;
	v49 =	vld.idx.msk [tilespmem:v52+s30+$0x0], $0xffff;
	vm4 =	vlt.f32 v59, v25  }
0x195: {  	s15 =	simm.s32 $0x80;
	v63 =	vand.u32 $0x7C, v44;
	v62 =	vsel vm3, $0x1, v9;
	v57 =	vld.idx.msk [tilespmem:v61+s30+$0x0], $0xffff;
	v58 =	vsel vm4, $0x2, v9  }
0x196: {  	v52 =	vor.u32 v63, v34;
	v61 =	vor.u32 v62, v51;
	v62 =	vor.u32 v58, v43;
	v43 =	vld [tilespmem:s15+$0xDC80]  }
0x197: {  	v56 =	vor.u32 $0x1, v52;
	v63 =	vand.u32 $0x7E, v62;
	vm3 =	vlt.f32 v50, v28  }
0x198: {  	v58 =	vld.idx.msk [tilespmem:v24+s30+$0x0], $0xffff;
	v52 =	vmax.u32 v61, $0x1;
	v59 =	vor.u32 v38, v63;
	vm4 =	vlt.f32 v47, v30  }
0x199: {  	v63 =	vsel vm3, $0x8, v9;
	v48 =	vld.idx.msk [tilespmem:v48+s30+$0x0], $0xffff;
	v11 =	vsub.s32 v52, v10;
	vm3 =	vlt.f32 v49, v31  }
0x19a: {  	v51 =	vsel vm4, $0x10, v9;
	vm4 =	vlt.f32 v57, v35;
	v52 =	vsel vm3, $0x20, v9  }
0x19b: {  	v57 =	vor.u32 v51, v46;
	v38 =	vmul.f32 v43, v37;
	v47 =	vor.u32 v53, v52  }
0x19c: {  	v52 =	vsel vm4, $0x40, v9;
	v53 =	vor.u32 $0x7, v57;
	v50 =	vor.u32 v39, v47  }
0x19d: {  	v49 =	vor.u32 v52, v40;
	v57 =	vld.idx.msk [tilespmem:v59+s30+$0x0], $0xffff;
	vm3 =	vlt.f32 v58, v38;
	v58 =	vor.u32 $0xF, v50  }
0x19e: {  	v12 =	vld.idx.msk [tilespmem:v56+s30+$0x0], $0xffff;
	v59 =	vor.u32 $0x1F, v49;
	v43 =	vsel vm3, $0x80, v9;
	vm3 =	vlt.f32 v48, v29  }
0x19f: {  	v49 =	vor.u32 v54, v63;
	v63 =	vor.u32 $0x3F, v43;
	v54 =	vsel vm3, $0x4, v9  }
0x1a0: {  	v48 =	vld.idx.msk [tilespmem:v11+s30+$0x0], $0xffff;
	v11 =	vor.u32 v54, v32  }
0x1a1: {  	v55 =	vor.u32 v49, v55;
	vm3 =	veq.s32 v61, $0x0;
	v56 =	vld.idx.msk [tilespmem:v53+s30+$0x0], $0xffff;
	v11 =	vor.u32 v42, v11  }
0x1a2: {  	v54 =	vor.u32 $0x3, v55;
	v58 =	vld.idx.msk [tilespmem:v58+s30+$0x0], $0xffff;
	v53 =	vor.u32 v60, v11;
	vm4 =	vlt.f32 v57, v25  }
0x1a3: {  	vm5 =	vlt.f32 v12, v26;
	v59 =	vld.idx.msk [tilespmem:v59+s30+$0x0], $0xffff;
	v11 =	vand.u32 $0x7C, v53;
	v12 =	vsel vm4, $0x1, v9  }
0x1a4: {  	s16 =	simm.s32 $0x240;
	[tilespmem:s7+$0xE280] =	vst v61;
	v55 =	vsel vm5, $0x2, v9;
	v60 =	vld.idx.msk [tilespmem:v63+s30+$0x0], $0xffff;
	v57 =	vor.u32 v11, v32;
	v42 =	vor.u32 v12, v62  }
.LBB2_4:
0x1a5: {  	s17 =	sshra.s32 s16, $0x2;
	p1 =	sne.s32 s16, $0x7C0;
	s16 =	sadd.s32 $0x40, s16;
	v11 =	vor.u32 v55, v44;
	v12 =	vsel vm3, $0x0, v48;
	v44 =	vmov v53  }
0x1a6: {  	v53 =	vor.u32 $0x1, v57;
	v48 =	vld [tilespmem:s17+$0xDC80];
	v55 =	vand.u32 $0x7E, v11;
	v12 =	vsub.f32 v27, v12;
	v27 =	vmovc v25;
	v25 =	vmovc v26  }
0x1a7: {  	vm3 =	vlt.f32 v56, v30;
	v26 =	vmovc v29;
	v57 =	vld.idx.msk [tilespmem:v24+s30+$0x0], $0xffff;
	v55 =	vor.u32 v34, v55;
	v34 =	vmax.u32 v42, $0x1  }
0x1a8: {  	v29 =	vmovc v28;
	v28 =	vmov v30;
	vm4 =	vlt.f32 v58, v31;
	v58 =	vsel vm3, $0x8, v9;
	v54 =	vld.idx.msk [tilespmem:v54+s30+$0x0], $0xffff  }
0x1a9: {  	v56 =	vsub.s32 v34, v10;
	[tilespmem:s7+$0xE480] =	vst v12;
	s7 =	smov.u32 s8;
	s8 =	smov.u32 s9;
	s9 =	smov.u32 s10;
	vm3 =	vlt.f32 v59, v35;
	v12 =	vor.u32 v51, v58  }
0x1aa: {  	v30 =	vmovc v31;
	v31 =	vmovc v35;
	v51 =	vsel vm4, $0x10, v9;
	s10 =	smov.u32 s11;
	s11 =	smov.u32 s12;
	s12 =	smov.u32 s13;
	vm4 =	vlt.f32 v60, v38;
	v60 =	vsel vm3, $0x20, v9  }
0x1ab: {  	s13 =	smov.u32 s14;
	s14 =	smov.u32 s15;
	s15 =	smov.u32 s17;
	v35 =	vmovc v38;
	v58 =	vor.u32 v51, v50;
	v59 =	vor.u32 v52, v60;
	v52 =	vsel vm4, $0x40, v9;
	v34 =	vmovc v32  }
0x1ac: {  	v58 =	vor.u32 $0x7, v58;
	v32 =	vmovc v33;
	v33 =	vmovc v36;
	v36 =	vmov v39;
	v38 =	vmul.f32 v48, v37  }
0x1ad: {  	v39 =	vor.u32 v12, v46;
	v48 =	vor.u32 v52, v43;
	v60 =	vor.u32 v40, v59;
	v55 =	vld.idx.msk [tilespmem:v55+s30+$0x0], $0xffff  }
0x1ae: {  	v61 =	vor.u32 $0xF, v60;
	vm3 =	vlt.f32 v57, v38;
	v57 =	vor.u32 $0x1F, v48;
	v62 =	vld.idx.msk [tilespmem:v53+s30+$0x0], $0xffff  }
0x1af: {  	v46 =	vmovc v50;
	v50 =	vmov v60;
	v53 =	vsel vm3, $0x80, v9;
	vm3 =	vlt.f32 v54, v29  }
0x1b0: {  	v54 =	vor.u32 $0x3, v39;
	v39 =	vmovc v40;
	v40 =	vmovc v43;
	v60 =	vor.u32 $0x3F, v53;
	v63 =	vsel vm3, $0x4, v9;
	v48 =	vld.idx.msk [tilespmem:v56+s30+$0x0], $0xffff  }
.Ltmp1:
0x1b1: {  	v43 =	vmov v53;
	v63 =	vor.u32 v63, v32;
	[tilespmem:s7+$0xE280] =	vst v42;
	(pc) =	sbr.rel @p1 .LBB2_4-.Ltmp1, $4  }
0x1b2: {  	v56 =	vld.idx.msk [tilespmem:v58+s30+$0x0], $0xffff;
	v53 =	vor.u32 v41, v63;
	v41 =	vmovc v45;
	v45 =	vmov v47;
	v47 =	vmov v59  }
0x1b3: {  	vm3 =	veq.s32 v42, $0x0;
	vm4 =	vlt.f32 v55, v25;
	v58 =	vld.idx.msk [tilespmem:v61+s30+$0x0], $0xffff;
	v53 =	vor.u32 v49, v53;
	v49 =	vmovc v12  }
0x1b4: {  	vm5 =	vlt.f32 v62, v26;
	v42 =	vsel vm4, $0x1, v9;
	v59 =	vld.idx.msk [tilespmem:v57+s30+$0x0], $0xffff;
	v12 =	vand.u32 $0x7C, v53  }
0x1b5: {  	v55 =	vsel vm5, $0x2, v9;
	v42 =	vor.u32 v42, v11;
	v60 =	vld.idx.msk [tilespmem:v60+s30+$0x0], $0xffff;
	v57 =	vor.u32 v12, v32  }
0x1b6: {  	_ =	sdelay $0x3  }
0x1b7: {  	vm4 =	vlt.f32 v60, v38  }
0x1b8: {  	v11 =	vsel vm4, $0x40, v9  }
0x1b9: {  	v12 =	vor.u32 v11, v43  }
0x1ba: {  	v12 =	vor.u32 $0x1F, v12;
	_ =	sdelay $0x4  }
0x1bb: {  	v12 =	vld.idx.msk [tilespmem:v12+s30+$0x0], $0xffff;
	_ =	sdelay $0x2  }
0x1bc: {  	vm13 =	vlt.f32 v59, v35  }
0x1bd: {  	v37 =	vsel vm13, $0x20, v9  }
0x1be: {  	v37 =	vor.u32 v52, v37;
	vm14 =	vlt.f32 v12, v38  }
0x1bf: {  	v12 =	vor.u32 v40, v37;
	v62 =	vsel vm14, $0x20, v9  }
0x1c0: {  	v59 =	vor.u32 $0xF, v12;
	v11 =	vor.u32 v11, v62  }
0x1c1: {  	v52 =	vor.u32 v43, v11  }
0x1c2: {  	v60 =	vor.u32 $0xF, v52;
	_ =	sdelay $0x2  }
0x1c3: {  	v59 =	vld.idx.msk [tilespmem:v59+s30+$0x0], $0xffff;
	_ =	sdelay $0x1  }
0x1c4: {  	v60 =	vld.idx.msk [tilespmem:v60+s30+$0x0], $0xffff  }
0x1c5: {  	vm15 =	vlt.f32 v58, v31  }
0x1c6: {  	v58 =	vsel vm15, $0x10, v9  }
0x1c7: {  	v61 =	vor.u32 v58, v50;
	vm8 =	vlt.f32 v59, v35  }
0x1c8: {  	v59 =	vor.u32 $0x7, v61;
	v61 =	vsel vm8, $0x10, v9  }
0x1c9: {  	v62 =	vor.u32 v61, v12;
	vm9 =	vlt.f32 v60, v38  }
0x1ca: {  	v60 =	vor.u32 $0x7, v62;
	v62 =	vsel vm9, $0x10, v9  }
0x1cb: {  	v63 =	vor.u32 v62, v52  }
0x1cc: {  	v63 =	vor.u32 $0x7, v63  }
0x1cd: {  	v59 =	vld.idx.msk [tilespmem:v59+s30+$0x0], $0xffff  }
0x1ce: {  	vm10 =	vlt.f32 v56, v30  }
0x1cf: {  	v56 =	vsel vm10, $0x8, v9;
	v60 =	vld.idx.msk [tilespmem:v60+s30+$0x0], $0xffff  }
0x1d0: {  	v51 =	vor.u32 v51, v56  }
0x1d1: {  	v46 =	vor.u32 v51, v46;
	v56 =	vld.idx.msk [tilespmem:v63+s30+$0x0], $0xffff  }
0x1d2: {  	v46 =	vor.u32 $0x3, v46;
	vm11 =	vlt.f32 v59, v31  }
0x1d3: {  	v59 =	vsel vm11, $0x8, v9  }
0x1d4: {  	v58 =	vor.u32 v58, v59;
	vm12 =	vlt.f32 v60, v35  }
0x1d5: {  	v54 =	vld.idx.msk [tilespmem:v54+s30+$0x0], $0xffff;
	v63 =	vor.u32 v58, v50;
	v60 =	vsel vm12, $0x8, v9  }
0x1d6: {  	v50 =	vor.u32 $0x3, v63;
	v59 =	vor.u32 v61, v60;
	vm13 =	vlt.f32 v56, v38  }
0x1d7: {  	v46 =	vld.idx.msk [tilespmem:v46+s30+$0x0], $0xffff;
	v12 =	vor.u32 v59, v12;
	v56 =	vsel vm13, $0x8, v9  }
0x1d8: {  	v12 =	vor.u32 $0x3, v12;
	v56 =	vor.u32 v62, v56  }
0x1d9: {  	v52 =	vor.u32 v56, v52  }
0x1da: {  	vm14 =	vlt.f32 v54, v28;
	v52 =	vor.u32 $0x3, v52  }
0x1db: {  	v54 =	vsel vm14, $0x4, v9;
	v50 =	vld.idx.msk [tilespmem:v50+s30+$0x0], $0xffff  }
0x1dc: {  	vm15 =	vlt.f32 v46, v30;
	v61 =	vor.u32 v54, v33  }
0x1dd: {  	v41 =	vor.u32 v41, v61;
	v62 =	vsel vm15, $0x4, v9;
	v12 =	vld.idx.msk [tilespmem:v12+s30+$0x0], $0xffff  }
0x1de: {  	v41 =	vor.u32 v49, v41;
	v46 =	vor.u32 v62, v36  }
0x1df: {  	v49 =	vor.u32 $0x1, v57;
	v63 =	vand.u32 $0x7C, v41;
	v45 =	vor.u32 v45, v46;
	v52 =	vld.idx.msk [tilespmem:v52+s30+$0x0], $0xffff  }
0x1e0: {  	v46 =	vor.u32 v63, v33;
	v45 =	vor.u32 v51, v45;
	vm8 =	vlt.f32 v50, v31  }
0x1e1: {  	v46 =	vor.u32 $0x1, v46;
	v54 =	vand.u32 $0x7C, v45;
	v57 =	vsel vm8, $0x4, v9  }
0x1e2: {  	v50 =	vor.u32 v54, v36;
	v51 =	vor.u32 v57, v39;
	vm9 =	vlt.f32 v12, v35  }
0x1e3: {  	v12 =	vor.u32 $0x1, v50;
	v47 =	vor.u32 v47, v51;
	v60 =	vsel vm9, $0x4, v9  }
0x1e4: {  	v47 =	vor.u32 v58, v47;
	v50 =	vor.u32 v60, v40;
	vm10 =	vlt.f32 v52, v38  }
0x1e5: {  	v61 =	vand.u32 $0x7C, v47;
	v37 =	vor.u32 v37, v50;
	v62 =	vsel vm10, $0x4, v9  }
0x1e6: {  	v49 =	vld.idx.msk [tilespmem:v49+s30+$0x0], $0xffff;
	v51 =	vor.u32 v61, v39;
	v37 =	vor.u32 v59, v37;
	v50 =	vor.u32 v62, v43  }
0x1e7: {  	v51 =	vor.u32 $0x1, v51;
	v63 =	vand.u32 $0x7C, v37;
	v11 =	vor.u32 v11, v50  }
0x1e8: {  	v46 =	vld.idx.msk [tilespmem:v46+s30+$0x0], $0xffff;
	v57 =	vor.u32 v63, v40;
	v11 =	vor.u32 v56, v11  }
0x1e9: {  	v50 =	vor.u32 $0x1, v57;
	v58 =	vand.u32 $0x7C, v11  }
0x1ea: {  	v44 =	vor.u32 v55, v44;
	v12 =	vld.idx.msk [tilespmem:v12+s30+$0x0], $0xffff;
	v52 =	vor.u32 v58, v43  }
0x1eb: {  	vm11 =	vlt.f32 v49, v29;
	v60 =	vand.u32 $0x7E, v44;
	v59 =	vor.u32 $0x1, v52  }
0x1ec: {  	v61 =	vsel vm11, $0x2, v9;
	v34 =	vor.u32 v34, v60;
	v51 =	vld.idx.msk [tilespmem:v51+s30+$0x0], $0xffff  }
0x1ed: {  	vm12 =	vlt.f32 v46, v28;
	v52 =	vor.u32 v61, v53  }
0x1ee: {  	v63 =	vsel vm12, $0x2, v9;
	v62 =	vand.u32 $0x7E, v52;
	v50 =	vld.idx.msk [tilespmem:v50+s30+$0x0], $0xffff  }
0x1ef: {  	v41 =	vor.u32 v63, v41;
	vm13 =	vlt.f32 v12, v30;
	v32 =	vor.u32 v32, v62  }
0x1f0: {  	v12 =	vand.u32 $0x7E, v41;
	v56 =	vsel vm13, $0x2, v9;
	v49 =	vld.idx.msk [tilespmem:v59+s30+$0x0], $0xffff  }
0x1f1: {  	v34 =	vld.idx.msk [tilespmem:v34+s30+$0x0], $0xffff;
	v12 =	vor.u32 v33, v12;
	v33 =	vor.u32 v56, v45;
	vm14 =	vlt.f32 v51, v31  }
0x1f2: {  	v45 =	vand.u32 $0x7E, v33;
	v57 =	vsel vm14, $0x2, v9  }
0x1f3: {  	v58 =	vor.u32 v36, v45;
	v45 =	vor.u32 v57, v47;
	vm15 =	vlt.f32 v50, v35  }
0x1f4: {  	v32 =	vld.idx.msk [tilespmem:v32+s30+$0x0], $0xffff;
	v47 =	vand.u32 $0x7E, v45;
	v50 =	vsel vm15, $0x2, v9  }
0x1f5: {  	v60 =	vor.u32 v39, v47;
	v37 =	vor.u32 v50, v37;
	vm8 =	vlt.f32 v49, v38  }
0x1f6: {  	vm9 =	vlt.f32 v34, v26;
	v12 =	vld.idx.msk [tilespmem:v12+s30+$0x0], $0xffff;
	v61 =	vand.u32 $0x7E, v37;
	v49 =	vsel vm8, $0x2, v9  }
0x1f7: {  	v59 =	vmax.u32 v42, $0x1;
	v62 =	vor.u32 v40, v61;
	v11 =	vor.u32 v49, v11  }
0x1f8: {  	v63 =	vsel vm9, $0x1, v9;
	v46 =	vsub.s32 v59, v10;
	v36 =	vld.idx.msk [tilespmem:v58+s30+$0x0], $0xffff;
	v49 =	vand.u32 $0x7E, v11  }
0x1f9: {  	v40 =	vor.u32 v63, v44;
	vm10 =	vlt.f32 v32, v29;
	v50 =	vor.u32 v43, v49  }
0x1fa: {  	v51 =	vsel vm3, $0x0, v48;
	v44 =	vmax.u32 v40, $0x1;
	v53 =	vsel vm10, $0x1, v9;
	v39 =	vld.idx.msk [tilespmem:v60+s30+$0x0], $0xffff  }
0x1fb: {  	vm3 =	vlt.f32 v12, v28;
	v44 =	vsub.s32 v44, v10;
	v47 =	vor.u32 v53, v52  }
0x1fc: {  	v12 =	vsub.f32 v27, v51;
	v54 =	vsel vm3, $0x1, v9;
	v27 =	vmax.u32 v47, $0x1;
	v34 =	vld.idx.msk [tilespmem:v62+s30+$0x0], $0xffff  }
0x1fd: {  	v46 =	vld.idx.msk [tilespmem:v46+s30+$0x0], $0xffff;
	v41 =	vor.u32 v54, v41;
	vm3 =	vlt.f32 v36, v30;
	v27 =	vsub.s32 v27, v10  }
0x1fe: {  	vm11 =	veq.s32 v42, $0x0;
	v55 =	vmax.u32 v41, $0x1;
	v56 =	vsel vm3, $0x1, v9;
	v32 =	vld.idx.msk [tilespmem:v50+s30+$0x0], $0xffff  }
0x1ff: {  	v36 =	vsub.s32 v55, v10;
	v33 =	vor.u32 v56, v33;
	vm3 =	vlt.f32 v39, v31  }
0x200: {  	vm12 =	veq.s32 v40, $0x0;
	v59 =	vmax.u32 v33, $0x1;
	v58 =	vld.idx.msk [tilespmem:v44+s30+$0x0], $0xffff;
	v60 =	vsel vm3, $0x1, v9  }
0x201: {  	v44 =	vsub.s32 v59, v10;
	v45 =	vor.u32 v60, v45;
	vm3 =	vlt.f32 v34, v35  }
0x202: {  	v57 =	vsel vm11, $0x0, v46;
	v27 =	vld.idx.msk [tilespmem:v27+s30+$0x0], $0xffff;
	v61 =	vmax.u32 v45, $0x1;
	v62 =	vsel vm3, $0x1, v9  }
0x203: {  	v34 =	vsub.s32 v61, v10;
	v37 =	vor.u32 v62, v37;
	vm3 =	vlt.f32 v32, v38  }
0x204: {  	[tilespmem:s7+$0xE480] =	vst v12;
	v25 =	vsub.f32 v25, v57;
	v12 =	vld.idx.msk [tilespmem:v36+s30+$0x0], $0xffff;
	v63 =	vmax.u32 v37, $0x1;
	v46 =	vsel vm3, $0x1, v9  }
0x205: {  	[tilespmem:s8+$0xE280] =	vst v42;
	v48 =	vsel vm12, $0x0, v58;
	v32 =	vsub.s32 v63, v10;
	v11 =	vor.u32 v46, v11  }
0x206: {  	[tilespmem:s8+$0xE480] =	vst v25;
	v25 =	vsub.f32 v26, v48;
	v26 =	vld.idx.msk [tilespmem:v44+s30+$0x0], $0xffff;
	vm3 =	veq.s32 v47, $0x0;
	v36 =	vmax.u32 v11, $0x1  }
0x207: {  	[tilespmem:s9+$0xE280] =	vst v40;
	v27 =	vsel vm3, $0x0, v27;
	v36 =	vsub.s32 v36, v10  }
0x208: {  	[tilespmem:s9+$0xE480] =	vst v25;
	vm3 =	veq.s32 v41, $0x0;
	v25 =	vsub.f32 v29, v27;
	v27 =	vld.idx.msk [tilespmem:v34+s30+$0x0], $0xffff  }
0x209: {  	[tilespmem:s11+$0xE280] =	vst v41;
	v12 =	vsel vm3, $0x0, v12  }
0x20a: {  	vm3 =	veq.s32 v33, $0x0;
	v12 =	vsub.f32 v28, v12;
	[tilespmem:s10+$0xE480] =	vst v25;
	v25 =	vld.idx.msk [tilespmem:v32+s30+$0x0], $0xffff  }
0x20b: {  	[tilespmem:s10+$0xE280] =	vst v47;
	v26 =	vsel vm3, $0x0, v26  }
0x20c: {  	vm3 =	veq.s32 v45, $0x0;
	[tilespmem:s11+$0xE480] =	vst v12;
	v12 =	vsub.f32 v30, v26;
	v26 =	vld.idx.msk [tilespmem:v36+s30+$0x0], $0xffff  }
0x20d: {  	[tilespmem:s12+$0xE280] =	vst v33;
	v27 =	vsel vm3, $0x0, v27  }
0x20e: {  	[tilespmem:s12+$0xE480] =	vst v12;
	vm3 =	veq.s32 v37, $0x0;
	v12 =	vsub.f32 v31, v27  }
0x20f: {  	[tilespmem:s13+$0xE280] =	vst v45;
	v25 =	vsel vm3, $0x0, v25  }
0x210: {  	[tilespmem:s13+$0xE480] =	vst v12;
	vm3 =	veq.s32 v11, $0x0;
	v12 =	vsub.f32 v35, v25  }
0x211: {  	[tilespmem:s14+$0xE280] =	vst v37;
	v25 =	vsel vm3, $0x0, v26  }
0x212: {  	[tilespmem:s14+$0xE480] =	vst v12;
	v12 =	vsub.f32 v38, v25  }
0x213: {  	[tilespmem:s15+$0xE280] =	vst v11  }
0x214: {  	[tilespmem:s15+$0xE480] =	vst v12  }
0x215: {  	_ =	strace $0x9000004B  }
0x216: {  	_ =	swait.ge [sflag:s31], $0xC400  }
0x217: {  	[sflag:s31] =	ssyncset.done $0x0  }
0x218: {  	[sflag:s31] =	ssyncadd.s32 $0xFFFF3C00  }
0x219: {  	s7 =	simm.s32 $0x0;
	_ =	strace $0x8000004C  }
0x21a: {  	v36 =	vld [tilespmem:s7+$0xE280];
	_ =	sdelay $0x4  }
0x21b: {  	v11 =	vshrl.u32 v36, $0x4  }
0x21c: {  	v11 =	vmul.u32 $0xC40, v11  }
0x21d: {  	v12 =	vand.u32 $0xF, v36  }
0x21e: {  	v40 =	vor.u32 v12, v11  }
0x21f: {  	v11 =	vadd.s32 $0x7F0, v40;
	_ =	sdelay $0x4  }
0x220: {  	v11 =	vld.idx.msk [tilespmem:v11+s3+$0x0], $0xffff  }
0x221: {  	v37 =	vld [tilespmem:s7+$0xE480];
	_ =	sdelay $0x3  }
0x222: {  	v11 =	vand.u32 $0xFFFF0000, v11  }
0x223: {  	vm3 =	vgt.f32 v37, v11  }
0x224: {  	v11 =	vsel vm3, $0x100, v9  }
0x225: {  	v12 =	vshll.u32 v11, $0x3  }
0x226: {  	v12 =	vadd.s32 v12, v40  }
0x227: {  	v12 =	vadd.s32 $0x3F0, v12  }
0x228: {  	s8 =	simm.s32 $0x10  }
0x229: {  	v29 =	vld [tilespmem:s8+$0xE280];
	_ =	sdelay $0x2  }
0x22a: {  	v12 =	vld.idx.msk [tilespmem:v12+s3+$0x0], $0xffff;
	_ =	sdelay $0x1  }
0x22b: {  	v25 =	vshrl.u32 v29, $0x4  }
0x22c: {  	v25 =	vmul.u32 $0xC40, v25  }
0x22d: {  	v26 =	vand.u32 $0xF, v29  }
0x22e: {  	v31 =	vor.u32 v26, v25;
	v12 =	vand.u32 $0xFFFF0000, v12  }
0x22f: {  	v25 =	vadd.s32 $0x7F0, v31;
	vm3 =	vgt.f32 v37, v12  }
0x230: {  	v12 =	vsel vm3, $0x80, v9  }
0x231: {  	v11 =	vor.u32 v11, v12  }
0x232: {  	v12 =	vor.u32 $0x3F, v11  }
0x233: {  	v12 =	vmin.u32 v12, $0x187  }
0x234: {  	v25 =	vld.idx.msk [tilespmem:v25+s3+$0x0], $0xffff;
	v12 =	vshll.u32 v12, $0x3  }
0x235: {  	v26 =	vld [tilespmem:s8+$0xE480];
	v12 =	vand.u32 $0xDF0, v12  }
0x236: {  	v12 =	vadd.s32 v40, v12;
	_ =	sdelay $0x2  }
0x237: {  	v25 =	vand.u32 $0xFFFF0000, v25  }
0x238: {  	vm3 =	vgt.f32 v26, v25  }
0x239: {  	v27 =	vsel vm3, $0x100, v9;
	v12 =	vld.idx.msk [tilespmem:v12+s3+$0x0], $0xffff  }
0x23a: {  	v25 =	vshll.u32 v27, $0x3  }
0x23b: {  	v25 =	vadd.s32 v25, v31  }
0x23c: {  	v25 =	vadd.s32 $0x3F0, v25;
	_ =	sdelay $0x1  }
0x23d: {  	v12 =	vand.u32 $0xFFFF0000, v12  }
0x23e: {  	vm3 =	vgt.f32 v37, v12  }
0x23f: {  	v12 =	vsel vm3, $0x40, v9  }
0x240: {  	s9 =	simm.s32 $0x20;
	v28 =	vld.idx.msk [tilespmem:v25+s3+$0x0], $0xffff;
	v11 =	vor.u32 v12, v11  }
0x241: {  	v25 =	vld [tilespmem:s9+$0xE280];
	v12 =	vor.u32 $0x1F, v11  }
0x242: {  	v12 =	vmin.u32 v12, $0x187  }
0x243: {  	v12 =	vshll.u32 v12, $0x3  }
0x244: {  	v12 =	vand.u32 $0xFF0, v12  }
0x245: {  	v28 =	vand.u32 $0xFFFF0000, v28;
	v12 =	vadd.s32 v40, v12  }
0x246: {  	v30 =	vshrl.u32 v25, $0x4;
	vm3 =	vgt.f32 v26, v28  }
0x247: {  	v28 =	vmul.u32 $0xC40, v30;
	v30 =	vsel vm3, $0x80, v9  }
0x248: {  	v49 =	vand.u32 $0xF, v25;
	v30 =	vor.u32 v27, v30  }
0x249: {  	v33 =	vor.u32 v49, v28;
	v27 =	vor.u32 $0x3F, v30  }
0x24a: {  	v28 =	vadd.s32 $0x7F0, v33;
	v27 =	vmin.u32 v27, $0x187;
	v12 =	vld.idx.msk [tilespmem:v12+s3+$0x0], $0xffff  }
0x24b: {  	v27 =	vshll.u32 v27, $0x3  }
0x24c: {  	v27 =	vand.u32 $0xDF0, v27  }
0x24d: {  	v50 =	vadd.s32 v31, v27;
	_ =	sdelay $0x1  }
0x24e: {  	v28 =	vld.idx.msk [tilespmem:v28+s3+$0x0], $0xffff;
	v12 =	vand.u32 $0xFFFF0000, v12  }
0x24f: {  	v27 =	vld [tilespmem:s9+$0xE480];
	vm3 =	vgt.f32 v37, v12  }
0x250: {  	v12 =	vsel vm3, $0x20, v9  }
0x251: {  	v32 =	vld.idx.msk [tilespmem:v50+s3+$0x0], $0xffff;
	v11 =	vor.u32 v12, v11  }
0x252: {  	v12 =	vor.u32 $0xF, v11  }
0x253: {  	v28 =	vand.u32 $0xFFFF0000, v28;
	v12 =	vmin.u32 v12, $0x187  }
0x254: {  	vm3 =	vgt.f32 v27, v28;
	v12 =	vshll.u32 v12, $0x3  }
0x255: {  	v51 =	vsel vm3, $0x100, v9;
	v12 =	vand.u32 $0xFF0, v12  }
0x256: {  	v32 =	vand.u32 $0xFFFF0000, v32;
	v28 =	vshll.u32 v51, $0x3;
	v12 =	vadd.s32 v40, v12  }
0x257: {  	vm3 =	vgt.f32 v26, v32;
	v28 =	vadd.s32 v28, v33  }
0x258: {  	s10 =	simm.s32 $0x30;
	v53 =	vsel vm3, $0x40, v9;
	v52 =	vadd.s32 $0x3F0, v28  }
0x259: {  	v54 =	vor.u32 v53, v30;
	v28 =	vld [tilespmem:s10+$0xE280]  }
0x25a: {  	v30 =	vor.u32 $0x1F, v54  }
0x25b: {  	v30 =	vmin.u32 v30, $0x187;
	v12 =	vld.idx.msk [tilespmem:v12+s3+$0x0], $0xffff  }
0x25c: {  	v30 =	vshll.u32 v30, $0x3  }
0x25d: {  	v30 =	vand.u32 $0xFF0, v30;
	v32 =	vld.idx.msk [tilespmem:v52+s3+$0x0], $0xffff  }
0x25e: {  	v30 =	vadd.s32 v31, v30;
	v55 =	vshrl.u32 v28, $0x4  }
0x25f: {  	v34 =	vmul.u32 $0xC40, v55  }
0x260: {  	v56 =	vand.u32 $0xF, v28;
	v12 =	vand.u32 $0xFFFF0000, v12  }
0x261: {  	v34 =	vor.u32 v56, v34;
	vm3 =	vgt.f32 v37, v12  }
0x262: {  	v32 =	vand.u32 $0xFFFF0000, v32;
	v12 =	vadd.s32 $0x7F0, v34;
	v57 =	vsel vm3, $0x10, v9  }
0x263: {  	v58 =	vld.idx.msk [tilespmem:v30+s3+$0x0], $0xffff;
	vm3 =	vgt.f32 v27, v32;
	v11 =	vor.u32 v57, v11  }
0x264: {  	v30 =	vsel vm3, $0x80, v9;
	v39 =	vor.u32 $0x7, v11  }
0x265: {  	v35 =	vor.u32 v51, v30;
	v30 =	vmin.u32 v39, $0x187  }
0x266: {  	v59 =	vor.u32 $0x3F, v35;
	v30 =	vshll.u32 v30, $0x3  }
0x267: {  	v12 =	vld.idx.msk [tilespmem:v12+s3+$0x0], $0xffff;
	v39 =	vmin.u32 v59, $0x187;
	v60 =	vand.u32 $0xFF0, v30  }
0x268: {  	v32 =	vand.u32 $0xFFFF0000, v58;
	v39 =	vshll.u32 v39, $0x3;
	v30 =	vld [tilespmem:s10+$0xE480];
	v41 =	vadd.s32 v40, v60  }
0x269: {  	vm3 =	vgt.f32 v26, v32;
	v39 =	vand.u32 $0xDF0, v39  }
0x26a: {  	v62 =	vsel vm3, $0x20, v9;
	v61 =	vadd.s32 v33, v39  }
0x26b: {  	v38 =	vor.u32 v62, v54  }
0x26c: {  	v39 =	vor.u32 $0xF, v38;
	v12 =	vand.u32 $0xFFFF0000, v12  }
0x26d: {  	v39 =	vmin.u32 v39, $0x187;
	vm3 =	vgt.f32 v30, v12;
	v12 =	vld.idx.msk [tilespmem:v41+s3+$0x0], $0xffff  }
0x26e: {  	v39 =	vshll.u32 v39, $0x3  }
0x26f: {  	v39 =	vand.u32 $0xFF0, v39;
	v63 =	vsel vm3, $0x100, v9;
	v50 =	vld.idx.msk [tilespmem:v61+s3+$0x0], $0xffff  }
0x270: {  	v39 =	vadd.s32 v31, v39;
	v51 =	vshll.u32 v63, $0x3  }
0x271: {  	s11 =	simm.s32 $0x40;
	v43 =	vadd.s32 v51, v34  }
0x272: {  	v32 =	vld [tilespmem:s11+$0xE280];
	v43 =	vadd.s32 $0x3F0, v43;
	v12 =	vand.u32 $0xFFFF0000, v12  }
0x273: {  	vm3 =	vgt.f32 v37, v12  }
0x274: {  	v12 =	vand.u32 $0xFFFF0000, v50;
	v52 =	vsel vm3, $0x8, v9  }
0x275: {  	vm3 =	vgt.f32 v27, v12;
	v12 =	vld.idx.msk [tilespmem:v39+s3+$0x0], $0xffff;
	v11 =	vor.u32 v52, v11  }
0x276: {  	v55 =	vsel vm3, $0x40, v9;
	v56 =	vor.u32 $0x3, v11  }
0x277: {  	v53 =	vshrl.u32 v32, $0x4;
	v43 =	vld.idx.msk [tilespmem:v43+s3+$0x0], $0xffff;
	v42 =	vor.u32 v55, v35;
	v58 =	vmin.u32 v56, $0x187  }
0x278: {  	v57 =	vand.u32 $0xF, v32;
	v59 =	vor.u32 $0x1F, v42;
	v35 =	vshll.u32 v58, $0x3  }
0x279: {  	v54 =	vmul.u32 $0xC40, v53;
	v44 =	vmin.u32 v59, $0x187;
	v35 =	vand.u32 $0xFF0, v35  }
0x27a: {  	v44 =	vshll.u32 v44, $0x3;
	v12 =	vand.u32 $0xFFFF0000, v12;
	v60 =	vadd.s32 v40, v35  }
0x27b: {  	v39 =	vor.u32 v57, v54;
	v61 =	vand.u32 $0xFF0, v44;
	vm3 =	vgt.f32 v26, v12  }
0x27c: {  	v43 =	vand.u32 $0xFFFF0000, v43;
	v12 =	vadd.s32 v33, v61;
	v62 =	vsel vm3, $0x10, v9  }
0x27d: {  	v45 =	vadd.s32 $0x7F0, v39;
	vm13 =	vgt.f32 v30, v43;
	v48 =	vor.u32 v62, v38  }
0x27e: {  	v43 =	vsel vm13, $0x80, v9;
	v38 =	vor.u32 $0x7, v48  }
0x27f: {  	v41 =	vor.u32 v63, v43;
	v38 =	vmin.u32 v38, $0x187;
	v63 =	vld.idx.msk [tilespmem:v60+s3+$0x0], $0xffff  }
0x280: {  	v52 =	vor.u32 $0x3F, v41;
	v38 =	vshll.u32 v38, $0x3  }
0x281: {  	v44 =	vmin.u32 v52, $0x187;
	v12 =	vld.idx.msk [tilespmem:v12+s3+$0x0], $0xffff;
	v53 =	vand.u32 $0xFF0, v38  }
0x282: {  	v45 =	vld.idx.msk [tilespmem:v45+s3+$0x0], $0xffff;
	v44 =	vshll.u32 v44, $0x3;
	v46 =	vadd.s32 v31, v53  }
0x283: {  	v38 =	vld [tilespmem:s11+$0xE480];
	v44 =	vand.u32 $0xDF0, v44  }
0x284: {  	v54 =	vadd.s32 v34, v44;
	v43 =	vand.u32 $0xFFFF0000, v63  }
0x285: {  	vm3 =	vgt.f32 v37, v43  }
0x286: {  	v12 =	vand.u32 $0xFFFF0000, v12;
	v57 =	vsel vm3, $0x4, v9  }
0x287: {  	v56 =	vand.u32 $0xFFFF0000, v45;
	vm14 =	vgt.f32 v27, v12;
	v12 =	vld.idx.msk [tilespmem:v46+s3+$0x0], $0xffff;
	v44 =	vor.u32 v57, v11  }
0x288: {  	vm3 =	vgt.f32 v38, v56;
	v58 =	vsel vm14, $0x20, v9;
	v51 =	vmin.u32 v44, $0x186  }
0x289: {  	v47 =	vsel vm3, $0x100, v9;
	v11 =	vld.idx.msk [tilespmem:v54+s3+$0x0], $0xffff;
	v45 =	vor.u32 v58, v42;
	v60 =	vshll.u32 v51, $0x3  }
0x28a: {  	s12 =	simm.s32 $0x50;
	v59 =	vshll.u32 v47, $0x3;
	v62 =	vor.u32 $0xF, v45;
	v42 =	vadd.s32 $0x8, v60  }
0x28b: {  	v35 =	vld [tilespmem:s12+$0xE280];
	v61 =	vadd.s32 v59, v39;
	v56 =	vmin.u32 v62, $0x187;
	v42 =	vand.u32 $0x1FF0, v42  }
0x28c: {  	v43 =	vshll.u32 v56, $0x3;
	v12 =	vand.u32 $0xFFFF0000, v12;
	v42 =	vadd.s32 v40, v42  }
0x28d: {  	v63 =	vadd.s32 $0x3F0, v61;
	vm3 =	vgt.f32 v26, v12;
	v12 =	vand.u32 $0xFF0, v43  }
0x28e: {  	v11 =	vand.u32 $0xFFFF0000, v11;
	v12 =	vadd.s32 v33, v12  }
0x28f: {  	vm15 =	vgt.f32 v30, v11;
	v11 =	vsel vm3, $0x8, v9  }
0x290: {  	v55 =	vshrl.u32 v35, $0x4;
	v57 =	vsel vm15, $0x40, v9;
	v43 =	vor.u32 v11, v48  }
0x291: {  	v11 =	vmul.u32 $0xC40, v55;
	v46 =	vor.u32 v57, v41;
	v58 =	vor.u32 $0x3, v43;
	v48 =	vld.idx.msk [tilespmem:v42+s3+$0x0], $0xffff  }
0x292: {  	v59 =	vand.u32 $0xF, v35;
	v52 =	vld.idx.msk [tilespmem:v63+s3+$0x0], $0xffff;
	v60 =	vor.u32 $0x1F, v46;
	v61 =	vmin.u32 v58, $0x187  }
0x293: {  	v41 =	vor.u32 v59, v11;
	v11 =	vmin.u32 v60, $0x187;
	v62 =	vshll.u32 v61, $0x3;
	v50 =	vld.idx.msk [tilespmem:v12+s3+$0x0], $0xffff  }
0x294: {  	v51 =	vand.u32 $0x1, v51;
	v11 =	vshll.u32 v11, $0x3;
	v63 =	vand.u32 $0xFF0, v62  }
0x295: {  	s13 =	simm.s32 $0x180;
	v42 =	vadd.s32 $0x7F0, v41;
	v53 =	vand.u32 $0xFF0, v11;
	v49 =	vadd.s32 v31, v63  }
.LBB2_6:
0x296: {  	p1 =	sne.s32 s13, $0x7C0;
	vm3 =	veq.s32 v51, $0x0;
	v11 =	vand.u32 $0xFFFF0000, v48;
	v12 =	vshll.u32 v48, $0x10;
	s14 =	smov.u32 s12  }
0x297: {  	v48 =	vand.u32 $0xFFFF0000, v52;
	v51 =	vadd.s32 v34, v53;
	v11 =	vsel vm3, v11, v12  }
0x298: {  	s12 =	sshra.s32 s13, $0x2;
	vm3 =	vgt.f32 v38, v48;
	v12 =	vand.u32 $0xFFFF0000, v50;
	vm4 =	vgt.f32 v37, v11  }
0x299: {  	v48 =	vsel vm3, $0x80, v9;
	vm3 =	vgt.f32 v27, v12;
	v11 =	vld [tilespmem:s12+$0xE280];
	v12 =	vsel vm4, $0x2, v9  }
0x29a: {  	v50 =	vor.u32 v47, v48;
	v47 =	vsel vm3, $0x10, v9;
	v48 =	vld.idx.msk [tilespmem:v49+s3+$0x0], $0xffff;
	v12 =	vadd.s32 v44, v12  }
0x29b: {  	v44 =	vor.u32 $0x3F, v50;
	v49 =	vor.u32 v47, v45;
	v42 =	vld.idx.msk [tilespmem:v42+s3+$0x0], $0xffff;
	v52 =	vmin.u32 v12, $0x187  }
0x29c: {  	v44 =	vmin.u32 v44, $0x187;
	v47 =	vor.u32 $0x7, v49;
	v45 =	vld.idx.msk [tilespmem:v51+s3+$0x0], $0xffff;
	v51 =	vshll.u32 v52, $0x3  }
0x29d: {  	v44 =	vshll.u32 v44, $0x3;
	v47 =	vmin.u32 v47, $0x187;
	v51 =	vand.u32 $0xFF0, v51  }
0x29e: {  	v44 =	vand.u32 $0xDF0, v44;
	v47 =	vshll.u32 v47, $0x3;
	v53 =	vld [tilespmem:s14+$0xE480];
	v51 =	vadd.s32 v40, v51;
	v40 =	vmovc v31;
	v31 =	vmovc v33  }
0x29f: {  	v55 =	vmul.u32 $0x188, v36;
	v36 =	vmovc v29;
	v29 =	vmovc v25;
	v54 =	vadd.s32 v39, v44;
	v33 =	vand.u32 $0xFF0, v47  }
0x2a0: {  	v25 =	vmovc v28;
	v28 =	vmovc v32;
	v44 =	vshrl.u32 v11, $0x4;
	v56 =	vadd.s32 v31, v33;
	v47 =	vand.u32 $0xFFFF0000, v48  }
0x2a1: {  	v32 =	vmovc v35;
	v58 =	vand.u32 $0xF, v11;
	v35 =	vmovc v11;
	v57 =	vmul.u32 $0xC40, v44;
	vm3 =	vgt.f32 v26, v47  }
0x2a2: {  	v11 =	vand.u32 $0xFFFF0000, v42;
	v42 =	vand.u32 $0xFFFF0000, v45;
	v44 =	vsel vm3, $0x4, v9;
	v33 =	vmovc v34;
	v34 =	vmovc v39  }
0x2a3: {  	vm4 =	vgt.f32 v30, v42;
	v44 =	vor.u32 v44, v43;
	vm3 =	vgt.f32 v53, v11;
	v11 =	vld.idx.msk [tilespmem:v51+s3+$0x0], $0xffff  }
0x2a4: {  	v39 =	vmovc v41;
	v43 =	vsel vm4, $0x20, v9;
	v51 =	vmin.u32 v44, $0x186;
	v47 =	vsel vm3, $0x100, v9;
	v42 =	vld.idx.msk [tilespmem:v54+s3+$0x0], $0xffff  }
0x2a5: {  	v45 =	vor.u32 v43, v46;
	v46 =	vshll.u32 v51, $0x3;
	v41 =	vshll.u32 v47, $0x3;
	v43 =	vld.idx.msk [tilespmem:v56+s3+$0x0], $0xffff  }
0x2a6: {  	v48 =	vor.u32 $0xF, v45;
	v46 =	vadd.s32 $0x8, v46;
	v41 =	vadd.s32 v41, v39  }
0x2a7: {  	v48 =	vmin.u32 v48, $0x187;
	v46 =	vand.u32 $0x1FF0, v46;
	v41 =	vadd.s32 $0x3F0, v41  }
0x2a8: {  	v52 =	vand.u32 $0x1, v52;
	v48 =	vshll.u32 v48, $0x3;
	v46 =	vadd.s32 v40, v46  }
0x2a9: {  	vm3 =	veq.s32 v52, $0x0;
	v52 =	vand.u32 $0xFFFF0000, v11;
	v11 =	vshll.u32 v11, $0x10  }
0x2aa: {  	v48 =	vand.u32 $0xFF0, v48;
	v42 =	vand.u32 $0xFFFF0000, v42;
	v11 =	vsel vm3, v11, v52  }
0x2ab: {  	v54 =	vadd.s32 v33, v48;
	v43 =	vand.u32 $0xFFFF0000, v43;
	vm3 =	vgt.f32 v37, v11;
	v37 =	vmovc v26;
	v26 =	vmovc v27  }
0x2ac: {  	v12 =	vadd.s32 v55, v12;
	v27 =	vmovc v30;
	v30 =	vmovc v38;
	vm4 =	vgt.f32 v26, v43;
	v11 =	vsel vm3, $0x1, v9  }
0x2ad: {  	v38 =	vmovc v53;
	vm3 =	vgt.f32 v30, v42;
	v42 =	vsel vm4, $0x8, v9;
	v11 =	vadd.s32 v11, v12  }
0x2ae: {  	v12 =	vsel vm3, $0x40, v9;
	v43 =	vor.u32 v42, v49;
	vm3 =	vlt.s32 v11, $0x1869F;
	v48 =	vld.idx.msk [tilespmem:v46+s3+$0x0], $0xffff  }
.Ltmp2:
0x2af: {  	v46 =	vor.u32 v12, v50;
	v12 =	vor.u32 $0x3, v43;
	v11 =	vnsel vm3, $0x1869F, v11;
	v52 =	vld.idx.msk [tilespmem:v41+s3+$0x0], $0xffff;
	(pc) =	sbr.rel @p1 .LBB2_6-.Ltmp2, $4  }
0x2b0: {  	v42 =	vor.u32 $0x1F, v46;
	v12 =	vmin.u32 v12, $0x187;
	v11 =	vcvt.s32.f32 v11;
	v50 =	vld.idx.msk [tilespmem:v54+s3+$0x0], $0xffff  }
0x2b1: {  	v41 =	vor.u32 v58, v57;
	v49 =	vmin.u32 v42, $0x187;
	v12 =	vshll.u32 v12, $0x3  }
0x2b2: {  	v42 =	vadd.s32 $0x7F0, v41;
	v49 =	vshll.u32 v49, $0x3;
	v12 =	vand.u32 $0xFF0, v12;
	[tilespmem:s7+$0xDE80] =	vst v11;
	s7 =	smov.u32 s8;
	s8 =	smov.u32 s9;
	s9 =	smov.u32 s10  }
0x2b3: {  	s13 =	sadd.s32 $0x40, s13;
	v51 =	vand.u32 $0x1, v51;
	v53 =	vand.u32 $0xFF0, v49;
	v49 =	vadd.s32 v31, v12;
	s10 =	smov.u32 s11;
	s11 =	smov.u32 s14  }
0x2b4: {  	_ =	sdelay $0x3  }
0x2b5: {  	v11 =	vld.idx.msk [tilespmem:v42+s3+$0x0], $0xffff  }
0x2b6: {  	v42 =	vld [tilespmem:s12+$0xE480];
	_ =	sdelay $0x3  }
0x2b7: {  	v11 =	vand.u32 $0xFFFF0000, v11  }
0x2b8: {  	vm3 =	vgt.f32 v42, v11  }
0x2b9: {  	v11 =	vsel vm3, $0x100, v9  }
0x2ba: {  	v12 =	vshll.u32 v11, $0x3  }
0x2bb: {  	v12 =	vadd.s32 v12, v41  }
0x2bc: {  	v12 =	vadd.s32 $0x3F0, v12;
	_ =	sdelay $0x4  }
0x2bd: {  	v12 =	vld.idx.msk [tilespmem:v12+s3+$0x0], $0xffff  }
0x2be: {  	v52 =	vand.u32 $0xFFFF0000, v52  }
0x2bf: {  	vm3 =	vgt.f32 v38, v52  }
0x2c0: {  	v52 =	vsel vm3, $0x80, v9  }
0x2c1: {  	v47 =	vor.u32 v47, v52  }
0x2c2: {  	v52 =	vor.u32 $0x3F, v47;
	v12 =	vand.u32 $0xFFFF0000, v12  }
0x2c3: {  	vm3 =	vgt.f32 v42, v12;
	v12 =	vmin.u32 v52, $0x187  }
0x2c4: {  	v61 =	vsel vm3, $0x80, v9;
	v12 =	vshll.u32 v12, $0x3  }
0x2c5: {  	v11 =	vor.u32 v11, v61;
	v12 =	vand.u32 $0xDF0, v12  }
0x2c6: {  	v52 =	vor.u32 $0x3F, v11;
	v12 =	vadd.s32 v39, v12  }
0x2c7: {  	v52 =	vmin.u32 v52, $0x187  }
0x2c8: {  	v52 =	vshll.u32 v52, $0x3  }
0x2c9: {  	v52 =	vand.u32 $0xDF0, v52  }
0x2ca: {  	v52 =	vadd.s32 v41, v52  }
0x2cb: {  	v53 =	vadd.s32 v34, v53;
	v12 =	vld.idx.msk [tilespmem:v12+s3+$0x0], $0xffff;
	_ =	sdelay $0x3  }
0x2cc: {  	v52 =	vld.idx.msk [tilespmem:v52+s3+$0x0], $0xffff  }
0x2cd: {  	v53 =	vld.idx.msk [tilespmem:v53+s3+$0x0], $0xffff;
	v12 =	vand.u32 $0xFFFF0000, v12  }
0x2ce: {  	vm3 =	vgt.f32 v38, v12  }
0x2cf: {  	v12 =	vsel vm3, $0x40, v9  }
0x2d0: {  	v12 =	vor.u32 v12, v47  }
0x2d1: {  	v62 =	vand.u32 $0xFFFF0000, v52;
	v63 =	vor.u32 $0x1F, v12  }
0x2d2: {  	v53 =	vand.u32 $0xFFFF0000, v53;
	vm3 =	vgt.f32 v42, v62;
	v56 =	vmin.u32 v63, $0x187  }
0x2d3: {  	v57 =	vsel vm3, $0x40, v9;
	v47 =	vshll.u32 v56, $0x3;
	vm3 =	vgt.f32 v30, v53  }
0x2d4: {  	v11 =	vor.u32 v57, v11;
	v47 =	vand.u32 $0xFF0, v47;
	v53 =	vsel vm3, $0x20, v9  }
0x2d5: {  	v52 =	vor.u32 $0x1F, v11;
	v47 =	vadd.s32 v39, v47;
	v46 =	vor.u32 v53, v46  }
0x2d6: {  	v52 =	vmin.u32 v52, $0x187;
	v53 =	vor.u32 $0xF, v46  }
0x2d7: {  	v52 =	vshll.u32 v52, $0x3;
	v53 =	vmin.u32 v53, $0x187  }
0x2d8: {  	v52 =	vand.u32 $0xFF0, v52;
	v53 =	vshll.u32 v53, $0x3  }
0x2d9: {  	v52 =	vadd.s32 v41, v52;
	v53 =	vand.u32 $0xFF0, v53  }
0x2da: {  	v47 =	vld.idx.msk [tilespmem:v47+s3+$0x0], $0xffff;
	v53 =	vadd.s32 v34, v53;
	_ =	sdelay $0x3  }
0x2db: {  	v52 =	vld.idx.msk [tilespmem:v52+s3+$0x0], $0xffff  }
0x2dc: {  	v47 =	vand.u32 $0xFFFF0000, v47;
	v53 =	vld.idx.msk [tilespmem:v53+s3+$0x0], $0xffff  }
0x2dd: {  	vm3 =	vgt.f32 v38, v47  }
0x2de: {  	v47 =	vsel vm3, $0x20, v9  }
0x2df: {  	v50 =	vand.u32 $0xFFFF0000, v50;
	v12 =	vor.u32 v47, v12  }
0x2e0: {  	v57 =	vand.u32 $0xFFFF0000, v48;
	v58 =	vand.u32 $0xFFFF0000, v52;
	v59 =	vor.u32 $0xF, v12  }
0x2e1: {  	vm3 =	vgt.f32 v42, v58;
	v60 =	vmin.u32 v59, $0x187;
	v53 =	vand.u32 $0xFFFF0000, v53  }
0x2e2: {  	v58 =	vshll.u32 v48, $0x10;
	v61 =	vsel vm3, $0x20, v9;
	v47 =	vshll.u32 v60, $0x3  }
0x2e3: {  	vm3 =	vgt.f32 v27, v50;
	vm4 =	vgt.f32 v30, v53;
	v11 =	vor.u32 v61, v11  }
0x2e4: {  	v47 =	vand.u32 $0xFF0, v47;
	v63 =	vsel vm3, $0x10, v9;
	vm3 =	veq.s32 v51, $0x0  }
0x2e5: {  	v53 =	vsel vm4, $0x10, v9;
	v62 =	vor.u32 $0xF, v11;
	v47 =	vadd.s32 v39, v47  }
0x2e6: {  	v45 =	vor.u32 v63, v45;
	v46 =	vor.u32 v53, v46;
	v48 =	vsel vm3, v57, v58  }
0x2e7: {  	v50 =	vmin.u32 v62, $0x187;
	v52 =	vor.u32 $0x7, v45;
	v59 =	vor.u32 $0x7, v46  }
0x2e8: {  	vm3 =	vgt.f32 v37, v48;
	v50 =	vshll.u32 v50, $0x3;
	v52 =	vmin.u32 v52, $0x187  }
0x2e9: {  	v60 =	vmin.u32 v59, $0x187;
	v50 =	vand.u32 $0xFF0, v50;
	v56 =	vshll.u32 v52, $0x3  }
0x2ea: {  	v48 =	vshll.u32 v60, $0x3;
	v50 =	vadd.s32 v41, v50;
	v51 =	vand.u32 $0xFF0, v56  }
0x2eb: {  	v48 =	vand.u32 $0xFF0, v48;
	v51 =	vadd.s32 v33, v51  }
0x2ec: {  	v47 =	vld.idx.msk [tilespmem:v47+s3+$0x0], $0xffff;
	v48 =	vadd.s32 v34, v48;
	_ =	sdelay $0x1  }
0x2ed: {  	v49 =	vld.idx.msk [tilespmem:v49+s3+$0x0], $0xffff  }
0x2ee: {  	v50 =	vld.idx.msk [tilespmem:v50+s3+$0x0], $0xffff  }
0x2ef: {  	v61 =	vsel vm3, $0x2, v9;
	v51 =	vld.idx.msk [tilespmem:v51+s3+$0x0], $0xffff  }
0x2f0: {  	v44 =	vadd.s32 v44, v61;
	v47 =	vand.u32 $0xFFFF0000, v47;
	v48 =	vld.idx.msk [tilespmem:v48+s3+$0x0], $0xffff  }
0x2f1: {  	v52 =	vmin.u32 v44, $0x187;
	vm3 =	vgt.f32 v38, v47  }
0x2f2: {  	v49 =	vand.u32 $0xFFFF0000, v49;
	v62 =	vshll.u32 v52, $0x3;
	v63 =	vsel vm3, $0x10, v9  }
0x2f3: {  	v47 =	vand.u32 $0xFF0, v62;
	v12 =	vor.u32 v63, v12;
	v50 =	vand.u32 $0xFFFF0000, v50  }
0x2f4: {  	v40 =	vadd.s32 v40, v47;
	v53 =	vor.u32 $0x7, v12;
	vm3 =	vgt.f32 v42, v50  }
0x2f5: {  	v47 =	vmin.u32 v53, $0x187;
	v51 =	vand.u32 $0xFFFF0000, v51;
	v48 =	vand.u32 $0xFFFF0000, v48  }
0x2f6: {  	v50 =	vsel vm3, $0x10, v9;
	v47 =	vshll.u32 v47, $0x3;
	vm3 =	vgt.f32 v27, v51  }
0x2f7: {  	v11 =	vor.u32 v50, v11;
	v47 =	vand.u32 $0xFF0, v47;
	v51 =	vsel vm3, $0x8, v9  }
0x2f8: {  	vm3 =	vgt.f32 v26, v49;
	v50 =	vor.u32 $0x7, v11;
	v47 =	vadd.s32 v39, v47  }
0x2f9: {  	v45 =	vor.u32 v51, v45;
	v55 =	vsel vm3, $0x4, v9;
	vm3 =	vgt.f32 v30, v48  }
0x2fa: {  	v50 =	vmin.u32 v50, $0x187;
	v51 =	vor.u32 $0x3, v45;
	v43 =	vor.u32 v55, v43  }
0x2fb: {  	v58 =	vsel vm3, $0x8, v9;
	v54 =	vshll.u32 v50, $0x3;
	v51 =	vmin.u32 v51, $0x187  }
0x2fc: {  	v57 =	vmin.u32 v43, $0x186;
	v49 =	vand.u32 $0xFF0, v54;
	v56 =	vshll.u32 v51, $0x3  }
0x2fd: {  	v59 =	vshll.u32 v57, $0x3;
	v49 =	vadd.s32 v41, v49;
	v50 =	vand.u32 $0xFF0, v56  }
0x2fe: {  	v46 =	vor.u32 v58, v46;
	v60 =	vadd.s32 $0x8, v59;
	v47 =	vld.idx.msk [tilespmem:v47+s3+$0x0], $0xffff;
	v50 =	vadd.s32 v33, v50  }
0x2ff: {  	v40 =	vld.idx.msk [tilespmem:v40+s3+$0x0], $0xffff;
	v61 =	vor.u32 $0x3, v46;
	v51 =	vand.u32 $0x1FF0, v60  }
0x300: {  	v53 =	vmin.u32 v61, $0x187;
	v51 =	vadd.s32 v31, v51  }
0x301: {  	v52 =	vand.u32 $0x1, v52;
	v62 =	vshll.u32 v53, $0x3  }
0x302: {  	vm3 =	veq.s32 v52, $0x0;
	v52 =	vand.u32 $0xFF0, v62;
	v49 =	vld.idx.msk [tilespmem:v49+s3+$0x0], $0xffff  }
0x303: {  	v36 =	vmul.u32 $0x188, v36;
	v52 =	vadd.s32 v34, v52;
	v47 =	vand.u32 $0xFFFF0000, v47;
	v50 =	vld.idx.msk [tilespmem:v50+s3+$0x0], $0xffff  }
0x304: {  	v63 =	vand.u32 $0xFFFF0000, v40;
	v40 =	vshll.u32 v40, $0x10;
	vm10 =	vgt.f32 v38, v47  }
0x305: {  	v36 =	vadd.s32 v36, v44;
	v40 =	vsel vm3, v40, v63;
	v56 =	vld.idx.msk [tilespmem:v51+s3+$0x0], $0xffff;
	v47 =	vsel vm10, $0x8, v9  }
0x306: {  	v48 =	vand.u32 $0x1, v57;
	vm3 =	vgt.f32 v37, v40;
	v12 =	vor.u32 v47, v12  }
0x307: {  	v40 =	vsel vm3, $0x1, v9;
	v55 =	vand.u32 $0xFFFF0000, v49;
	v47 =	vor.u32 $0x3, v12  }
0x308: {  	v58 =	vld.idx.msk [tilespmem:v52+s3+$0x0], $0xffff;
	vm3 =	vgt.f32 v42, v55;
	v47 =	vmin.u32 v47, $0x187;
	v50 =	vand.u32 $0xFFFF0000, v50  }
0x309: {  	v57 =	vsel vm3, $0x8, v9;
	v47 =	vshll.u32 v47, $0x3;
	vm3 =	vgt.f32 v27, v50  }
0x30a: {  	v60 =	vand.u32 $0xFFFF0000, v56;
	v37 =	vshll.u32 v56, $0x10;
	v11 =	vor.u32 v57, v11  }
0x30b: {  	v47 =	vand.u32 $0xFF0, v47;
	v50 =	vsel vm3, $0x4, v9;
	v49 =	vor.u32 $0x3, v11  }
0x30c: {  	vm3 =	veq.s32 v48, $0x0;
	v47 =	vadd.s32 v39, v47;
	v49 =	vmin.u32 v49, $0x187  }
0x30d: {  	v51 =	vand.u32 $0xFFFF0000, v58;
	v45 =	vor.u32 v50, v45;
	v59 =	vshll.u32 v49, $0x3  }
0x30e: {  	vm11 =	vgt.f32 v30, v51;
	v50 =	vmin.u32 v45, $0x186;
	v48 =	vand.u32 $0xFF0, v59  }
0x30f: {  	v51 =	vsel vm11, $0x4, v9;
	v61 =	vshll.u32 v50, $0x3;
	v48 =	vadd.s32 v41, v48  }
0x310: {  	v37 =	vsel vm3, v60, v37;
	v46 =	vor.u32 v51, v46;
	v52 =	vadd.s32 $0x8, v61  }
0x311: {  	vm3 =	vgt.f32 v26, v37;
	v55 =	vmin.u32 v46, $0x186;
	v62 =	vand.u32 $0x1FF0, v52;
	v47 =	vld.idx.msk [tilespmem:v47+s3+$0x0], $0xffff  }
0x312: {  	v54 =	vsel vm3, $0x2, v9;
	v56 =	vshll.u32 v55, $0x3;
	v63 =	vadd.s32 v33, v62  }
0x313: {  	v36 =	vadd.s32 v40, v36;
	v40 =	vadd.s32 v43, v54;
	v43 =	vadd.s32 $0x8, v56  }
0x314: {  	v43 =	vand.u32 $0x1FF0, v43;
	v57 =	vld.idx.msk [tilespmem:v48+s3+$0x0], $0xffff  }
0x315: {  	vm3 =	vlt.s32 v36, $0x1869F;
	v43 =	vadd.s32 v34, v43  }
0x316: {  	v60 =	vand.u32 $0x1, v50;
	v36 =	vnsel vm3, $0x1869F, v36;
	v47 =	vand.u32 $0xFFFF0000, v47  }
0x317: {  	vm13 =	veq.s32 v60, $0x0;
	v48 =	vmin.u32 v40, $0x187;
	v37 =	vld.idx.msk [tilespmem:v63+s3+$0x0], $0xffff;
	vm12 =	vgt.f32 v38, v47  }
0x318: {  	v55 =	vand.u32 $0x1, v55;
	v58 =	vshll.u32 v48, $0x3;
	v47 =	vsel vm12, $0x4, v9  }
0x319: {  	v51 =	vand.u32 $0xFF0, v58;
	v12 =	vor.u32 v47, v12;
	v44 =	vand.u32 $0xFFFF0000, v57  }
0x31a: {  	v59 =	vadd.s32 v31, v51;
	v43 =	vld.idx.msk [tilespmem:v43+s3+$0x0], $0xffff;
	v50 =	vmin.u32 v12, $0x186;
	vm3 =	vgt.f32 v42, v44  }
0x31b: {  	v48 =	vand.u32 $0x1, v48;
	v61 =	vshll.u32 v50, $0x3;
	v62 =	vsel vm3, $0x4, v9  }
0x31c: {  	v63 =	vand.u32 $0xFFFF0000, v37;
	v37 =	vshll.u32 v37, $0x10;
	v11 =	vor.u32 v62, v11  }
0x31d: {  	v44 =	vadd.s32 $0x8, v61;
	v37 =	vsel vm13, v63, v37;
	v47 =	vmin.u32 v11, $0x186  }
0x31e: {  	v44 =	vand.u32 $0x1FF0, v44;
	vm3 =	vgt.f32 v27, v37;
	v54 =	vshll.u32 v47, $0x3  }
0x31f: {  	v31 =	vld.idx.msk [tilespmem:v59+s3+$0x0], $0xffff;
	v59 =	vand.u32 $0xFFFF0000, v43;
	v43 =	vshll.u32 v43, $0x10;
	v56 =	vadd.s32 $0x8, v54  }
0x320: {  	v44 =	vadd.s32 v39, v44;
	v57 =	vsel vm3, $0x2, v9;
	v58 =	vand.u32 $0x1FF0, v56  }
0x321: {  	vm3 =	veq.s32 v55, $0x0;
	v45 =	vadd.s32 v45, v57;
	v37 =	vadd.s32 v41, v58  }
0x322: {  	v43 =	vsel vm3, v59, v43;
	vm3 =	veq.s32 v48, $0x0;
	v48 =	vmin.u32 v45, $0x187  }
0x323: {  	v29 =	vmul.u32 $0x188, v29;
	v62 =	vshll.u32 v48, $0x3  }
0x324: {  	v25 =	vmul.u32 $0x188, v25;
	v28 =	vmul.u32 $0x188, v28;
	v49 =	vand.u32 $0xFF0, v62  }
0x325: {  	v55 =	vand.u32 $0x1, v50;
	vm14 =	vgt.f32 v30, v43;
	v60 =	vld.idx.msk [tilespmem:v44+s3+$0x0], $0xffff;
	v53 =	vadd.s32 v33, v49  }
0x326: {  	v36 =	vcvt.s32.f32 v36;
	vm15 =	veq.s32 v55, $0x0;
	v63 =	vsel vm14, $0x2, v9;
	v37 =	vld.idx.msk [tilespmem:v37+s3+$0x0], $0xffff  }
0x327: {  	v61 =	vand.u32 $0xFFFF0000, v31;
	v31 =	vshll.u32 v31, $0x10;
	v46 =	vadd.s32 v46, v63  }
0x328: {  	v58 =	vand.u32 $0x1, v47;
	v31 =	vsel vm3, v31, v61;
	v54 =	vmin.u32 v46, $0x187  }
0x329: {  	vm8 =	veq.s32 v58, $0x0;
	vm3 =	vgt.f32 v26, v31;
	v26 =	vshll.u32 v54, $0x3  }
0x32a: {  	v57 =	vsel vm3, $0x1, v9;
	v56 =	vand.u32 $0xFFFF0000, v60;
	v43 =	vshll.u32 v60, $0x10;
	v33 =	vld.idx.msk [tilespmem:v53+s3+$0x0], $0xffff  }
0x32b: {  	v31 =	vsel vm15, v56, v43;
	v59 =	vand.u32 $0xFFFF0000, v37;
	v60 =	vshll.u32 v37, $0x10  }
0x32c: {  	v26 =	vand.u32 $0xFF0, v26;
	vm3 =	vgt.f32 v38, v31;
	v31 =	vsel vm8, v59, v60  }
0x32d: {  	v26 =	vadd.s32 v34, v26;
	v61 =	vsel vm3, $0x2, v9;
	vm3 =	vgt.f32 v42, v31  }
0x32e: {  	v62 =	vand.u32 $0x1, v48;
	v12 =	vadd.s32 v12, v61;
	v47 =	vsel vm3, $0x2, v9  }
0x32f: {  	v63 =	vmin.u32 v12, $0x187;
	v50 =	vand.u32 $0xFFFF0000, v33;
	v11 =	vadd.s32 v11, v47  }
0x330: {  	v33 =	vshll.u32 v33, $0x10;
	v48 =	vshll.u32 v63, $0x3;
	v51 =	vmin.u32 v11, $0x187  }
0x331: {  	vm3 =	veq.s32 v62, $0x0;
	v31 =	vand.u32 $0xFF0, v48;
	v52 =	vshll.u32 v51, $0x3  }
0x332: {  	v26 =	vld.idx.msk [tilespmem:v26+s3+$0x0], $0xffff;
	v31 =	vadd.s32 v39, v31;
	v33 =	vsel vm3, v33, v50;
	v53 =	vand.u32 $0xFF0, v52  }
0x333: {  	v29 =	vadd.s32 v29, v40;
	vm9 =	vgt.f32 v27, v33;
	v27 =	vadd.s32 v41, v53  }
0x334: {  	v25 =	vadd.s32 v25, v45;
	v28 =	vadd.s32 v28, v46;
	v54 =	vand.u32 $0x1, v54  }
0x335: {  	vm10 =	veq.s32 v54, $0x0;
	v29 =	vadd.s32 v57, v29;
	v56 =	vand.u32 $0x1, v63  }
0x336: {  	v59 =	vmul.u32 $0x188, v32;
	vm12 =	veq.s32 v56, $0x0;
	v62 =	vmul.u32 $0x188, v35  }
0x337: {  	vm3 =	vlt.s32 v29, $0x1869F;
	v55 =	vand.u32 $0xFFFF0000, v26;
	v26 =	vshll.u32 v26, $0x10;
	v31 =	vld.idx.msk [tilespmem:v31+s3+$0x0], $0xffff  }
0x338: {  	v12 =	vadd.s32 v59, v12;
	v26 =	vsel vm10, v26, v55;
	v29 =	vnsel vm3, $0x1869F, v29;
	v27 =	vld.idx.msk [tilespmem:v27+s3+$0x0], $0xffff  }
0x339: {  	v11 =	vadd.s32 v62, v11;
	v33 =	vsel vm9, $0x1, v9;
	vm3 =	vgt.f32 v30, v26  }
0x33a: {  	v29 =	vcvt.s32.f32 v29;
	v60 =	vand.u32 $0x1, v51;
	v25 =	vadd.s32 v33, v25  }
0x33b: {  	v26 =	vsel vm3, $0x1, v9;
	vm13 =	veq.s32 v60, $0x0;
	vm11 =	vlt.s32 v25, $0x1869F  }
0x33c: {  	v26 =	vadd.s32 v26, v28;
	v57 =	vand.u32 $0xFFFF0000, v31;
	v58 =	vshll.u32 v31, $0x10  }
0x33d: {  	v28 =	vsel vm12, v58, v57;
	v61 =	vand.u32 $0xFFFF0000, v27;
	v27 =	vshll.u32 v27, $0x10  }
0x33e: {  	v25 =	vnsel vm11, $0x1869F, v25;
	vm14 =	vgt.f32 v38, v28;
	v27 =	vsel vm13, v27, v61  }
0x33f: {  	vm3 =	vlt.s32 v26, $0x1869F;
	v63 =	vsel vm14, $0x1, v9;
	vm15 =	vgt.f32 v42, v27  }
0x340: {  	v25 =	vcvt.s32.f32 v25;
	v12 =	vadd.s32 v63, v12;
	v27 =	vsel vm15, $0x1, v9  }
0x341: {  	[tilespmem:s7+$0xDE80] =	vst v36;
	v26 =	vnsel vm3, $0x1869F, v26;
	vm3 =	vlt.s32 v12, $0x1869F;
	v11 =	vadd.s32 v27, v11  }
0x342: {  	[tilespmem:s8+$0xDE80] =	vst v29;
	v26 =	vcvt.s32.f32 v26;
	v12 =	vnsel vm3, $0x1869F, v12;
	vm3 =	vlt.s32 v11, $0x1869F  }
0x343: {  	[tilespmem:s9+$0xDE80] =	vst v25;
	v12 =	vcvt.s32.f32 v12;
	v11 =	vnsel vm3, $0x1869F, v11  }
0x344: {  	[tilespmem:s10+$0xDE80] =	vst v26;
	v11 =	vcvt.s32.f32 v11  }
0x345: {  	s6 =	sadd.s32 $0x1, s6;
	[tilespmem:s11+$0xDE80] =	vst v12  }
0x346: {  	p1 =	sne.s32 s6, s24;
	[tilespmem:s12+$0xDE80] =	vst v11  }
.Ltmp3:
0x347: {  	s17 =	simm.s32 $0xDE80;
	_ =	strace $0x9000004C;
	(pc) =	sbr.rel @p1 .LBB2_1-.Ltmp3, $4  }
0x348: {  	[hbm4b:s22+s3] =	stream.linear.scatter [tilespmem:s17], [sflag:$0x4], $0x200, $0x38;
	[tilespmem:$0xF2C0] =	vst v63  }
0x349: {  	_ =	swait.ge [sflag:s0], $0x200  }
0x34a: {  	[sflag:s0] =	ssyncset.done $0x0  }
0x34b: {  	[sflag:s0] =	ssyncadd.s32 $0xFFFFFE00  }
0x34c: {  	_ =	sfence.sel $0x180000  }
0x34d: {  	[bflag:$0x0] =	sbarrier.arrive $0xFFFF  }
0x34e: {  	_ =	strace $0x90000047  }
0x34f: {  	s0 =	stileid.u32;
	[bflag:$0x2] =	sbarrier.arrive $0xFFFF  }
0x350: {  	p0 =	sne.s32 s0, $0x0;
	s0 =	rddreg [dreg:$0x4]  }
0x351: {  	s0 =	sadd.s32 @!p0 $0x100000, s0  }
0x352: {  	[sflag:s0] =	ssyncadd.tile.s32 @!p0 $0x1;
	_ =	shalt  }
.Lfunc_end2:
_tile_overlayer_lowered:
.L_overlay_start_2:
0x353: {  	(tag) =	ssettag $0x2  }
0x354: {  	s0 =	rddreg [dreg:$0x0];
	s2 =	stileid.u32  }
0x355: {  	s1 =	rddreg [dreg:$0x1];
	p0 =	sne.s32 s2, $0x0  }
0x356: {  	s3 =	rddreg [dreg:$0x2];
	[bflag:$0x3] =	sbarrier.arrive $0xFFFF;
	s2 =	simm.s32 @!p0 $0x1C04  }
0x357: {  	[timem:s3], [sflag:s2] =	dma.local @!p0 [hbm:s0], s1  }
0x358: {  	s0 =	simm.s32 @!p0 $0x4  }
0x359: {  	_ =	swait.ge @!p0 [sflag:s0], s1  }
0x35a: {  	s1 =	ssub.s32 @!p0 $0x0, s1;
	[sflag:s0] =	ssyncset.done @!p0 $0x0  }
0x35b: {  	[sflag:s0] =	ssyncadd.s32 @!p0 s1  }
0x35c: {  	[bflag:$0x3] =	sbarrier.arrive $0xFFFF  }
0x35d: {  	_ =	shalt  }

</sc_bundles>
